<compile_context>
chip_gen: v7x
topology: tpu7x:2x2x1
jax: 0.10.2.dev20260603
libtpu: 0.0.44.dev20260713+nightly
codegen_flags: <defaults>
</compile_context>

<pallas_src>
import functools
import jax
import jax.numpy as jnp
from jax import lax
from jax.experimental import pallas as pl
from jax.experimental.pallas import tpu as pltpu
from jax.experimental.pallas import tpu_sc as plsc

B, S, EMB = 4096, 200, 64
VOCAB = 1000000
NC, NS = 2, 16
NW = NC * NS
LANES = 16
ECHUNKS = EMB // LANES
BT = B // 128
ST = S // 8
BL = 2
ROWS = BL * 128
NCHUNK = S // BL
NBUF = 2
NT = NCHUNK // NBUF


def _sc_call(xt_flat, wt, pos):
    mesh = plsc.VectorSubcoreMesh(core_axis_name="c", subcore_axis_name="s")

    @functools.partial(
        pl.kernel,
        mesh=mesh,
        compiler_params=pltpu.CompilerParams(
            use_tc_tiling_on_sc=False, needs_layout_passes=False),
        out_type=jax.ShapeDtypeStruct((S, 8, BT, 8, 128), jnp.float32),
        scratch_types=[
            pltpu.VMEM((ROWS,), jnp.int32),
            pltpu.VMEM((ROWS,), jnp.int32),
            pltpu.VMEM((ROWS, EMB), jnp.float32),
            pltpu.VMEM((ROWS, EMB), jnp.float32),
            pltpu.VMEM((BL, 8, 8, 128), jnp.float32),
            pltpu.VMEM((BL, 8, 8, 128), jnp.float32),
            pltpu.VMEM((S, EMB), jnp.float32),
            pltpu.SemaphoreType.DMA,
            pltpu.SemaphoreType.DMA,
            pltpu.SemaphoreType.DMA,
            pltpu.SemaphoreType.DMA,
        ],
    )
    def k(xt_hbm, wt_hbm, pos_hbm, out_hbm,
          idx0, idx1, rows0, rows1, c0, c1, pos_v,
          g0, g1, w0, w1):
        idxs = [idx0, idx1]
        rows = [rows0, rows1]
        cbufs = [c0, c1]
        gs = [g0, g1]
        ws = [w0, w1]
        wid = lax.axis_index("s") * NC + lax.axis_index("c")

        pltpu.sync_copy(pos_hbm, pos_v)

        def chunk_off(j):
            ti = j // 4
            jj = j - 4 * ti
            return ti * (BT * 1024) + wid * 1024 + jj * ROWS

        def chunk_s0(j):
            ti = j // 4
            jj = j - 4 * ti
            return ti * 8 + jj * BL

        def start_gather(j, b):
            pltpu.sync_copy(xt_hbm.at[pl.ds(chunk_off(j), ROWS)], idxs[b])
            pltpu.async_copy(wt_hbm.at[idxs[b]], rows[b], gs[b])

        def wait_gather(b):
            pltpu.make_async_copy(wt_hbm.at[idxs[b]], rows[b], gs[b]).wait()

        def out_slice(j):
            return out_hbm.at[pl.ds(chunk_s0(j), BL), :, wid]

        def start_wb(j, b):
            pltpu.async_copy(cbufs[b], out_slice(j), ws[b])

        def wait_wb(j, b):
            pltpu.make_async_copy(cbufs[b], out_slice(j), ws[b]).wait()

        iota = lax.iota(jnp.int32, LANES)

        def transpose_add(j, b):
            s0 = chunk_s0(j)
            gbuf = rows[b]
            cbuf = cbufs[b]
            for sl in range(BL):
                s = s0 + sl
                i0 = jnp.full((LANES,), sl, jnp.int32)
                for ec in range(ECHUNKS):
                    e0 = ec * LANES
                    i1 = (e0 + iota) // 8
                    i2 = (e0 + iota) % 8
                    lc = e0 + iota
                    p = pos_v[s, pl.ds(e0, LANES)]

                    def body(d, c):
                        diag = (iota + d) & (LANES - 1)
                        for blk in range(8):
                            lr = diag + (sl * 128 + blk * LANES)
                            xg = plsc.load_gather(gbuf, [lr, lc])
                            i3 = diag + blk * LANES
                            plsc.store_scatter(cbuf, [i0, i1, i2, i3], xg + p)
                        return c

                    lax.fori_loop(0, LANES, body, 0)

        for b in range(NBUF):
            start_gather(b, b)

        def body(t, carry):
            for b in range(NBUF):
                j = t * NBUF + b
                wait_gather(b)

                @pl.when(t > 0)
                def _():
                    wait_wb(j - NBUF, b)

                transpose_add(j, b)
                start_wb(j, b)

                @pl.when(t < NT - 1)
                def _():
                    start_gather(j + NBUF, b)
            return carry

        lax.fori_loop(0, NT, body, 0)

        for b in range(NBUF):
            wait_wb((NT - 1) * NBUF + b, b)

    return k(xt_flat, wt, pos)


def kernel(X, word_table, position_embedding):
    xt = X.T.reshape(ST, 8, BT, 128).transpose(0, 2, 1, 3).reshape(-1)
    xt = xt.astype(jnp.int32)
    pos = position_embedding[:S, :]
    o5 = _sc_call(xt, word_table, pos)
    out = o5.transpose(2, 4, 0, 1, 3).reshape(B, S, EMB)
    return out

# --- scband reference (transcript-rebuilt; emitter-appended) ---
"""Pipeline reference for scband-word-position-embedding-67147518706335 (READ-ONLY COPY).

The authoritative reference and input builder live on the scoring server;
editing this copy changes nothing except your own understanding.
"""

import math
import jax, jax.numpy as jnp
import numpy as np

VOCAB = 1000000
MAX_SEQ_LEN = 2048
EMB = 64
B, S = 4096, 200

def _sinusoidal(max_seq_len, emb_size):
    position = np.arange(max_seq_len, dtype=np.float32)[:, None]
    div_term = np.exp(np.arange(0, emb_size, 2, dtype=np.float32) * (-math.log(10000.0) / emb_size))
    pe = np.zeros((max_seq_len, emb_size), dtype=np.float32)
    pe[:, 0::2] = np.sin(position * div_term)
    pe[:, 1::2] = np.cos(position * div_term)
    return jnp.asarray(pe)

def setup_inputs(seed: int = 0) -> dict:
    key = jax.random.key(seed)
    k1, k2 = jax.random.split(key)
    X = jax.random.randint(k1, (B, S), 0, VOCAB, dtype=jnp.int64 if jax.config.jax_enable_x64 else jnp.int32)
    word_table = jax.random.normal(k2, (VOCAB, EMB), dtype=jnp.float32)
    position_embedding = _sinusoidal(MAX_SEQ_LEN, EMB)
    return {"X": X, "word_table": word_table, "position_embedding": position_embedding}

def reference(X, word_table, position_embedding):
    batch_size, seq_len = X.shape
    word = jnp.take(word_table, X, axis=0)  # [B, S, EMB] gather
    position = position_embedding[:seq_len, :]  # [S, EMB], broadcast over batch
    embeddings = word + position[None, :, :]
    return embeddings

if __name__ == "__main__":
    import jax
    _d = setup_inputs()
    print(jax.jit(kernel)(*tuple(_d.values())))

</pallas_src>

<mosaic_0001>
#map = affine_map<(d0, d1) -> (0)>
#map1 = affine_map<(d0, d1) -> (0, 0)>
#map2 = affine_map<(d0, d1) -> (0, 0, 0, 0, 0)>
module attributes {stable_mosaic.version = 14 : i64} {
  func.func @k(%arg0: i32, %arg1: i32, %arg2: memref<819200xi32, #tpu.memory_space<hbm>>, %arg3: memref<1000000x64xf32, #tpu.memory_space<hbm>>, %arg4: memref<200x64xf32, #tpu.memory_space<hbm>>, %arg5: memref<200x8x32x8x128xf32, #tpu.memory_space<hbm>>, %arg6: memref<256xi32, #tpu.memory_space<vmem>>, %arg7: memref<256xi32, #tpu.memory_space<vmem>>, %arg8: memref<256x64xf32, #tpu.memory_space<vmem>>, %arg9: memref<256x64xf32, #tpu.memory_space<vmem>>, %arg10: memref<2x8x8x128xf32, #tpu.memory_space<vmem>>, %arg11: memref<2x8x8x128xf32, #tpu.memory_space<vmem>>, %arg12: memref<200x64xf32, #tpu.memory_space<vmem>>, %arg13: memref<!tpu.dma_semaphore, #tpu.memory_space<semaphore_mem>>, %arg14: memref<!tpu.dma_semaphore, #tpu.memory_space<semaphore_mem>>, %arg15: memref<!tpu.dma_semaphore, #tpu.memory_space<semaphore_mem>>, %arg16: memref<!tpu.dma_semaphore, #tpu.memory_space<semaphore_mem>>) attributes {dimension_semantics = [#tpu.dimension_semantics<core_parallel>, #tpu.dimension_semantics<subcore_parallel>], iteration_bounds = array<i64: 2, 16>, scalar_prefetch = 0 : i64, scratch_operands = 11 : i64, tpu.core_type = #tpu.core_type<sc_vector_subcore>, window_params = [{transform_indices = #map}, {transform_indices = #map1}, {transform_indices = #map1}, {transform_indices = #map2}]} {
    %mul3A = arith.constant 2 : i32
    %mul3A_0 = arith.muli %arg1, %mul3A : i32
    %add3A = arith.addi %mul3A_0, %arg0 : i32
    "tpu.region"() ({
      %run_scoped3A = tpu.sem_alloc : memref<!tpu.dma_semaphore, #tpu.memory_space<semaphore_mem>>
      tpu.enqueue_dma source(%arg4 : memref<200x64xf32, #tpu.memory_space<hbm>>) target(%arg12 : memref<200x64xf32, #tpu.memory_space<vmem>>) target_semaphore(%run_scoped3A : memref<!tpu.dma_semaphore, #tpu.memory_space<semaphore_mem>>)
      tpu.wait_dma2 semaphore(%run_scoped3A : memref<!tpu.dma_semaphore, #tpu.memory_space<semaphore_mem>>) src(%arg4 : memref<200x64xf32, #tpu.memory_space<hbm>>) dst(%arg12 : memref<200x64xf32, #tpu.memory_space<vmem>>)
      tpu.yield
    }) : () -> ()
    %iota3A = tpu.iota {dimensions = array<i32: 0>} : vector<16xi32>
    %mul3A_1 = arith.constant 1024 : i32
    %mul3A_2 = arith.muli %add3A, %mul3A_1 : i32
    %add3A_3 = arith.constant 0 : i32
    %add3A_4 = arith.addi %add3A_3, %mul3A_2 : i32
    %add3A_5 = arith.constant 0 : i32
    %add3A_6 = arith.addi %add3A_4, %add3A_5 : i32
    "tpu.region"() ({
      %run_scoped3A = tpu.sem_alloc : memref<!tpu.dma_semaphore, #tpu.memory_space<semaphore_mem>>
      %dma_start3A_46 = tpu.memref_slice %arg2[%add3A_6] : memref<819200xi32, #tpu.memory_space<hbm>> -> memref<256xi32, #tpu.memory_space<hbm>>
      %dma_start3A_47 = tpu.memref_slice %arg2[%add3A_6] : memref<819200xi32, #tpu.memory_space<hbm>> -> memref<256xi32, #tpu.memory_space<hbm>>
      tpu.enqueue_dma source(%dma_start3A_47 : memref<256xi32, #tpu.memory_space<hbm>>) target(%arg6 : memref<256xi32, #tpu.memory_space<vmem>>) target_semaphore(%run_scoped3A : memref<!tpu.dma_semaphore, #tpu.memory_space<semaphore_mem>>)
      %dma_wait3A_48 = tpu.memref_slice %arg2[%add3A_6] : memref<819200xi32, #tpu.memory_space<hbm>> -> memref<256xi32, #tpu.memory_space<hbm>>
      %dma_wait3A_49 = tpu.memref_slice %arg2[%add3A_6] : memref<819200xi32, #tpu.memory_space<hbm>> -> memref<256xi32, #tpu.memory_space<hbm>>
      tpu.wait_dma2 semaphore(%run_scoped3A : memref<!tpu.dma_semaphore, #tpu.memory_space<semaphore_mem>>) src(%dma_wait3A_49 : memref<256xi32, #tpu.memory_space<hbm>>) dst(%arg6 : memref<256xi32, #tpu.memory_space<vmem>>)
      tpu.yield
    }) : () -> ()
    %dma_start3A = arith.constant 0 : i32
    %dma_start3A_7 = arith.constant 0 : i32
    %dma_start3A_8 = tpu.memref_slice %arg3[%dma_start3A, %dma_start3A_7] : memref<1000000x64xf32, #tpu.memory_space<hbm>> -> memref<1000000x64xf32, #tpu.memory_space<hbm>>
    tpu.enqueue_indirect_dma source(%dma_start3A_8 : memref<1000000x64xf32, #tpu.memory_space<hbm>>) target(%arg8 : memref<256x64xf32, #tpu.memory_space<vmem>>) offsets(%arg6 : memref<256xi32, #tpu.memory_space<vmem>>) semaphore(%arg13 : memref<!tpu.dma_semaphore, #tpu.memory_space<semaphore_mem>>)
    %mul3A_9 = arith.constant 1024 : i32
    %mul3A_10 = arith.muli %add3A, %mul3A_9 : i32
    %add3A_11 = arith.constant 0 : i32
    %add3A_12 = arith.addi %add3A_11, %mul3A_10 : i32
    %add3A_13 = arith.constant 256 : i32
    %add3A_14 = arith.addi %add3A_12, %add3A_13 : i32
    "tpu.region"() ({
      %run_scoped3A = tpu.sem_alloc : memref<!tpu.dma_semaphore, #tpu.memory_space<semaphore_mem>>
      %dma_start3A_46 = tpu.memref_slice %arg2[%add3A_14] : memref<819200xi32, #tpu.memory_space<hbm>> -> memref<256xi32, #tpu.memory_space<hbm>>
      %dma_start3A_47 = tpu.memref_slice %arg2[%add3A_14] : memref<819200xi32, #tpu.memory_space<hbm>> -> memref<256xi32, #tpu.memory_space<hbm>>
      tpu.enqueue_dma source(%dma_start3A_47 : memref<256xi32, #tpu.memory_space<hbm>>) target(%arg7 : memref<256xi32, #tpu.memory_space<vmem>>) target_semaphore(%run_scoped3A : memref<!tpu.dma_semaphore, #tpu.memory_space<semaphore_mem>>)
      %dma_wait3A_48 = tpu.memref_slice %arg2[%add3A_14] : memref<819200xi32, #tpu.memory_space<hbm>> -> memref<256xi32, #tpu.memory_space<hbm>>
      %dma_wait3A_49 = tpu.memref_slice %arg2[%add3A_14] : memref<819200xi32, #tpu.memory_space<hbm>> -> memref<256xi32, #tpu.memory_space<hbm>>
      tpu.wait_dma2 semaphore(%run_scoped3A : memref<!tpu.dma_semaphore, #tpu.memory_space<semaphore_mem>>) src(%dma_wait3A_49 : memref<256xi32, #tpu.memory_space<hbm>>) dst(%arg7 : memref<256xi32, #tpu.memory_space<vmem>>)
      tpu.yield
    }) : () -> ()
    %dma_start3A_15 = arith.constant 0 : i32
    %dma_start3A_16 = arith.constant 0 : i32
    %dma_start3A_17 = tpu.memref_slice %arg3[%dma_start3A_15, %dma_start3A_16] : memref<1000000x64xf32, #tpu.memory_space<hbm>> -> memref<1000000x64xf32, #tpu.memory_space<hbm>>
    tpu.enqueue_indirect_dma source(%dma_start3A_17 : memref<1000000x64xf32, #tpu.memory_space<hbm>>) target(%arg9 : memref<256x64xf32, #tpu.memory_space<vmem>>) offsets(%arg7 : memref<256xi32, #tpu.memory_space<vmem>>) semaphore(%arg14 : memref<!tpu.dma_semaphore, #tpu.memory_space<semaphore_mem>>)
    %scan3A = arith.constant 0 : i32
    %scan3A_18 = arith.constant 0 : i32
    %scan3A_19 = arith.constant 50 : i32
    %scan3A_20 = arith.addi %scan3A_18, %scan3A_19 : i32
    %scan3A_21 = arith.constant 1 : i32
    scf.for %scan3A_46 = %scan3A_18 to %scan3A_20 step %scan3A_21  : i32 {
      %mul3A_47 = arith.constant 2 : i32
      %mul3A_48 = arith.muli %scan3A_46, %mul3A_47 : i32
      %add3A_49 = arith.constant 0 : i32
      %add3A_50 = arith.addi %mul3A_48, %add3A_49 : i32
      %dma_wait3A_51 = arith.constant 0 : i32
      %dma_wait3A_52 = arith.constant 0 : i32
      %dma_wait3A_53 = tpu.memref_slice %arg3[%dma_wait3A_51, %dma_wait3A_52] : memref<1000000x64xf32, #tpu.memory_space<hbm>> -> memref<1000000x64xf32, #tpu.memory_space<hbm>>
      tpu.wait_indirect_dma semaphore(%arg13 : memref<!tpu.dma_semaphore, #tpu.memory_space<semaphore_mem>>) src(%dma_wait3A_53 : memref<1000000x64xf32, #tpu.memory_space<hbm>>) dst(%arg8 : memref<256x64xf32, #tpu.memory_space<vmem>>)
      %gt3A = arith.constant 0 : i32
      %gt3A_54 = arith.cmpi sgt, %scan3A_46, %gt3A : i32
      %convert_element_type3A = arith.extui %gt3A_54 : i1 to i32
      %cond3A = arith.constant 0 : i32
      %cond3A_55 = arith.cmpi ne, %convert_element_type3A, %cond3A : i32
      scf.if %cond3A_55 {
        %sub3A_1366 = arith.constant 2 : i32
        %sub3A_1367 = arith.subi %add3A_50, %sub3A_1366 : i32
        %jit3A_1368 = arith.constant 4 : i32
        %div3A_1369 = arith.divsi %sub3A_1367, %jit3A_1368 : i32
        %sign3A_1370 = arith.constant 0 : i32
        %sign3A_1371 = arith.cmpi sgt, %sub3A_1367, %sign3A_1370 : i32
        %sign3A_1372 = arith.extui %sign3A_1371 : i1 to i32
        %sign3A_1373 = arith.constant 0 : i32
        %sign3A_1374 = arith.cmpi slt, %sub3A_1367, %sign3A_1373 : i32
        %sign3A_1375 = arith.extui %sign3A_1374 : i1 to i32
        %sign3A_1376 = arith.subi %sign3A_1372, %sign3A_1375 : i32
        %sign3A_1377 = arith.constant 0 : i32
        %sign3A_1378 = arith.cmpi sgt, %jit3A_1368, %sign3A_1377 : i32
        %sign3A_1379 = arith.extui %sign3A_1378 : i1 to i32
        %sign3A_1380 = arith.constant 0 : i32
        %sign3A_1381 = arith.cmpi slt, %jit3A_1368, %sign3A_1380 : i32
        %sign3A_1382 = arith.extui %sign3A_1381 : i1 to i32
        %sign3A_1383 = arith.subi %sign3A_1379, %sign3A_1382 : i32
        %ne3A_1384 = arith.cmpi ne, %sign3A_1376, %sign3A_1383 : i32
        %rem3A_1385 = arith.remsi %sub3A_1367, %jit3A_1368 : i32
        %ne3A_1386 = arith.constant 0 : i32
        %ne3A_1387 = arith.cmpi ne, %rem3A_1385, %ne3A_1386 : i32
        %and3A_1388 = arith.andi %ne3A_1384, %ne3A_1387 : i1
        %sub3A_1389 = arith.constant 1 : i32
        %sub3A_1390 = arith.subi %div3A_1369, %sub3A_1389 : i32
        %select_n3A_1391 = arith.select %and3A_1388, %sub3A_1390, %div3A_1369 : i32
        %mul3A_1392 = arith.constant 4 : i32
        %mul3A_1393 = arith.muli %mul3A_1392, %select_n3A_1391 : i32
        %sub3A_1394 = arith.subi %sub3A_1367, %mul3A_1393 : i32
        %mul3A_1395 = arith.constant 8 : i32
        %mul3A_1396 = arith.muli %select_n3A_1391, %mul3A_1395 : i32
        %mul3A_1397 = arith.constant 2 : i32
        %mul3A_1398 = arith.muli %sub3A_1394, %mul3A_1397 : i32
        %add3A_1399 = arith.addi %mul3A_1396, %mul3A_1398 : i32
        %dma_wait3A_1400 = arith.constant 0 : i32
        %dma_wait3A_1401 = arith.constant 0 : i32
        %dma_wait3A_1402 = arith.constant 0 : i32
        %dma_wait3A_1403 = tpu.memref_slice %arg5[%add3A_1399, %dma_wait3A_1400, %add3A, %dma_wait3A_1401, %dma_wait3A_1402] : memref<200x8x32x8x128xf32, #tpu.memory_space<hbm>> -> memref<2x8x1x8x128xf32, #tpu.memory_space<hbm>>
        %dma_wait3A_1404 = tpu.memref_squeeze %dma_wait3A_1403 : memref<2x8x1x8x128xf32, #tpu.memory_space<hbm>> -> memref<2x8x8x128xf32, #tpu.memory_space<hbm>>
        %dma_wait3A_1405 = arith.constant 0 : i32
        %dma_wait3A_1406 = arith.constant 0 : i32
        %dma_wait3A_1407 = arith.constant 0 : i32
        %dma_wait3A_1408 = tpu.memref_slice %arg5[%add3A_1399, %dma_wait3A_1405, %add3A, %dma_wait3A_1406, %dma_wait3A_1407] : memref<200x8x32x8x128xf32, #tpu.memory_space<hbm>> -> memref<2x8x1x8x128xf32, #tpu.memory_space<hbm>>
        %dma_wait3A_1409 = tpu.memref_squeeze %dma_wait3A_1408 : memref<2x8x1x8x128xf32, #tpu.memory_space<hbm>> -> memref<2x8x8x128xf32, #tpu.memory_space<hbm>>
        tpu.wait_dma2 semaphore(%arg15 : memref<!tpu.dma_semaphore, #tpu.memory_space<semaphore_mem>>) src(%arg10 : memref<2x8x8x128xf32, #tpu.memory_space<vmem>>) dst(%dma_wait3A_1409 : memref<2x8x8x128xf32, #tpu.memory_space<hbm>>)
      } else {
      }
      %jit3A = arith.constant 4 : i32
      %div3A = arith.divsi %add3A_50, %jit3A : i32
      %sign3A = arith.constant 0 : i32
      %sign3A_56 = arith.cmpi sgt, %add3A_50, %sign3A : i32
      %sign3A_57 = arith.extui %sign3A_56 : i1 to i32
      %sign3A_58 = arith.constant 0 : i32
      %sign3A_59 = arith.cmpi slt, %add3A_50, %sign3A_58 : i32
      %sign3A_60 = arith.extui %sign3A_59 : i1 to i32
      %sign3A_61 = arith.subi %sign3A_57, %sign3A_60 : i32
      %sign3A_62 = arith.constant 0 : i32
      %sign3A_63 = arith.cmpi sgt, %jit3A, %sign3A_62 : i32
      %sign3A_64 = arith.extui %sign3A_63 : i1 to i32
      %sign3A_65 = arith.constant 0 : i32
      %sign3A_66 = arith.cmpi slt, %jit3A, %sign3A_65 : i32
      %sign3A_67 = arith.extui %sign3A_66 : i1 to i32
      %sign3A_68 = arith.subi %sign3A_64, %sign3A_67 : i32
      %ne3A = arith.cmpi ne, %sign3A_61, %sign3A_68 : i32
      %rem3A = arith.remsi %add3A_50, %jit3A : i32
      %ne3A_69 = arith.constant 0 : i32
      %ne3A_70 = arith.cmpi ne, %rem3A, %ne3A_69 : i32
      %and3A = arith.andi %ne3A, %ne3A_70 : i1
      %sub3A = arith.constant 1 : i32
      %sub3A_71 = arith.subi %div3A, %sub3A : i32
      %select_n3A = arith.select %and3A, %sub3A_71, %div3A : i32
      %mul3A_72 = arith.constant 4 : i32
      %mul3A_73 = arith.muli %mul3A_72, %select_n3A : i32
      %sub3A_74 = arith.subi %add3A_50, %mul3A_73 : i32
      %mul3A_75 = arith.constant 8 : i32
      %mul3A_76 = arith.muli %select_n3A, %mul3A_75 : i32
      %mul3A_77 = arith.constant 2 : i32
      %mul3A_78 = arith.muli %sub3A_74, %mul3A_77 : i32
      %add3A_79 = arith.addi %mul3A_76, %mul3A_78 : i32
      %add3A_80 = arith.constant 0 : i32
      %add3A_81 = arith.addi %add3A_79, %add3A_80 : i32
      %broadcast_in_dim3A = arith.constant 0 : i32
      %broadcast_in_dim3A_82 = vector.broadcast %broadcast_in_dim3A : i32 to vector<16xi32>
      %add3A_83 = arith.constant 0 : i32
      %add3A_84 = vector.broadcast %add3A_83 : i32 to vector<16xi32>
      %add3A_85 = arith.addi %add3A_84, %iota3A : vector<16xi32>
      %jit3A_86 = arith.constant 8 : i32
      %div3A_87 = vector.broadcast %jit3A_86 : i32 to vector<16xi32>
      %div3A_88 = arith.divsi %add3A_85, %div3A_87 : vector<16xi32>
      %sign3A_89 = arith.constant 0 : i32
      %sign3A_90 = vector.broadcast %sign3A_89 : i32 to vector<16xi32>
      %sign3A_91 = arith.cmpi sgt, %add3A_85, %sign3A_90 : vector<16xi32>
      %sign3A_92 = arith.extui %sign3A_91 : vector<16xi1> to vector<16xi32>
      %sign3A_93 = arith.constant 0 : i32
      %sign3A_94 = vector.broadcast %sign3A_93 : i32 to vector<16xi32>
      %sign3A_95 = arith.cmpi slt, %add3A_85, %sign3A_94 : vector<16xi32>
      %sign3A_96 = arith.extui %sign3A_95 : vector<16xi1> to vector<16xi32>
      %sign3A_97 = arith.subi %sign3A_92, %sign3A_96 : vector<16xi32>
      %sign3A_98 = arith.constant 0 : i32
      %sign3A_99 = arith.cmpi sgt, %jit3A_86, %sign3A_98 : i32
      %sign3A_100 = arith.extui %sign3A_99 : i1 to i32
      %sign3A_101 = arith.constant 0 : i32
      %sign3A_102 = arith.cmpi slt, %jit3A_86, %sign3A_101 : i32
      %sign3A_103 = arith.extui %sign3A_102 : i1 to i32
      %sign3A_104 = arith.subi %sign3A_100, %sign3A_103 : i32
      %ne3A_105 = vector.broadcast %sign3A_104 : i32 to vector<16xi32>
      %ne3A_106 = arith.cmpi ne, %sign3A_97, %ne3A_105 : vector<16xi32>
      %rem3A_107 = vector.broadcast %jit3A_86 : i32 to vector<16xi32>
      %rem3A_108 = arith.remsi %add3A_85, %rem3A_107 : vector<16xi32>
      %ne3A_109 = arith.constant 0 : i32
      %ne3A_110 = vector.broadcast %ne3A_109 : i32 to vector<16xi32>
      %ne3A_111 = arith.cmpi ne, %rem3A_108, %ne3A_110 : vector<16xi32>
      %and3A_112 = arith.andi %ne3A_106, %ne3A_111 : vector<16xi1>
      %sub3A_113 = arith.constant 1 : i32
      %sub3A_114 = vector.broadcast %sub3A_113 : i32 to vector<16xi32>
      %sub3A_115 = arith.subi %div3A_88, %sub3A_114 : vector<16xi32>
      %select_n3A_116 = arith.select %and3A_112, %sub3A_115, %div3A_88 : vector<16xi1>, vector<16xi32>
      %add3A_117 = arith.constant 0 : i32
      %add3A_118 = vector.broadcast %add3A_117 : i32 to vector<16xi32>
      %add3A_119 = arith.addi %add3A_118, %iota3A : vector<16xi32>
      %jit3A_120 = arith.constant 8 : i32
      %eq3A = arith.constant 0 : i32
      %eq3A_121 = arith.cmpi eq, %jit3A_120, %eq3A : i32
      %jit3A_122 = arith.constant 1 : i32
      %select_n3A_123 = arith.select %eq3A_121, %jit3A_122, %jit3A_120 : i32
      %rem3A_124 = vector.broadcast %select_n3A_123 : i32 to vector<16xi32>
      %rem3A_125 = arith.remsi %add3A_119, %rem3A_124 : vector<16xi32>
      %ne3A_126 = arith.constant 0 : i32
      %ne3A_127 = vector.broadcast %ne3A_126 : i32 to vector<16xi32>
      %ne3A_128 = arith.cmpi ne, %rem3A_125, %ne3A_127 : vector<16xi32>
      %lt3A = arith.constant 0 : i32
      %lt3A_129 = vector.broadcast %lt3A : i32 to vector<16xi32>
      %lt3A_130 = arith.cmpi slt, %rem3A_125, %lt3A_129 : vector<16xi32>
      %lt3A_131 = arith.constant 0 : i32
      %lt3A_132 = arith.cmpi slt, %select_n3A_123, %lt3A_131 : i32
      %ne3A_133 = vector.broadcast %lt3A_132 : i1 to vector<16xi1>
      %ne3A_134 = vector.broadcast %ne3A_133 : vector<16xi1> to vector<16xi1>
      %ne3A_135 = arith.xori %lt3A_130, %ne3A_134 : vector<16xi1>
      %and3A_136 = arith.andi %ne3A_135, %ne3A_128 : vector<16xi1>
      %add3A_137 = vector.broadcast %select_n3A_123 : i32 to vector<16xi32>
      %add3A_138 = arith.addi %rem3A_125, %add3A_137 : vector<16xi32>
      %select_n3A_139 = arith.select %and3A_136, %add3A_138, %rem3A_125 : vector<16xi1>, vector<16xi32>
      %add3A_140 = arith.constant 0 : i32
      %add3A_141 = vector.broadcast %add3A_140 : i32 to vector<16xi32>
      %add3A_142 = arith.addi %add3A_141, %iota3A : vector<16xi32>
      %get3A = arith.index_cast %add3A_81 : i32 to index
      %get3A_143 = arith.constant 0 : index
      %get3A_144 = tpu.vector_load %arg12[%get3A, %get3A_143] {strides = array<i32>} : memref<200x64xf32, #tpu.memory_space<vmem>>, vector<16xf32>,
      %scan3A_145 = arith.constant 0 : i32
      %scan3A_146 = arith.constant 0 : i32
      %scan3A_147 = arith.constant 16 : i32
      %scan3A_148 = arith.addi %scan3A_146, %scan3A_147 : i32
      %scan3A_149 = arith.constant 1 : i32
      scf.for %scan3A_1366 = %scan3A_146 to %scan3A_148 step %scan3A_149  : i32 {
        %add3A_1367 = vector.broadcast %scan3A_1366 : i32 to vector<16xi32>
        %add3A_1368 = arith.addi %iota3A, %add3A_1367 : vector<16xi32>
        %and3A_1369 = arith.constant 15 : i32
        %and3A_1370 = vector.broadcast %and3A_1369 : i32 to vector<16xi32>
        %and3A_1371 = arith.andi %add3A_1368, %and3A_1370 : vector<16xi32>
        %add3A_1372 = arith.constant 0 : i32
        %add3A_1373 = vector.broadcast %add3A_1372 : i32 to vector<16xi32>
        %add3A_1374 = arith.addi %and3A_1371, %add3A_1373 : vector<16xi32>
        %gather3A = tpu.vector_load_idx %arg8[%add3A_1374, %add3A_142] : memref<256x64xf32, #tpu.memory_space<vmem>>[vector<16xi32>, vector<16xi32>], vector<16xf32>,
        %add3A_1375 = arith.constant 0 : i32
        %add3A_1376 = vector.broadcast %add3A_1375 : i32 to vector<16xi32>
        %add3A_1377 = arith.addi %and3A_1371, %add3A_1376 : vector<16xi32>
        %add3A_1378 = arith.addf %gather3A, %get3A_144 : vector<16xf32>
        tpu.vector_store_idx %arg10[%broadcast_in_dim3A_82, %select_n3A_116, %select_n3A_139, %add3A_1377], %add3A_1378 : memref<2x8x8x128xf32, #tpu.memory_space<vmem>>[vector<16xi32>, vector<16xi32>, vector<16xi32>, vector<16xi32>], vector<16xf32>,
        %add3A_1379 = arith.constant 16 : i32
        %add3A_1380 = vector.broadcast %add3A_1379 : i32 to vector<16xi32>
        %add3A_1381 = arith.addi %and3A_1371, %add3A_1380 : vector<16xi32>
        %gather3A_1382 = tpu.vector_load_idx %arg8[%add3A_1381, %add3A_142] : memref<256x64xf32, #tpu.memory_space<vmem>>[vector<16xi32>, vector<16xi32>], vector<16xf32>,
        %add3A_1383 = arith.constant 16 : i32
        %add3A_1384 = vector.broadcast %add3A_1383 : i32 to vector<16xi32>
        %add3A_1385 = arith.addi %and3A_1371, %add3A_1384 : vector<16xi32>
        %add3A_1386 = arith.addf %gather3A_1382, %get3A_144 : vector<16xf32>
        tpu.vector_store_idx %arg10[%broadcast_in_dim3A_82, %select_n3A_116, %select_n3A_139, %add3A_1385], %add3A_1386 : memref<2x8x8x128xf32, #tpu.memory_space<vmem>>[vector<16xi32>, vector<16xi32>, vector<16xi32>, vector<16xi32>], vector<16xf32>,
        %add3A_1387 = arith.constant 32 : i32
        %add3A_1388 = vector.broadcast %add3A_1387 : i32 to vector<16xi32>
        %add3A_1389 = arith.addi %and3A_1371, %add3A_1388 : vector<16xi32>
        %gather3A_1390 = tpu.vector_load_idx %arg8[%add3A_1389, %add3A_142] : memref<256x64xf32, #tpu.memory_space<vmem>>[vector<16xi32>, vector<16xi32>], vector<16xf32>,
        %add3A_1391 = arith.constant 32 : i32
        %add3A_1392 = vector.broadcast %add3A_1391 : i32 to vector<16xi32>
        %add3A_1393 = arith.addi %and3A_1371, %add3A_1392 : vector<16xi32>
        %add3A_1394 = arith.addf %gather3A_1390, %get3A_144 : vector<16xf32>
        tpu.vector_store_idx %arg10[%broadcast_in_dim3A_82, %select_n3A_116, %select_n3A_139, %add3A_1393], %add3A_1394 : memref<2x8x8x128xf32, #tpu.memory_space<vmem>>[vector<16xi32>, vector<16xi32>, vector<16xi32>, vector<16xi32>], vector<16xf32>,
        %add3A_1395 = arith.constant 48 : i32
        %add3A_1396 = vector.broadcast %add3A_1395 : i32 to vector<16xi32>
        %add3A_1397 = arith.addi %and3A_1371, %add3A_1396 : vector<16xi32>
        %gather3A_1398 = tpu.vector_load_idx %arg8[%add3A_1397, %add3A_142] : memref<256x64xf32, #tpu.memory_space<vmem>>[vector<16xi32>, vector<16xi32>], vector<16xf32>,
        %add3A_1399 = arith.constant 48 : i32
        %add3A_1400 = vector.broadcast %add3A_1399 : i32 to vector<16xi32>
        %add3A_1401 = arith.addi %and3A_1371, %add3A_1400 : vector<16xi32>
        %add3A_1402 = arith.addf %gather3A_1398, %get3A_144 : vector<16xf32>
        tpu.vector_store_idx %arg10[%broadcast_in_dim3A_82, %select_n3A_116, %select_n3A_139, %add3A_1401], %add3A_1402 : memref<2x8x8x128xf32, #tpu.memory_space<vmem>>[vector<16xi32>, vector<16xi32>, vector<16xi32>, vector<16xi32>], vector<16xf32>,
        %add3A_1403 = arith.constant 64 : i32
        %add3A_1404 = vector.broadcast %add3A_1403 : i32 to vector<16xi32>
        %add3A_1405 = arith.addi %and3A_1371, %add3A_1404 : vector<16xi32>
        %gather3A_1406 = tpu.vector_load_idx %arg8[%add3A_1405, %add3A_142] : memref<256x64xf32, #tpu.memory_space<vmem>>[vector<16xi32>, vector<16xi32>], vector<16xf32>,
        %add3A_1407 = arith.constant 64 : i32
        %add3A_1408 = vector.broadcast %add3A_1407 : i32 to vector<16xi32>
        %add3A_1409 = arith.addi %and3A_1371, %add3A_1408 : vector<16xi32>
        %add3A_1410 = arith.addf %gather3A_1406, %get3A_144 : vector<16xf32>
        tpu.vector_store_idx %arg10[%broadcast_in_dim3A_82, %select_n3A_116, %select_n3A_139, %add3A_1409], %add3A_1410 : memref<2x8x8x128xf32, #tpu.memory_space<vmem>>[vector<16xi32>, vector<16xi32>, vector<16xi32>, vector<16xi32>], vector<16xf32>,
        %add3A_1411 = arith.constant 80 : i32
        %add3A_1412 = vector.broadcast %add3A_1411 : i32 to vector<16xi32>
        %add3A_1413 = arith.addi %and3A_1371, %add3A_1412 : vector<16xi32>
        %gather3A_1414 = tpu.vector_load_idx %arg8[%add3A_1413, %add3A_142] : memref<256x64xf32, #tpu.memory_space<vmem>>[vector<16xi32>, vector<16xi32>], vector<16xf32>,
        %add3A_1415 = arith.constant 80 : i32
        %add3A_1416 = vector.broadcast %add3A_1415 : i32 to vector<16xi32>
        %add3A_1417 = arith.addi %and3A_1371, %add3A_1416 : vector<16xi32>
        %add3A_1418 = arith.addf %gather3A_1414, %get3A_144 : vector<16xf32>
        tpu.vector_store_idx %arg10[%broadcast_in_dim3A_82, %select_n3A_116, %select_n3A_139, %add3A_1417], %add3A_1418 : memref<2x8x8x128xf32, #tpu.memory_space<vmem>>[vector<16xi32>, vector<16xi32>, vector<16xi32>, vector<16xi32>], vector<16xf32>,
        %add3A_1419 = arith.constant 96 : i32
        %add3A_1420 = vector.broadcast %add3A_1419 : i32 to vector<16xi32>
        %add3A_1421 = arith.addi %and3A_1371, %add3A_1420 : vector<16xi32>
        %gather3A_1422 = tpu.vector_load_idx %arg8[%add3A_1421, %add3A_142] : memref<256x64xf32, #tpu.memory_space<vmem>>[vector<16xi32>, vector<16xi32>], vector<16xf32>,
        %add3A_1423 = arith.constant 96 : i32
        %add3A_1424 = vector.broadcast %add3A_1423 : i32 to vector<16xi32>
        %add3A_1425 = arith.addi %and3A_1371, %add3A_1424 : vector<16xi32>
        %add3A_1426 = arith.addf %gather3A_1422, %get3A_144 : vector<16xf32>
        tpu.vector_store_idx %arg10[%broadcast_in_dim3A_82, %select_n3A_116, %select_n3A_139, %add3A_1425], %add3A_1426 : memref<2x8x8x128xf32, #tpu.memory_space<vmem>>[vector<16xi32>, vector<16xi32>, vector<16xi32>, vector<16xi32>], vector<16xf32>,
        %add3A_1427 = arith.constant 112 : i32
        %add3A_1428 = vector.broadcast %add3A_1427 : i32 to vector<16xi32>
        %add3A_1429 = arith.addi %and3A_1371, %add3A_1428 : vector<16xi32>
        %gather3A_1430 = tpu.vector_load_idx %arg8[%add3A_1429, %add3A_142] : memref<256x64xf32, #tpu.memory_space<vmem>>[vector<16xi32>, vector<16xi32>], vector<16xf32>,
        %add3A_1431 = arith.constant 112 : i32
        %add3A_1432 = vector.broadcast %add3A_1431 : i32 to vector<16xi32>
        %add3A_1433 = arith.addi %and3A_1371, %add3A_1432 : vector<16xi32>
        %add3A_1434 = arith.addf %gather3A_1430, %get3A_144 : vector<16xf32>
        tpu.vector_store_idx %arg10[%broadcast_in_dim3A_82, %select_n3A_116, %select_n3A_139, %add3A_1433], %add3A_1434 : memref<2x8x8x128xf32, #tpu.memory_space<vmem>>[vector<16xi32>, vector<16xi32>, vector<16xi32>, vector<16xi32>], vector<16xf32>,
      }
      %scan3A_150 = arith.constant 16 : i32
      %add3A_151 = arith.constant 16 : i32
      %add3A_152 = vector.broadcast %add3A_151 : i32 to vector<16xi32>
      %add3A_153 = arith.addi %add3A_152, %iota3A : vector<16xi32>
      %jit3A_154 = arith.constant 8 : i32
      %div3A_155 = vector.broadcast %jit3A_154 : i32 to vector<16xi32>
      %div3A_156 = arith.divsi %add3A_153, %div3A_155 : vector<16xi32>
      %sign3A_157 = arith.constant 0 : i32
      %sign3A_158 = vector.broadcast %sign3A_157 : i32 to vector<16xi32>
      %sign3A_159 = arith.cmpi sgt, %add3A_153, %sign3A_158 : vector<16xi32>
      %sign3A_160 = arith.extui %sign3A_159 : vector<16xi1> to vector<16xi32>
      %sign3A_161 = arith.constant 0 : i32
      %sign3A_162 = vector.broadcast %sign3A_161 : i32 to vector<16xi32>
      %sign3A_163 = arith.cmpi slt, %add3A_153, %sign3A_162 : vector<16xi32>
      %sign3A_164 = arith.extui %sign3A_163 : vector<16xi1> to vector<16xi32>
      %sign3A_165 = arith.subi %sign3A_160, %sign3A_164 : vector<16xi32>
      %sign3A_166 = arith.constant 0 : i32
      %sign3A_167 = arith.cmpi sgt, %jit3A_154, %sign3A_166 : i32
      %sign3A_168 = arith.extui %sign3A_167 : i1 to i32
      %sign3A_169 = arith.constant 0 : i32
      %sign3A_170 = arith.cmpi slt, %jit3A_154, %sign3A_169 : i32
      %sign3A_171 = arith.extui %sign3A_170 : i1 to i32
      %sign3A_172 = arith.subi %sign3A_168, %sign3A_171 : i32
      %ne3A_173 = vector.broadcast %sign3A_172 : i32 to vector<16xi32>
      %ne3A_174 = arith.cmpi ne, %sign3A_165, %ne3A_173 : vector<16xi32>
      %rem3A_175 = vector.broadcast %jit3A_154 : i32 to vector<16xi32>
      %rem3A_176 = arith.remsi %add3A_153, %rem3A_175 : vector<16xi32>
      %ne3A_177 = arith.constant 0 : i32
      %ne3A_178 = vector.broadcast %ne3A_177 : i32 to vector<16xi32>
      %ne3A_179 = arith.cmpi ne, %rem3A_176, %ne3A_178 : vector<16xi32>
      %and3A_180 = arith.andi %ne3A_174, %ne3A_179 : vector<16xi1>
      %sub3A_181 = arith.constant 1 : i32
      %sub3A_182 = vector.broadcast %sub3A_181 : i32 to vector<16xi32>
      %sub3A_183 = arith.subi %div3A_156, %sub3A_182 : vector<16xi32>
      %select_n3A_184 = arith.select %and3A_180, %sub3A_183, %div3A_156 : vector<16xi1>, vector<16xi32>
      %add3A_185 = arith.constant 16 : i32
      %add3A_186 = vector.broadcast %add3A_185 : i32 to vector<16xi32>
      %add3A_187 = arith.addi %add3A_186, %iota3A : vector<16xi32>
      %jit3A_188 = arith.constant 8 : i32
      %eq3A_189 = arith.constant 0 : i32
      %eq3A_190 = arith.cmpi eq, %jit3A_188, %eq3A_189 : i32
      %jit3A_191 = arith.constant 1 : i32
      %select_n3A_192 = arith.select %eq3A_190, %jit3A_191, %jit3A_188 : i32
      %rem3A_193 = vector.broadcast %select_n3A_192 : i32 to vector<16xi32>
      %rem3A_194 = arith.remsi %add3A_187, %rem3A_193 : vector<16xi32>
      %ne3A_195 = arith.constant 0 : i32
      %ne3A_196 = vector.broadcast %ne3A_195 : i32 to vector<16xi32>
      %ne3A_197 = arith.cmpi ne, %rem3A_194, %ne3A_196 : vector<16xi32>
      %lt3A_198 = arith.constant 0 : i32
      %lt3A_199 = vector.broadcast %lt3A_198 : i32 to vector<16xi32>
      %lt3A_200 = arith.cmpi slt, %rem3A_194, %lt3A_199 : vector<16xi32>
      %lt3A_201 = arith.constant 0 : i32
      %lt3A_202 = arith.cmpi slt, %select_n3A_192, %lt3A_201 : i32
      %ne3A_203 = vector.broadcast %lt3A_202 : i1 to vector<16xi1>
      %ne3A_204 = vector.broadcast %ne3A_203 : vector<16xi1> to vector<16xi1>
      %ne3A_205 = arith.xori %lt3A_200, %ne3A_204 : vector<16xi1>
      %and3A_206 = arith.andi %ne3A_205, %ne3A_197 : vector<16xi1>
      %add3A_207 = vector.broadcast %select_n3A_192 : i32 to vector<16xi32>
      %add3A_208 = arith.addi %rem3A_194, %add3A_207 : vector<16xi32>
      %select_n3A_209 = arith.select %and3A_206, %add3A_208, %rem3A_194 : vector<16xi1>, vector<16xi32>
      %add3A_210 = arith.constant 16 : i32
      %add3A_211 = vector.broadcast %add3A_210 : i32 to vector<16xi32>
      %add3A_212 = arith.addi %add3A_211, %iota3A : vector<16xi32>
      %get3A_213 = arith.index_cast %add3A_81 : i32 to index
      %get3A_214 = arith.constant 16 : index
      %get3A_215 = tpu.vector_load %arg12[%get3A_213, %get3A_214] {strides = array<i32>} : memref<200x64xf32, #tpu.memory_space<vmem>>, vector<16xf32>,
      %scan3A_216 = arith.constant 0 : i32
      %scan3A_217 = arith.constant 0 : i32
      %scan3A_218 = arith.constant 16 : i32
      %scan3A_219 = arith.addi %scan3A_217, %scan3A_218 : i32
      %scan3A_220 = arith.constant 1 : i32
      scf.for %scan3A_1366 = %scan3A_217 to %scan3A_219 step %scan3A_220  : i32 {
        %add3A_1367 = vector.broadcast %scan3A_1366 : i32 to vector<16xi32>
        %add3A_1368 = arith.addi %iota3A, %add3A_1367 : vector<16xi32>
        %and3A_1369 = arith.constant 15 : i32
        %and3A_1370 = vector.broadcast %and3A_1369 : i32 to vector<16xi32>
        %and3A_1371 = arith.andi %add3A_1368, %and3A_1370 : vector<16xi32>
        %add3A_1372 = arith.constant 0 : i32
        %add3A_1373 = vector.broadcast %add3A_1372 : i32 to vector<16xi32>
        %add3A_1374 = arith.addi %and3A_1371, %add3A_1373 : vector<16xi32>
        %gather3A = tpu.vector_load_idx %arg8[%add3A_1374, %add3A_212] : memref<256x64xf32, #tpu.memory_space<vmem>>[vector<16xi32>, vector<16xi32>], vector<16xf32>,
        %add3A_1375 = arith.constant 0 : i32
        %add3A_1376 = vector.broadcast %add3A_1375 : i32 to vector<16xi32>
        %add3A_1377 = arith.addi %and3A_1371, %add3A_1376 : vector<16xi32>
        %add3A_1378 = arith.addf %gather3A, %get3A_215 : vector<16xf32>
        tpu.vector_store_idx %arg10[%broadcast_in_dim3A_82, %select_n3A_184, %select_n3A_209, %add3A_1377], %add3A_1378 : memref<2x8x8x128xf32, #tpu.memory_space<vmem>>[vector<16xi32>, vector<16xi32>, vector<16xi32>, vector<16xi32>], vector<16xf32>,
        %add3A_1379 = arith.constant 16 : i32
        %add3A_1380 = vector.broadcast %add3A_1379 : i32 to vector<16xi32>
        %add3A_1381 = arith.addi %and3A_1371, %add3A_1380 : vector<16xi32>
        %gather3A_1382 = tpu.vector_load_idx %arg8[%add3A_1381, %add3A_212] : memref<256x64xf32, #tpu.memory_space<vmem>>[vector<16xi32>, vector<16xi32>], vector<16xf32>,
        %add3A_1383 = arith.constant 16 : i32
        %add3A_1384 = vector.broadcast %add3A_1383 : i32 to vector<16xi32>
        %add3A_1385 = arith.addi %and3A_1371, %add3A_1384 : vector<16xi32>
        %add3A_1386 = arith.addf %gather3A_1382, %get3A_215 : vector<16xf32>
        tpu.vector_store_idx %arg10[%broadcast_in_dim3A_82, %select_n3A_184, %select_n3A_209, %add3A_1385], %add3A_1386 : memref<2x8x8x128xf32, #tpu.memory_space<vmem>>[vector<16xi32>, vector<16xi32>, vector<16xi32>, vector<16xi32>], vector<16xf32>,
        %add3A_1387 = arith.constant 32 : i32
        %add3A_1388 = vector.broadcast %add3A_1387 : i32 to vector<16xi32>
        %add3A_1389 = arith.addi %and3A_1371, %add3A_1388 : vector<16xi32>
        %gather3A_1390 = tpu.vector_load_idx %arg8[%add3A_1389, %add3A_212] : memref<256x64xf32, #tpu.memory_space<vmem>>[vector<16xi32>, vector<16xi32>], vector<16xf32>,
        %add3A_1391 = arith.constant 32 : i32
        %add3A_1392 = vector.broadcast %add3A_1391 : i32 to vector<16xi32>
        %add3A_1393 = arith.addi %and3A_1371, %add3A_1392 : vector<16xi32>
        %add3A_1394 = arith.addf %gather3A_1390, %get3A_215 : vector<16xf32>
        tpu.vector_store_idx %arg10[%broadcast_in_dim3A_82, %select_n3A_184, %select_n3A_209, %add3A_1393], %add3A_1394 : memref<2x8x8x128xf32, #tpu.memory_space<vmem>>[vector<16xi32>, vector<16xi32>, vector<16xi32>, vector<16xi32>], vector<16xf32>,
        %add3A_1395 = arith.constant 48 : i32
        %add3A_1396 = vector.broadcast %add3A_1395 : i32 to vector<16xi32>
        %add3A_1397 = arith.addi %and3A_1371, %add3A_1396 : vector<16xi32>
        %gather3A_1398 = tpu.vector_load_idx %arg8[%add3A_1397, %add3A_212] : memref<256x64xf32, #tpu.memory_space<vmem>>[vector<16xi32>, vector<16xi32>], vector<16xf32>,
        %add3A_1399 = arith.constant 48 : i32
        %add3A_1400 = vector.broadcast %add3A_1399 : i32 to vector<16xi32>
        %add3A_1401 = arith.addi %and3A_1371, %add3A_1400 : vector<16xi32>
        %add3A_1402 = arith.addf %gather3A_1398, %get3A_215 : vector<16xf32>
        tpu.vector_store_idx %arg10[%broadcast_in_dim3A_82, %select_n3A_184, %select_n3A_209, %add3A_1401], %add3A_1402 : memref<2x8x8x128xf32, #tpu.memory_space<vmem>>[vector<16xi32>, vector<16xi32>, vector<16xi32>, vector<16xi32>], vector<16xf32>,
        %add3A_1403 = arith.constant 64 : i32
        %add3A_1404 = vector.broadcast %add3A_1403 : i32 to vector<16xi32>
        %add3A_1405 = arith.addi %and3A_1371, %add3A_1404 : vector<16xi32>
        %gather3A_1406 = tpu.vector_load_idx %arg8[%add3A_1405, %add3A_212] : memref<256x64xf32, #tpu.memory_space<vmem>>[vector<16xi32>, vector<16xi32>], vector<16xf32>,
        %add3A_1407 = arith.constant 64 : i32
        %add3A_1408 = vector.broadcast %add3A_1407 : i32 to vector<16xi32>
        %add3A_1409 = arith.addi %and3A_1371, %add3A_1408 : vector<16xi32>
        %add3A_1410 = arith.addf %gather3A_1406, %get3A_215 : vector<16xf32>
        tpu.vector_store_idx %arg10[%broadcast_in_dim3A_82, %select_n3A_184, %select_n3A_209, %add3A_1409], %add3A_1410 : memref<2x8x8x128xf32, #tpu.memory_space<vmem>>[vector<16xi32>, vector<16xi32>, vector<16xi32>, vector<16xi32>], vector<16xf32>,
        %add3A_1411 = arith.constant 80 : i32
        %add3A_1412 = vector.broadcast %add3A_1411 : i32 to vector<16xi32>
        %add3A_1413 = arith.addi %and3A_1371, %add3A_1412 : vector<16xi32>
        %gather3A_1414 = tpu.vector_load_idx %arg8[%add3A_1413, %add3A_212] : memref<256x64xf32, #tpu.memory_space<vmem>>[vector<16xi32>, vector<16xi32>], vector<16xf32>,
        %add3A_1415 = arith.constant 80 : i32
        %add3A_1416 = vector.broadcast %add3A_1415 : i32 to vector<16xi32>
        %add3A_1417 = arith.addi %and3A_1371, %add3A_1416 : vector<16xi32>
        %add3A_1418 = arith.addf %gather3A_1414, %get3A_215 : vector<16xf32>
        tpu.vector_store_idx %arg10[%broadcast_in_dim3A_82, %select_n3A_184, %select_n3A_209, %add3A_1417], %add3A_1418 : memref<2x8x8x128xf32, #tpu.memory_space<vmem>>[vector<16xi32>, vector<16xi32>, vector<16xi32>, vector<16xi32>], vector<16xf32>,
        %add3A_1419 = arith.constant 96 : i32
        %add3A_1420 = vector.broadcast %add3A_1419 : i32 to vector<16xi32>
        %add3A_1421 = arith.addi %and3A_1371, %add3A_1420 : vector<16xi32>
        %gather3A_1422 = tpu.vector_load_idx %arg8[%add3A_1421, %add3A_212] : memref<256x64xf32, #tpu.memory_space<vmem>>[vector<16xi32>, vector<16xi32>], vector<16xf32>,
        %add3A_1423 = arith.constant 96 : i32
        %add3A_1424 = vector.broadcast %add3A_1423 : i32 to vector<16xi32>
        %add3A_1425 = arith.addi %and3A_1371, %add3A_1424 : vector<16xi32>
        %add3A_1426 = arith.addf %gather3A_1422, %get3A_215 : vector<16xf32>
        tpu.vector_store_idx %arg10[%broadcast_in_dim3A_82, %select_n3A_184, %select_n3A_209, %add3A_1425], %add3A_1426 : memref<2x8x8x128xf32, #tpu.memory_space<vmem>>[vector<16xi32>, vector<16xi32>, vector<16xi32>, vector<16xi32>], vector<16xf32>,
        %add3A_1427 = arith.constant 112 : i32
        %add3A_1428 = vector.broadcast %add3A_1427 : i32 to vector<16xi32>
        %add3A_1429 = arith.addi %and3A_1371, %add3A_1428 : vector<16xi32>
        %gather3A_1430 = tpu.vector_load_idx %arg8[%add3A_1429, %add3A_212] : memref<256x64xf32, #tpu.memory_space<vmem>>[vector<16xi32>, vector<16xi32>], vector<16xf32>,
        %add3A_1431 = arith.constant 112 : i32
        %add3A_1432 = vector.broadcast %add3A_1431 : i32 to vector<16xi32>
        %add3A_1433 = arith.addi %and3A_1371, %add3A_1432 : vector<16xi32>
        %add3A_1434 = arith.addf %gather3A_1430, %get3A_215 : vector<16xf32>
        tpu.vector_store_idx %arg10[%broadcast_in_dim3A_82, %select_n3A_184, %select_n3A_209, %add3A_1433], %add3A_1434 : memref<2x8x8x128xf32, #tpu.memory_space<vmem>>[vector<16xi32>, vector<16xi32>, vector<16xi32>, vector<16xi32>], vector<16xf32>,
      }
      %scan3A_221 = arith.constant 16 : i32
      %add3A_222 = arith.constant 32 : i32
      %add3A_223 = vector.broadcast %add3A_222 : i32 to vector<16xi32>
      %add3A_224 = arith.addi %add3A_223, %iota3A : vector<16xi32>
      %jit3A_225 = arith.constant 8 : i32
      %div3A_226 = vector.broadcast %jit3A_225 : i32 to vector<16xi32>
      %div3A_227 = arith.divsi %add3A_224, %div3A_226 : vector<16xi32>
      %sign3A_228 = arith.constant 0 : i32
      %sign3A_229 = vector.broadcast %sign3A_228 : i32 to vector<16xi32>
      %sign3A_230 = arith.cmpi sgt, %add3A_224, %sign3A_229 : vector<16xi32>
      %sign3A_231 = arith.extui %sign3A_230 : vector<16xi1> to vector<16xi32>
      %sign3A_232 = arith.constant 0 : i32
      %sign3A_233 = vector.broadcast %sign3A_232 : i32 to vector<16xi32>
      %sign3A_234 = arith.cmpi slt, %add3A_224, %sign3A_233 : vector<16xi32>
      %sign3A_235 = arith.extui %sign3A_234 : vector<16xi1> to vector<16xi32>
      %sign3A_236 = arith.subi %sign3A_231, %sign3A_235 : vector<16xi32>
      %sign3A_237 = arith.constant 0 : i32
      %sign3A_238 = arith.cmpi sgt, %jit3A_225, %sign3A_237 : i32
      %sign3A_239 = arith.extui %sign3A_238 : i1 to i32
      %sign3A_240 = arith.constant 0 : i32
      %sign3A_241 = arith.cmpi slt, %jit3A_225, %sign3A_240 : i32
      %sign3A_242 = arith.extui %sign3A_241 : i1 to i32
      %sign3A_243 = arith.subi %sign3A_239, %sign3A_242 : i32
      %ne3A_244 = vector.broadcast %sign3A_243 : i32 to vector<16xi32>
      %ne3A_245 = arith.cmpi ne, %sign3A_236, %ne3A_244 : vector<16xi32>
      %rem3A_246 = vector.broadcast %jit3A_225 : i32 to vector<16xi32>
      %rem3A_247 = arith.remsi %add3A_224, %rem3A_246 : vector<16xi32>
      %ne3A_248 = arith.constant 0 : i32
      %ne3A_249 = vector.broadcast %ne3A_248 : i32 to vector<16xi32>
      %ne3A_250 = arith.cmpi ne, %rem3A_247, %ne3A_249 : vector<16xi32>
      %and3A_251 = arith.andi %ne3A_245, %ne3A_250 : vector<16xi1>
      %sub3A_252 = arith.constant 1 : i32
      %sub3A_253 = vector.broadcast %sub3A_252 : i32 to vector<16xi32>
      %sub3A_254 = arith.subi %div3A_227, %sub3A_253 : vector<16xi32>
      %select_n3A_255 = arith.select %and3A_251, %sub3A_254, %div3A_227 : vector<16xi1>, vector<16xi32>
      %add3A_256 = arith.constant 32 : i32
      %add3A_257 = vector.broadcast %add3A_256 : i32 to vector<16xi32>
      %add3A_258 = arith.addi %add3A_257, %iota3A : vector<16xi32>
      %jit3A_259 = arith.constant 8 : i32
      %eq3A_260 = arith.constant 0 : i32
      %eq3A_261 = arith.cmpi eq, %jit3A_259, %eq3A_260 : i32
      %jit3A_262 = arith.constant 1 : i32
      %select_n3A_263 = arith.select %eq3A_261, %jit3A_262, %jit3A_259 : i32
      %rem3A_264 = vector.broadcast %select_n3A_263 : i32 to vector<16xi32>
      %rem3A_265 = arith.remsi %add3A_258, %rem3A_264 : vector<16xi32>
      %ne3A_266 = arith.constant 0 : i32
      %ne3A_267 = vector.broadcast %ne3A_266 : i32 to vector<16xi32>
      %ne3A_268 = arith.cmpi ne, %rem3A_265, %ne3A_267 : vector<16xi32>
      %lt3A_269 = arith.constant 0 : i32
      %lt3A_270 = vector.broadcast %lt3A_269 : i32 to vector<16xi32>
      %lt3A_271 = arith.cmpi slt, %rem3A_265, %lt3A_270 : vector<16xi32>
      %lt3A_272 = arith.constant 0 : i32
      %lt3A_273 = arith.cmpi slt, %select_n3A_263, %lt3A_272 : i32
      %ne3A_274 = vector.broadcast %lt3A_273 : i1 to vector<16xi1>
      %ne3A_275 = vector.broadcast %ne3A_274 : vector<16xi1> to vector<16xi1>
      %ne3A_276 = arith.xori %lt3A_271, %ne3A_275 : vector<16xi1>
      %and3A_277 = arith.andi %ne3A_276, %ne3A_268 : vector<16xi1>
      %add3A_278 = vector.broadcast %select_n3A_263 : i32 to vector<16xi32>
      %add3A_279 = arith.addi %rem3A_265, %add3A_278 : vector<16xi32>
      %select_n3A_280 = arith.select %and3A_277, %add3A_279, %rem3A_265 : vector<16xi1>, vector<16xi32>
      %add3A_281 = arith.constant 32 : i32
      %add3A_282 = vector.broadcast %add3A_281 : i32 to vector<16xi32>
      %add3A_283 = arith.addi %add3A_282, %iota3A : vector<16xi32>
      %get3A_284 = arith.index_cast %add3A_81 : i32 to index
      %get3A_285 = arith.constant 32 : index
      %get3A_286 = tpu.vector_load %arg12[%get3A_284, %get3A_285] {strides = array<i32>} : memref<200x64xf32, #tpu.memory_space<vmem>>, vector<16xf32>,
      %scan3A_287 = arith.constant 0 : i32
      %scan3A_288 = arith.constant 0 : i32
      %scan3A_289 = arith.constant 16 : i32
      %scan3A_290 = arith.addi %scan3A_288, %scan3A_289 : i32
      %scan3A_291 = arith.constant 1 : i32
      scf.for %scan3A_1366 = %scan3A_288 to %scan3A_290 step %scan3A_291  : i32 {
        %add3A_1367 = vector.broadcast %scan3A_1366 : i32 to vector<16xi32>
        %add3A_1368 = arith.addi %iota3A, %add3A_1367 : vector<16xi32>
        %and3A_1369 = arith.constant 15 : i32
        %and3A_1370 = vector.broadcast %and3A_1369 : i32 to vector<16xi32>
        %and3A_1371 = arith.andi %add3A_1368, %and3A_1370 : vector<16xi32>
        %add3A_1372 = arith.constant 0 : i32
        %add3A_1373 = vector.broadcast %add3A_1372 : i32 to vector<16xi32>
        %add3A_1374 = arith.addi %and3A_1371, %add3A_1373 : vector<16xi32>
        %gather3A = tpu.vector_load_idx %arg8[%add3A_1374, %add3A_283] : memref<256x64xf32, #tpu.memory_space<vmem>>[vector<16xi32>, vector<16xi32>], vector<16xf32>,
        %add3A_1375 = arith.constant 0 : i32
        %add3A_1376 = vector.broadcast %add3A_1375 : i32 to vector<16xi32>
        %add3A_1377 = arith.addi %and3A_1371, %add3A_1376 : vector<16xi32>
        %add3A_1378 = arith.addf %gather3A, %get3A_286 : vector<16xf32>
        tpu.vector_store_idx %arg10[%broadcast_in_dim3A_82, %select_n3A_255, %select_n3A_280, %add3A_1377], %add3A_1378 : memref<2x8x8x128xf32, #tpu.memory_space<vmem>>[vector<16xi32>, vector<16xi32>, vector<16xi32>, vector<16xi32>], vector<16xf32>,
        %add3A_1379 = arith.constant 16 : i32
        %add3A_1380 = vector.broadcast %add3A_1379 : i32 to vector<16xi32>
        %add3A_1381 = arith.addi %and3A_1371, %add3A_1380 : vector<16xi32>
        %gather3A_1382 = tpu.vector_load_idx %arg8[%add3A_1381, %add3A_283] : memref<256x64xf32, #tpu.memory_space<vmem>>[vector<16xi32>, vector<16xi32>], vector<16xf32>,
        %add3A_1383 = arith.constant 16 : i32
        %add3A_1384 = vector.broadcast %add3A_1383 : i32 to vector<16xi32>
        %add3A_1385 = arith.addi %and3A_1371, %add3A_1384 : vector<16xi32>
        %add3A_1386 = arith.addf %gather3A_1382, %get3A_286 : vector<16xf32>
        tpu.vector_store_idx %arg10[%broadcast_in_dim3A_82, %select_n3A_255, %select_n3A_280, %add3A_1385], %add3A_1386 : memref<2x8x8x128xf32, #tpu.memory_space<vmem>>[vector<16xi32>, vector<16xi32>, vector<16xi32>, vector<16xi32>], vector<16xf32>,
        %add3A_1387 = arith.constant 32 : i32
        %add3A_1388 = vector.broadcast %add3A_1387 : i32 to vector<16xi32>
        %add3A_1389 = arith.addi %and3A_1371, %add3A_1388 : vector<16xi32>
        %gather3A_1390 = tpu.vector_load_idx %arg8[%add3A_1389, %add3A_283] : memref<256x64xf32, #tpu.memory_space<vmem>>[vector<16xi32>, vector<16xi32>], vector<16xf32>,
        %add3A_1391 = arith.constant 32 : i32
        %add3A_1392 = vector.broadcast %add3A_1391 : i32 to vector<16xi32>
        %add3A_1393 = arith.addi %and3A_1371, %add3A_1392 : vector<16xi32>
        %add3A_1394 = arith.addf %gather3A_1390, %get3A_286 : vector<16xf32>
        tpu.vector_store_idx %arg10[%broadcast_in_dim3A_82, %select_n3A_255, %select_n3A_280, %add3A_1393], %add3A_1394 : memref<2x8x8x128xf32, #tpu.memory_space<vmem>>[vector<16xi32>, vector<16xi32>, vector<16xi32>, vector<16xi32>], vector<16xf32>,
        %add3A_1395 = arith.constant 48 : i32
        %add3A_1396 = vector.broadcast %add3A_1395 : i32 to vector<16xi32>
        %add3A_1397 = arith.addi %and3A_1371, %add3A_1396 : vector<16xi32>
        %gather3A_1398 = tpu.vector_load_idx %arg8[%add3A_1397, %add3A_283] : memref<256x64xf32, #tpu.memory_space<vmem>>[vector<16xi32>, vector<16xi32>], vector<16xf32>,
        %add3A_1399 = arith.constant 48 : i32
        %add3A_1400 = vector.broadcast %add3A_1399 : i32 to vector<16xi32>
        %add3A_1401 = arith.addi %and3A_1371, %add3A_1400 : vector<16xi32>
        %add3A_1402 = arith.addf %gather3A_1398, %get3A_286 : vector<16xf32>
        tpu.vector_store_idx %arg10[%broadcast_in_dim3A_82, %select_n3A_255, %select_n3A_280, %add3A_1401], %add3A_1402 : memref<2x8x8x128xf32, #tpu.memory_space<vmem>>[vector<16xi32>, vector<16xi32>, vector<16xi32>, vector<16xi32>], vector<16xf32>,
        %add3A_1403 = arith.constant 64 : i32
        %add3A_1404 = vector.broadcast %add3A_1403 : i32 to vector<16xi32>
        %add3A_1405 = arith.addi %and3A_1371, %add3A_1404 : vector<16xi32>
        %gather3A_1406 = tpu.vector_load_idx %arg8[%add3A_1405, %add3A_283] : memref<256x64xf32, #tpu.memory_space<vmem>>[vector<16xi32>, vector<16xi32>], vector<16xf32>,
        %add3A_1407 = arith.constant 64 : i32
        %add3A_1408 = vector.broadcast %add3A_1407 : i32 to vector<16xi32>
        %add3A_1409 = arith.addi %and3A_1371, %add3A_1408 : vector<16xi32>
        %add3A_1410 = arith.addf %gather3A_1406, %get3A_286 : vector<16xf32>
        tpu.vector_store_idx %arg10[%broadcast_in_dim3A_82, %select_n3A_255, %select_n3A_280, %add3A_1409], %add3A_1410 : memref<2x8x8x128xf32, #tpu.memory_space<vmem>>[vector<16xi32>, vector<16xi32>, vector<16xi32>, vector<16xi32>], vector<16xf32>,
        %add3A_1411 = arith.constant 80 : i32
        %add3A_1412 = vector.broadcast %add3A_1411 : i32 to vector<16xi32>
        %add3A_1413 = arith.addi %and3A_1371, %add3A_1412 : vector<16xi32>
        %gather3A_1414 = tpu.vector_load_idx %arg8[%add3A_1413, %add3A_283] : memref<256x64xf32, #tpu.memory_space<vmem>>[vector<16xi32>, vector<16xi32>], vector<16xf32>,
        %add3A_1415 = arith.constant 80 : i32
        %add3A_1416 = vector.broadcast %add3A_1415 : i32 to vector<16xi32>
        %add3A_1417 = arith.addi %and3A_1371, %add3A_1416 : vector<16xi32>
        %add3A_1418 = arith.addf %gather3A_1414, %get3A_286 : vector<16xf32>
        tpu.vector_store_idx %arg10[%broadcast_in_dim3A_82, %select_n3A_255, %select_n3A_280, %add3A_1417], %add3A_1418 : memref<2x8x8x128xf32, #tpu.memory_space<vmem>>[vector<16xi32>, vector<16xi32>, vector<16xi32>, vector<16xi32>], vector<16xf32>,
        %add3A_1419 = arith.constant 96 : i32
        %add3A_1420 = vector.broadcast %add3A_1419 : i32 to vector<16xi32>
        %add3A_1421 = arith.addi %and3A_1371, %add3A_1420 : vector<16xi32>
        %gather3A_1422 = tpu.vector_load_idx %arg8[%add3A_1421, %add3A_283] : memref<256x64xf32, #tpu.memory_space<vmem>>[vector<16xi32>, vector<16xi32>], vector<16xf32>,
        %add3A_1423 = arith.constant 96 : i32
        %add3A_1424 = vector.broadcast %add3A_1423 : i32 to vector<16xi32>
        %add3A_1425 = arith.addi %and3A_1371, %add3A_1424 : vector<16xi32>
        %add3A_1426 = arith.addf %gather3A_1422, %get3A_286 : vector<16xf32>
        tpu.vector_store_idx %arg10[%broadcast_in_dim3A_82, %select_n3A_255, %select_n3A_280, %add3A_1425], %add3A_1426 : memref<2x8x8x128xf32, #tpu.memory_space<vmem>>[vector<16xi32>, vector<16xi32>, vector<16xi32>, vector<16xi32>], vector<16xf32>,
        %add3A_1427 = arith.constant 112 : i32
        %add3A_1428 = vector.broadcast %add3A_1427 : i32 to vector<16xi32>
        %add3A_1429 = arith.addi %and3A_1371, %add3A_1428 : vector<16xi32>
        %gather3A_1430 = tpu.vector_load_idx %arg8[%add3A_1429, %add3A_283] : memref<256x64xf32, #tpu.memory_space<vmem>>[vector<16xi32>, vector<16xi32>], vector<16xf32>,
        %add3A_1431 = arith.constant 112 : i32
        %add3A_1432 = vector.broadcast %add3A_1431 : i32 to vector<16xi32>
        %add3A_1433 = arith.addi %and3A_1371, %add3A_1432 : vector<16xi32>
        %add3A_1434 = arith.addf %gather3A_1430, %get3A_286 : vector<16xf32>
        tpu.vector_store_idx %arg10[%broadcast_in_dim3A_82, %select_n3A_255, %select_n3A_280, %add3A_1433], %add3A_1434 : memref<2x8x8x128xf32, #tpu.memory_space<vmem>>[vector<16xi32>, vector<16xi32>, vector<16xi32>, vector<16xi32>], vector<16xf32>,
      }
      %scan3A_292 = arith.constant 16 : i32
      %add3A_293 = arith.constant 48 : i32
      %add3A_294 = vector.broadcast %add3A_293 : i32 to vector<16xi32>
      %add3A_295 = arith.addi %add3A_294, %iota3A : vector<16xi32>
      %jit3A_296 = arith.constant 8 : i32
      %div3A_297 = vector.broadcast %jit3A_296 : i32 to vector<16xi32>
      %div3A_298 = arith.divsi %add3A_295, %div3A_297 : vector<16xi32>
      %sign3A_299 = arith.constant 0 : i32
      %sign3A_300 = vector.broadcast %sign3A_299 : i32 to vector<16xi32>
      %sign3A_301 = arith.cmpi sgt, %add3A_295, %sign3A_300 : vector<16xi32>
      %sign3A_302 = arith.extui %sign3A_301 : vector<16xi1> to vector<16xi32>
      %sign3A_303 = arith.constant 0 : i32
      %sign3A_304 = vector.broadcast %sign3A_303 : i32 to vector<16xi32>
      %sign3A_305 = arith.cmpi slt, %add3A_295, %sign3A_304 : vector<16xi32>
      %sign3A_306 = arith.extui %sign3A_305 : vector<16xi1> to vector<16xi32>
      %sign3A_307 = arith.subi %sign3A_302, %sign3A_306 : vector<16xi32>
      %sign3A_308 = arith.constant 0 : i32
      %sign3A_309 = arith.cmpi sgt, %jit3A_296, %sign3A_308 : i32
      %sign3A_310 = arith.extui %sign3A_309 : i1 to i32
      %sign3A_311 = arith.constant 0 : i32
      %sign3A_312 = arith.cmpi slt, %jit3A_296, %sign3A_311 : i32
      %sign3A_313 = arith.extui %sign3A_312 : i1 to i32
      %sign3A_314 = arith.subi %sign3A_310, %sign3A_313 : i32
      %ne3A_315 = vector.broadcast %sign3A_314 : i32 to vector<16xi32>
      %ne3A_316 = arith.cmpi ne, %sign3A_307, %ne3A_315 : vector<16xi32>
      %rem3A_317 = vector.broadcast %jit3A_296 : i32 to vector<16xi32>
      %rem3A_318 = arith.remsi %add3A_295, %rem3A_317 : vector<16xi32>
      %ne3A_319 = arith.constant 0 : i32
      %ne3A_320 = vector.broadcast %ne3A_319 : i32 to vector<16xi32>
      %ne3A_321 = arith.cmpi ne, %rem3A_318, %ne3A_320 : vector<16xi32>
      %and3A_322 = arith.andi %ne3A_316, %ne3A_321 : vector<16xi1>
      %sub3A_323 = arith.constant 1 : i32
      %sub3A_324 = vector.broadcast %sub3A_323 : i32 to vector<16xi32>
      %sub3A_325 = arith.subi %div3A_298, %sub3A_324 : vector<16xi32>
      %select_n3A_326 = arith.select %and3A_322, %sub3A_325, %div3A_298 : vector<16xi1>, vector<16xi32>
      %add3A_327 = arith.constant 48 : i32
      %add3A_328 = vector.broadcast %add3A_327 : i32 to vector<16xi32>
      %add3A_329 = arith.addi %add3A_328, %iota3A : vector<16xi32>
      %jit3A_330 = arith.constant 8 : i32
      %eq3A_331 = arith.constant 0 : i32
      %eq3A_332 = arith.cmpi eq, %jit3A_330, %eq3A_331 : i32
      %jit3A_333 = arith.constant 1 : i32
      %select_n3A_334 = arith.select %eq3A_332, %jit3A_333, %jit3A_330 : i32
      %rem3A_335 = vector.broadcast %select_n3A_334 : i32 to vector<16xi32>
      %rem3A_336 = arith.remsi %add3A_329, %rem3A_335 : vector<16xi32>
      %ne3A_337 = arith.constant 0 : i32
      %ne3A_338 = vector.broadcast %ne3A_337 : i32 to vector<16xi32>
      %ne3A_339 = arith.cmpi ne, %rem3A_336, %ne3A_338 : vector<16xi32>
      %lt3A_340 = arith.constant 0 : i32
      %lt3A_341 = vector.broadcast %lt3A_340 : i32 to vector<16xi32>
      %lt3A_342 = arith.cmpi slt, %rem3A_336, %lt3A_341 : vector<16xi32>
      %lt3A_343 = arith.constant 0 : i32
      %lt3A_344 = arith.cmpi slt, %select_n3A_334, %lt3A_343 : i32
      %ne3A_345 = vector.broadcast %lt3A_344 : i1 to vector<16xi1>
      %ne3A_346 = vector.broadcast %ne3A_345 : vector<16xi1> to vector<16xi1>
      %ne3A_347 = arith.xori %lt3A_342, %ne3A_346 : vector<16xi1>
      %and3A_348 = arith.andi %ne3A_347, %ne3A_339 : vector<16xi1>
      %add3A_349 = vector.broadcast %select_n3A_334 : i32 to vector<16xi32>
      %add3A_350 = arith.addi %rem3A_336, %add3A_349 : vector<16xi32>
      %select_n3A_351 = arith.select %and3A_348, %add3A_350, %rem3A_336 : vector<16xi1>, vector<16xi32>
      %add3A_352 = arith.constant 48 : i32
      %add3A_353 = vector.broadcast %add3A_352 : i32 to vector<16xi32>
      %add3A_354 = arith.addi %add3A_353, %iota3A : vector<16xi32>
      %get3A_355 = arith.index_cast %add3A_81 : i32 to index
      %get3A_356 = arith.constant 48 : index
      %get3A_357 = tpu.vector_load %arg12[%get3A_355, %get3A_356] {strides = array<i32>} : memref<200x64xf32, #tpu.memory_space<vmem>>, vector<16xf32>,
      %scan3A_358 = arith.constant 0 : i32
      %scan3A_359 = arith.constant 0 : i32
      %scan3A_360 = arith.constant 16 : i32
      %scan3A_361 = arith.addi %scan3A_359, %scan3A_360 : i32
      %scan3A_362 = arith.constant 1 : i32
      scf.for %scan3A_1366 = %scan3A_359 to %scan3A_361 step %scan3A_362  : i32 {
        %add3A_1367 = vector.broadcast %scan3A_1366 : i32 to vector<16xi32>
        %add3A_1368 = arith.addi %iota3A, %add3A_1367 : vector<16xi32>
        %and3A_1369 = arith.constant 15 : i32
        %and3A_1370 = vector.broadcast %and3A_1369 : i32 to vector<16xi32>
        %and3A_1371 = arith.andi %add3A_1368, %and3A_1370 : vector<16xi32>
        %add3A_1372 = arith.constant 0 : i32
        %add3A_1373 = vector.broadcast %add3A_1372 : i32 to vector<16xi32>
        %add3A_1374 = arith.addi %and3A_1371, %add3A_1373 : vector<16xi32>
        %gather3A = tpu.vector_load_idx %arg8[%add3A_1374, %add3A_354] : memref<256x64xf32, #tpu.memory_space<vmem>>[vector<16xi32>, vector<16xi32>], vector<16xf32>,
        %add3A_1375 = arith.constant 0 : i32
        %add3A_1376 = vector.broadcast %add3A_1375 : i32 to vector<16xi32>
        %add3A_1377 = arith.addi %and3A_1371, %add3A_1376 : vector<16xi32>
        %add3A_1378 = arith.addf %gather3A, %get3A_357 : vector<16xf32>
        tpu.vector_store_idx %arg10[%broadcast_in_dim3A_82, %select_n3A_326, %select_n3A_351, %add3A_1377], %add3A_1378 : memref<2x8x8x128xf32, #tpu.memory_space<vmem>>[vector<16xi32>, vector<16xi32>, vector<16xi32>, vector<16xi32>], vector<16xf32>,
        %add3A_1379 = arith.constant 16 : i32
        %add3A_1380 = vector.broadcast %add3A_1379 : i32 to vector<16xi32>
        %add3A_1381 = arith.addi %and3A_1371, %add3A_1380 : vector<16xi32>
        %gather3A_1382 = tpu.vector_load_idx %arg8[%add3A_1381, %add3A_354] : memref<256x64xf32, #tpu.memory_space<vmem>>[vector<16xi32>, vector<16xi32>], vector<16xf32>,
        %add3A_1383 = arith.constant 16 : i32
        %add3A_1384 = vector.broadcast %add3A_1383 : i32 to vector<16xi32>
        %add3A_1385 = arith.addi %and3A_1371, %add3A_1384 : vector<16xi32>
        %add3A_1386 = arith.addf %gather3A_1382, %get3A_357 : vector<16xf32>
        tpu.vector_store_idx %arg10[%broadcast_in_dim3A_82, %select_n3A_326, %select_n3A_351, %add3A_1385], %add3A_1386 : memref<2x8x8x128xf32, #tpu.memory_space<vmem>>[vector<16xi32>, vector<16xi32>, vector<16xi32>, vector<16xi32>], vector<16xf32>,
        %add3A_1387 = arith.constant 32 : i32
        %add3A_1388 = vector.broadcast %add3A_1387 : i32 to vector<16xi32>
        %add3A_1389 = arith.addi %and3A_1371, %add3A_1388 : vector<16xi32>
        %gather3A_1390 = tpu.vector_load_idx %arg8[%add3A_1389, %add3A_354] : memref<256x64xf32, #tpu.memory_space<vmem>>[vector<16xi32>, vector<16xi32>], vector<16xf32>,
        %add3A_1391 = arith.constant 32 : i32
        %add3A_1392 = vector.broadcast %add3A_1391 : i32 to vector<16xi32>
        %add3A_1393 = arith.addi %and3A_1371, %add3A_1392 : vector<16xi32>
        %add3A_1394 = arith.addf %gather3A_1390, %get3A_357 : vector<16xf32>
        tpu.vector_store_idx %arg10[%broadcast_in_dim3A_82, %select_n3A_326, %select_n3A_351, %add3A_1393], %add3A_1394 : memref<2x8x8x128xf32, #tpu.memory_space<vmem>>[vector<16xi32>, vector<16xi32>, vector<16xi32>, vector<16xi32>], vector<16xf32>,
        %add3A_1395 = arith.constant 48 : i32
        %add3A_1396 = vector.broadcast %add3A_1395 : i32 to vector<16xi32>
        %add3A_1397 = arith.addi %and3A_1371, %add3A_1396 : vector<16xi32>
        %gather3A_1398 = tpu.vector_load_idx %arg8[%add3A_1397, %add3A_354] : memref<256x64xf32, #tpu.memory_space<vmem>>[vector<16xi32>, vector<16xi32>], vector<16xf32>,
        %add3A_1399 = arith.constant 48 : i32
        %add3A_1400 = vector.broadcast %add3A_1399 : i32 to vector<16xi32>
        %add3A_1401 = arith.addi %and3A_1371, %add3A_1400 : vector<16xi32>
        %add3A_1402 = arith.addf %gather3A_1398, %get3A_357 : vector<16xf32>
        tpu.vector_store_idx %arg10[%broadcast_in_dim3A_82, %select_n3A_326, %select_n3A_351, %add3A_1401], %add3A_1402 : memref<2x8x8x128xf32, #tpu.memory_space<vmem>>[vector<16xi32>, vector<16xi32>, vector<16xi32>, vector<16xi32>], vector<16xf32>,
        %add3A_1403 = arith.constant 64 : i32
        %add3A_1404 = vector.broadcast %add3A_1403 : i32 to vector<16xi32>
        %add3A_1405 = arith.addi %and3A_1371, %add3A_1404 : vector<16xi32>
        %gather3A_1406 = tpu.vector_load_idx %arg8[%add3A_1405, %add3A_354] : memref<256x64xf32, #tpu.memory_space<vmem>>[vector<16xi32>, vector<16xi32>], vector<16xf32>,
        %add3A_1407 = arith.constant 64 : i32
        %add3A_1408 = vector.broadcast %add3A_1407 : i32 to vector<16xi32>
        %add3A_1409 = arith.addi %and3A_1371, %add3A_1408 : vector<16xi32>
        %add3A_1410 = arith.addf %gather3A_1406, %get3A_357 : vector<16xf32>
        tpu.vector_store_idx %arg10[%broadcast_in_dim3A_82, %select_n3A_326, %select_n3A_351, %add3A_1409], %add3A_1410 : memref<2x8x8x128xf32, #tpu.memory_space<vmem>>[vector<16xi32>, vector<16xi32>, vector<16xi32>, vector<16xi32>], vector<16xf32>,
        %add3A_1411 = arith.constant 80 : i32
        %add3A_1412 = vector.broadcast %add3A_1411 : i32 to vector<16xi32>
        %add3A_1413 = arith.addi %and3A_1371, %add3A_1412 : vector<16xi32>
        %gather3A_1414 = tpu.vector_load_idx %arg8[%add3A_1413, %add3A_354] : memref<256x64xf32, #tpu.memory_space<vmem>>[vector<16xi32>, vector<16xi32>], vector<16xf32>,
        %add3A_1415 = arith.constant 80 : i32
        %add3A_1416 = vector.broadcast %add3A_1415 : i32 to vector<16xi32>
        %add3A_1417 = arith.addi %and3A_1371, %add3A_1416 : vector<16xi32>
        %add3A_1418 = arith.addf %gather3A_1414, %get3A_357 : vector<16xf32>
        tpu.vector_store_idx %arg10[%broadcast_in_dim3A_82, %select_n3A_326, %select_n3A_351, %add3A_1417], %add3A_1418 : memref<2x8x8x128xf32, #tpu.memory_space<vmem>>[vector<16xi32>, vector<16xi32>, vector<16xi32>, vector<16xi32>], vector<16xf32>,
        %add3A_1419 = arith.constant 96 : i32
        %add3A_1420 = vector.broadcast %add3A_1419 : i32 to vector<16xi32>
        %add3A_1421 = arith.addi %and3A_1371, %add3A_1420 : vector<16xi32>
        %gather3A_1422 = tpu.vector_load_idx %arg8[%add3A_1421, %add3A_354] : memref<256x64xf32, #tpu.memory_space<vmem>>[vector<16xi32>, vector<16xi32>], vector<16xf32>,
        %add3A_1423 = arith.constant 96 : i32
        %add3A_1424 = vector.broadcast %add3A_1423 : i32 to vector<16xi32>
        %add3A_1425 = arith.addi %and3A_1371, %add3A_1424 : vector<16xi32>
        %add3A_1426 = arith.addf %gather3A_1422, %get3A_357 : vector<16xf32>
        tpu.vector_store_idx %arg10[%broadcast_in_dim3A_82, %select_n3A_326, %select_n3A_351, %add3A_1425], %add3A_1426 : memref<2x8x8x128xf32, #tpu.memory_space<vmem>>[vector<16xi32>, vector<16xi32>, vector<16xi32>, vector<16xi32>], vector<16xf32>,
        %add3A_1427 = arith.constant 112 : i32
        %add3A_1428 = vector.broadcast %add3A_1427 : i32 to vector<16xi32>
        %add3A_1429 = arith.addi %and3A_1371, %add3A_1428 : vector<16xi32>
        %gather3A_1430 = tpu.vector_load_idx %arg8[%add3A_1429, %add3A_354] : memref<256x64xf32, #tpu.memory_space<vmem>>[vector<16xi32>, vector<16xi32>], vector<16xf32>,
        %add3A_1431 = arith.constant 112 : i32
        %add3A_1432 = vector.broadcast %add3A_1431 : i32 to vector<16xi32>
        %add3A_1433 = arith.addi %and3A_1371, %add3A_1432 : vector<16xi32>
        %add3A_1434 = arith.addf %gather3A_1430, %get3A_357 : vector<16xf32>
        tpu.vector_store_idx %arg10[%broadcast_in_dim3A_82, %select_n3A_326, %select_n3A_351, %add3A_1433], %add3A_1434 : memref<2x8x8x128xf32, #tpu.memory_space<vmem>>[vector<16xi32>, vector<16xi32>, vector<16xi32>, vector<16xi32>], vector<16xf32>,
      }
      %scan3A_363 = arith.constant 16 : i32
      %add3A_364 = arith.constant 1 : i32
      %add3A_365 = arith.addi %add3A_79, %add3A_364 : i32
      %broadcast_in_dim3A_366 = arith.constant 1 : i32
      %broadcast_in_dim3A_367 = vector.broadcast %broadcast_in_dim3A_366 : i32 to vector<16xi32>
      %add3A_368 = arith.constant 0 : i32
      %add3A_369 = vector.broadcast %add3A_368 : i32 to vector<16xi32>
      %add3A_370 = arith.addi %add3A_369, %iota3A : vector<16xi32>
      %jit3A_371 = arith.constant 8 : i32
      %div3A_372 = vector.broadcast %jit3A_371 : i32 to vector<16xi32>
      %div3A_373 = arith.divsi %add3A_370, %div3A_372 : vector<16xi32>
      %sign3A_374 = arith.constant 0 : i32
      %sign3A_375 = vector.broadcast %sign3A_374 : i32 to vector<16xi32>
      %sign3A_376 = arith.cmpi sgt, %add3A_370, %sign3A_375 : vector<16xi32>
      %sign3A_377 = arith.extui %sign3A_376 : vector<16xi1> to vector<16xi32>
      %sign3A_378 = arith.constant 0 : i32
      %sign3A_379 = vector.broadcast %sign3A_378 : i32 to vector<16xi32>
      %sign3A_380 = arith.cmpi slt, %add3A_370, %sign3A_379 : vector<16xi32>
      %sign3A_381 = arith.extui %sign3A_380 : vector<16xi1> to vector<16xi32>
      %sign3A_382 = arith.subi %sign3A_377, %sign3A_381 : vector<16xi32>
      %sign3A_383 = arith.constant 0 : i32
      %sign3A_384 = arith.cmpi sgt, %jit3A_371, %sign3A_383 : i32
      %sign3A_385 = arith.extui %sign3A_384 : i1 to i32
      %sign3A_386 = arith.constant 0 : i32
      %sign3A_387 = arith.cmpi slt, %jit3A_371, %sign3A_386 : i32
      %sign3A_388 = arith.extui %sign3A_387 : i1 to i32
      %sign3A_389 = arith.subi %sign3A_385, %sign3A_388 : i32
      %ne3A_390 = vector.broadcast %sign3A_389 : i32 to vector<16xi32>
      %ne3A_391 = arith.cmpi ne, %sign3A_382, %ne3A_390 : vector<16xi32>
      %rem3A_392 = vector.broadcast %jit3A_371 : i32 to vector<16xi32>
      %rem3A_393 = arith.remsi %add3A_370, %rem3A_392 : vector<16xi32>
      %ne3A_394 = arith.constant 0 : i32
      %ne3A_395 = vector.broadcast %ne3A_394 : i32 to vector<16xi32>
      %ne3A_396 = arith.cmpi ne, %rem3A_393, %ne3A_395 : vector<16xi32>
      %and3A_397 = arith.andi %ne3A_391, %ne3A_396 : vector<16xi1>
      %sub3A_398 = arith.constant 1 : i32
      %sub3A_399 = vector.broadcast %sub3A_398 : i32 to vector<16xi32>
      %sub3A_400 = arith.subi %div3A_373, %sub3A_399 : vector<16xi32>
      %select_n3A_401 = arith.select %and3A_397, %sub3A_400, %div3A_373 : vector<16xi1>, vector<16xi32>
      %add3A_402 = arith.constant 0 : i32
      %add3A_403 = vector.broadcast %add3A_402 : i32 to vector<16xi32>
      %add3A_404 = arith.addi %add3A_403, %iota3A : vector<16xi32>
      %jit3A_405 = arith.constant 8 : i32
      %eq3A_406 = arith.constant 0 : i32
      %eq3A_407 = arith.cmpi eq, %jit3A_405, %eq3A_406 : i32
      %jit3A_408 = arith.constant 1 : i32
      %select_n3A_409 = arith.select %eq3A_407, %jit3A_408, %jit3A_405 : i32
      %rem3A_410 = vector.broadcast %select_n3A_409 : i32 to vector<16xi32>
      %rem3A_411 = arith.remsi %add3A_404, %rem3A_410 : vector<16xi32>
      %ne3A_412 = arith.constant 0 : i32
      %ne3A_413 = vector.broadcast %ne3A_412 : i32 to vector<16xi32>
      %ne3A_414 = arith.cmpi ne, %rem3A_411, %ne3A_413 : vector<16xi32>
      %lt3A_415 = arith.constant 0 : i32
      %lt3A_416 = vector.broadcast %lt3A_415 : i32 to vector<16xi32>
      %lt3A_417 = arith.cmpi slt, %rem3A_411, %lt3A_416 : vector<16xi32>
      %lt3A_418 = arith.constant 0 : i32
      %lt3A_419 = arith.cmpi slt, %select_n3A_409, %lt3A_418 : i32
      %ne3A_420 = vector.broadcast %lt3A_419 : i1 to vector<16xi1>
      %ne3A_421 = vector.broadcast %ne3A_420 : vector<16xi1> to vector<16xi1>
      %ne3A_422 = arith.xori %lt3A_417, %ne3A_421 : vector<16xi1>
      %and3A_423 = arith.andi %ne3A_422, %ne3A_414 : vector<16xi1>
      %add3A_424 = vector.broadcast %select_n3A_409 : i32 to vector<16xi32>
      %add3A_425 = arith.addi %rem3A_411, %add3A_424 : vector<16xi32>
      %select_n3A_426 = arith.select %and3A_423, %add3A_425, %rem3A_411 : vector<16xi1>, vector<16xi32>
      %add3A_427 = arith.constant 0 : i32
      %add3A_428 = vector.broadcast %add3A_427 : i32 to vector<16xi32>
      %add3A_429 = arith.addi %add3A_428, %iota3A : vector<16xi32>
      %get3A_430 = arith.index_cast %add3A_365 : i32 to index
      %get3A_431 = arith.constant 0 : index
      %get3A_432 = tpu.vector_load %arg12[%get3A_430, %get3A_431] {strides = array<i32>} : memref<200x64xf32, #tpu.memory_space<vmem>>, vector<16xf32>,
      %scan3A_433 = arith.constant 0 : i32
      %scan3A_434 = arith.constant 0 : i32
      %scan3A_435 = arith.constant 16 : i32
      %scan3A_436 = arith.addi %scan3A_434, %scan3A_435 : i32
      %scan3A_437 = arith.constant 1 : i32
      scf.for %scan3A_1366 = %scan3A_434 to %scan3A_436 step %scan3A_437  : i32 {
        %add3A_1367 = vector.broadcast %scan3A_1366 : i32 to vector<16xi32>
        %add3A_1368 = arith.addi %iota3A, %add3A_1367 : vector<16xi32>
        %and3A_1369 = arith.constant 15 : i32
        %and3A_1370 = vector.broadcast %and3A_1369 : i32 to vector<16xi32>
        %and3A_1371 = arith.andi %add3A_1368, %and3A_1370 : vector<16xi32>
        %add3A_1372 = arith.constant 128 : i32
        %add3A_1373 = vector.broadcast %add3A_1372 : i32 to vector<16xi32>
        %add3A_1374 = arith.addi %and3A_1371, %add3A_1373 : vector<16xi32>
        %gather3A = tpu.vector_load_idx %arg8[%add3A_1374, %add3A_429] : memref<256x64xf32, #tpu.memory_space<vmem>>[vector<16xi32>, vector<16xi32>], vector<16xf32>,
        %add3A_1375 = arith.constant 0 : i32
        %add3A_1376 = vector.broadcast %add3A_1375 : i32 to vector<16xi32>
        %add3A_1377 = arith.addi %and3A_1371, %add3A_1376 : vector<16xi32>
        %add3A_1378 = arith.addf %gather3A, %get3A_432 : vector<16xf32>
        tpu.vector_store_idx %arg10[%broadcast_in_dim3A_367, %select_n3A_401, %select_n3A_426, %add3A_1377], %add3A_1378 : memref<2x8x8x128xf32, #tpu.memory_space<vmem>>[vector<16xi32>, vector<16xi32>, vector<16xi32>, vector<16xi32>], vector<16xf32>,
        %add3A_1379 = arith.constant 144 : i32
        %add3A_1380 = vector.broadcast %add3A_1379 : i32 to vector<16xi32>
        %add3A_1381 = arith.addi %and3A_1371, %add3A_1380 : vector<16xi32>
        %gather3A_1382 = tpu.vector_load_idx %arg8[%add3A_1381, %add3A_429] : memref<256x64xf32, #tpu.memory_space<vmem>>[vector<16xi32>, vector<16xi32>], vector<16xf32>,
        %add3A_1383 = arith.constant 16 : i32
        %add3A_1384 = vector.broadcast %add3A_1383 : i32 to vector<16xi32>
        %add3A_1385 = arith.addi %and3A_1371, %add3A_1384 : vector<16xi32>
        %add3A_1386 = arith.addf %gather3A_1382, %get3A_432 : vector<16xf32>
        tpu.vector_store_idx %arg10[%broadcast_in_dim3A_367, %select_n3A_401, %select_n3A_426, %add3A_1385], %add3A_1386 : memref<2x8x8x128xf32, #tpu.memory_space<vmem>>[vector<16xi32>, vector<16xi32>, vector<16xi32>, vector<16xi32>], vector<16xf32>,
        %add3A_1387 = arith.constant 160 : i32
        %add3A_1388 = vector.broadcast %add3A_1387 : i32 to vector<16xi32>
        %add3A_1389 = arith.addi %and3A_1371, %add3A_1388 : vector<16xi32>
        %gather3A_1390 = tpu.vector_load_idx %arg8[%add3A_1389, %add3A_429] : memref<256x64xf32, #tpu.memory_space<vmem>>[vector<16xi32>, vector<16xi32>], vector<16xf32>,
        %add3A_1391 = arith.constant 32 : i32
        %add3A_1392 = vector.broadcast %add3A_1391 : i32 to vector<16xi32>
        %add3A_1393 = arith.addi %and3A_1371, %add3A_1392 : vector<16xi32>
        %add3A_1394 = arith.addf %gather3A_1390, %get3A_432 : vector<16xf32>
        tpu.vector_store_idx %arg10[%broadcast_in_dim3A_367, %select_n3A_401, %select_n3A_426, %add3A_1393], %add3A_1394 : memref<2x8x8x128xf32, #tpu.memory_space<vmem>>[vector<16xi32>, vector<16xi32>, vector<16xi32>, vector<16xi32>], vector<16xf32>,
        %add3A_1395 = arith.constant 176 : i32
        %add3A_1396 = vector.broadcast %add3A_1395 : i32 to vector<16xi32>
        %add3A_1397 = arith.addi %and3A_1371, %add3A_1396 : vector<16xi32>
        %gather3A_1398 = tpu.vector_load_idx %arg8[%add3A_1397, %add3A_429] : memref<256x64xf32, #tpu.memory_space<vmem>>[vector<16xi32>, vector<16xi32>], vector<16xf32>,
        %add3A_1399 = arith.constant 48 : i32
        %add3A_1400 = vector.broadcast %add3A_1399 : i32 to vector<16xi32>
        %add3A_1401 = arith.addi %and3A_1371, %add3A_1400 : vector<16xi32>
        %add3A_1402 = arith.addf %gather3A_1398, %get3A_432 : vector<16xf32>
        tpu.vector_store_idx %arg10[%broadcast_in_dim3A_367, %select_n3A_401, %select_n3A_426, %add3A_1401], %add3A_1402 : memref<2x8x8x128xf32, #tpu.memory_space<vmem>>[vector<16xi32>, vector<16xi32>, vector<16xi32>, vector<16xi32>], vector<16xf32>,
        %add3A_1403 = arith.constant 192 : i32
        %add3A_1404 = vector.broadcast %add3A_1403 : i32 to vector<16xi32>
        %add3A_1405 = arith.addi %and3A_1371, %add3A_1404 : vector<16xi32>
        %gather3A_1406 = tpu.vector_load_idx %arg8[%add3A_1405, %add3A_429] : memref<256x64xf32, #tpu.memory_space<vmem>>[vector<16xi32>, vector<16xi32>], vector<16xf32>,
        %add3A_1407 = arith.constant 64 : i32
        %add3A_1408 = vector.broadcast %add3A_1407 : i32 to vector<16xi32>
        %add3A_1409 = arith.addi %and3A_1371, %add3A_1408 : vector<16xi32>
        %add3A_1410 = arith.addf %gather3A_1406, %get3A_432 : vector<16xf32>
        tpu.vector_store_idx %arg10[%broadcast_in_dim3A_367, %select_n3A_401, %select_n3A_426, %add3A_1409], %add3A_1410 : memref<2x8x8x128xf32, #tpu.memory_space<vmem>>[vector<16xi32>, vector<16xi32>, vector<16xi32>, vector<16xi32>], vector<16xf32>,
        %add3A_1411 = arith.constant 208 : i32
        %add3A_1412 = vector.broadcast %add3A_1411 : i32 to vector<16xi32>
        %add3A_1413 = arith.addi %and3A_1371, %add3A_1412 : vector<16xi32>
        %gather3A_1414 = tpu.vector_load_idx %arg8[%add3A_1413, %add3A_429] : memref<256x64xf32, #tpu.memory_space<vmem>>[vector<16xi32>, vector<16xi32>], vector<16xf32>,
        %add3A_1415 = arith.constant 80 : i32
        %add3A_1416 = vector.broadcast %add3A_1415 : i32 to vector<16xi32>
        %add3A_1417 = arith.addi %and3A_1371, %add3A_1416 : vector<16xi32>
        %add3A_1418 = arith.addf %gather3A_1414, %get3A_432 : vector<16xf32>
        tpu.vector_store_idx %arg10[%broadcast_in_dim3A_367, %select_n3A_401, %select_n3A_426, %add3A_1417], %add3A_1418 : memref<2x8x8x128xf32, #tpu.memory_space<vmem>>[vector<16xi32>, vector<16xi32>, vector<16xi32>, vector<16xi32>], vector<16xf32>,
        %add3A_1419 = arith.constant 224 : i32
        %add3A_1420 = vector.broadcast %add3A_1419 : i32 to vector<16xi32>
        %add3A_1421 = arith.addi %and3A_1371, %add3A_1420 : vector<16xi32>
        %gather3A_1422 = tpu.vector_load_idx %arg8[%add3A_1421, %add3A_429] : memref<256x64xf32, #tpu.memory_space<vmem>>[vector<16xi32>, vector<16xi32>], vector<16xf32>,
        %add3A_1423 = arith.constant 96 : i32
        %add3A_1424 = vector.broadcast %add3A_1423 : i32 to vector<16xi32>
        %add3A_1425 = arith.addi %and3A_1371, %add3A_1424 : vector<16xi32>
        %add3A_1426 = arith.addf %gather3A_1422, %get3A_432 : vector<16xf32>
        tpu.vector_store_idx %arg10[%broadcast_in_dim3A_367, %select_n3A_401, %select_n3A_426, %add3A_1425], %add3A_1426 : memref<2x8x8x128xf32, #tpu.memory_space<vmem>>[vector<16xi32>, vector<16xi32>, vector<16xi32>, vector<16xi32>], vector<16xf32>,
        %add3A_1427 = arith.constant 240 : i32
        %add3A_1428 = vector.broadcast %add3A_1427 : i32 to vector<16xi32>
        %add3A_1429 = arith.addi %and3A_1371, %add3A_1428 : vector<16xi32>
        %gather3A_1430 = tpu.vector_load_idx %arg8[%add3A_1429, %add3A_429] : memref<256x64xf32, #tpu.memory_space<vmem>>[vector<16xi32>, vector<16xi32>], vector<16xf32>,
        %add3A_1431 = arith.constant 112 : i32
        %add3A_1432 = vector.broadcast %add3A_1431 : i32 to vector<16xi32>
        %add3A_1433 = arith.addi %and3A_1371, %add3A_1432 : vector<16xi32>
        %add3A_1434 = arith.addf %gather3A_1430, %get3A_432 : vector<16xf32>
        tpu.vector_store_idx %arg10[%broadcast_in_dim3A_367, %select_n3A_401, %select_n3A_426, %add3A_1433], %add3A_1434 : memref<2x8x8x128xf32, #tpu.memory_space<vmem>>[vector<16xi32>, vector<16xi32>, vector<16xi32>, vector<16xi32>], vector<16xf32>,
      }
      %scan3A_438 = arith.constant 16 : i32
      %add3A_439 = arith.constant 16 : i32
      %add3A_440 = vector.broadcast %add3A_439 : i32 to vector<16xi32>
      %add3A_441 = arith.addi %add3A_440, %iota3A : vector<16xi32>
      %jit3A_442 = arith.constant 8 : i32
      %div3A_443 = vector.broadcast %jit3A_442 : i32 to vector<16xi32>
      %div3A_444 = arith.divsi %add3A_441, %div3A_443 : vector<16xi32>
      %sign3A_445 = arith.constant 0 : i32
      %sign3A_446 = vector.broadcast %sign3A_445 : i32 to vector<16xi32>
      %sign3A_447 = arith.cmpi sgt, %add3A_441, %sign3A_446 : vector<16xi32>
      %sign3A_448 = arith.extui %sign3A_447 : vector<16xi1> to vector<16xi32>
      %sign3A_449 = arith.constant 0 : i32
      %sign3A_450 = vector.broadcast %sign3A_449 : i32 to vector<16xi32>
      %sign3A_451 = arith.cmpi slt, %add3A_441, %sign3A_450 : vector<16xi32>
      %sign3A_452 = arith.extui %sign3A_451 : vector<16xi1> to vector<16xi32>
      %sign3A_453 = arith.subi %sign3A_448, %sign3A_452 : vector<16xi32>
      %sign3A_454 = arith.constant 0 : i32
      %sign3A_455 = arith.cmpi sgt, %jit3A_442, %sign3A_454 : i32
      %sign3A_456 = arith.extui %sign3A_455 : i1 to i32
      %sign3A_457 = arith.constant 0 : i32
      %sign3A_458 = arith.cmpi slt, %jit3A_442, %sign3A_457 : i32
      %sign3A_459 = arith.extui %sign3A_458 : i1 to i32
      %sign3A_460 = arith.subi %sign3A_456, %sign3A_459 : i32
      %ne3A_461 = vector.broadcast %sign3A_460 : i32 to vector<16xi32>
      %ne3A_462 = arith.cmpi ne, %sign3A_453, %ne3A_461 : vector<16xi32>
      %rem3A_463 = vector.broadcast %jit3A_442 : i32 to vector<16xi32>
      %rem3A_464 = arith.remsi %add3A_441, %rem3A_463 : vector<16xi32>
      %ne3A_465 = arith.constant 0 : i32
      %ne3A_466 = vector.broadcast %ne3A_465 : i32 to vector<16xi32>
      %ne3A_467 = arith.cmpi ne, %rem3A_464, %ne3A_466 : vector<16xi32>
      %and3A_468 = arith.andi %ne3A_462, %ne3A_467 : vector<16xi1>
      %sub3A_469 = arith.constant 1 : i32
      %sub3A_470 = vector.broadcast %sub3A_469 : i32 to vector<16xi32>
      %sub3A_471 = arith.subi %div3A_444, %sub3A_470 : vector<16xi32>
      %select_n3A_472 = arith.select %and3A_468, %sub3A_471, %div3A_444 : vector<16xi1>, vector<16xi32>
      %add3A_473 = arith.constant 16 : i32
      %add3A_474 = vector.broadcast %add3A_473 : i32 to vector<16xi32>
      %add3A_475 = arith.addi %add3A_474, %iota3A : vector<16xi32>
      %jit3A_476 = arith.constant 8 : i32
      %eq3A_477 = arith.constant 0 : i32
      %eq3A_478 = arith.cmpi eq, %jit3A_476, %eq3A_477 : i32
      %jit3A_479 = arith.constant 1 : i32
      %select_n3A_480 = arith.select %eq3A_478, %jit3A_479, %jit3A_476 : i32
      %rem3A_481 = vector.broadcast %select_n3A_480 : i32 to vector<16xi32>
      %rem3A_482 = arith.remsi %add3A_475, %rem3A_481 : vector<16xi32>
      %ne3A_483 = arith.constant 0 : i32
      %ne3A_484 = vector.broadcast %ne3A_483 : i32 to vector<16xi32>
      %ne3A_485 = arith.cmpi ne, %rem3A_482, %ne3A_484 : vector<16xi32>
      %lt3A_486 = arith.constant 0 : i32
      %lt3A_487 = vector.broadcast %lt3A_486 : i32 to vector<16xi32>
      %lt3A_488 = arith.cmpi slt, %rem3A_482, %lt3A_487 : vector<16xi32>
      %lt3A_489 = arith.constant 0 : i32
      %lt3A_490 = arith.cmpi slt, %select_n3A_480, %lt3A_489 : i32
      %ne3A_491 = vector.broadcast %lt3A_490 : i1 to vector<16xi1>
      %ne3A_492 = vector.broadcast %ne3A_491 : vector<16xi1> to vector<16xi1>
      %ne3A_493 = arith.xori %lt3A_488, %ne3A_492 : vector<16xi1>
      %and3A_494 = arith.andi %ne3A_493, %ne3A_485 : vector<16xi1>
      %add3A_495 = vector.broadcast %select_n3A_480 : i32 to vector<16xi32>
      %add3A_496 = arith.addi %rem3A_482, %add3A_495 : vector<16xi32>
      %select_n3A_497 = arith.select %and3A_494, %add3A_496, %rem3A_482 : vector<16xi1>, vector<16xi32>
      %add3A_498 = arith.constant 16 : i32
      %add3A_499 = vector.broadcast %add3A_498 : i32 to vector<16xi32>
      %add3A_500 = arith.addi %add3A_499, %iota3A : vector<16xi32>
      %get3A_501 = arith.index_cast %add3A_365 : i32 to index
      %get3A_502 = arith.constant 16 : index
      %get3A_503 = tpu.vector_load %arg12[%get3A_501, %get3A_502] {strides = array<i32>} : memref<200x64xf32, #tpu.memory_space<vmem>>, vector<16xf32>,
      %scan3A_504 = arith.constant 0 : i32
      %scan3A_505 = arith.constant 0 : i32
      %scan3A_506 = arith.constant 16 : i32
      %scan3A_507 = arith.addi %scan3A_505, %scan3A_506 : i32
      %scan3A_508 = arith.constant 1 : i32
      scf.for %scan3A_1366 = %scan3A_505 to %scan3A_507 step %scan3A_508  : i32 {
        %add3A_1367 = vector.broadcast %scan3A_1366 : i32 to vector<16xi32>
        %add3A_1368 = arith.addi %iota3A, %add3A_1367 : vector<16xi32>
        %and3A_1369 = arith.constant 15 : i32
        %and3A_1370 = vector.broadcast %and3A_1369 : i32 to vector<16xi32>
        %and3A_1371 = arith.andi %add3A_1368, %and3A_1370 : vector<16xi32>
        %add3A_1372 = arith.constant 128 : i32
        %add3A_1373 = vector.broadcast %add3A_1372 : i32 to vector<16xi32>
        %add3A_1374 = arith.addi %and3A_1371, %add3A_1373 : vector<16xi32>
        %gather3A = tpu.vector_load_idx %arg8[%add3A_1374, %add3A_500] : memref<256x64xf32, #tpu.memory_space<vmem>>[vector<16xi32>, vector<16xi32>], vector<16xf32>,
        %add3A_1375 = arith.constant 0 : i32
        %add3A_1376 = vector.broadcast %add3A_1375 : i32 to vector<16xi32>
        %add3A_1377 = arith.addi %and3A_1371, %add3A_1376 : vector<16xi32>
        %add3A_1378 = arith.addf %gather3A, %get3A_503 : vector<16xf32>
        tpu.vector_store_idx %arg10[%broadcast_in_dim3A_367, %select_n3A_472, %select_n3A_497, %add3A_1377], %add3A_1378 : memref<2x8x8x128xf32, #tpu.memory_space<vmem>>[vector<16xi32>, vector<16xi32>, vector<16xi32>, vector<16xi32>], vector<16xf32>,
        %add3A_1379 = arith.constant 144 : i32
        %add3A_1380 = vector.broadcast %add3A_1379 : i32 to vector<16xi32>
        %add3A_1381 = arith.addi %and3A_1371, %add3A_1380 : vector<16xi32>
        %gather3A_1382 = tpu.vector_load_idx %arg8[%add3A_1381, %add3A_500] : memref<256x64xf32, #tpu.memory_space<vmem>>[vector<16xi32>, vector<16xi32>], vector<16xf32>,
        %add3A_1383 = arith.constant 16 : i32
        %add3A_1384 = vector.broadcast %add3A_1383 : i32 to vector<16xi32>
        %add3A_1385 = arith.addi %and3A_1371, %add3A_1384 : vector<16xi32>
        %add3A_1386 = arith.addf %gather3A_1382, %get3A_503 : vector<16xf32>
        tpu.vector_store_idx %arg10[%broadcast_in_dim3A_367, %select_n3A_472, %select_n3A_497, %add3A_1385], %add3A_1386 : memref<2x8x8x128xf32, #tpu.memory_space<vmem>>[vector<16xi32>, vector<16xi32>, vector<16xi32>, vector<16xi32>], vector<16xf32>,
        %add3A_1387 = arith.constant 160 : i32
        %add3A_1388 = vector.broadcast %add3A_1387 : i32 to vector<16xi32>
        %add3A_1389 = arith.addi %and3A_1371, %add3A_1388 : vector<16xi32>
        %gather3A_1390 = tpu.vector_load_idx %arg8[%add3A_1389, %add3A_500] : memref<256x64xf32, #tpu.memory_space<vmem>>[vector<16xi32>, vector<16xi32>], vector<16xf32>,
        %add3A_1391 = arith.constant 32 : i32
        %add3A_1392 = vector.broadcast %add3A_1391 : i32 to vector<16xi32>
        %add3A_1393 = arith.addi %and3A_1371, %add3A_1392 : vector<16xi32>
        %add3A_1394 = arith.addf %gather3A_1390, %get3A_503 : vector<16xf32>
        tpu.vector_store_idx %arg10[%broadcast_in_dim3A_367, %select_n3A_472, %select_n3A_497, %add3A_1393], %add3A_1394 : memref<2x8x8x128xf32, #tpu.memory_space<vmem>>[vector<16xi32>, vector<16xi32>, vector<16xi32>, vector<16xi32>], vector<16xf32>,
        %add3A_1395 = arith.constant 176 : i32
        %add3A_1396 = vector.broadcast %add3A_1395 : i32 to vector<16xi32>
        %add3A_1397 = arith.addi %and3A_1371, %add3A_1396 : vector<16xi32>
        %gather3A_1398 = tpu.vector_load_idx %arg8[%add3A_1397, %add3A_500] : memref<256x64xf32, #tpu.memory_space<vmem>>[vector<16xi32>, vector<16xi32>], vector<16xf32>,
        %add3A_1399 = arith.constant 48 : i32
        %add3A_1400 = vector.broadcast %add3A_1399 : i32 to vector<16xi32>
        %add3A_1401 = arith.addi %and3A_1371, %add3A_1400 : vector<16xi32>
        %add3A_1402 = arith.addf %gather3A_1398, %get3A_503 : vector<16xf32>
        tpu.vector_store_idx %arg10[%broadcast_in_dim3A_367, %select_n3A_472, %select_n3A_497, %add3A_1401], %add3A_1402 : memref<2x8x8x128xf32, #tpu.memory_space<vmem>>[vector<16xi32>, vector<16xi32>, vector<16xi32>, vector<16xi32>], vector<16xf32>,
        %add3A_1403 = arith.constant 192 : i32
        %add3A_1404 = vector.broadcast %add3A_1403 : i32 to vector<16xi32>
        %add3A_1405 = arith.addi %and3A_1371, %add3A_1404 : vector<16xi32>
        %gather3A_1406 = tpu.vector_load_idx %arg8[%add3A_1405, %add3A_500] : memref<256x64xf32, #tpu.memory_space<vmem>>[vector<16xi32>, vector<16xi32>], vector<16xf32>,
        %add3A_1407 = arith.constant 64 : i32
        %add3A_1408 = vector.broadcast %add3A_1407 : i32 to vector<16xi32>
        %add3A_1409 = arith.addi %and3A_1371, %add3A_1408 : vector<16xi32>
        %add3A_1410 = arith.addf %gather3A_1406, %get3A_503 : vector<16xf32>
        tpu.vector_store_idx %arg10[%broadcast_in_dim3A_367, %select_n3A_472, %select_n3A_497, %add3A_1409], %add3A_1410 : memref<2x8x8x128xf32, #tpu.memory_space<vmem>>[vector<16xi32>, vector<16xi32>, vector<16xi32>, vector<16xi32>], vector<16xf32>,
        %add3A_1411 = arith.constant 208 : i32
        %add3A_1412 = vector.broadcast %add3A_1411 : i32 to vector<16xi32>
        %add3A_1413 = arith.addi %and3A_1371, %add3A_1412 : vector<16xi32>
        %gather3A_1414 = tpu.vector_load_idx %arg8[%add3A_1413, %add3A_500] : memref<256x64xf32, #tpu.memory_space<vmem>>[vector<16xi32>, vector<16xi32>], vector<16xf32>,
        %add3A_1415 = arith.constant 80 : i32
        %add3A_1416 = vector.broadcast %add3A_1415 : i32 to vector<16xi32>
        %add3A_1417 = arith.addi %and3A_1371, %add3A_1416 : vector<16xi32>
        %add3A_1418 = arith.addf %gather3A_1414, %get3A_503 : vector<16xf32>
        tpu.vector_store_idx %arg10[%broadcast_in_dim3A_367, %select_n3A_472, %select_n3A_497, %add3A_1417], %add3A_1418 : memref<2x8x8x128xf32, #tpu.memory_space<vmem>>[vector<16xi32>, vector<16xi32>, vector<16xi32>, vector<16xi32>], vector<16xf32>,
        %add3A_1419 = arith.constant 224 : i32
        %add3A_1420 = vector.broadcast %add3A_1419 : i32 to vector<16xi32>
        %add3A_1421 = arith.addi %and3A_1371, %add3A_1420 : vector<16xi32>
        %gather3A_1422 = tpu.vector_load_idx %arg8[%add3A_1421, %add3A_500] : memref<256x64xf32, #tpu.memory_space<vmem>>[vector<16xi32>, vector<16xi32>], vector<16xf32>,
        %add3A_1423 = arith.constant 96 : i32
        %add3A_1424 = vector.broadcast %add3A_1423 : i32 to vector<16xi32>
        %add3A_1425 = arith.addi %and3A_1371, %add3A_1424 : vector<16xi32>
        %add3A_1426 = arith.addf %gather3A_1422, %get3A_503 : vector<16xf32>
        tpu.vector_store_idx %arg10[%broadcast_in_dim3A_367, %select_n3A_472, %select_n3A_497, %add3A_1425], %add3A_1426 : memref<2x8x8x128xf32, #tpu.memory_space<vmem>>[vector<16xi32>, vector<16xi32>, vector<16xi32>, vector<16xi32>], vector<16xf32>,
        %add3A_1427 = arith.constant 240 : i32
        %add3A_1428 = vector.broadcast %add3A_1427 : i32 to vector<16xi32>
        %add3A_1429 = arith.addi %and3A_1371, %add3A_1428 : vector<16xi32>
        %gather3A_1430 = tpu.vector_load_idx %arg8[%add3A_1429, %add3A_500] : memref<256x64xf32, #tpu.memory_space<vmem>>[vector<16xi32>, vector<16xi32>], vector<16xf32>,
        %add3A_1431 = arith.constant 112 : i32
        %add3A_1432 = vector.broadcast %add3A_1431 : i32 to vector<16xi32>
        %add3A_1433 = arith.addi %and3A_1371, %add3A_1432 : vector<16xi32>
        %add3A_1434 = arith.addf %gather3A_1430, %get3A_503 : vector<16xf32>
        tpu.vector_store_idx %arg10[%broadcast_in_dim3A_367, %select_n3A_472, %select_n3A_497, %add3A_1433], %add3A_1434 : memref<2x8x8x128xf32, #tpu.memory_space<vmem>>[vector<16xi32>, vector<16xi32>, vector<16xi32>, vector<16xi32>], vector<16xf32>,
      }
      %scan3A_509 = arith.constant 16 : i32
      %add3A_510 = arith.constant 32 : i32
      %add3A_511 = vector.broadcast %add3A_510 : i32 to vector<16xi32>
      %add3A_512 = arith.addi %add3A_511, %iota3A : vector<16xi32>
      %jit3A_513 = arith.constant 8 : i32
      %div3A_514 = vector.broadcast %jit3A_513 : i32 to vector<16xi32>
      %div3A_515 = arith.divsi %add3A_512, %div3A_514 : vector<16xi32>
      %sign3A_516 = arith.constant 0 : i32
      %sign3A_517 = vector.broadcast %sign3A_516 : i32 to vector<16xi32>
      %sign3A_518 = arith.cmpi sgt, %add3A_512, %sign3A_517 : vector<16xi32>
      %sign3A_519 = arith.extui %sign3A_518 : vector<16xi1> to vector<16xi32>
      %sign3A_520 = arith.constant 0 : i32
      %sign3A_521 = vector.broadcast %sign3A_520 : i32 to vector<16xi32>
      %sign3A_522 = arith.cmpi slt, %add3A_512, %sign3A_521 : vector<16xi32>
      %sign3A_523 = arith.extui %sign3A_522 : vector<16xi1> to vector<16xi32>
      %sign3A_524 = arith.subi %sign3A_519, %sign3A_523 : vector<16xi32>
      %sign3A_525 = arith.constant 0 : i32
      %sign3A_526 = arith.cmpi sgt, %jit3A_513, %sign3A_525 : i32
      %sign3A_527 = arith.extui %sign3A_526 : i1 to i32
      %sign3A_528 = arith.constant 0 : i32
      %sign3A_529 = arith.cmpi slt, %jit3A_513, %sign3A_528 : i32
      %sign3A_530 = arith.extui %sign3A_529 : i1 to i32
      %sign3A_531 = arith.subi %sign3A_527, %sign3A_530 : i32
      %ne3A_532 = vector.broadcast %sign3A_531 : i32 to vector<16xi32>
      %ne3A_533 = arith.cmpi ne, %sign3A_524, %ne3A_532 : vector<16xi32>
      %rem3A_534 = vector.broadcast %jit3A_513 : i32 to vector<16xi32>
      %rem3A_535 = arith.remsi %add3A_512, %rem3A_534 : vector<16xi32>
      %ne3A_536 = arith.constant 0 : i32
      %ne3A_537 = vector.broadcast %ne3A_536 : i32 to vector<16xi32>
      %ne3A_538 = arith.cmpi ne, %rem3A_535, %ne3A_537 : vector<16xi32>
      %and3A_539 = arith.andi %ne3A_533, %ne3A_538 : vector<16xi1>
      %sub3A_540 = arith.constant 1 : i32
      %sub3A_541 = vector.broadcast %sub3A_540 : i32 to vector<16xi32>
      %sub3A_542 = arith.subi %div3A_515, %sub3A_541 : vector<16xi32>
      %select_n3A_543 = arith.select %and3A_539, %sub3A_542, %div3A_515 : vector<16xi1>, vector<16xi32>
      %add3A_544 = arith.constant 32 : i32
      %add3A_545 = vector.broadcast %add3A_544 : i32 to vector<16xi32>
      %add3A_546 = arith.addi %add3A_545, %iota3A : vector<16xi32>
      %jit3A_547 = arith.constant 8 : i32
      %eq3A_548 = arith.constant 0 : i32
      %eq3A_549 = arith.cmpi eq, %jit3A_547, %eq3A_548 : i32
      %jit3A_550 = arith.constant 1 : i32
      %select_n3A_551 = arith.select %eq3A_549, %jit3A_550, %jit3A_547 : i32
      %rem3A_552 = vector.broadcast %select_n3A_551 : i32 to vector<16xi32>
      %rem3A_553 = arith.remsi %add3A_546, %rem3A_552 : vector<16xi32>
      %ne3A_554 = arith.constant 0 : i32
      %ne3A_555 = vector.broadcast %ne3A_554 : i32 to vector<16xi32>
      %ne3A_556 = arith.cmpi ne, %rem3A_553, %ne3A_555 : vector<16xi32>
      %lt3A_557 = arith.constant 0 : i32
      %lt3A_558 = vector.broadcast %lt3A_557 : i32 to vector<16xi32>
      %lt3A_559 = arith.cmpi slt, %rem3A_553, %lt3A_558 : vector<16xi32>
      %lt3A_560 = arith.constant 0 : i32
      %lt3A_561 = arith.cmpi slt, %select_n3A_551, %lt3A_560 : i32
      %ne3A_562 = vector.broadcast %lt3A_561 : i1 to vector<16xi1>
      %ne3A_563 = vector.broadcast %ne3A_562 : vector<16xi1> to vector<16xi1>
      %ne3A_564 = arith.xori %lt3A_559, %ne3A_563 : vector<16xi1>
      %and3A_565 = arith.andi %ne3A_564, %ne3A_556 : vector<16xi1>
      %add3A_566 = vector.broadcast %select_n3A_551 : i32 to vector<16xi32>
      %add3A_567 = arith.addi %rem3A_553, %add3A_566 : vector<16xi32>
      %select_n3A_568 = arith.select %and3A_565, %add3A_567, %rem3A_553 : vector<16xi1>, vector<16xi32>
      %add3A_569 = arith.constant 32 : i32
      %add3A_570 = vector.broadcast %add3A_569 : i32 to vector<16xi32>
      %add3A_571 = arith.addi %add3A_570, %iota3A : vector<16xi32>
      %get3A_572 = arith.index_cast %add3A_365 : i32 to index
      %get3A_573 = arith.constant 32 : index
      %get3A_574 = tpu.vector_load %arg12[%get3A_572, %get3A_573] {strides = array<i32>} : memref<200x64xf32, #tpu.memory_space<vmem>>, vector<16xf32>,
      %scan3A_575 = arith.constant 0 : i32
      %scan3A_576 = arith.constant 0 : i32
      %scan3A_577 = arith.constant 16 : i32
      %scan3A_578 = arith.addi %scan3A_576, %scan3A_577 : i32
      %scan3A_579 = arith.constant 1 : i32
      scf.for %scan3A_1366 = %scan3A_576 to %scan3A_578 step %scan3A_579  : i32 {
        %add3A_1367 = vector.broadcast %scan3A_1366 : i32 to vector<16xi32>
        %add3A_1368 = arith.addi %iota3A, %add3A_1367 : vector<16xi32>
        %and3A_1369 = arith.constant 15 : i32
        %and3A_1370 = vector.broadcast %and3A_1369 : i32 to vector<16xi32>
        %and3A_1371 = arith.andi %add3A_1368, %and3A_1370 : vector<16xi32>
        %add3A_1372 = arith.constant 128 : i32
        %add3A_1373 = vector.broadcast %add3A_1372 : i32 to vector<16xi32>
        %add3A_1374 = arith.addi %and3A_1371, %add3A_1373 : vector<16xi32>
        %gather3A = tpu.vector_load_idx %arg8[%add3A_1374, %add3A_571] : memref<256x64xf32, #tpu.memory_space<vmem>>[vector<16xi32>, vector<16xi32>], vector<16xf32>,
        %add3A_1375 = arith.constant 0 : i32
        %add3A_1376 = vector.broadcast %add3A_1375 : i32 to vector<16xi32>
        %add3A_1377 = arith.addi %and3A_1371, %add3A_1376 : vector<16xi32>
        %add3A_1378 = arith.addf %gather3A, %get3A_574 : vector<16xf32>
        tpu.vector_store_idx %arg10[%broadcast_in_dim3A_367, %select_n3A_543, %select_n3A_568, %add3A_1377], %add3A_1378 : memref<2x8x8x128xf32, #tpu.memory_space<vmem>>[vector<16xi32>, vector<16xi32>, vector<16xi32>, vector<16xi32>], vector<16xf32>,
        %add3A_1379 = arith.constant 144 : i32
        %add3A_1380 = vector.broadcast %add3A_1379 : i32 to vector<16xi32>
        %add3A_1381 = arith.addi %and3A_1371, %add3A_1380 : vector<16xi32>
        %gather3A_1382 = tpu.vector_load_idx %arg8[%add3A_1381, %add3A_571] : memref<256x64xf32, #tpu.memory_space<vmem>>[vector<16xi32>, vector<16xi32>], vector<16xf32>,
        %add3A_1383 = arith.constant 16 : i32
        %add3A_1384 = vector.broadcast %add3A_1383 : i32 to vector<16xi32>
        %add3A_1385 = arith.addi %and3A_1371, %add3A_1384 : vector<16xi32>
        %add3A_1386 = arith.addf %gather3A_1382, %get3A_574 : vector<16xf32>
        tpu.vector_store_idx %arg10[%broadcast_in_dim3A_367, %select_n3A_543, %select_n3A_568, %add3A_1385], %add3A_1386 : memref<2x8x8x128xf32, #tpu.memory_space<vmem>>[vector<16xi32>, vector<16xi32>, vector<16xi32>, vector<16xi32>], vector<16xf32>,
        %add3A_1387 = arith.constant 160 : i32
        %add3A_1388 = vector.broadcast %add3A_1387 : i32 to vector<16xi32>
        %add3A_1389 = arith.addi %and3A_1371, %add3A_1388 : vector<16xi32>
        %gather3A_1390 = tpu.vector_load_idx %arg8[%add3A_1389, %add3A_571] : memref<256x64xf32, #tpu.memory_space<vmem>>[vector<16xi32>, vector<16xi32>], vector<16xf32>,
        %add3A_1391 = arith.constant 32 : i32
        %add3A_1392 = vector.broadcast %add3A_1391 : i32 to vector<16xi32>
        %add3A_1393 = arith.addi %and3A_1371, %add3A_1392 : vector<16xi32>
        %add3A_1394 = arith.addf %gather3A_1390, %get3A_574 : vector<16xf32>
        tpu.vector_store_idx %arg10[%broadcast_in_dim3A_367, %select_n3A_543, %select_n3A_568, %add3A_1393], %add3A_1394 : memref<2x8x8x128xf32, #tpu.memory_space<vmem>>[vector<16xi32>, vector<16xi32>, vector<16xi32>, vector<16xi32>], vector<16xf32>,
        %add3A_1395 = arith.constant 176 : i32
        %add3A_1396 = vector.broadcast %add3A_1395 : i32 to vector<16xi32>
        %add3A_1397 = arith.addi %and3A_1371, %add3A_1396 : vector<16xi32>
        %gather3A_1398 = tpu.vector_load_idx %arg8[%add3A_1397, %add3A_571] : memref<256x64xf32, #tpu.memory_space<vmem>>[vector<16xi32>, vector<16xi32>], vector<16xf32>,
        %add3A_1399 = arith.constant 48 : i32
        %add3A_1400 = vector.broadcast %add3A_1399 : i32 to vector<16xi32>
        %add3A_1401 = arith.addi %and3A_1371, %add3A_1400 : vector<16xi32>
        %add3A_1402 = arith.addf %gather3A_1398, %get3A_574 : vector<16xf32>
        tpu.vector_store_idx %arg10[%broadcast_in_dim3A_367, %select_n3A_543, %select_n3A_568, %add3A_1401], %add3A_1402 : memref<2x8x8x128xf32, #tpu.memory_space<vmem>>[vector<16xi32>, vector<16xi32>, vector<16xi32>, vector<16xi32>], vector<16xf32>,
        %add3A_1403 = arith.constant 192 : i32
        %add3A_1404 = vector.broadcast %add3A_1403 : i32 to vector<16xi32>
        %add3A_1405 = arith.addi %and3A_1371, %add3A_1404 : vector<16xi32>
        %gather3A_1406 = tpu.vector_load_idx %arg8[%add3A_1405, %add3A_571] : memref<256x64xf32, #tpu.memory_space<vmem>>[vector<16xi32>, vector<16xi32>], vector<16xf32>,
        %add3A_1407 = arith.constant 64 : i32
        %add3A_1408 = vector.broadcast %add3A_1407 : i32 to vector<16xi32>
        %add3A_1409 = arith.addi %and3A_1371, %add3A_1408 : vector<16xi32>
        %add3A_1410 = arith.addf %gather3A_1406, %get3A_574 : vector<16xf32>
        tpu.vector_store_idx %arg10[%broadcast_in_dim3A_367, %select_n3A_543, %select_n3A_568, %add3A_1409], %add3A_1410 : memref<2x8x8x128xf32, #tpu.memory_space<vmem>>[vector<16xi32>, vector<16xi32>, vector<16xi32>, vector<16xi32>], vector<16xf32>,
        %add3A_1411 = arith.constant 208 : i32
        %add3A_1412 = vector.broadcast %add3A_1411 : i32 to vector<16xi32>
        %add3A_1413 = arith.addi %and3A_1371, %add3A_1412 : vector<16xi32>
        %gather3A_1414 = tpu.vector_load_idx %arg8[%add3A_1413, %add3A_571] : memref<256x64xf32, #tpu.memory_space<vmem>>[vector<16xi32>, vector<16xi32>], vector<16xf32>,
        %add3A_1415 = arith.constant 80 : i32
        %add3A_1416 = vector.broadcast %add3A_1415 : i32 to vector<16xi32>
        %add3A_1417 = arith.addi %and3A_1371, %add3A_1416 : vector<16xi32>
        %add3A_1418 = arith.addf %gather3A_1414, %get3A_574 : vector<16xf32>
        tpu.vector_store_idx %arg10[%broadcast_in_dim3A_367, %select_n3A_543, %select_n3A_568, %add3A_1417], %add3A_1418 : memref<2x8x8x128xf32, #tpu.memory_space<vmem>>[vector<16xi32>, vector<16xi32>, vector<16xi32>, vector<16xi32>], vector<16xf32>,
        %add3A_1419 = arith.constant 224 : i32
        %add3A_1420 = vector.broadcast %add3A_1419 : i32 to vector<16xi32>
        %add3A_1421 = arith.addi %and3A_1371, %add3A_1420 : vector<16xi32>
        %gather3A_1422 = tpu.vector_load_idx %arg8[%add3A_1421, %add3A_571] : memref<256x64xf32, #tpu.memory_space<vmem>>[vector<16xi32>, vector<16xi32>], vector<16xf32>,
        %add3A_1423 = arith.constant 96 : i32
        %add3A_1424 = vector.broadcast %add3A_1423 : i32 to vector<16xi32>
        %add3A_1425 = arith.addi %and3A_1371, %add3A_1424 : vector<16xi32>
        %add3A_1426 = arith.addf %gather3A_1422, %get3A_574 : vector<16xf32>
        tpu.vector_store_idx %arg10[%broadcast_in_dim3A_367, %select_n3A_543, %select_n3A_568, %add3A_1425], %add3A_1426 : memref<2x8x8x128xf32, #tpu.memory_space<vmem>>[vector<16xi32>, vector<16xi32>, vector<16xi32>, vector<16xi32>], vector<16xf32>,
        %add3A_1427 = arith.constant 240 : i32
        %add3A_1428 = vector.broadcast %add3A_1427 : i32 to vector<16xi32>
        %add3A_1429 = arith.addi %and3A_1371, %add3A_1428 : vector<16xi32>
        %gather3A_1430 = tpu.vector_load_idx %arg8[%add3A_1429, %add3A_571] : memref<256x64xf32, #tpu.memory_space<vmem>>[vector<16xi32>, vector<16xi32>], vector<16xf32>,
        %add3A_1431 = arith.constant 112 : i32
        %add3A_1432 = vector.broadcast %add3A_1431 : i32 to vector<16xi32>
        %add3A_1433 = arith.addi %and3A_1371, %add3A_1432 : vector<16xi32>
        %add3A_1434 = arith.addf %gather3A_1430, %get3A_574 : vector<16xf32>
        tpu.vector_store_idx %arg10[%broadcast_in_dim3A_367, %select_n3A_543, %select_n3A_568, %add3A_1433], %add3A_1434 : memref<2x8x8x128xf32, #tpu.memory_space<vmem>>[vector<16xi32>, vector<16xi32>, vector<16xi32>, vector<16xi32>], vector<16xf32>,
      }
      %scan3A_580 = arith.constant 16 : i32
      %add3A_581 = arith.constant 48 : i32
      %add3A_582 = vector.broadcast %add3A_581 : i32 to vector<16xi32>
      %add3A_583 = arith.addi %add3A_582, %iota3A : vector<16xi32>
      %jit3A_584 = arith.constant 8 : i32
      %div3A_585 = vector.broadcast %jit3A_584 : i32 to vector<16xi32>
      %div3A_586 = arith.divsi %add3A_583, %div3A_585 : vector<16xi32>
      %sign3A_587 = arith.constant 0 : i32
      %sign3A_588 = vector.broadcast %sign3A_587 : i32 to vector<16xi32>
      %sign3A_589 = arith.cmpi sgt, %add3A_583, %sign3A_588 : vector<16xi32>
      %sign3A_590 = arith.extui %sign3A_589 : vector<16xi1> to vector<16xi32>
      %sign3A_591 = arith.constant 0 : i32
      %sign3A_592 = vector.broadcast %sign3A_591 : i32 to vector<16xi32>
      %sign3A_593 = arith.cmpi slt, %add3A_583, %sign3A_592 : vector<16xi32>
      %sign3A_594 = arith.extui %sign3A_593 : vector<16xi1> to vector<16xi32>
      %sign3A_595 = arith.subi %sign3A_590, %sign3A_594 : vector<16xi32>
      %sign3A_596 = arith.constant 0 : i32
      %sign3A_597 = arith.cmpi sgt, %jit3A_584, %sign3A_596 : i32
      %sign3A_598 = arith.extui %sign3A_597 : i1 to i32
      %sign3A_599 = arith.constant 0 : i32
      %sign3A_600 = arith.cmpi slt, %jit3A_584, %sign3A_599 : i32
      %sign3A_601 = arith.extui %sign3A_600 : i1 to i32
      %sign3A_602 = arith.subi %sign3A_598, %sign3A_601 : i32
      %ne3A_603 = vector.broadcast %sign3A_602 : i32 to vector<16xi32>
      %ne3A_604 = arith.cmpi ne, %sign3A_595, %ne3A_603 : vector<16xi32>
      %rem3A_605 = vector.broadcast %jit3A_584 : i32 to vector<16xi32>
      %rem3A_606 = arith.remsi %add3A_583, %rem3A_605 : vector<16xi32>
      %ne3A_607 = arith.constant 0 : i32
      %ne3A_608 = vector.broadcast %ne3A_607 : i32 to vector<16xi32>
      %ne3A_609 = arith.cmpi ne, %rem3A_606, %ne3A_608 : vector<16xi32>
      %and3A_610 = arith.andi %ne3A_604, %ne3A_609 : vector<16xi1>
      %sub3A_611 = arith.constant 1 : i32
      %sub3A_612 = vector.broadcast %sub3A_611 : i32 to vector<16xi32>
      %sub3A_613 = arith.subi %div3A_586, %sub3A_612 : vector<16xi32>
      %select_n3A_614 = arith.select %and3A_610, %sub3A_613, %div3A_586 : vector<16xi1>, vector<16xi32>
      %add3A_615 = arith.constant 48 : i32
      %add3A_616 = vector.broadcast %add3A_615 : i32 to vector<16xi32>
      %add3A_617 = arith.addi %add3A_616, %iota3A : vector<16xi32>
      %jit3A_618 = arith.constant 8 : i32
      %eq3A_619 = arith.constant 0 : i32
      %eq3A_620 = arith.cmpi eq, %jit3A_618, %eq3A_619 : i32
      %jit3A_621 = arith.constant 1 : i32
      %select_n3A_622 = arith.select %eq3A_620, %jit3A_621, %jit3A_618 : i32
      %rem3A_623 = vector.broadcast %select_n3A_622 : i32 to vector<16xi32>
      %rem3A_624 = arith.remsi %add3A_617, %rem3A_623 : vector<16xi32>
      %ne3A_625 = arith.constant 0 : i32
      %ne3A_626 = vector.broadcast %ne3A_625 : i32 to vector<16xi32>
      %ne3A_627 = arith.cmpi ne, %rem3A_624, %ne3A_626 : vector<16xi32>
      %lt3A_628 = arith.constant 0 : i32
      %lt3A_629 = vector.broadcast %lt3A_628 : i32 to vector<16xi32>
      %lt3A_630 = arith.cmpi slt, %rem3A_624, %lt3A_629 : vector<16xi32>
      %lt3A_631 = arith.constant 0 : i32
      %lt3A_632 = arith.cmpi slt, %select_n3A_622, %lt3A_631 : i32
      %ne3A_633 = vector.broadcast %lt3A_632 : i1 to vector<16xi1>
      %ne3A_634 = vector.broadcast %ne3A_633 : vector<16xi1> to vector<16xi1>
      %ne3A_635 = arith.xori %lt3A_630, %ne3A_634 : vector<16xi1>
      %and3A_636 = arith.andi %ne3A_635, %ne3A_627 : vector<16xi1>
      %add3A_637 = vector.broadcast %select_n3A_622 : i32 to vector<16xi32>
      %add3A_638 = arith.addi %rem3A_624, %add3A_637 : vector<16xi32>
      %select_n3A_639 = arith.select %and3A_636, %add3A_638, %rem3A_624 : vector<16xi1>, vector<16xi32>
      %add3A_640 = arith.constant 48 : i32
      %add3A_641 = vector.broadcast %add3A_640 : i32 to vector<16xi32>
      %add3A_642 = arith.addi %add3A_641, %iota3A : vector<16xi32>
      %get3A_643 = arith.index_cast %add3A_365 : i32 to index
      %get3A_644 = arith.constant 48 : index
      %get3A_645 = tpu.vector_load %arg12[%get3A_643, %get3A_644] {strides = array<i32>} : memref<200x64xf32, #tpu.memory_space<vmem>>, vector<16xf32>,
      %scan3A_646 = arith.constant 0 : i32
      %scan3A_647 = arith.constant 0 : i32
      %scan3A_648 = arith.constant 16 : i32
      %scan3A_649 = arith.addi %scan3A_647, %scan3A_648 : i32
      %scan3A_650 = arith.constant 1 : i32
      scf.for %scan3A_1366 = %scan3A_647 to %scan3A_649 step %scan3A_650  : i32 {
        %add3A_1367 = vector.broadcast %scan3A_1366 : i32 to vector<16xi32>
        %add3A_1368 = arith.addi %iota3A, %add3A_1367 : vector<16xi32>
        %and3A_1369 = arith.constant 15 : i32
        %and3A_1370 = vector.broadcast %and3A_1369 : i32 to vector<16xi32>
        %and3A_1371 = arith.andi %add3A_1368, %and3A_1370 : vector<16xi32>
        %add3A_1372 = arith.constant 128 : i32
        %add3A_1373 = vector.broadcast %add3A_1372 : i32 to vector<16xi32>
        %add3A_1374 = arith.addi %and3A_1371, %add3A_1373 : vector<16xi32>
        %gather3A = tpu.vector_load_idx %arg8[%add3A_1374, %add3A_642] : memref<256x64xf32, #tpu.memory_space<vmem>>[vector<16xi32>, vector<16xi32>], vector<16xf32>,
        %add3A_1375 = arith.constant 0 : i32
        %add3A_1376 = vector.broadcast %add3A_1375 : i32 to vector<16xi32>
        %add3A_1377 = arith.addi %and3A_1371, %add3A_1376 : vector<16xi32>
        %add3A_1378 = arith.addf %gather3A, %get3A_645 : vector<16xf32>
        tpu.vector_store_idx %arg10[%broadcast_in_dim3A_367, %select_n3A_614, %select_n3A_639, %add3A_1377], %add3A_1378 : memref<2x8x8x128xf32, #tpu.memory_space<vmem>>[vector<16xi32>, vector<16xi32>, vector<16xi32>, vector<16xi32>], vector<16xf32>,
        %add3A_1379 = arith.constant 144 : i32
        %add3A_1380 = vector.broadcast %add3A_1379 : i32 to vector<16xi32>
        %add3A_1381 = arith.addi %and3A_1371, %add3A_1380 : vector<16xi32>
        %gather3A_1382 = tpu.vector_load_idx %arg8[%add3A_1381, %add3A_642] : memref<256x64xf32, #tpu.memory_space<vmem>>[vector<16xi32>, vector<16xi32>], vector<16xf32>,
        %add3A_1383 = arith.constant 16 : i32
        %add3A_1384 = vector.broadcast %add3A_1383 : i32 to vector<16xi32>
        %add3A_1385 = arith.addi %and3A_1371, %add3A_1384 : vector<16xi32>
        %add3A_1386 = arith.addf %gather3A_1382, %get3A_645 : vector<16xf32>
        tpu.vector_store_idx %arg10[%broadcast_in_dim3A_367, %select_n3A_614, %select_n3A_639, %add3A_1385], %add3A_1386 : memref<2x8x8x128xf32, #tpu.memory_space<vmem>>[vector<16xi32>, vector<16xi32>, vector<16xi32>, vector<16xi32>], vector<16xf32>,
        %add3A_1387 = arith.constant 160 : i32
        %add3A_1388 = vector.broadcast %add3A_1387 : i32 to vector<16xi32>
        %add3A_1389 = arith.addi %and3A_1371, %add3A_1388 : vector<16xi32>
        %gather3A_1390 = tpu.vector_load_idx %arg8[%add3A_1389, %add3A_642] : memref<256x64xf32, #tpu.memory_space<vmem>>[vector<16xi32>, vector<16xi32>], vector<16xf32>,
        %add3A_1391 = arith.constant 32 : i32
        %add3A_1392 = vector.broadcast %add3A_1391 : i32 to vector<16xi32>
        %add3A_1393 = arith.addi %and3A_1371, %add3A_1392 : vector<16xi32>
        %add3A_1394 = arith.addf %gather3A_1390, %get3A_645 : vector<16xf32>
        tpu.vector_store_idx %arg10[%broadcast_in_dim3A_367, %select_n3A_614, %select_n3A_639, %add3A_1393], %add3A_1394 : memref<2x8x8x128xf32, #tpu.memory_space<vmem>>[vector<16xi32>, vector<16xi32>, vector<16xi32>, vector<16xi32>], vector<16xf32>,
        %add3A_1395 = arith.constant 176 : i32
        %add3A_1396 = vector.broadcast %add3A_1395 : i32 to vector<16xi32>
        %add3A_1397 = arith.addi %and3A_1371, %add3A_1396 : vector<16xi32>
        %gather3A_1398 = tpu.vector_load_idx %arg8[%add3A_1397, %add3A_642] : memref<256x64xf32, #tpu.memory_space<vmem>>[vector<16xi32>, vector<16xi32>], vector<16xf32>,
        %add3A_1399 = arith.constant 48 : i32
        %add3A_1400 = vector.broadcast %add3A_1399 : i32 to vector<16xi32>
        %add3A_1401 = arith.addi %and3A_1371, %add3A_1400 : vector<16xi32>
        %add3A_1402 = arith.addf %gather3A_1398, %get3A_645 : vector<16xf32>
        tpu.vector_store_idx %arg10[%broadcast_in_dim3A_367, %select_n3A_614, %select_n3A_639, %add3A_1401], %add3A_1402 : memref<2x8x8x128xf32, #tpu.memory_space<vmem>>[vector<16xi32>, vector<16xi32>, vector<16xi32>, vector<16xi32>], vector<16xf32>,
        %add3A_1403 = arith.constant 192 : i32
        %add3A_1404 = vector.broadcast %add3A_1403 : i32 to vector<16xi32>
        %add3A_1405 = arith.addi %and3A_1371, %add3A_1404 : vector<16xi32>
        %gather3A_1406 = tpu.vector_load_idx %arg8[%add3A_1405, %add3A_642] : memref<256x64xf32, #tpu.memory_space<vmem>>[vector<16xi32>, vector<16xi32>], vector<16xf32>,
        %add3A_1407 = arith.constant 64 : i32
        %add3A_1408 = vector.broadcast %add3A_1407 : i32 to vector<16xi32>
        %add3A_1409 = arith.addi %and3A_1371, %add3A_1408 : vector<16xi32>
        %add3A_1410 = arith.addf %gather3A_1406, %get3A_645 : vector<16xf32>
        tpu.vector_store_idx %arg10[%broadcast_in_dim3A_367, %select_n3A_614, %select_n3A_639, %add3A_1409], %add3A_1410 : memref<2x8x8x128xf32, #tpu.memory_space<vmem>>[vector<16xi32>, vector<16xi32>, vector<16xi32>, vector<16xi32>], vector<16xf32>,
        %add3A_1411 = arith.constant 208 : i32
        %add3A_1412 = vector.broadcast %add3A_1411 : i32 to vector<16xi32>
        %add3A_1413 = arith.addi %and3A_1371, %add3A_1412 : vector<16xi32>
        %gather3A_1414 = tpu.vector_load_idx %arg8[%add3A_1413, %add3A_642] : memref<256x64xf32, #tpu.memory_space<vmem>>[vector<16xi32>, vector<16xi32>], vector<16xf32>,
        %add3A_1415 = arith.constant 80 : i32
        %add3A_1416 = vector.broadcast %add3A_1415 : i32 to vector<16xi32>
        %add3A_1417 = arith.addi %and3A_1371, %add3A_1416 : vector<16xi32>
        %add3A_1418 = arith.addf %gather3A_1414, %get3A_645 : vector<16xf32>
        tpu.vector_store_idx %arg10[%broadcast_in_dim3A_367, %select_n3A_614, %select_n3A_639, %add3A_1417], %add3A_1418 : memref<2x8x8x128xf32, #tpu.memory_space<vmem>>[vector<16xi32>, vector<16xi32>, vector<16xi32>, vector<16xi32>], vector<16xf32>,
        %add3A_1419 = arith.constant 224 : i32
        %add3A_1420 = vector.broadcast %add3A_1419 : i32 to vector<16xi32>
        %add3A_1421 = arith.addi %and3A_1371, %add3A_1420 : vector<16xi32>
        %gather3A_1422 = tpu.vector_load_idx %arg8[%add3A_1421, %add3A_642] : memref<256x64xf32, #tpu.memory_space<vmem>>[vector<16xi32>, vector<16xi32>], vector<16xf32>,
        %add3A_1423 = arith.constant 96 : i32
        %add3A_1424 = vector.broadcast %add3A_1423 : i32 to vector<16xi32>
        %add3A_1425 = arith.addi %and3A_1371, %add3A_1424 : vector<16xi32>
        %add3A_1426 = arith.addf %gather3A_1422, %get3A_645 : vector<16xf32>
        tpu.vector_store_idx %arg10[%broadcast_in_dim3A_367, %select_n3A_614, %select_n3A_639, %add3A_1425], %add3A_1426 : memref<2x8x8x128xf32, #tpu.memory_space<vmem>>[vector<16xi32>, vector<16xi32>, vector<16xi32>, vector<16xi32>], vector<16xf32>,
        %add3A_1427 = arith.constant 240 : i32
        %add3A_1428 = vector.broadcast %add3A_1427 : i32 to vector<16xi32>
        %add3A_1429 = arith.addi %and3A_1371, %add3A_1428 : vector<16xi32>
        %gather3A_1430 = tpu.vector_load_idx %arg8[%add3A_1429, %add3A_642] : memref<256x64xf32, #tpu.memory_space<vmem>>[vector<16xi32>, vector<16xi32>], vector<16xf32>,
        %add3A_1431 = arith.constant 112 : i32
        %add3A_1432 = vector.broadcast %add3A_1431 : i32 to vector<16xi32>
        %add3A_1433 = arith.addi %and3A_1371, %add3A_1432 : vector<16xi32>
        %add3A_1434 = arith.addf %gather3A_1430, %get3A_645 : vector<16xf32>
        tpu.vector_store_idx %arg10[%broadcast_in_dim3A_367, %select_n3A_614, %select_n3A_639, %add3A_1433], %add3A_1434 : memref<2x8x8x128xf32, #tpu.memory_space<vmem>>[vector<16xi32>, vector<16xi32>, vector<16xi32>, vector<16xi32>], vector<16xf32>,
      }
      %scan3A_651 = arith.constant 16 : i32
      %jit3A_652 = arith.constant 4 : i32
      %div3A_653 = arith.divsi %add3A_50, %jit3A_652 : i32
      %sign3A_654 = arith.constant 0 : i32
      %sign3A_655 = arith.cmpi sgt, %add3A_50, %sign3A_654 : i32
      %sign3A_656 = arith.extui %sign3A_655 : i1 to i32
      %sign3A_657 = arith.constant 0 : i32
      %sign3A_658 = arith.cmpi slt, %add3A_50, %sign3A_657 : i32
      %sign3A_659 = arith.extui %sign3A_658 : i1 to i32
      %sign3A_660 = arith.subi %sign3A_656, %sign3A_659 : i32
      %sign3A_661 = arith.constant 0 : i32
      %sign3A_662 = arith.cmpi sgt, %jit3A_652, %sign3A_661 : i32
      %sign3A_663 = arith.extui %sign3A_662 : i1 to i32
      %sign3A_664 = arith.constant 0 : i32
      %sign3A_665 = arith.cmpi slt, %jit3A_652, %sign3A_664 : i32
      %sign3A_666 = arith.extui %sign3A_665 : i1 to i32
      %sign3A_667 = arith.subi %sign3A_663, %sign3A_666 : i32
      %ne3A_668 = arith.cmpi ne, %sign3A_660, %sign3A_667 : i32
      %rem3A_669 = arith.remsi %add3A_50, %jit3A_652 : i32
      %ne3A_670 = arith.constant 0 : i32
      %ne3A_671 = arith.cmpi ne, %rem3A_669, %ne3A_670 : i32
      %and3A_672 = arith.andi %ne3A_668, %ne3A_671 : i1
      %sub3A_673 = arith.constant 1 : i32
      %sub3A_674 = arith.subi %div3A_653, %sub3A_673 : i32
      %select_n3A_675 = arith.select %and3A_672, %sub3A_674, %div3A_653 : i32
      %mul3A_676 = arith.constant 4 : i32
      %mul3A_677 = arith.muli %mul3A_676, %select_n3A_675 : i32
      %sub3A_678 = arith.subi %add3A_50, %mul3A_677 : i32
      %mul3A_679 = arith.constant 8 : i32
      %mul3A_680 = arith.muli %select_n3A_675, %mul3A_679 : i32
      %mul3A_681 = arith.constant 2 : i32
      %mul3A_682 = arith.muli %sub3A_678, %mul3A_681 : i32
      %add3A_683 = arith.addi %mul3A_680, %mul3A_682 : i32
      %dma_start3A_684 = arith.constant 0 : i32
      %dma_start3A_685 = arith.constant 0 : i32
      %dma_start3A_686 = arith.constant 0 : i32
      %dma_start3A_687 = tpu.memref_slice %arg5[%add3A_683, %dma_start3A_684, %add3A, %dma_start3A_685, %dma_start3A_686] : memref<200x8x32x8x128xf32, #tpu.memory_space<hbm>> -> memref<2x8x1x8x128xf32, #tpu.memory_space<hbm>>
      %dma_start3A_688 = tpu.memref_squeeze %dma_start3A_687 : memref<2x8x1x8x128xf32, #tpu.memory_space<hbm>> -> memref<2x8x8x128xf32, #tpu.memory_space<hbm>>
      %dma_start3A_689 = arith.constant 0 : i32
      %dma_start3A_690 = arith.constant 0 : i32
      %dma_start3A_691 = arith.constant 0 : i32
      %dma_start3A_692 = tpu.memref_slice %arg5[%add3A_683, %dma_start3A_689, %add3A, %dma_start3A_690, %dma_start3A_691] : memref<200x8x32x8x128xf32, #tpu.memory_space<hbm>> -> memref<2x8x1x8x128xf32, #tpu.memory_space<hbm>>
      %dma_start3A_693 = tpu.memref_squeeze %dma_start3A_692 : memref<2x8x1x8x128xf32, #tpu.memory_space<hbm>> -> memref<2x8x8x128xf32, #tpu.memory_space<hbm>>
      tpu.enqueue_dma source(%arg10 : memref<2x8x8x128xf32, #tpu.memory_space<vmem>>) target(%dma_start3A_693 : memref<2x8x8x128xf32, #tpu.memory_space<hbm>>) target_semaphore(%arg15 : memref<!tpu.dma_semaphore, #tpu.memory_space<semaphore_mem>>)
      %lt3A_694 = arith.constant 49 : i32
      %lt3A_695 = arith.cmpi slt, %scan3A_46, %lt3A_694 : i32
      %convert_element_type3A_696 = arith.extui %lt3A_695 : i1 to i32
      %cond3A_697 = arith.constant 0 : i32
      %cond3A_698 = arith.cmpi ne, %convert_element_type3A_696, %cond3A_697 : i32
      scf.if %cond3A_698 {
        %add3A_1366 = arith.constant 2 : i32
        %add3A_1367 = arith.addi %add3A_50, %add3A_1366 : i32
        %jit3A_1368 = arith.constant 4 : i32
        %div3A_1369 = arith.divsi %add3A_1367, %jit3A_1368 : i32
        %sign3A_1370 = arith.constant 0 : i32
        %sign3A_1371 = arith.cmpi sgt, %add3A_1367, %sign3A_1370 : i32
        %sign3A_1372 = arith.extui %sign3A_1371 : i1 to i32
        %sign3A_1373 = arith.constant 0 : i32
        %sign3A_1374 = arith.cmpi slt, %add3A_1367, %sign3A_1373 : i32
        %sign3A_1375 = arith.extui %sign3A_1374 : i1 to i32
        %sign3A_1376 = arith.subi %sign3A_1372, %sign3A_1375 : i32
        %sign3A_1377 = arith.constant 0 : i32
        %sign3A_1378 = arith.cmpi sgt, %jit3A_1368, %sign3A_1377 : i32
        %sign3A_1379 = arith.extui %sign3A_1378 : i1 to i32
        %sign3A_1380 = arith.constant 0 : i32
        %sign3A_1381 = arith.cmpi slt, %jit3A_1368, %sign3A_1380 : i32
        %sign3A_1382 = arith.extui %sign3A_1381 : i1 to i32
        %sign3A_1383 = arith.subi %sign3A_1379, %sign3A_1382 : i32
        %ne3A_1384 = arith.cmpi ne, %sign3A_1376, %sign3A_1383 : i32
        %rem3A_1385 = arith.remsi %add3A_1367, %jit3A_1368 : i32
        %ne3A_1386 = arith.constant 0 : i32
        %ne3A_1387 = arith.cmpi ne, %rem3A_1385, %ne3A_1386 : i32
        %and3A_1388 = arith.andi %ne3A_1384, %ne3A_1387 : i1
        %sub3A_1389 = arith.constant 1 : i32
        %sub3A_1390 = arith.subi %div3A_1369, %sub3A_1389 : i32
        %select_n3A_1391 = arith.select %and3A_1388, %sub3A_1390, %div3A_1369 : i32
        %mul3A_1392 = arith.constant 4 : i32
        %mul3A_1393 = arith.muli %mul3A_1392, %select_n3A_1391 : i32
        %sub3A_1394 = arith.subi %add3A_1367, %mul3A_1393 : i32
        %mul3A_1395 = arith.constant 32768 : i32
        %mul3A_1396 = arith.muli %select_n3A_1391, %mul3A_1395 : i32
        %mul3A_1397 = arith.constant 1024 : i32
        %mul3A_1398 = arith.muli %add3A, %mul3A_1397 : i32
        %add3A_1399 = arith.addi %mul3A_1396, %mul3A_1398 : i32
        %mul3A_1400 = arith.constant 256 : i32
        %mul3A_1401 = arith.muli %sub3A_1394, %mul3A_1400 : i32
        %add3A_1402 = arith.addi %add3A_1399, %mul3A_1401 : i32
        "tpu.region"() ({
          %run_scoped3A = tpu.sem_alloc : memref<!tpu.dma_semaphore, #tpu.memory_space<semaphore_mem>>
          %dma_start3A_1406 = tpu.memref_slice %arg2[%add3A_1402] : memref<819200xi32, #tpu.memory_space<hbm>> -> memref<256xi32, #tpu.memory_space<hbm>>
          %dma_start3A_1407 = tpu.memref_slice %arg2[%add3A_1402] : memref<819200xi32, #tpu.memory_space<hbm>> -> memref<256xi32, #tpu.memory_space<hbm>>
          tpu.enqueue_dma source(%dma_start3A_1407 : memref<256xi32, #tpu.memory_space<hbm>>) target(%arg6 : memref<256xi32, #tpu.memory_space<vmem>>) target_semaphore(%run_scoped3A : memref<!tpu.dma_semaphore, #tpu.memory_space<semaphore_mem>>)
          %dma_wait3A_1408 = tpu.memref_slice %arg2[%add3A_1402] : memref<819200xi32, #tpu.memory_space<hbm>> -> memref<256xi32, #tpu.memory_space<hbm>>
          %dma_wait3A_1409 = tpu.memref_slice %arg2[%add3A_1402] : memref<819200xi32, #tpu.memory_space<hbm>> -> memref<256xi32, #tpu.memory_space<hbm>>
          tpu.wait_dma2 semaphore(%run_scoped3A : memref<!tpu.dma_semaphore, #tpu.memory_space<semaphore_mem>>) src(%dma_wait3A_1409 : memref<256xi32, #tpu.memory_space<hbm>>) dst(%arg6 : memref<256xi32, #tpu.memory_space<vmem>>)
          tpu.yield
        }) : () -> ()
        %dma_start3A_1403 = arith.constant 0 : i32
        %dma_start3A_1404 = arith.constant 0 : i32
        %dma_start3A_1405 = tpu.memref_slice %arg3[%dma_start3A_1403, %dma_start3A_1404] : memref<1000000x64xf32, #tpu.memory_space<hbm>> -> memref<1000000x64xf32, #tpu.memory_space<hbm>>
        tpu.enqueue_indirect_dma source(%dma_start3A_1405 : memref<1000000x64xf32, #tpu.memory_space<hbm>>) target(%arg8 : memref<256x64xf32, #tpu.memory_space<vmem>>) offsets(%arg6 : memref<256xi32, #tpu.memory_space<vmem>>) semaphore(%arg13 : memref<!tpu.dma_semaphore, #tpu.memory_space<semaphore_mem>>)
      } else {
      }
      %mul3A_699 = arith.constant 2 : i32
      %mul3A_700 = arith.muli %scan3A_46, %mul3A_699 : i32
      %add3A_701 = arith.constant 1 : i32
      %add3A_702 = arith.addi %mul3A_700, %add3A_701 : i32
      %dma_wait3A_703 = arith.constant 0 : i32
      %dma_wait3A_704 = arith.constant 0 : i32
      %dma_wait3A_705 = tpu.memref_slice %arg3[%dma_wait3A_703, %dma_wait3A_704] : memref<1000000x64xf32, #tpu.memory_space<hbm>> -> memref<1000000x64xf32, #tpu.memory_space<hbm>>
      tpu.wait_indirect_dma semaphore(%arg14 : memref<!tpu.dma_semaphore, #tpu.memory_space<semaphore_mem>>) src(%dma_wait3A_705 : memref<1000000x64xf32, #tpu.memory_space<hbm>>) dst(%arg9 : memref<256x64xf32, #tpu.memory_space<vmem>>)
      %gt3A_706 = arith.constant 0 : i32
      %gt3A_707 = arith.cmpi sgt, %scan3A_46, %gt3A_706 : i32
      %convert_element_type3A_708 = arith.extui %gt3A_707 : i1 to i32
      %cond3A_709 = arith.constant 0 : i32
      %cond3A_710 = arith.cmpi ne, %convert_element_type3A_708, %cond3A_709 : i32
      scf.if %cond3A_710 {
        %sub3A_1366 = arith.constant 2 : i32
        %sub3A_1367 = arith.subi %add3A_702, %sub3A_1366 : i32
        %jit3A_1368 = arith.constant 4 : i32
        %div3A_1369 = arith.divsi %sub3A_1367, %jit3A_1368 : i32
        %sign3A_1370 = arith.constant 0 : i32
        %sign3A_1371 = arith.cmpi sgt, %sub3A_1367, %sign3A_1370 : i32
        %sign3A_1372 = arith.extui %sign3A_1371 : i1 to i32
        %sign3A_1373 = arith.constant 0 : i32
        %sign3A_1374 = arith.cmpi slt, %sub3A_1367, %sign3A_1373 : i32
        %sign3A_1375 = arith.extui %sign3A_1374 : i1 to i32
        %sign3A_1376 = arith.subi %sign3A_1372, %sign3A_1375 : i32
        %sign3A_1377 = arith.constant 0 : i32
        %sign3A_1378 = arith.cmpi sgt, %jit3A_1368, %sign3A_1377 : i32
        %sign3A_1379 = arith.extui %sign3A_1378 : i1 to i32
        %sign3A_1380 = arith.constant 0 : i32
        %sign3A_1381 = arith.cmpi slt, %jit3A_1368, %sign3A_1380 : i32
        %sign3A_1382 = arith.extui %sign3A_1381 : i1 to i32
        %sign3A_1383 = arith.subi %sign3A_1379, %sign3A_1382 : i32
        %ne3A_1384 = arith.cmpi ne, %sign3A_1376, %sign3A_1383 : i32
        %rem3A_1385 = arith.remsi %sub3A_1367, %jit3A_1368 : i32
        %ne3A_1386 = arith.constant 0 : i32
        %ne3A_1387 = arith.cmpi ne, %rem3A_1385, %ne3A_1386 : i32
        %and3A_1388 = arith.andi %ne3A_1384, %ne3A_1387 : i1
        %sub3A_1389 = arith.constant 1 : i32
        %sub3A_1390 = arith.subi %div3A_1369, %sub3A_1389 : i32
        %select_n3A_1391 = arith.select %and3A_1388, %sub3A_1390, %div3A_1369 : i32
        %mul3A_1392 = arith.constant 4 : i32
        %mul3A_1393 = arith.muli %mul3A_1392, %select_n3A_1391 : i32
        %sub3A_1394 = arith.subi %sub3A_1367, %mul3A_1393 : i32
        %mul3A_1395 = arith.constant 8 : i32
        %mul3A_1396 = arith.muli %select_n3A_1391, %mul3A_1395 : i32
        %mul3A_1397 = arith.constant 2 : i32
        %mul3A_1398 = arith.muli %sub3A_1394, %mul3A_1397 : i32
        %add3A_1399 = arith.addi %mul3A_1396, %mul3A_1398 : i32
        %dma_wait3A_1400 = arith.constant 0 : i32
        %dma_wait3A_1401 = arith.constant 0 : i32
        %dma_wait3A_1402 = arith.constant 0 : i32
        %dma_wait3A_1403 = tpu.memref_slice %arg5[%add3A_1399, %dma_wait3A_1400, %add3A, %dma_wait3A_1401, %dma_wait3A_1402] : memref<200x8x32x8x128xf32, #tpu.memory_space<hbm>> -> memref<2x8x1x8x128xf32, #tpu.memory_space<hbm>>
        %dma_wait3A_1404 = tpu.memref_squeeze %dma_wait3A_1403 : memref<2x8x1x8x128xf32, #tpu.memory_space<hbm>> -> memref<2x8x8x128xf32, #tpu.memory_space<hbm>>
        %dma_wait3A_1405 = arith.constant 0 : i32
        %dma_wait3A_1406 = arith.constant 0 : i32
        %dma_wait3A_1407 = arith.constant 0 : i32
        %dma_wait3A_1408 = tpu.memref_slice %arg5[%add3A_1399, %dma_wait3A_1405, %add3A, %dma_wait3A_1406, %dma_wait3A_1407] : memref<200x8x32x8x128xf32, #tpu.memory_space<hbm>> -> memref<2x8x1x8x128xf32, #tpu.memory_space<hbm>>
        %dma_wait3A_1409 = tpu.memref_squeeze %dma_wait3A_1408 : memref<2x8x1x8x128xf32, #tpu.memory_space<hbm>> -> memref<2x8x8x128xf32, #tpu.memory_space<hbm>>
        tpu.wait_dma2 semaphore(%arg16 : memref<!tpu.dma_semaphore, #tpu.memory_space<semaphore_mem>>) src(%arg11 : memref<2x8x8x128xf32, #tpu.memory_space<vmem>>) dst(%dma_wait3A_1409 : memref<2x8x8x128xf32, #tpu.memory_space<hbm>>)
      } else {
      }
      %jit3A_711 = arith.constant 4 : i32
      %div3A_712 = arith.divsi %add3A_702, %jit3A_711 : i32
      %sign3A_713 = arith.constant 0 : i32
      %sign3A_714 = arith.cmpi sgt, %add3A_702, %sign3A_713 : i32
      %sign3A_715 = arith.extui %sign3A_714 : i1 to i32
      %sign3A_716 = arith.constant 0 : i32
      %sign3A_717 = arith.cmpi slt, %add3A_702, %sign3A_716 : i32
      %sign3A_718 = arith.extui %sign3A_717 : i1 to i32
      %sign3A_719 = arith.subi %sign3A_715, %sign3A_718 : i32
      %sign3A_720 = arith.constant 0 : i32
      %sign3A_721 = arith.cmpi sgt, %jit3A_711, %sign3A_720 : i32
      %sign3A_722 = arith.extui %sign3A_721 : i1 to i32
      %sign3A_723 = arith.constant 0 : i32
      %sign3A_724 = arith.cmpi slt, %jit3A_711, %sign3A_723 : i32
      %sign3A_725 = arith.extui %sign3A_724 : i1 to i32
      %sign3A_726 = arith.subi %sign3A_722, %sign3A_725 : i32
      %ne3A_727 = arith.cmpi ne, %sign3A_719, %sign3A_726 : i32
      %rem3A_728 = arith.remsi %add3A_702, %jit3A_711 : i32
      %ne3A_729 = arith.constant 0 : i32
      %ne3A_730 = arith.cmpi ne, %rem3A_728, %ne3A_729 : i32
      %and3A_731 = arith.andi %ne3A_727, %ne3A_730 : i1
      %sub3A_732 = arith.constant 1 : i32
      %sub3A_733 = arith.subi %div3A_712, %sub3A_732 : i32
      %select_n3A_734 = arith.select %and3A_731, %sub3A_733, %div3A_712 : i32
      %mul3A_735 = arith.constant 4 : i32
      %mul3A_736 = arith.muli %mul3A_735, %select_n3A_734 : i32
      %sub3A_737 = arith.subi %add3A_702, %mul3A_736 : i32
      %mul3A_738 = arith.constant 8 : i32
      %mul3A_739 = arith.muli %select_n3A_734, %mul3A_738 : i32
      %mul3A_740 = arith.constant 2 : i32
      %mul3A_741 = arith.muli %sub3A_737, %mul3A_740 : i32
      %add3A_742 = arith.addi %mul3A_739, %mul3A_741 : i32
      %add3A_743 = arith.constant 0 : i32
      %add3A_744 = arith.addi %add3A_742, %add3A_743 : i32
      %broadcast_in_dim3A_745 = arith.constant 0 : i32
      %broadcast_in_dim3A_746 = vector.broadcast %broadcast_in_dim3A_745 : i32 to vector<16xi32>
      %add3A_747 = arith.constant 0 : i32
      %add3A_748 = vector.broadcast %add3A_747 : i32 to vector<16xi32>
      %add3A_749 = arith.addi %add3A_748, %iota3A : vector<16xi32>
      %jit3A_750 = arith.constant 8 : i32
      %div3A_751 = vector.broadcast %jit3A_750 : i32 to vector<16xi32>
      %div3A_752 = arith.divsi %add3A_749, %div3A_751 : vector<16xi32>
      %sign3A_753 = arith.constant 0 : i32
      %sign3A_754 = vector.broadcast %sign3A_753 : i32 to vector<16xi32>
      %sign3A_755 = arith.cmpi sgt, %add3A_749, %sign3A_754 : vector<16xi32>
      %sign3A_756 = arith.extui %sign3A_755 : vector<16xi1> to vector<16xi32>
      %sign3A_757 = arith.constant 0 : i32
      %sign3A_758 = vector.broadcast %sign3A_757 : i32 to vector<16xi32>
      %sign3A_759 = arith.cmpi slt, %add3A_749, %sign3A_758 : vector<16xi32>
      %sign3A_760 = arith.extui %sign3A_759 : vector<16xi1> to vector<16xi32>
      %sign3A_761 = arith.subi %sign3A_756, %sign3A_760 : vector<16xi32>
      %sign3A_762 = arith.constant 0 : i32
      %sign3A_763 = arith.cmpi sgt, %jit3A_750, %sign3A_762 : i32
      %sign3A_764 = arith.extui %sign3A_763 : i1 to i32
      %sign3A_765 = arith.constant 0 : i32
      %sign3A_766 = arith.cmpi slt, %jit3A_750, %sign3A_765 : i32
      %sign3A_767 = arith.extui %sign3A_766 : i1 to i32
      %sign3A_768 = arith.subi %sign3A_764, %sign3A_767 : i32
      %ne3A_769 = vector.broadcast %sign3A_768 : i32 to vector<16xi32>
      %ne3A_770 = arith.cmpi ne, %sign3A_761, %ne3A_769 : vector<16xi32>
      %rem3A_771 = vector.broadcast %jit3A_750 : i32 to vector<16xi32>
      %rem3A_772 = arith.remsi %add3A_749, %rem3A_771 : vector<16xi32>
      %ne3A_773 = arith.constant 0 : i32
      %ne3A_774 = vector.broadcast %ne3A_773 : i32 to vector<16xi32>
      %ne3A_775 = arith.cmpi ne, %rem3A_772, %ne3A_774 : vector<16xi32>
      %and3A_776 = arith.andi %ne3A_770, %ne3A_775 : vector<16xi1>
      %sub3A_777 = arith.constant 1 : i32
      %sub3A_778 = vector.broadcast %sub3A_777 : i32 to vector<16xi32>
      %sub3A_779 = arith.subi %div3A_752, %sub3A_778 : vector<16xi32>
      %select_n3A_780 = arith.select %and3A_776, %sub3A_779, %div3A_752 : vector<16xi1>, vector<16xi32>
      %add3A_781 = arith.constant 0 : i32
      %add3A_782 = vector.broadcast %add3A_781 : i32 to vector<16xi32>
      %add3A_783 = arith.addi %add3A_782, %iota3A : vector<16xi32>
      %jit3A_784 = arith.constant 8 : i32
      %eq3A_785 = arith.constant 0 : i32
      %eq3A_786 = arith.cmpi eq, %jit3A_784, %eq3A_785 : i32
      %jit3A_787 = arith.constant 1 : i32
      %select_n3A_788 = arith.select %eq3A_786, %jit3A_787, %jit3A_784 : i32
      %rem3A_789 = vector.broadcast %select_n3A_788 : i32 to vector<16xi32>
      %rem3A_790 = arith.remsi %add3A_783, %rem3A_789 : vector<16xi32>
      %ne3A_791 = arith.constant 0 : i32
      %ne3A_792 = vector.broadcast %ne3A_791 : i32 to vector<16xi32>
      %ne3A_793 = arith.cmpi ne, %rem3A_790, %ne3A_792 : vector<16xi32>
      %lt3A_794 = arith.constant 0 : i32
      %lt3A_795 = vector.broadcast %lt3A_794 : i32 to vector<16xi32>
      %lt3A_796 = arith.cmpi slt, %rem3A_790, %lt3A_795 : vector<16xi32>
      %lt3A_797 = arith.constant 0 : i32
      %lt3A_798 = arith.cmpi slt, %select_n3A_788, %lt3A_797 : i32
      %ne3A_799 = vector.broadcast %lt3A_798 : i1 to vector<16xi1>
      %ne3A_800 = vector.broadcast %ne3A_799 : vector<16xi1> to vector<16xi1>
      %ne3A_801 = arith.xori %lt3A_796, %ne3A_800 : vector<16xi1>
      %and3A_802 = arith.andi %ne3A_801, %ne3A_793 : vector<16xi1>
      %add3A_803 = vector.broadcast %select_n3A_788 : i32 to vector<16xi32>
      %add3A_804 = arith.addi %rem3A_790, %add3A_803 : vector<16xi32>
      %select_n3A_805 = arith.select %and3A_802, %add3A_804, %rem3A_790 : vector<16xi1>, vector<16xi32>
      %add3A_806 = arith.constant 0 : i32
      %add3A_807 = vector.broadcast %add3A_806 : i32 to vector<16xi32>
      %add3A_808 = arith.addi %add3A_807, %iota3A : vector<16xi32>
      %get3A_809 = arith.index_cast %add3A_744 : i32 to index
      %get3A_810 = arith.constant 0 : index
      %get3A_811 = tpu.vector_load %arg12[%get3A_809, %get3A_810] {strides = array<i32>} : memref<200x64xf32, #tpu.memory_space<vmem>>, vector<16xf32>,
      %scan3A_812 = arith.constant 0 : i32
      %scan3A_813 = arith.constant 0 : i32
      %scan3A_814 = arith.constant 16 : i32
      %scan3A_815 = arith.addi %scan3A_813, %scan3A_814 : i32
      %scan3A_816 = arith.constant 1 : i32
      scf.for %scan3A_1366 = %scan3A_813 to %scan3A_815 step %scan3A_816  : i32 {
        %add3A_1367 = vector.broadcast %scan3A_1366 : i32 to vector<16xi32>
        %add3A_1368 = arith.addi %iota3A, %add3A_1367 : vector<16xi32>
        %and3A_1369 = arith.constant 15 : i32
        %and3A_1370 = vector.broadcast %and3A_1369 : i32 to vector<16xi32>
        %and3A_1371 = arith.andi %add3A_1368, %and3A_1370 : vector<16xi32>
        %add3A_1372 = arith.constant 0 : i32
        %add3A_1373 = vector.broadcast %add3A_1372 : i32 to vector<16xi32>
        %add3A_1374 = arith.addi %and3A_1371, %add3A_1373 : vector<16xi32>
        %gather3A = tpu.vector_load_idx %arg9[%add3A_1374, %add3A_808] : memref<256x64xf32, #tpu.memory_space<vmem>>[vector<16xi32>, vector<16xi32>], vector<16xf32>,
        %add3A_1375 = arith.constant 0 : i32
        %add3A_1376 = vector.broadcast %add3A_1375 : i32 to vector<16xi32>
        %add3A_1377 = arith.addi %and3A_1371, %add3A_1376 : vector<16xi32>
        %add3A_1378 = arith.addf %gather3A, %get3A_811 : vector<16xf32>
        tpu.vector_store_idx %arg11[%broadcast_in_dim3A_746, %select_n3A_780, %select_n3A_805, %add3A_1377], %add3A_1378 : memref<2x8x8x128xf32, #tpu.memory_space<vmem>>[vector<16xi32>, vector<16xi32>, vector<16xi32>, vector<16xi32>], vector<16xf32>,
        %add3A_1379 = arith.constant 16 : i32
        %add3A_1380 = vector.broadcast %add3A_1379 : i32 to vector<16xi32>
        %add3A_1381 = arith.addi %and3A_1371, %add3A_1380 : vector<16xi32>
        %gather3A_1382 = tpu.vector_load_idx %arg9[%add3A_1381, %add3A_808] : memref<256x64xf32, #tpu.memory_space<vmem>>[vector<16xi32>, vector<16xi32>], vector<16xf32>,
        %add3A_1383 = arith.constant 16 : i32
        %add3A_1384 = vector.broadcast %add3A_1383 : i32 to vector<16xi32>
        %add3A_1385 = arith.addi %and3A_1371, %add3A_1384 : vector<16xi32>
        %add3A_1386 = arith.addf %gather3A_1382, %get3A_811 : vector<16xf32>
        tpu.vector_store_idx %arg11[%broadcast_in_dim3A_746, %select_n3A_780, %select_n3A_805, %add3A_1385], %add3A_1386 : memref<2x8x8x128xf32, #tpu.memory_space<vmem>>[vector<16xi32>, vector<16xi32>, vector<16xi32>, vector<16xi32>], vector<16xf32>,
        %add3A_1387 = arith.constant 32 : i32
        %add3A_1388 = vector.broadcast %add3A_1387 : i32 to vector<16xi32>
        %add3A_1389 = arith.addi %and3A_1371, %add3A_1388 : vector<16xi32>
        %gather3A_1390 = tpu.vector_load_idx %arg9[%add3A_1389, %add3A_808] : memref<256x64xf32, #tpu.memory_space<vmem>>[vector<16xi32>, vector<16xi32>], vector<16xf32>,
        %add3A_1391 = arith.constant 32 : i32
        %add3A_1392 = vector.broadcast %add3A_1391 : i32 to vector<16xi32>
        %add3A_1393 = arith.addi %and3A_1371, %add3A_1392 : vector<16xi32>
        %add3A_1394 = arith.addf %gather3A_1390, %get3A_811 : vector<16xf32>
        tpu.vector_store_idx %arg11[%broadcast_in_dim3A_746, %select_n3A_780, %select_n3A_805, %add3A_1393], %add3A_1394 : memref<2x8x8x128xf32, #tpu.memory_space<vmem>>[vector<16xi32>, vector<16xi32>, vector<16xi32>, vector<16xi32>], vector<16xf32>,
        %add3A_1395 = arith.constant 48 : i32
        %add3A_1396 = vector.broadcast %add3A_1395 : i32 to vector<16xi32>
        %add3A_1397 = arith.addi %and3A_1371, %add3A_1396 : vector<16xi32>
        %gather3A_1398 = tpu.vector_load_idx %arg9[%add3A_1397, %add3A_808] : memref<256x64xf32, #tpu.memory_space<vmem>>[vector<16xi32>, vector<16xi32>], vector<16xf32>,
        %add3A_1399 = arith.constant 48 : i32
        %add3A_1400 = vector.broadcast %add3A_1399 : i32 to vector<16xi32>
        %add3A_1401 = arith.addi %and3A_1371, %add3A_1400 : vector<16xi32>
        %add3A_1402 = arith.addf %gather3A_1398, %get3A_811 : vector<16xf32>
        tpu.vector_store_idx %arg11[%broadcast_in_dim3A_746, %select_n3A_780, %select_n3A_805, %add3A_1401], %add3A_1402 : memref<2x8x8x128xf32, #tpu.memory_space<vmem>>[vector<16xi32>, vector<16xi32>, vector<16xi32>, vector<16xi32>], vector<16xf32>,
        %add3A_1403 = arith.constant 64 : i32
        %add3A_1404 = vector.broadcast %add3A_1403 : i32 to vector<16xi32>
        %add3A_1405 = arith.addi %and3A_1371, %add3A_1404 : vector<16xi32>
        %gather3A_1406 = tpu.vector_load_idx %arg9[%add3A_1405, %add3A_808] : memref<256x64xf32, #tpu.memory_space<vmem>>[vector<16xi32>, vector<16xi32>], vector<16xf32>,
        %add3A_1407 = arith.constant 64 : i32
        %add3A_1408 = vector.broadcast %add3A_1407 : i32 to vector<16xi32>
        %add3A_1409 = arith.addi %and3A_1371, %add3A_1408 : vector<16xi32>
        %add3A_1410 = arith.addf %gather3A_1406, %get3A_811 : vector<16xf32>
        tpu.vector_store_idx %arg11[%broadcast_in_dim3A_746, %select_n3A_780, %select_n3A_805, %add3A_1409], %add3A_1410 : memref<2x8x8x128xf32, #tpu.memory_space<vmem>>[vector<16xi32>, vector<16xi32>, vector<16xi32>, vector<16xi32>], vector<16xf32>,
        %add3A_1411 = arith.constant 80 : i32
        %add3A_1412 = vector.broadcast %add3A_1411 : i32 to vector<16xi32>
        %add3A_1413 = arith.addi %and3A_1371, %add3A_1412 : vector<16xi32>
        %gather3A_1414 = tpu.vector_load_idx %arg9[%add3A_1413, %add3A_808] : memref<256x64xf32, #tpu.memory_space<vmem>>[vector<16xi32>, vector<16xi32>], vector<16xf32>,
        %add3A_1415 = arith.constant 80 : i32
        %add3A_1416 = vector.broadcast %add3A_1415 : i32 to vector<16xi32>
        %add3A_1417 = arith.addi %and3A_1371, %add3A_1416 : vector<16xi32>
        %add3A_1418 = arith.addf %gather3A_1414, %get3A_811 : vector<16xf32>
        tpu.vector_store_idx %arg11[%broadcast_in_dim3A_746, %select_n3A_780, %select_n3A_805, %add3A_1417], %add3A_1418 : memref<2x8x8x128xf32, #tpu.memory_space<vmem>>[vector<16xi32>, vector<16xi32>, vector<16xi32>, vector<16xi32>], vector<16xf32>,
        %add3A_1419 = arith.constant 96 : i32
        %add3A_1420 = vector.broadcast %add3A_1419 : i32 to vector<16xi32>
        %add3A_1421 = arith.addi %and3A_1371, %add3A_1420 : vector<16xi32>
        %gather3A_1422 = tpu.vector_load_idx %arg9[%add3A_1421, %add3A_808] : memref<256x64xf32, #tpu.memory_space<vmem>>[vector<16xi32>, vector<16xi32>], vector<16xf32>,
        %add3A_1423 = arith.constant 96 : i32
        %add3A_1424 = vector.broadcast %add3A_1423 : i32 to vector<16xi32>
        %add3A_1425 = arith.addi %and3A_1371, %add3A_1424 : vector<16xi32>
        %add3A_1426 = arith.addf %gather3A_1422, %get3A_811 : vector<16xf32>
        tpu.vector_store_idx %arg11[%broadcast_in_dim3A_746, %select_n3A_780, %select_n3A_805, %add3A_1425], %add3A_1426 : memref<2x8x8x128xf32, #tpu.memory_space<vmem>>[vector<16xi32>, vector<16xi32>, vector<16xi32>, vector<16xi32>], vector<16xf32>,
        %add3A_1427 = arith.constant 112 : i32
        %add3A_1428 = vector.broadcast %add3A_1427 : i32 to vector<16xi32>
        %add3A_1429 = arith.addi %and3A_1371, %add3A_1428 : vector<16xi32>
        %gather3A_1430 = tpu.vector_load_idx %arg9[%add3A_1429, %add3A_808] : memref<256x64xf32, #tpu.memory_space<vmem>>[vector<16xi32>, vector<16xi32>], vector<16xf32>,
        %add3A_1431 = arith.constant 112 : i32
        %add3A_1432 = vector.broadcast %add3A_1431 : i32 to vector<16xi32>
        %add3A_1433 = arith.addi %and3A_1371, %add3A_1432 : vector<16xi32>
        %add3A_1434 = arith.addf %gather3A_1430, %get3A_811 : vector<16xf32>
        tpu.vector_store_idx %arg11[%broadcast_in_dim3A_746, %select_n3A_780, %select_n3A_805, %add3A_1433], %add3A_1434 : memref<2x8x8x128xf32, #tpu.memory_space<vmem>>[vector<16xi32>, vector<16xi32>, vector<16xi32>, vector<16xi32>], vector<16xf32>,
      }
      %scan3A_817 = arith.constant 16 : i32
      %add3A_818 = arith.constant 16 : i32
      %add3A_819 = vector.broadcast %add3A_818 : i32 to vector<16xi32>
      %add3A_820 = arith.addi %add3A_819, %iota3A : vector<16xi32>
      %jit3A_821 = arith.constant 8 : i32
      %div3A_822 = vector.broadcast %jit3A_821 : i32 to vector<16xi32>
      %div3A_823 = arith.divsi %add3A_820, %div3A_822 : vector<16xi32>
      %sign3A_824 = arith.constant 0 : i32
      %sign3A_825 = vector.broadcast %sign3A_824 : i32 to vector<16xi32>
      %sign3A_826 = arith.cmpi sgt, %add3A_820, %sign3A_825 : vector<16xi32>
      %sign3A_827 = arith.extui %sign3A_826 : vector<16xi1> to vector<16xi32>
      %sign3A_828 = arith.constant 0 : i32
      %sign3A_829 = vector.broadcast %sign3A_828 : i32 to vector<16xi32>
      %sign3A_830 = arith.cmpi slt, %add3A_820, %sign3A_829 : vector<16xi32>
      %sign3A_831 = arith.extui %sign3A_830 : vector<16xi1> to vector<16xi32>
      %sign3A_832 = arith.subi %sign3A_827, %sign3A_831 : vector<16xi32>
      %sign3A_833 = arith.constant 0 : i32
      %sign3A_834 = arith.cmpi sgt, %jit3A_821, %sign3A_833 : i32
      %sign3A_835 = arith.extui %sign3A_834 : i1 to i32
      %sign3A_836 = arith.constant 0 : i32
      %sign3A_837 = arith.cmpi slt, %jit3A_821, %sign3A_836 : i32
      %sign3A_838 = arith.extui %sign3A_837 : i1 to i32
      %sign3A_839 = arith.subi %sign3A_835, %sign3A_838 : i32
      %ne3A_840 = vector.broadcast %sign3A_839 : i32 to vector<16xi32>
      %ne3A_841 = arith.cmpi ne, %sign3A_832, %ne3A_840 : vector<16xi32>
      %rem3A_842 = vector.broadcast %jit3A_821 : i32 to vector<16xi32>
      %rem3A_843 = arith.remsi %add3A_820, %rem3A_842 : vector<16xi32>
      %ne3A_844 = arith.constant 0 : i32
      %ne3A_845 = vector.broadcast %ne3A_844 : i32 to vector<16xi32>
      %ne3A_846 = arith.cmpi ne, %rem3A_843, %ne3A_845 : vector<16xi32>
      %and3A_847 = arith.andi %ne3A_841, %ne3A_846 : vector<16xi1>
      %sub3A_848 = arith.constant 1 : i32
      %sub3A_849 = vector.broadcast %sub3A_848 : i32 to vector<16xi32>
      %sub3A_850 = arith.subi %div3A_823, %sub3A_849 : vector<16xi32>
      %select_n3A_851 = arith.select %and3A_847, %sub3A_850, %div3A_823 : vector<16xi1>, vector<16xi32>
      %add3A_852 = arith.constant 16 : i32
      %add3A_853 = vector.broadcast %add3A_852 : i32 to vector<16xi32>
      %add3A_854 = arith.addi %add3A_853, %iota3A : vector<16xi32>
      %jit3A_855 = arith.constant 8 : i32
      %eq3A_856 = arith.constant 0 : i32
      %eq3A_857 = arith.cmpi eq, %jit3A_855, %eq3A_856 : i32
      %jit3A_858 = arith.constant 1 : i32
      %select_n3A_859 = arith.select %eq3A_857, %jit3A_858, %jit3A_855 : i32
      %rem3A_860 = vector.broadcast %select_n3A_859 : i32 to vector<16xi32>
      %rem3A_861 = arith.remsi %add3A_854, %rem3A_860 : vector<16xi32>
      %ne3A_862 = arith.constant 0 : i32
      %ne3A_863 = vector.broadcast %ne3A_862 : i32 to vector<16xi32>
      %ne3A_864 = arith.cmpi ne, %rem3A_861, %ne3A_863 : vector<16xi32>
      %lt3A_865 = arith.constant 0 : i32
      %lt3A_866 = vector.broadcast %lt3A_865 : i32 to vector<16xi32>
      %lt3A_867 = arith.cmpi slt, %rem3A_861, %lt3A_866 : vector<16xi32>
      %lt3A_868 = arith.constant 0 : i32
      %lt3A_869 = arith.cmpi slt, %select_n3A_859, %lt3A_868 : i32
      %ne3A_870 = vector.broadcast %lt3A_869 : i1 to vector<16xi1>
      %ne3A_871 = vector.broadcast %ne3A_870 : vector<16xi1> to vector<16xi1>
      %ne3A_872 = arith.xori %lt3A_867, %ne3A_871 : vector<16xi1>
      %and3A_873 = arith.andi %ne3A_872, %ne3A_864 : vector<16xi1>
      %add3A_874 = vector.broadcast %select_n3A_859 : i32 to vector<16xi32>
      %add3A_875 = arith.addi %rem3A_861, %add3A_874 : vector<16xi32>
      %select_n3A_876 = arith.select %and3A_873, %add3A_875, %rem3A_861 : vector<16xi1>, vector<16xi32>
      %add3A_877 = arith.constant 16 : i32
      %add3A_878 = vector.broadcast %add3A_877 : i32 to vector<16xi32>
      %add3A_879 = arith.addi %add3A_878, %iota3A : vector<16xi32>
      %get3A_880 = arith.index_cast %add3A_744 : i32 to index
      %get3A_881 = arith.constant 16 : index
      %get3A_882 = tpu.vector_load %arg12[%get3A_880, %get3A_881] {strides = array<i32>} : memref<200x64xf32, #tpu.memory_space<vmem>>, vector<16xf32>,
      %scan3A_883 = arith.constant 0 : i32
      %scan3A_884 = arith.constant 0 : i32
      %scan3A_885 = arith.constant 16 : i32
      %scan3A_886 = arith.addi %scan3A_884, %scan3A_885 : i32
      %scan3A_887 = arith.constant 1 : i32
      scf.for %scan3A_1366 = %scan3A_884 to %scan3A_886 step %scan3A_887  : i32 {
        %add3A_1367 = vector.broadcast %scan3A_1366 : i32 to vector<16xi32>
        %add3A_1368 = arith.addi %iota3A, %add3A_1367 : vector<16xi32>
        %and3A_1369 = arith.constant 15 : i32
        %and3A_1370 = vector.broadcast %and3A_1369 : i32 to vector<16xi32>
        %and3A_1371 = arith.andi %add3A_1368, %and3A_1370 : vector<16xi32>
        %add3A_1372 = arith.constant 0 : i32
        %add3A_1373 = vector.broadcast %add3A_1372 : i32 to vector<16xi32>
        %add3A_1374 = arith.addi %and3A_1371, %add3A_1373 : vector<16xi32>
        %gather3A = tpu.vector_load_idx %arg9[%add3A_1374, %add3A_879] : memref<256x64xf32, #tpu.memory_space<vmem>>[vector<16xi32>, vector<16xi32>], vector<16xf32>,
        %add3A_1375 = arith.constant 0 : i32
        %add3A_1376 = vector.broadcast %add3A_1375 : i32 to vector<16xi32>
        %add3A_1377 = arith.addi %and3A_1371, %add3A_1376 : vector<16xi32>
        %add3A_1378 = arith.addf %gather3A, %get3A_882 : vector<16xf32>
        tpu.vector_store_idx %arg11[%broadcast_in_dim3A_746, %select_n3A_851, %select_n3A_876, %add3A_1377], %add3A_1378 : memref<2x8x8x128xf32, #tpu.memory_space<vmem>>[vector<16xi32>, vector<16xi32>, vector<16xi32>, vector<16xi32>], vector<16xf32>,
        %add3A_1379 = arith.constant 16 : i32
        %add3A_1380 = vector.broadcast %add3A_1379 : i32 to vector<16xi32>
        %add3A_1381 = arith.addi %and3A_1371, %add3A_1380 : vector<16xi32>
        %gather3A_1382 = tpu.vector_load_idx %arg9[%add3A_1381, %add3A_879] : memref<256x64xf32, #tpu.memory_space<vmem>>[vector<16xi32>, vector<16xi32>], vector<16xf32>,
        %add3A_1383 = arith.constant 16 : i32
        %add3A_1384 = vector.broadcast %add3A_1383 : i32 to vector<16xi32>
        %add3A_1385 = arith.addi %and3A_1371, %add3A_1384 : vector<16xi32>
        %add3A_1386 = arith.addf %gather3A_1382, %get3A_882 : vector<16xf32>
        tpu.vector_store_idx %arg11[%broadcast_in_dim3A_746, %select_n3A_851, %select_n3A_876, %add3A_1385], %add3A_1386 : memref<2x8x8x128xf32, #tpu.memory_space<vmem>>[vector<16xi32>, vector<16xi32>, vector<16xi32>, vector<16xi32>], vector<16xf32>,
        %add3A_1387 = arith.constant 32 : i32
        %add3A_1388 = vector.broadcast %add3A_1387 : i32 to vector<16xi32>
        %add3A_1389 = arith.addi %and3A_1371, %add3A_1388 : vector<16xi32>
        %gather3A_1390 = tpu.vector_load_idx %arg9[%add3A_1389, %add3A_879] : memref<256x64xf32, #tpu.memory_space<vmem>>[vector<16xi32>, vector<16xi32>], vector<16xf32>,
        %add3A_1391 = arith.constant 32 : i32
        %add3A_1392 = vector.broadcast %add3A_1391 : i32 to vector<16xi32>
        %add3A_1393 = arith.addi %and3A_1371, %add3A_1392 : vector<16xi32>
        %add3A_1394 = arith.addf %gather3A_1390, %get3A_882 : vector<16xf32>
        tpu.vector_store_idx %arg11[%broadcast_in_dim3A_746, %select_n3A_851, %select_n3A_876, %add3A_1393], %add3A_1394 : memref<2x8x8x128xf32, #tpu.memory_space<vmem>>[vector<16xi32>, vector<16xi32>, vector<16xi32>, vector<16xi32>], vector<16xf32>,
        %add3A_1395 = arith.constant 48 : i32
        %add3A_1396 = vector.broadcast %add3A_1395 : i32 to vector<16xi32>
        %add3A_1397 = arith.addi %and3A_1371, %add3A_1396 : vector<16xi32>
        %gather3A_1398 = tpu.vector_load_idx %arg9[%add3A_1397, %add3A_879] : memref<256x64xf32, #tpu.memory_space<vmem>>[vector<16xi32>, vector<16xi32>], vector<16xf32>,
        %add3A_1399 = arith.constant 48 : i32
        %add3A_1400 = vector.broadcast %add3A_1399 : i32 to vector<16xi32>
        %add3A_1401 = arith.addi %and3A_1371, %add3A_1400 : vector<16xi32>
        %add3A_1402 = arith.addf %gather3A_1398, %get3A_882 : vector<16xf32>
        tpu.vector_store_idx %arg11[%broadcast_in_dim3A_746, %select_n3A_851, %select_n3A_876, %add3A_1401], %add3A_1402 : memref<2x8x8x128xf32, #tpu.memory_space<vmem>>[vector<16xi32>, vector<16xi32>, vector<16xi32>, vector<16xi32>], vector<16xf32>,
        %add3A_1403 = arith.constant 64 : i32
        %add3A_1404 = vector.broadcast %add3A_1403 : i32 to vector<16xi32>
        %add3A_1405 = arith.addi %and3A_1371, %add3A_1404 : vector<16xi32>
        %gather3A_1406 = tpu.vector_load_idx %arg9[%add3A_1405, %add3A_879] : memref<256x64xf32, #tpu.memory_space<vmem>>[vector<16xi32>, vector<16xi32>], vector<16xf32>,
        %add3A_1407 = arith.constant 64 : i32
        %add3A_1408 = vector.broadcast %add3A_1407 : i32 to vector<16xi32>
        %add3A_1409 = arith.addi %and3A_1371, %add3A_1408 : vector<16xi32>
        %add3A_1410 = arith.addf %gather3A_1406, %get3A_882 : vector<16xf32>
        tpu.vector_store_idx %arg11[%broadcast_in_dim3A_746, %select_n3A_851, %select_n3A_876, %add3A_1409], %add3A_1410 : memref<2x8x8x128xf32, #tpu.memory_space<vmem>>[vector<16xi32>, vector<16xi32>, vector<16xi32>, vector<16xi32>], vector<16xf32>,
        %add3A_1411 = arith.constant 80 : i32
        %add3A_1412 = vector.broadcast %add3A_1411 : i32 to vector<16xi32>
        %add3A_1413 = arith.addi %and3A_1371, %add3A_1412 : vector<16xi32>
        %gather3A_1414 = tpu.vector_load_idx %arg9[%add3A_1413, %add3A_879] : memref<256x64xf32, #tpu.memory_space<vmem>>[vector<16xi32>, vector<16xi32>], vector<16xf32>,
        %add3A_1415 = arith.constant 80 : i32
        %add3A_1416 = vector.broadcast %add3A_1415 : i32 to vector<16xi32>
        %add3A_1417 = arith.addi %and3A_1371, %add3A_1416 : vector<16xi32>
        %add3A_1418 = arith.addf %gather3A_1414, %get3A_882 : vector<16xf32>
        tpu.vector_store_idx %arg11[%broadcast_in_dim3A_746, %select_n3A_851, %select_n3A_876, %add3A_1417], %add3A_1418 : memref<2x8x8x128xf32, #tpu.memory_space<vmem>>[vector<16xi32>, vector<16xi32>, vector<16xi32>, vector<16xi32>], vector<16xf32>,
        %add3A_1419 = arith.constant 96 : i32
        %add3A_1420 = vector.broadcast %add3A_1419 : i32 to vector<16xi32>
        %add3A_1421 = arith.addi %and3A_1371, %add3A_1420 : vector<16xi32>
        %gather3A_1422 = tpu.vector_load_idx %arg9[%add3A_1421, %add3A_879] : memref<256x64xf32, #tpu.memory_space<vmem>>[vector<16xi32>, vector<16xi32>], vector<16xf32>,
        %add3A_1423 = arith.constant 96 : i32
        %add3A_1424 = vector.broadcast %add3A_1423 : i32 to vector<16xi32>
        %add3A_1425 = arith.addi %and3A_1371, %add3A_1424 : vector<16xi32>
        %add3A_1426 = arith.addf %gather3A_1422, %get3A_882 : vector<16xf32>
        tpu.vector_store_idx %arg11[%broadcast_in_dim3A_746, %select_n3A_851, %select_n3A_876, %add3A_1425], %add3A_1426 : memref<2x8x8x128xf32, #tpu.memory_space<vmem>>[vector<16xi32>, vector<16xi32>, vector<16xi32>, vector<16xi32>], vector<16xf32>,
        %add3A_1427 = arith.constant 112 : i32
        %add3A_1428 = vector.broadcast %add3A_1427 : i32 to vector<16xi32>
        %add3A_1429 = arith.addi %and3A_1371, %add3A_1428 : vector<16xi32>
        %gather3A_1430 = tpu.vector_load_idx %arg9[%add3A_1429, %add3A_879] : memref<256x64xf32, #tpu.memory_space<vmem>>[vector<16xi32>, vector<16xi32>], vector<16xf32>,
        %add3A_1431 = arith.constant 112 : i32
        %add3A_1432 = vector.broadcast %add3A_1431 : i32 to vector<16xi32>
        %add3A_1433 = arith.addi %and3A_1371, %add3A_1432 : vector<16xi32>
        %add3A_1434 = arith.addf %gather3A_1430, %get3A_882 : vector<16xf32>
        tpu.vector_store_idx %arg11[%broadcast_in_dim3A_746, %select_n3A_851, %select_n3A_876, %add3A_1433], %add3A_1434 : memref<2x8x8x128xf32, #tpu.memory_space<vmem>>[vector<16xi32>, vector<16xi32>, vector<16xi32>, vector<16xi32>], vector<16xf32>,
      }
      %scan3A_888 = arith.constant 16 : i32
      %add3A_889 = arith.constant 32 : i32
      %add3A_890 = vector.broadcast %add3A_889 : i32 to vector<16xi32>
      %add3A_891 = arith.addi %add3A_890, %iota3A : vector<16xi32>
      %jit3A_892 = arith.constant 8 : i32
      %div3A_893 = vector.broadcast %jit3A_892 : i32 to vector<16xi32>
      %div3A_894 = arith.divsi %add3A_891, %div3A_893 : vector<16xi32>
      %sign3A_895 = arith.constant 0 : i32
      %sign3A_896 = vector.broadcast %sign3A_895 : i32 to vector<16xi32>
      %sign3A_897 = arith.cmpi sgt, %add3A_891, %sign3A_896 : vector<16xi32>
      %sign3A_898 = arith.extui %sign3A_897 : vector<16xi1> to vector<16xi32>
      %sign3A_899 = arith.constant 0 : i32
      %sign3A_900 = vector.broadcast %sign3A_899 : i32 to vector<16xi32>
      %sign3A_901 = arith.cmpi slt, %add3A_891, %sign3A_900 : vector<16xi32>
      %sign3A_902 = arith.extui %sign3A_901 : vector<16xi1> to vector<16xi32>
      %sign3A_903 = arith.subi %sign3A_898, %sign3A_902 : vector<16xi32>
      %sign3A_904 = arith.constant 0 : i32
      %sign3A_905 = arith.cmpi sgt, %jit3A_892, %sign3A_904 : i32
      %sign3A_906 = arith.extui %sign3A_905 : i1 to i32
      %sign3A_907 = arith.constant 0 : i32
      %sign3A_908 = arith.cmpi slt, %jit3A_892, %sign3A_907 : i32
      %sign3A_909 = arith.extui %sign3A_908 : i1 to i32
      %sign3A_910 = arith.subi %sign3A_906, %sign3A_909 : i32
      %ne3A_911 = vector.broadcast %sign3A_910 : i32 to vector<16xi32>
      %ne3A_912 = arith.cmpi ne, %sign3A_903, %ne3A_911 : vector<16xi32>
      %rem3A_913 = vector.broadcast %jit3A_892 : i32 to vector<16xi32>
      %rem3A_914 = arith.remsi %add3A_891, %rem3A_913 : vector<16xi32>
      %ne3A_915 = arith.constant 0 : i32
      %ne3A_916 = vector.broadcast %ne3A_915 : i32 to vector<16xi32>
      %ne3A_917 = arith.cmpi ne, %rem3A_914, %ne3A_916 : vector<16xi32>
      %and3A_918 = arith.andi %ne3A_912, %ne3A_917 : vector<16xi1>
      %sub3A_919 = arith.constant 1 : i32
      %sub3A_920 = vector.broadcast %sub3A_919 : i32 to vector<16xi32>
      %sub3A_921 = arith.subi %div3A_894, %sub3A_920 : vector<16xi32>
      %select_n3A_922 = arith.select %and3A_918, %sub3A_921, %div3A_894 : vector<16xi1>, vector<16xi32>
      %add3A_923 = arith.constant 32 : i32
      %add3A_924 = vector.broadcast %add3A_923 : i32 to vector<16xi32>
      %add3A_925 = arith.addi %add3A_924, %iota3A : vector<16xi32>
      %jit3A_926 = arith.constant 8 : i32
      %eq3A_927 = arith.constant 0 : i32
      %eq3A_928 = arith.cmpi eq, %jit3A_926, %eq3A_927 : i32
      %jit3A_929 = arith.constant 1 : i32
      %select_n3A_930 = arith.select %eq3A_928, %jit3A_929, %jit3A_926 : i32
      %rem3A_931 = vector.broadcast %select_n3A_930 : i32 to vector<16xi32>
      %rem3A_932 = arith.remsi %add3A_925, %rem3A_931 : vector<16xi32>
      %ne3A_933 = arith.constant 0 : i32
      %ne3A_934 = vector.broadcast %ne3A_933 : i32 to vector<16xi32>
      %ne3A_935 = arith.cmpi ne, %rem3A_932, %ne3A_934 : vector<16xi32>
      %lt3A_936 = arith.constant 0 : i32
      %lt3A_937 = vector.broadcast %lt3A_936 : i32 to vector<16xi32>
      %lt3A_938 = arith.cmpi slt, %rem3A_932, %lt3A_937 : vector<16xi32>
      %lt3A_939 = arith.constant 0 : i32
      %lt3A_940 = arith.cmpi slt, %select_n3A_930, %lt3A_939 : i32
      %ne3A_941 = vector.broadcast %lt3A_940 : i1 to vector<16xi1>
      %ne3A_942 = vector.broadcast %ne3A_941 : vector<16xi1> to vector<16xi1>
      %ne3A_943 = arith.xori %lt3A_938, %ne3A_942 : vector<16xi1>
      %and3A_944 = arith.andi %ne3A_943, %ne3A_935 : vector<16xi1>
      %add3A_945 = vector.broadcast %select_n3A_930 : i32 to vector<16xi32>
      %add3A_946 = arith.addi %rem3A_932, %add3A_945 : vector<16xi32>
      %select_n3A_947 = arith.select %and3A_944, %add3A_946, %rem3A_932 : vector<16xi1>, vector<16xi32>
      %add3A_948 = arith.constant 32 : i32
      %add3A_949 = vector.broadcast %add3A_948 : i32 to vector<16xi32>
      %add3A_950 = arith.addi %add3A_949, %iota3A : vector<16xi32>
      %get3A_951 = arith.index_cast %add3A_744 : i32 to index
      %get3A_952 = arith.constant 32 : index
      %get3A_953 = tpu.vector_load %arg12[%get3A_951, %get3A_952] {strides = array<i32>} : memref<200x64xf32, #tpu.memory_space<vmem>>, vector<16xf32>,
      %scan3A_954 = arith.constant 0 : i32
      %scan3A_955 = arith.constant 0 : i32
      %scan3A_956 = arith.constant 16 : i32
      %scan3A_957 = arith.addi %scan3A_955, %scan3A_956 : i32
      %scan3A_958 = arith.constant 1 : i32
      scf.for %scan3A_1366 = %scan3A_955 to %scan3A_957 step %scan3A_958  : i32 {
        %add3A_1367 = vector.broadcast %scan3A_1366 : i32 to vector<16xi32>
        %add3A_1368 = arith.addi %iota3A, %add3A_1367 : vector<16xi32>
        %and3A_1369 = arith.constant 15 : i32
        %and3A_1370 = vector.broadcast %and3A_1369 : i32 to vector<16xi32>
        %and3A_1371 = arith.andi %add3A_1368, %and3A_1370 : vector<16xi32>
        %add3A_1372 = arith.constant 0 : i32
        %add3A_1373 = vector.broadcast %add3A_1372 : i32 to vector<16xi32>
        %add3A_1374 = arith.addi %and3A_1371, %add3A_1373 : vector<16xi32>
        %gather3A = tpu.vector_load_idx %arg9[%add3A_1374, %add3A_950] : memref<256x64xf32, #tpu.memory_space<vmem>>[vector<16xi32>, vector<16xi32>], vector<16xf32>,
        %add3A_1375 = arith.constant 0 : i32
        %add3A_1376 = vector.broadcast %add3A_1375 : i32 to vector<16xi32>
        %add3A_1377 = arith.addi %and3A_1371, %add3A_1376 : vector<16xi32>
        %add3A_1378 = arith.addf %gather3A, %get3A_953 : vector<16xf32>
        tpu.vector_store_idx %arg11[%broadcast_in_dim3A_746, %select_n3A_922, %select_n3A_947, %add3A_1377], %add3A_1378 : memref<2x8x8x128xf32, #tpu.memory_space<vmem>>[vector<16xi32>, vector<16xi32>, vector<16xi32>, vector<16xi32>], vector<16xf32>,
        %add3A_1379 = arith.constant 16 : i32
        %add3A_1380 = vector.broadcast %add3A_1379 : i32 to vector<16xi32>
        %add3A_1381 = arith.addi %and3A_1371, %add3A_1380 : vector<16xi32>
        %gather3A_1382 = tpu.vector_load_idx %arg9[%add3A_1381, %add3A_950] : memref<256x64xf32, #tpu.memory_space<vmem>>[vector<16xi32>, vector<16xi32>], vector<16xf32>,
        %add3A_1383 = arith.constant 16 : i32
        %add3A_1384 = vector.broadcast %add3A_1383 : i32 to vector<16xi32>
        %add3A_1385 = arith.addi %and3A_1371, %add3A_1384 : vector<16xi32>
        %add3A_1386 = arith.addf %gather3A_1382, %get3A_953 : vector<16xf32>
        tpu.vector_store_idx %arg11[%broadcast_in_dim3A_746, %select_n3A_922, %select_n3A_947, %add3A_1385], %add3A_1386 : memref<2x8x8x128xf32, #tpu.memory_space<vmem>>[vector<16xi32>, vector<16xi32>, vector<16xi32>, vector<16xi32>], vector<16xf32>,
        %add3A_1387 = arith.constant 32 : i32
        %add3A_1388 = vector.broadcast %add3A_1387 : i32 to vector<16xi32>
        %add3A_1389 = arith.addi %and3A_1371, %add3A_1388 : vector<16xi32>
        %gather3A_1390 = tpu.vector_load_idx %arg9[%add3A_1389, %add3A_950] : memref<256x64xf32, #tpu.memory_space<vmem>>[vector<16xi32>, vector<16xi32>], vector<16xf32>,
        %add3A_1391 = arith.constant 32 : i32
        %add3A_1392 = vector.broadcast %add3A_1391 : i32 to vector<16xi32>
        %add3A_1393 = arith.addi %and3A_1371, %add3A_1392 : vector<16xi32>
        %add3A_1394 = arith.addf %gather3A_1390, %get3A_953 : vector<16xf32>
        tpu.vector_store_idx %arg11[%broadcast_in_dim3A_746, %select_n3A_922, %select_n3A_947, %add3A_1393], %add3A_1394 : memref<2x8x8x128xf32, #tpu.memory_space<vmem>>[vector<16xi32>, vector<16xi32>, vector<16xi32>, vector<16xi32>], vector<16xf32>,
        %add3A_1395 = arith.constant 48 : i32
        %add3A_1396 = vector.broadcast %add3A_1395 : i32 to vector<16xi32>
        %add3A_1397 = arith.addi %and3A_1371, %add3A_1396 : vector<16xi32>
        %gather3A_1398 = tpu.vector_load_idx %arg9[%add3A_1397, %add3A_950] : memref<256x64xf32, #tpu.memory_space<vmem>>[vector<16xi32>, vector<16xi32>], vector<16xf32>,
        %add3A_1399 = arith.constant 48 : i32
        %add3A_1400 = vector.broadcast %add3A_1399 : i32 to vector<16xi32>
        %add3A_1401 = arith.addi %and3A_1371, %add3A_1400 : vector<16xi32>
        %add3A_1402 = arith.addf %gather3A_1398, %get3A_953 : vector<16xf32>
        tpu.vector_store_idx %arg11[%broadcast_in_dim3A_746, %select_n3A_922, %select_n3A_947, %add3A_1401], %add3A_1402 : memref<2x8x8x128xf32, #tpu.memory_space<vmem>>[vector<16xi32>, vector<16xi32>, vector<16xi32>, vector<16xi32>], vector<16xf32>,
        %add3A_1403 = arith.constant 64 : i32
        %add3A_1404 = vector.broadcast %add3A_1403 : i32 to vector<16xi32>
        %add3A_1405 = arith.addi %and3A_1371, %add3A_1404 : vector<16xi32>
        %gather3A_1406 = tpu.vector_load_idx %arg9[%add3A_1405, %add3A_950] : memref<256x64xf32, #tpu.memory_space<vmem>>[vector<16xi32>, vector<16xi32>], vector<16xf32>,
        %add3A_1407 = arith.constant 64 : i32
        %add3A_1408 = vector.broadcast %add3A_1407 : i32 to vector<16xi32>
        %add3A_1409 = arith.addi %and3A_1371, %add3A_1408 : vector<16xi32>
        %add3A_1410 = arith.addf %gather3A_1406, %get3A_953 : vector<16xf32>
        tpu.vector_store_idx %arg11[%broadcast_in_dim3A_746, %select_n3A_922, %select_n3A_947, %add3A_1409], %add3A_1410 : memref<2x8x8x128xf32, #tpu.memory_space<vmem>>[vector<16xi32>, vector<16xi32>, vector<16xi32>, vector<16xi32>], vector<16xf32>,
        %add3A_1411 = arith.constant 80 : i32
        %add3A_1412 = vector.broadcast %add3A_1411 : i32 to vector<16xi32>
        %add3A_1413 = arith.addi %and3A_1371, %add3A_1412 : vector<16xi32>
        %gather3A_1414 = tpu.vector_load_idx %arg9[%add3A_1413, %add3A_950] : memref<256x64xf32, #tpu.memory_space<vmem>>[vector<16xi32>, vector<16xi32>], vector<16xf32>,
        %add3A_1415 = arith.constant 80 : i32
        %add3A_1416 = vector.broadcast %add3A_1415 : i32 to vector<16xi32>
        %add3A_1417 = arith.addi %and3A_1371, %add3A_1416 : vector<16xi32>
        %add3A_1418 = arith.addf %gather3A_1414, %get3A_953 : vector<16xf32>
        tpu.vector_store_idx %arg11[%broadcast_in_dim3A_746, %select_n3A_922, %select_n3A_947, %add3A_1417], %add3A_1418 : memref<2x8x8x128xf32, #tpu.memory_space<vmem>>[vector<16xi32>, vector<16xi32>, vector<16xi32>, vector<16xi32>], vector<16xf32>,
        %add3A_1419 = arith.constant 96 : i32
        %add3A_1420 = vector.broadcast %add3A_1419 : i32 to vector<16xi32>
        %add3A_1421 = arith.addi %and3A_1371, %add3A_1420 : vector<16xi32>
        %gather3A_1422 = tpu.vector_load_idx %arg9[%add3A_1421, %add3A_950] : memref<256x64xf32, #tpu.memory_space<vmem>>[vector<16xi32>, vector<16xi32>], vector<16xf32>,
        %add3A_1423 = arith.constant 96 : i32
        %add3A_1424 = vector.broadcast %add3A_1423 : i32 to vector<16xi32>
        %add3A_1425 = arith.addi %and3A_1371, %add3A_1424 : vector<16xi32>
        %add3A_1426 = arith.addf %gather3A_1422, %get3A_953 : vector<16xf32>
        tpu.vector_store_idx %arg11[%broadcast_in_dim3A_746, %select_n3A_922, %select_n3A_947, %add3A_1425], %add3A_1426 : memref<2x8x8x128xf32, #tpu.memory_space<vmem>>[vector<16xi32>, vector<16xi32>, vector<16xi32>, vector<16xi32>], vector<16xf32>,
        %add3A_1427 = arith.constant 112 : i32
        %add3A_1428 = vector.broadcast %add3A_1427 : i32 to vector<16xi32>
        %add3A_1429 = arith.addi %and3A_1371, %add3A_1428 : vector<16xi32>
        %gather3A_1430 = tpu.vector_load_idx %arg9[%add3A_1429, %add3A_950] : memref<256x64xf32, #tpu.memory_space<vmem>>[vector<16xi32>, vector<16xi32>], vector<16xf32>,
        %add3A_1431 = arith.constant 112 : i32
        %add3A_1432 = vector.broadcast %add3A_1431 : i32 to vector<16xi32>
        %add3A_1433 = arith.addi %and3A_1371, %add3A_1432 : vector<16xi32>
        %add3A_1434 = arith.addf %gather3A_1430, %get3A_953 : vector<16xf32>
        tpu.vector_store_idx %arg11[%broadcast_in_dim3A_746, %select_n3A_922, %select_n3A_947, %add3A_1433], %add3A_1434 : memref<2x8x8x128xf32, #tpu.memory_space<vmem>>[vector<16xi32>, vector<16xi32>, vector<16xi32>, vector<16xi32>], vector<16xf32>,
      }
      %scan3A_959 = arith.constant 16 : i32
      %add3A_960 = arith.constant 48 : i32
      %add3A_961 = vector.broadcast %add3A_960 : i32 to vector<16xi32>
      %add3A_962 = arith.addi %add3A_961, %iota3A : vector<16xi32>
      %jit3A_963 = arith.constant 8 : i32
      %div3A_964 = vector.broadcast %jit3A_963 : i32 to vector<16xi32>
      %div3A_965 = arith.divsi %add3A_962, %div3A_964 : vector<16xi32>
      %sign3A_966 = arith.constant 0 : i32
      %sign3A_967 = vector.broadcast %sign3A_966 : i32 to vector<16xi32>
      %sign3A_968 = arith.cmpi sgt, %add3A_962, %sign3A_967 : vector<16xi32>
      %sign3A_969 = arith.extui %sign3A_968 : vector<16xi1> to vector<16xi32>
      %sign3A_970 = arith.constant 0 : i32
      %sign3A_971 = vector.broadcast %sign3A_970 : i32 to vector<16xi32>
      %sign3A_972 = arith.cmpi slt, %add3A_962, %sign3A_971 : vector<16xi32>
      %sign3A_973 = arith.extui %sign3A_972 : vector<16xi1> to vector<16xi32>
      %sign3A_974 = arith.subi %sign3A_969, %sign3A_973 : vector<16xi32>
      %sign3A_975 = arith.constant 0 : i32
      %sign3A_976 = arith.cmpi sgt, %jit3A_963, %sign3A_975 : i32
      %sign3A_977 = arith.extui %sign3A_976 : i1 to i32
      %sign3A_978 = arith.constant 0 : i32
      %sign3A_979 = arith.cmpi slt, %jit3A_963, %sign3A_978 : i32
      %sign3A_980 = arith.extui %sign3A_979 : i1 to i32
      %sign3A_981 = arith.subi %sign3A_977, %sign3A_980 : i32
      %ne3A_982 = vector.broadcast %sign3A_981 : i32 to vector<16xi32>
      %ne3A_983 = arith.cmpi ne, %sign3A_974, %ne3A_982 : vector<16xi32>
      %rem3A_984 = vector.broadcast %jit3A_963 : i32 to vector<16xi32>
      %rem3A_985 = arith.remsi %add3A_962, %rem3A_984 : vector<16xi32>
      %ne3A_986 = arith.constant 0 : i32
      %ne3A_987 = vector.broadcast %ne3A_986 : i32 to vector<16xi32>
      %ne3A_988 = arith.cmpi ne, %rem3A_985, %ne3A_987 : vector<16xi32>
      %and3A_989 = arith.andi %ne3A_983, %ne3A_988 : vector<16xi1>
      %sub3A_990 = arith.constant 1 : i32
      %sub3A_991 = vector.broadcast %sub3A_990 : i32 to vector<16xi32>
      %sub3A_992 = arith.subi %div3A_965, %sub3A_991 : vector<16xi32>
      %select_n3A_993 = arith.select %and3A_989, %sub3A_992, %div3A_965 : vector<16xi1>, vector<16xi32>
      %add3A_994 = arith.constant 48 : i32
      %add3A_995 = vector.broadcast %add3A_994 : i32 to vector<16xi32>
      %add3A_996 = arith.addi %add3A_995, %iota3A : vector<16xi32>
      %jit3A_997 = arith.constant 8 : i32
      %eq3A_998 = arith.constant 0 : i32
      %eq3A_999 = arith.cmpi eq, %jit3A_997, %eq3A_998 : i32
      %jit3A_1000 = arith.constant 1 : i32
      %select_n3A_1001 = arith.select %eq3A_999, %jit3A_1000, %jit3A_997 : i32
      %rem3A_1002 = vector.broadcast %select_n3A_1001 : i32 to vector<16xi32>
      %rem3A_1003 = arith.remsi %add3A_996, %rem3A_1002 : vector<16xi32>
      %ne3A_1004 = arith.constant 0 : i32
      %ne3A_1005 = vector.broadcast %ne3A_1004 : i32 to vector<16xi32>
      %ne3A_1006 = arith.cmpi ne, %rem3A_1003, %ne3A_1005 : vector<16xi32>
      %lt3A_1007 = arith.constant 0 : i32
      %lt3A_1008 = vector.broadcast %lt3A_1007 : i32 to vector<16xi32>
      %lt3A_1009 = arith.cmpi slt, %rem3A_1003, %lt3A_1008 : vector<16xi32>
      %lt3A_1010 = arith.constant 0 : i32
      %lt3A_1011 = arith.cmpi slt, %select_n3A_1001, %lt3A_1010 : i32
      %ne3A_1012 = vector.broadcast %lt3A_1011 : i1 to vector<16xi1>
      %ne3A_1013 = vector.broadcast %ne3A_1012 : vector<16xi1> to vector<16xi1>
      %ne3A_1014 = arith.xori %lt3A_1009, %ne3A_1013 : vector<16xi1>
      %and3A_1015 = arith.andi %ne3A_1014, %ne3A_1006 : vector<16xi1>
      %add3A_1016 = vector.broadcast %select_n3A_1001 : i32 to vector<16xi32>
      %add3A_1017 = arith.addi %rem3A_1003, %add3A_1016 : vector<16xi32>
      %select_n3A_1018 = arith.select %and3A_1015, %add3A_1017, %rem3A_1003 : vector<16xi1>, vector<16xi32>
      %add3A_1019 = arith.constant 48 : i32
      %add3A_1020 = vector.broadcast %add3A_1019 : i32 to vector<16xi32>
      %add3A_1021 = arith.addi %add3A_1020, %iota3A : vector<16xi32>
      %get3A_1022 = arith.index_cast %add3A_744 : i32 to index
      %get3A_1023 = arith.constant 48 : index
      %get3A_1024 = tpu.vector_load %arg12[%get3A_1022, %get3A_1023] {strides = array<i32>} : memref<200x64xf32, #tpu.memory_space<vmem>>, vector<16xf32>,
      %scan3A_1025 = arith.constant 0 : i32
      %scan3A_1026 = arith.constant 0 : i32
      %scan3A_1027 = arith.constant 16 : i32
      %scan3A_1028 = arith.addi %scan3A_1026, %scan3A_1027 : i32
      %scan3A_1029 = arith.constant 1 : i32
      scf.for %scan3A_1366 = %scan3A_1026 to %scan3A_1028 step %scan3A_1029  : i32 {
        %add3A_1367 = vector.broadcast %scan3A_1366 : i32 to vector<16xi32>
        %add3A_1368 = arith.addi %iota3A, %add3A_1367 : vector<16xi32>
        %and3A_1369 = arith.constant 15 : i32
        %and3A_1370 = vector.broadcast %and3A_1369 : i32 to vector<16xi32>
        %and3A_1371 = arith.andi %add3A_1368, %and3A_1370 : vector<16xi32>
        %add3A_1372 = arith.constant 0 : i32
        %add3A_1373 = vector.broadcast %add3A_1372 : i32 to vector<16xi32>
        %add3A_1374 = arith.addi %and3A_1371, %add3A_1373 : vector<16xi32>
        %gather3A = tpu.vector_load_idx %arg9[%add3A_1374, %add3A_1021] : memref<256x64xf32, #tpu.memory_space<vmem>>[vector<16xi32>, vector<16xi32>], vector<16xf32>,
        %add3A_1375 = arith.constant 0 : i32
        %add3A_1376 = vector.broadcast %add3A_1375 : i32 to vector<16xi32>
        %add3A_1377 = arith.addi %and3A_1371, %add3A_1376 : vector<16xi32>
        %add3A_1378 = arith.addf %gather3A, %get3A_1024 : vector<16xf32>
        tpu.vector_store_idx %arg11[%broadcast_in_dim3A_746, %select_n3A_993, %select_n3A_1018, %add3A_1377], %add3A_1378 : memref<2x8x8x128xf32, #tpu.memory_space<vmem>>[vector<16xi32>, vector<16xi32>, vector<16xi32>, vector<16xi32>], vector<16xf32>,
        %add3A_1379 = arith.constant 16 : i32
        %add3A_1380 = vector.broadcast %add3A_1379 : i32 to vector<16xi32>
        %add3A_1381 = arith.addi %and3A_1371, %add3A_1380 : vector<16xi32>
        %gather3A_1382 = tpu.vector_load_idx %arg9[%add3A_1381, %add3A_1021] : memref<256x64xf32, #tpu.memory_space<vmem>>[vector<16xi32>, vector<16xi32>], vector<16xf32>,
        %add3A_1383 = arith.constant 16 : i32
        %add3A_1384 = vector.broadcast %add3A_1383 : i32 to vector<16xi32>
        %add3A_1385 = arith.addi %and3A_1371, %add3A_1384 : vector<16xi32>
        %add3A_1386 = arith.addf %gather3A_1382, %get3A_1024 : vector<16xf32>
        tpu.vector_store_idx %arg11[%broadcast_in_dim3A_746, %select_n3A_993, %select_n3A_1018, %add3A_1385], %add3A_1386 : memref<2x8x8x128xf32, #tpu.memory_space<vmem>>[vector<16xi32>, vector<16xi32>, vector<16xi32>, vector<16xi32>], vector<16xf32>,
        %add3A_1387 = arith.constant 32 : i32
        %add3A_1388 = vector.broadcast %add3A_1387 : i32 to vector<16xi32>
        %add3A_1389 = arith.addi %and3A_1371, %add3A_1388 : vector<16xi32>
        %gather3A_1390 = tpu.vector_load_idx %arg9[%add3A_1389, %add3A_1021] : memref<256x64xf32, #tpu.memory_space<vmem>>[vector<16xi32>, vector<16xi32>], vector<16xf32>,
        %add3A_1391 = arith.constant 32 : i32
        %add3A_1392 = vector.broadcast %add3A_1391 : i32 to vector<16xi32>
        %add3A_1393 = arith.addi %and3A_1371, %add3A_1392 : vector<16xi32>
        %add3A_1394 = arith.addf %gather3A_1390, %get3A_1024 : vector<16xf32>
        tpu.vector_store_idx %arg11[%broadcast_in_dim3A_746, %select_n3A_993, %select_n3A_1018, %add3A_1393], %add3A_1394 : memref<2x8x8x128xf32, #tpu.memory_space<vmem>>[vector<16xi32>, vector<16xi32>, vector<16xi32>, vector<16xi32>], vector<16xf32>,
        %add3A_1395 = arith.constant 48 : i32
        %add3A_1396 = vector.broadcast %add3A_1395 : i32 to vector<16xi32>
        %add3A_1397 = arith.addi %and3A_1371, %add3A_1396 : vector<16xi32>
        %gather3A_1398 = tpu.vector_load_idx %arg9[%add3A_1397, %add3A_1021] : memref<256x64xf32, #tpu.memory_space<vmem>>[vector<16xi32>, vector<16xi32>], vector<16xf32>,
        %add3A_1399 = arith.constant 48 : i32
        %add3A_1400 = vector.broadcast %add3A_1399 : i32 to vector<16xi32>
        %add3A_1401 = arith.addi %and3A_1371, %add3A_1400 : vector<16xi32>
        %add3A_1402 = arith.addf %gather3A_1398, %get3A_1024 : vector<16xf32>
        tpu.vector_store_idx %arg11[%broadcast_in_dim3A_746, %select_n3A_993, %select_n3A_1018, %add3A_1401], %add3A_1402 : memref<2x8x8x128xf32, #tpu.memory_space<vmem>>[vector<16xi32>, vector<16xi32>, vector<16xi32>, vector<16xi32>], vector<16xf32>,
        %add3A_1403 = arith.constant 64 : i32
        %add3A_1404 = vector.broadcast %add3A_1403 : i32 to vector<16xi32>
        %add3A_1405 = arith.addi %and3A_1371, %add3A_1404 : vector<16xi32>
        %gather3A_1406 = tpu.vector_load_idx %arg9[%add3A_1405, %add3A_1021] : memref<256x64xf32, #tpu.memory_space<vmem>>[vector<16xi32>, vector<16xi32>], vector<16xf32>,
        %add3A_1407 = arith.constant 64 : i32
        %add3A_1408 = vector.broadcast %add3A_1407 : i32 to vector<16xi32>
        %add3A_1409 = arith.addi %and3A_1371, %add3A_1408 : vector<16xi32>
        %add3A_1410 = arith.addf %gather3A_1406, %get3A_1024 : vector<16xf32>
        tpu.vector_store_idx %arg11[%broadcast_in_dim3A_746, %select_n3A_993, %select_n3A_1018, %add3A_1409], %add3A_1410 : memref<2x8x8x128xf32, #tpu.memory_space<vmem>>[vector<16xi32>, vector<16xi32>, vector<16xi32>, vector<16xi32>], vector<16xf32>,
        %add3A_1411 = arith.constant 80 : i32
        %add3A_1412 = vector.broadcast %add3A_1411 : i32 to vector<16xi32>
        %add3A_1413 = arith.addi %and3A_1371, %add3A_1412 : vector<16xi32>
        %gather3A_1414 = tpu.vector_load_idx %arg9[%add3A_1413, %add3A_1021] : memref<256x64xf32, #tpu.memory_space<vmem>>[vector<16xi32>, vector<16xi32>], vector<16xf32>,
        %add3A_1415 = arith.constant 80 : i32
        %add3A_1416 = vector.broadcast %add3A_1415 : i32 to vector<16xi32>
        %add3A_1417 = arith.addi %and3A_1371, %add3A_1416 : vector<16xi32>
        %add3A_1418 = arith.addf %gather3A_1414, %get3A_1024 : vector<16xf32>
        tpu.vector_store_idx %arg11[%broadcast_in_dim3A_746, %select_n3A_993, %select_n3A_1018, %add3A_1417], %add3A_1418 : memref<2x8x8x128xf32, #tpu.memory_space<vmem>>[vector<16xi32>, vector<16xi32>, vector<16xi32>, vector<16xi32>], vector<16xf32>,
        %add3A_1419 = arith.constant 96 : i32
        %add3A_1420 = vector.broadcast %add3A_1419 : i32 to vector<16xi32>
        %add3A_1421 = arith.addi %and3A_1371, %add3A_1420 : vector<16xi32>
        %gather3A_1422 = tpu.vector_load_idx %arg9[%add3A_1421, %add3A_1021] : memref<256x64xf32, #tpu.memory_space<vmem>>[vector<16xi32>, vector<16xi32>], vector<16xf32>,
        %add3A_1423 = arith.constant 96 : i32
        %add3A_1424 = vector.broadcast %add3A_1423 : i32 to vector<16xi32>
        %add3A_1425 = arith.addi %and3A_1371, %add3A_1424 : vector<16xi32>
        %add3A_1426 = arith.addf %gather3A_1422, %get3A_1024 : vector<16xf32>
        tpu.vector_store_idx %arg11[%broadcast_in_dim3A_746, %select_n3A_993, %select_n3A_1018, %add3A_1425], %add3A_1426 : memref<2x8x8x128xf32, #tpu.memory_space<vmem>>[vector<16xi32>, vector<16xi32>, vector<16xi32>, vector<16xi32>], vector<16xf32>,
        %add3A_1427 = arith.constant 112 : i32
        %add3A_1428 = vector.broadcast %add3A_1427 : i32 to vector<16xi32>
        %add3A_1429 = arith.addi %and3A_1371, %add3A_1428 : vector<16xi32>
        %gather3A_1430 = tpu.vector_load_idx %arg9[%add3A_1429, %add3A_1021] : memref<256x64xf32, #tpu.memory_space<vmem>>[vector<16xi32>, vector<16xi32>], vector<16xf32>,
        %add3A_1431 = arith.constant 112 : i32
        %add3A_1432 = vector.broadcast %add3A_1431 : i32 to vector<16xi32>
        %add3A_1433 = arith.addi %and3A_1371, %add3A_1432 : vector<16xi32>
        %add3A_1434 = arith.addf %gather3A_1430, %get3A_1024 : vector<16xf32>
        tpu.vector_store_idx %arg11[%broadcast_in_dim3A_746, %select_n3A_993, %select_n3A_1018, %add3A_1433], %add3A_1434 : memref<2x8x8x128xf32, #tpu.memory_space<vmem>>[vector<16xi32>, vector<16xi32>, vector<16xi32>, vector<16xi32>], vector<16xf32>,
      }
      %scan3A_1030 = arith.constant 16 : i32
      %add3A_1031 = arith.constant 1 : i32
      %add3A_1032 = arith.addi %add3A_742, %add3A_1031 : i32
      %broadcast_in_dim3A_1033 = arith.constant 1 : i32
      %broadcast_in_dim3A_1034 = vector.broadcast %broadcast_in_dim3A_1033 : i32 to vector<16xi32>
      %add3A_1035 = arith.constant 0 : i32
      %add3A_1036 = vector.broadcast %add3A_1035 : i32 to vector<16xi32>
      %add3A_1037 = arith.addi %add3A_1036, %iota3A : vector<16xi32>
      %jit3A_1038 = arith.constant 8 : i32
      %div3A_1039 = vector.broadcast %jit3A_1038 : i32 to vector<16xi32>
      %div3A_1040 = arith.divsi %add3A_1037, %div3A_1039 : vector<16xi32>
      %sign3A_1041 = arith.constant 0 : i32
      %sign3A_1042 = vector.broadcast %sign3A_1041 : i32 to vector<16xi32>
      %sign3A_1043 = arith.cmpi sgt, %add3A_1037, %sign3A_1042 : vector<16xi32>
      %sign3A_1044 = arith.extui %sign3A_1043 : vector<16xi1> to vector<16xi32>
      %sign3A_1045 = arith.constant 0 : i32
      %sign3A_1046 = vector.broadcast %sign3A_1045 : i32 to vector<16xi32>
      %sign3A_1047 = arith.cmpi slt, %add3A_1037, %sign3A_1046 : vector<16xi32>
      %sign3A_1048 = arith.extui %sign3A_1047 : vector<16xi1> to vector<16xi32>
      %sign3A_1049 = arith.subi %sign3A_1044, %sign3A_1048 : vector<16xi32>
      %sign3A_1050 = arith.constant 0 : i32
      %sign3A_1051 = arith.cmpi sgt, %jit3A_1038, %sign3A_1050 : i32
      %sign3A_1052 = arith.extui %sign3A_1051 : i1 to i32
      %sign3A_1053 = arith.constant 0 : i32
      %sign3A_1054 = arith.cmpi slt, %jit3A_1038, %sign3A_1053 : i32
      %sign3A_1055 = arith.extui %sign3A_1054 : i1 to i32
      %sign3A_1056 = arith.subi %sign3A_1052, %sign3A_1055 : i32
      %ne3A_1057 = vector.broadcast %sign3A_1056 : i32 to vector<16xi32>
      %ne3A_1058 = arith.cmpi ne, %sign3A_1049, %ne3A_1057 : vector<16xi32>
      %rem3A_1059 = vector.broadcast %jit3A_1038 : i32 to vector<16xi32>
      %rem3A_1060 = arith.remsi %add3A_1037, %rem3A_1059 : vector<16xi32>
      %ne3A_1061 = arith.constant 0 : i32
      %ne3A_1062 = vector.broadcast %ne3A_1061 : i32 to vector<16xi32>
      %ne3A_1063 = arith.cmpi ne, %rem3A_1060, %ne3A_1062 : vector<16xi32>
      %and3A_1064 = arith.andi %ne3A_1058, %ne3A_1063 : vector<16xi1>
      %sub3A_1065 = arith.constant 1 : i32
      %sub3A_1066 = vector.broadcast %sub3A_1065 : i32 to vector<16xi32>
      %sub3A_1067 = arith.subi %div3A_1040, %sub3A_1066 : vector<16xi32>
      %select_n3A_1068 = arith.select %and3A_1064, %sub3A_1067, %div3A_1040 : vector<16xi1>, vector<16xi32>
      %add3A_1069 = arith.constant 0 : i32
      %add3A_1070 = vector.broadcast %add3A_1069 : i32 to vector<16xi32>
      %add3A_1071 = arith.addi %add3A_1070, %iota3A : vector<16xi32>
      %jit3A_1072 = arith.constant 8 : i32
      %eq3A_1073 = arith.constant 0 : i32
      %eq3A_1074 = arith.cmpi eq, %jit3A_1072, %eq3A_1073 : i32
      %jit3A_1075 = arith.constant 1 : i32
      %select_n3A_1076 = arith.select %eq3A_1074, %jit3A_1075, %jit3A_1072 : i32
      %rem3A_1077 = vector.broadcast %select_n3A_1076 : i32 to vector<16xi32>
      %rem3A_1078 = arith.remsi %add3A_1071, %rem3A_1077 : vector<16xi32>
      %ne3A_1079 = arith.constant 0 : i32
      %ne3A_1080 = vector.broadcast %ne3A_1079 : i32 to vector<16xi32>
      %ne3A_1081 = arith.cmpi ne, %rem3A_1078, %ne3A_1080 : vector<16xi32>
      %lt3A_1082 = arith.constant 0 : i32
      %lt3A_1083 = vector.broadcast %lt3A_1082 : i32 to vector<16xi32>
      %lt3A_1084 = arith.cmpi slt, %rem3A_1078, %lt3A_1083 : vector<16xi32>
      %lt3A_1085 = arith.constant 0 : i32
      %lt3A_1086 = arith.cmpi slt, %select_n3A_1076, %lt3A_1085 : i32
      %ne3A_1087 = vector.broadcast %lt3A_1086 : i1 to vector<16xi1>
      %ne3A_1088 = vector.broadcast %ne3A_1087 : vector<16xi1> to vector<16xi1>
      %ne3A_1089 = arith.xori %lt3A_1084, %ne3A_1088 : vector<16xi1>
      %and3A_1090 = arith.andi %ne3A_1089, %ne3A_1081 : vector<16xi1>
      %add3A_1091 = vector.broadcast %select_n3A_1076 : i32 to vector<16xi32>
      %add3A_1092 = arith.addi %rem3A_1078, %add3A_1091 : vector<16xi32>
      %select_n3A_1093 = arith.select %and3A_1090, %add3A_1092, %rem3A_1078 : vector<16xi1>, vector<16xi32>
      %add3A_1094 = arith.constant 0 : i32
      %add3A_1095 = vector.broadcast %add3A_1094 : i32 to vector<16xi32>
      %add3A_1096 = arith.addi %add3A_1095, %iota3A : vector<16xi32>
      %get3A_1097 = arith.index_cast %add3A_1032 : i32 to index
      %get3A_1098 = arith.constant 0 : index
      %get3A_1099 = tpu.vector_load %arg12[%get3A_1097, %get3A_1098] {strides = array<i32>} : memref<200x64xf32, #tpu.memory_space<vmem>>, vector<16xf32>,
      %scan3A_1100 = arith.constant 0 : i32
      %scan3A_1101 = arith.constant 0 : i32
      %scan3A_1102 = arith.constant 16 : i32
      %scan3A_1103 = arith.addi %scan3A_1101, %scan3A_1102 : i32
      %scan3A_1104 = arith.constant 1 : i32
      scf.for %scan3A_1366 = %scan3A_1101 to %scan3A_1103 step %scan3A_1104  : i32 {
        %add3A_1367 = vector.broadcast %scan3A_1366 : i32 to vector<16xi32>
        %add3A_1368 = arith.addi %iota3A, %add3A_1367 : vector<16xi32>
        %and3A_1369 = arith.constant 15 : i32
        %and3A_1370 = vector.broadcast %and3A_1369 : i32 to vector<16xi32>
        %and3A_1371 = arith.andi %add3A_1368, %and3A_1370 : vector<16xi32>
        %add3A_1372 = arith.constant 128 : i32
        %add3A_1373 = vector.broadcast %add3A_1372 : i32 to vector<16xi32>
        %add3A_1374 = arith.addi %and3A_1371, %add3A_1373 : vector<16xi32>
        %gather3A = tpu.vector_load_idx %arg9[%add3A_1374, %add3A_1096] : memref<256x64xf32, #tpu.memory_space<vmem>>[vector<16xi32>, vector<16xi32>], vector<16xf32>,
        %add3A_1375 = arith.constant 0 : i32
        %add3A_1376 = vector.broadcast %add3A_1375 : i32 to vector<16xi32>
        %add3A_1377 = arith.addi %and3A_1371, %add3A_1376 : vector<16xi32>
        %add3A_1378 = arith.addf %gather3A, %get3A_1099 : vector<16xf32>
        tpu.vector_store_idx %arg11[%broadcast_in_dim3A_1034, %select_n3A_1068, %select_n3A_1093, %add3A_1377], %add3A_1378 : memref<2x8x8x128xf32, #tpu.memory_space<vmem>>[vector<16xi32>, vector<16xi32>, vector<16xi32>, vector<16xi32>], vector<16xf32>,
        %add3A_1379 = arith.constant 144 : i32
        %add3A_1380 = vector.broadcast %add3A_1379 : i32 to vector<16xi32>
        %add3A_1381 = arith.addi %and3A_1371, %add3A_1380 : vector<16xi32>
        %gather3A_1382 = tpu.vector_load_idx %arg9[%add3A_1381, %add3A_1096] : memref<256x64xf32, #tpu.memory_space<vmem>>[vector<16xi32>, vector<16xi32>], vector<16xf32>,
        %add3A_1383 = arith.constant 16 : i32
        %add3A_1384 = vector.broadcast %add3A_1383 : i32 to vector<16xi32>
        %add3A_1385 = arith.addi %and3A_1371, %add3A_1384 : vector<16xi32>
        %add3A_1386 = arith.addf %gather3A_1382, %get3A_1099 : vector<16xf32>
        tpu.vector_store_idx %arg11[%broadcast_in_dim3A_1034, %select_n3A_1068, %select_n3A_1093, %add3A_1385], %add3A_1386 : memref<2x8x8x128xf32, #tpu.memory_space<vmem>>[vector<16xi32>, vector<16xi32>, vector<16xi32>, vector<16xi32>], vector<16xf32>,
        %add3A_1387 = arith.constant 160 : i32
        %add3A_1388 = vector.broadcast %add3A_1387 : i32 to vector<16xi32>
        %add3A_1389 = arith.addi %and3A_1371, %add3A_1388 : vector<16xi32>
        %gather3A_1390 = tpu.vector_load_idx %arg9[%add3A_1389, %add3A_1096] : memref<256x64xf32, #tpu.memory_space<vmem>>[vector<16xi32>, vector<16xi32>], vector<16xf32>,
        %add3A_1391 = arith.constant 32 : i32
        %add3A_1392 = vector.broadcast %add3A_1391 : i32 to vector<16xi32>
        %add3A_1393 = arith.addi %and3A_1371, %add3A_1392 : vector<16xi32>
        %add3A_1394 = arith.addf %gather3A_1390, %get3A_1099 : vector<16xf32>
        tpu.vector_store_idx %arg11[%broadcast_in_dim3A_1034, %select_n3A_1068, %select_n3A_1093, %add3A_1393], %add3A_1394 : memref<2x8x8x128xf32, #tpu.memory_space<vmem>>[vector<16xi32>, vector<16xi32>, vector<16xi32>, vector<16xi32>], vector<16xf32>,
        %add3A_1395 = arith.constant 176 : i32
        %add3A_1396 = vector.broadcast %add3A_1395 : i32 to vector<16xi32>
        %add3A_1397 = arith.addi %and3A_1371, %add3A_1396 : vector<16xi32>
        %gather3A_1398 = tpu.vector_load_idx %arg9[%add3A_1397, %add3A_1096] : memref<256x64xf32, #tpu.memory_space<vmem>>[vector<16xi32>, vector<16xi32>], vector<16xf32>,
        %add3A_1399 = arith.constant 48 : i32
        %add3A_1400 = vector.broadcast %add3A_1399 : i32 to vector<16xi32>
        %add3A_1401 = arith.addi %and3A_1371, %add3A_1400 : vector<16xi32>
        %add3A_1402 = arith.addf %gather3A_1398, %get3A_1099 : vector<16xf32>
        tpu.vector_store_idx %arg11[%broadcast_in_dim3A_1034, %select_n3A_1068, %select_n3A_1093, %add3A_1401], %add3A_1402 : memref<2x8x8x128xf32, #tpu.memory_space<vmem>>[vector<16xi32>, vector<16xi32>, vector<16xi32>, vector<16xi32>], vector<16xf32>,
        %add3A_1403 = arith.constant 192 : i32
        %add3A_1404 = vector.broadcast %add3A_1403 : i32 to vector<16xi32>
        %add3A_1405 = arith.addi %and3A_1371, %add3A_1404 : vector<16xi32>
        %gather3A_1406 = tpu.vector_load_idx %arg9[%add3A_1405, %add3A_1096] : memref<256x64xf32, #tpu.memory_space<vmem>>[vector<16xi32>, vector<16xi32>], vector<16xf32>,
        %add3A_1407 = arith.constant 64 : i32
        %add3A_1408 = vector.broadcast %add3A_1407 : i32 to vector<16xi32>
        %add3A_1409 = arith.addi %and3A_1371, %add3A_1408 : vector<16xi32>
        %add3A_1410 = arith.addf %gather3A_1406, %get3A_1099 : vector<16xf32>
        tpu.vector_store_idx %arg11[%broadcast_in_dim3A_1034, %select_n3A_1068, %select_n3A_1093, %add3A_1409], %add3A_1410 : memref<2x8x8x128xf32, #tpu.memory_space<vmem>>[vector<16xi32>, vector<16xi32>, vector<16xi32>, vector<16xi32>], vector<16xf32>,
        %add3A_1411 = arith.constant 208 : i32
        %add3A_1412 = vector.broadcast %add3A_1411 : i32 to vector<16xi32>
        %add3A_1413 = arith.addi %and3A_1371, %add3A_1412 : vector<16xi32>
        %gather3A_1414 = tpu.vector_load_idx %arg9[%add3A_1413, %add3A_1096] : memref<256x64xf32, #tpu.memory_space<vmem>>[vector<16xi32>, vector<16xi32>], vector<16xf32>,
        %add3A_1415 = arith.constant 80 : i32
        %add3A_1416 = vector.broadcast %add3A_1415 : i32 to vector<16xi32>
        %add3A_1417 = arith.addi %and3A_1371, %add3A_1416 : vector<16xi32>
        %add3A_1418 = arith.addf %gather3A_1414, %get3A_1099 : vector<16xf32>
        tpu.vector_store_idx %arg11[%broadcast_in_dim3A_1034, %select_n3A_1068, %select_n3A_1093, %add3A_1417], %add3A_1418 : memref<2x8x8x128xf32, #tpu.memory_space<vmem>>[vector<16xi32>, vector<16xi32>, vector<16xi32>, vector<16xi32>], vector<16xf32>,
        %add3A_1419 = arith.constant 224 : i32
        %add3A_1420 = vector.broadcast %add3A_1419 : i32 to vector<16xi32>
        %add3A_1421 = arith.addi %and3A_1371, %add3A_1420 : vector<16xi32>
        %gather3A_1422 = tpu.vector_load_idx %arg9[%add3A_1421, %add3A_1096] : memref<256x64xf32, #tpu.memory_space<vmem>>[vector<16xi32>, vector<16xi32>], vector<16xf32>,
        %add3A_1423 = arith.constant 96 : i32
        %add3A_1424 = vector.broadcast %add3A_1423 : i32 to vector<16xi32>
        %add3A_1425 = arith.addi %and3A_1371, %add3A_1424 : vector<16xi32>
        %add3A_1426 = arith.addf %gather3A_1422, %get3A_1099 : vector<16xf32>
        tpu.vector_store_idx %arg11[%broadcast_in_dim3A_1034, %select_n3A_1068, %select_n3A_1093, %add3A_1425], %add3A_1426 : memref<2x8x8x128xf32, #tpu.memory_space<vmem>>[vector<16xi32>, vector<16xi32>, vector<16xi32>, vector<16xi32>], vector<16xf32>,
        %add3A_1427 = arith.constant 240 : i32
        %add3A_1428 = vector.broadcast %add3A_1427 : i32 to vector<16xi32>
        %add3A_1429 = arith.addi %and3A_1371, %add3A_1428 : vector<16xi32>
        %gather3A_1430 = tpu.vector_load_idx %arg9[%add3A_1429, %add3A_1096] : memref<256x64xf32, #tpu.memory_space<vmem>>[vector<16xi32>, vector<16xi32>], vector<16xf32>,
        %add3A_1431 = arith.constant 112 : i32
        %add3A_1432 = vector.broadcast %add3A_1431 : i32 to vector<16xi32>
        %add3A_1433 = arith.addi %and3A_1371, %add3A_1432 : vector<16xi32>
        %add3A_1434 = arith.addf %gather3A_1430, %get3A_1099 : vector<16xf32>
        tpu.vector_store_idx %arg11[%broadcast_in_dim3A_1034, %select_n3A_1068, %select_n3A_1093, %add3A_1433], %add3A_1434 : memref<2x8x8x128xf32, #tpu.memory_space<vmem>>[vector<16xi32>, vector<16xi32>, vector<16xi32>, vector<16xi32>], vector<16xf32>,
      }
      %scan3A_1105 = arith.constant 16 : i32
      %add3A_1106 = arith.constant 16 : i32
      %add3A_1107 = vector.broadcast %add3A_1106 : i32 to vector<16xi32>
      %add3A_1108 = arith.addi %add3A_1107, %iota3A : vector<16xi32>
      %jit3A_1109 = arith.constant 8 : i32
      %div3A_1110 = vector.broadcast %jit3A_1109 : i32 to vector<16xi32>
      %div3A_1111 = arith.divsi %add3A_1108, %div3A_1110 : vector<16xi32>
      %sign3A_1112 = arith.constant 0 : i32
      %sign3A_1113 = vector.broadcast %sign3A_1112 : i32 to vector<16xi32>
      %sign3A_1114 = arith.cmpi sgt, %add3A_1108, %sign3A_1113 : vector<16xi32>
      %sign3A_1115 = arith.extui %sign3A_1114 : vector<16xi1> to vector<16xi32>
      %sign3A_1116 = arith.constant 0 : i32
      %sign3A_1117 = vector.broadcast %sign3A_1116 : i32 to vector<16xi32>
      %sign3A_1118 = arith.cmpi slt, %add3A_1108, %sign3A_1117 : vector<16xi32>
      %sign3A_1119 = arith.extui %sign3A_1118 : vector<16xi1> to vector<16xi32>
      %sign3A_1120 = arith.subi %sign3A_1115, %sign3A_1119 : vector<16xi32>
      %sign3A_1121 = arith.constant 0 : i32
      %sign3A_1122 = arith.cmpi sgt, %jit3A_1109, %sign3A_1121 : i32
      %sign3A_1123 = arith.extui %sign3A_1122 : i1 to i32
      %sign3A_1124 = arith.constant 0 : i32
      %sign3A_1125 = arith.cmpi slt, %jit3A_1109, %sign3A_1124 : i32
      %sign3A_1126 = arith.extui %sign3A_1125 : i1 to i32
      %sign3A_1127 = arith.subi %sign3A_1123, %sign3A_1126 : i32
      %ne3A_1128 = vector.broadcast %sign3A_1127 : i32 to vector<16xi32>
      %ne3A_1129 = arith.cmpi ne, %sign3A_1120, %ne3A_1128 : vector<16xi32>
      %rem3A_1130 = vector.broadcast %jit3A_1109 : i32 to vector<16xi32>
      %rem3A_1131 = arith.remsi %add3A_1108, %rem3A_1130 : vector<16xi32>
      %ne3A_1132 = arith.constant 0 : i32
      %ne3A_1133 = vector.broadcast %ne3A_1132 : i32 to vector<16xi32>
      %ne3A_1134 = arith.cmpi ne, %rem3A_1131, %ne3A_1133 : vector<16xi32>
      %and3A_1135 = arith.andi %ne3A_1129, %ne3A_1134 : vector<16xi1>
      %sub3A_1136 = arith.constant 1 : i32
      %sub3A_1137 = vector.broadcast %sub3A_1136 : i32 to vector<16xi32>
      %sub3A_1138 = arith.subi %div3A_1111, %sub3A_1137 : vector<16xi32>
      %select_n3A_1139 = arith.select %and3A_1135, %sub3A_1138, %div3A_1111 : vector<16xi1>, vector<16xi32>
      %add3A_1140 = arith.constant 16 : i32
      %add3A_1141 = vector.broadcast %add3A_1140 : i32 to vector<16xi32>
      %add3A_1142 = arith.addi %add3A_1141, %iota3A : vector<16xi32>
      %jit3A_1143 = arith.constant 8 : i32
      %eq3A_1144 = arith.constant 0 : i32
      %eq3A_1145 = arith.cmpi eq, %jit3A_1143, %eq3A_1144 : i32
      %jit3A_1146 = arith.constant 1 : i32
      %select_n3A_1147 = arith.select %eq3A_1145, %jit3A_1146, %jit3A_1143 : i32
      %rem3A_1148 = vector.broadcast %select_n3A_1147 : i32 to vector<16xi32>
      %rem3A_1149 = arith.remsi %add3A_1142, %rem3A_1148 : vector<16xi32>
      %ne3A_1150 = arith.constant 0 : i32
      %ne3A_1151 = vector.broadcast %ne3A_1150 : i32 to vector<16xi32>
      %ne3A_1152 = arith.cmpi ne, %rem3A_1149, %ne3A_1151 : vector<16xi32>
      %lt3A_1153 = arith.constant 0 : i32
      %lt3A_1154 = vector.broadcast %lt3A_1153 : i32 to vector<16xi32>
      %lt3A_1155 = arith.cmpi slt, %rem3A_1149, %lt3A_1154 : vector<16xi32>
      %lt3A_1156 = arith.constant 0 : i32
      %lt3A_1157 = arith.cmpi slt, %select_n3A_1147, %lt3A_1156 : i32
      %ne3A_1158 = vector.broadcast %lt3A_1157 : i1 to vector<16xi1>
      %ne3A_1159 = vector.broadcast %ne3A_1158 : vector<16xi1> to vector<16xi1>
      %ne3A_1160 = arith.xori %lt3A_1155, %ne3A_1159 : vector<16xi1>
      %and3A_1161 = arith.andi %ne3A_1160, %ne3A_1152 : vector<16xi1>
      %add3A_1162 = vector.broadcast %select_n3A_1147 : i32 to vector<16xi32>
      %add3A_1163 = arith.addi %rem3A_1149, %add3A_1162 : vector<16xi32>
      %select_n3A_1164 = arith.select %and3A_1161, %add3A_1163, %rem3A_1149 : vector<16xi1>, vector<16xi32>
      %add3A_1165 = arith.constant 16 : i32
      %add3A_1166 = vector.broadcast %add3A_1165 : i32 to vector<16xi32>
      %add3A_1167 = arith.addi %add3A_1166, %iota3A : vector<16xi32>
      %get3A_1168 = arith.index_cast %add3A_1032 : i32 to index
      %get3A_1169 = arith.constant 16 : index
      %get3A_1170 = tpu.vector_load %arg12[%get3A_1168, %get3A_1169] {strides = array<i32>} : memref<200x64xf32, #tpu.memory_space<vmem>>, vector<16xf32>,
      %scan3A_1171 = arith.constant 0 : i32
      %scan3A_1172 = arith.constant 0 : i32
      %scan3A_1173 = arith.constant 16 : i32
      %scan3A_1174 = arith.addi %scan3A_1172, %scan3A_1173 : i32
      %scan3A_1175 = arith.constant 1 : i32
      scf.for %scan3A_1366 = %scan3A_1172 to %scan3A_1174 step %scan3A_1175  : i32 {
        %add3A_1367 = vector.broadcast %scan3A_1366 : i32 to vector<16xi32>
        %add3A_1368 = arith.addi %iota3A, %add3A_1367 : vector<16xi32>
        %and3A_1369 = arith.constant 15 : i32
        %and3A_1370 = vector.broadcast %and3A_1369 : i32 to vector<16xi32>
        %and3A_1371 = arith.andi %add3A_1368, %and3A_1370 : vector<16xi32>
        %add3A_1372 = arith.constant 128 : i32
        %add3A_1373 = vector.broadcast %add3A_1372 : i32 to vector<16xi32>
        %add3A_1374 = arith.addi %and3A_1371, %add3A_1373 : vector<16xi32>
        %gather3A = tpu.vector_load_idx %arg9[%add3A_1374, %add3A_1167] : memref<256x64xf32, #tpu.memory_space<vmem>>[vector<16xi32>, vector<16xi32>], vector<16xf32>,
        %add3A_1375 = arith.constant 0 : i32
        %add3A_1376 = vector.broadcast %add3A_1375 : i32 to vector<16xi32>
        %add3A_1377 = arith.addi %and3A_1371, %add3A_1376 : vector<16xi32>
        %add3A_1378 = arith.addf %gather3A, %get3A_1170 : vector<16xf32>
        tpu.vector_store_idx %arg11[%broadcast_in_dim3A_1034, %select_n3A_1139, %select_n3A_1164, %add3A_1377], %add3A_1378 : memref<2x8x8x128xf32, #tpu.memory_space<vmem>>[vector<16xi32>, vector<16xi32>, vector<16xi32>, vector<16xi32>], vector<16xf32>,
        %add3A_1379 = arith.constant 144 : i32
        %add3A_1380 = vector.broadcast %add3A_1379 : i32 to vector<16xi32>
        %add3A_1381 = arith.addi %and3A_1371, %add3A_1380 : vector<16xi32>
        %gather3A_1382 = tpu.vector_load_idx %arg9[%add3A_1381, %add3A_1167] : memref<256x64xf32, #tpu.memory_space<vmem>>[vector<16xi32>, vector<16xi32>], vector<16xf32>,
        %add3A_1383 = arith.constant 16 : i32
        %add3A_1384 = vector.broadcast %add3A_1383 : i32 to vector<16xi32>
        %add3A_1385 = arith.addi %and3A_1371, %add3A_1384 : vector<16xi32>
        %add3A_1386 = arith.addf %gather3A_1382, %get3A_1170 : vector<16xf32>
        tpu.vector_store_idx %arg11[%broadcast_in_dim3A_1034, %select_n3A_1139, %select_n3A_1164, %add3A_1385], %add3A_1386 : memref<2x8x8x128xf32, #tpu.memory_space<vmem>>[vector<16xi32>, vector<16xi32>, vector<16xi32>, vector<16xi32>], vector<16xf32>,
        %add3A_1387 = arith.constant 160 : i32
        %add3A_1388 = vector.broadcast %add3A_1387 : i32 to vector<16xi32>
        %add3A_1389 = arith.addi %and3A_1371, %add3A_1388 : vector<16xi32>
        %gather3A_1390 = tpu.vector_load_idx %arg9[%add3A_1389, %add3A_1167] : memref<256x64xf32, #tpu.memory_space<vmem>>[vector<16xi32>, vector<16xi32>], vector<16xf32>,
        %add3A_1391 = arith.constant 32 : i32
        %add3A_1392 = vector.broadcast %add3A_1391 : i32 to vector<16xi32>
        %add3A_1393 = arith.addi %and3A_1371, %add3A_1392 : vector<16xi32>
        %add3A_1394 = arith.addf %gather3A_1390, %get3A_1170 : vector<16xf32>
        tpu.vector_store_idx %arg11[%broadcast_in_dim3A_1034, %select_n3A_1139, %select_n3A_1164, %add3A_1393], %add3A_1394 : memref<2x8x8x128xf32, #tpu.memory_space<vmem>>[vector<16xi32>, vector<16xi32>, vector<16xi32>, vector<16xi32>], vector<16xf32>,
        %add3A_1395 = arith.constant 176 : i32
        %add3A_1396 = vector.broadcast %add3A_1395 : i32 to vector<16xi32>
        %add3A_1397 = arith.addi %and3A_1371, %add3A_1396 : vector<16xi32>
        %gather3A_1398 = tpu.vector_load_idx %arg9[%add3A_1397, %add3A_1167] : memref<256x64xf32, #tpu.memory_space<vmem>>[vector<16xi32>, vector<16xi32>], vector<16xf32>,
        %add3A_1399 = arith.constant 48 : i32
        %add3A_1400 = vector.broadcast %add3A_1399 : i32 to vector<16xi32>
        %add3A_1401 = arith.addi %and3A_1371, %add3A_1400 : vector<16xi32>
        %add3A_1402 = arith.addf %gather3A_1398, %get3A_1170 : vector<16xf32>
        tpu.vector_store_idx %arg11[%broadcast_in_dim3A_1034, %select_n3A_1139, %select_n3A_1164, %add3A_1401], %add3A_1402 : memref<2x8x8x128xf32, #tpu.memory_space<vmem>>[vector<16xi32>, vector<16xi32>, vector<16xi32>, vector<16xi32>], vector<16xf32>,
        %add3A_1403 = arith.constant 192 : i32
        %add3A_1404 = vector.broadcast %add3A_1403 : i32 to vector<16xi32>
        %add3A_1405 = arith.addi %and3A_1371, %add3A_1404 : vector<16xi32>
        %gather3A_1406 = tpu.vector_load_idx %arg9[%add3A_1405, %add3A_1167] : memref<256x64xf32, #tpu.memory_space<vmem>>[vector<16xi32>, vector<16xi32>], vector<16xf32>,
        %add3A_1407 = arith.constant 64 : i32
        %add3A_1408 = vector.broadcast %add3A_1407 : i32 to vector<16xi32>
        %add3A_1409 = arith.addi %and3A_1371, %add3A_1408 : vector<16xi32>
        %add3A_1410 = arith.addf %gather3A_1406, %get3A_1170 : vector<16xf32>
        tpu.vector_store_idx %arg11[%broadcast_in_dim3A_1034, %select_n3A_1139, %select_n3A_1164, %add3A_1409], %add3A_1410 : memref<2x8x8x128xf32, #tpu.memory_space<vmem>>[vector<16xi32>, vector<16xi32>, vector<16xi32>, vector<16xi32>], vector<16xf32>,
        %add3A_1411 = arith.constant 208 : i32
        %add3A_1412 = vector.broadcast %add3A_1411 : i32 to vector<16xi32>
        %add3A_1413 = arith.addi %and3A_1371, %add3A_1412 : vector<16xi32>
        %gather3A_1414 = tpu.vector_load_idx %arg9[%add3A_1413, %add3A_1167] : memref<256x64xf32, #tpu.memory_space<vmem>>[vector<16xi32>, vector<16xi32>], vector<16xf32>,
        %add3A_1415 = arith.constant 80 : i32
        %add3A_1416 = vector.broadcast %add3A_1415 : i32 to vector<16xi32>
        %add3A_1417 = arith.addi %and3A_1371, %add3A_1416 : vector<16xi32>
        %add3A_1418 = arith.addf %gather3A_1414, %get3A_1170 : vector<16xf32>
        tpu.vector_store_idx %arg11[%broadcast_in_dim3A_1034, %select_n3A_1139, %select_n3A_1164, %add3A_1417], %add3A_1418 : memref<2x8x8x128xf32, #tpu.memory_space<vmem>>[vector<16xi32>, vector<16xi32>, vector<16xi32>, vector<16xi32>], vector<16xf32>,
        %add3A_1419 = arith.constant 224 : i32
        %add3A_1420 = vector.broadcast %add3A_1419 : i32 to vector<16xi32>
        %add3A_1421 = arith.addi %and3A_1371, %add3A_1420 : vector<16xi32>
        %gather3A_1422 = tpu.vector_load_idx %arg9[%add3A_1421, %add3A_1167] : memref<256x64xf32, #tpu.memory_space<vmem>>[vector<16xi32>, vector<16xi32>], vector<16xf32>,
        %add3A_1423 = arith.constant 96 : i32
        %add3A_1424 = vector.broadcast %add3A_1423 : i32 to vector<16xi32>
        %add3A_1425 = arith.addi %and3A_1371, %add3A_1424 : vector<16xi32>
        %add3A_1426 = arith.addf %gather3A_1422, %get3A_1170 : vector<16xf32>
        tpu.vector_store_idx %arg11[%broadcast_in_dim3A_1034, %select_n3A_1139, %select_n3A_1164, %add3A_1425], %add3A_1426 : memref<2x8x8x128xf32, #tpu.memory_space<vmem>>[vector<16xi32>, vector<16xi32>, vector<16xi32>, vector<16xi32>], vector<16xf32>,
        %add3A_1427 = arith.constant 240 : i32
        %add3A_1428 = vector.broadcast %add3A_1427 : i32 to vector<16xi32>
        %add3A_1429 = arith.addi %and3A_1371, %add3A_1428 : vector<16xi32>
        %gather3A_1430 = tpu.vector_load_idx %arg9[%add3A_1429, %add3A_1167] : memref<256x64xf32, #tpu.memory_space<vmem>>[vector<16xi32>, vector<16xi32>], vector<16xf32>,
        %add3A_1431 = arith.constant 112 : i32
        %add3A_1432 = vector.broadcast %add3A_1431 : i32 to vector<16xi32>
        %add3A_1433 = arith.addi %and3A_1371, %add3A_1432 : vector<16xi32>
        %add3A_1434 = arith.addf %gather3A_1430, %get3A_1170 : vector<16xf32>
        tpu.vector_store_idx %arg11[%broadcast_in_dim3A_1034, %select_n3A_1139, %select_n3A_1164, %add3A_1433], %add3A_1434 : memref<2x8x8x128xf32, #tpu.memory_space<vmem>>[vector<16xi32>, vector<16xi32>, vector<16xi32>, vector<16xi32>], vector<16xf32>,
      }
      %scan3A_1176 = arith.constant 16 : i32
      %add3A_1177 = arith.constant 32 : i32
      %add3A_1178 = vector.broadcast %add3A_1177 : i32 to vector<16xi32>
      %add3A_1179 = arith.addi %add3A_1178, %iota3A : vector<16xi32>
      %jit3A_1180 = arith.constant 8 : i32
      %div3A_1181 = vector.broadcast %jit3A_1180 : i32 to vector<16xi32>
      %div3A_1182 = arith.divsi %add3A_1179, %div3A_1181 : vector<16xi32>
      %sign3A_1183 = arith.constant 0 : i32
      %sign3A_1184 = vector.broadcast %sign3A_1183 : i32 to vector<16xi32>
      %sign3A_1185 = arith.cmpi sgt, %add3A_1179, %sign3A_1184 : vector<16xi32>
      %sign3A_1186 = arith.extui %sign3A_1185 : vector<16xi1> to vector<16xi32>
      %sign3A_1187 = arith.constant 0 : i32
      %sign3A_1188 = vector.broadcast %sign3A_1187 : i32 to vector<16xi32>
      %sign3A_1189 = arith.cmpi slt, %add3A_1179, %sign3A_1188 : vector<16xi32>
      %sign3A_1190 = arith.extui %sign3A_1189 : vector<16xi1> to vector<16xi32>
      %sign3A_1191 = arith.subi %sign3A_1186, %sign3A_1190 : vector<16xi32>
      %sign3A_1192 = arith.constant 0 : i32
      %sign3A_1193 = arith.cmpi sgt, %jit3A_1180, %sign3A_1192 : i32
      %sign3A_1194 = arith.extui %sign3A_1193 : i1 to i32
      %sign3A_1195 = arith.constant 0 : i32
      %sign3A_1196 = arith.cmpi slt, %jit3A_1180, %sign3A_1195 : i32
      %sign3A_1197 = arith.extui %sign3A_1196 : i1 to i32
      %sign3A_1198 = arith.subi %sign3A_1194, %sign3A_1197 : i32
      %ne3A_1199 = vector.broadcast %sign3A_1198 : i32 to vector<16xi32>
      %ne3A_1200 = arith.cmpi ne, %sign3A_1191, %ne3A_1199 : vector<16xi32>
      %rem3A_1201 = vector.broadcast %jit3A_1180 : i32 to vector<16xi32>
      %rem3A_1202 = arith.remsi %add3A_1179, %rem3A_1201 : vector<16xi32>
      %ne3A_1203 = arith.constant 0 : i32
      %ne3A_1204 = vector.broadcast %ne3A_1203 : i32 to vector<16xi32>
      %ne3A_1205 = arith.cmpi ne, %rem3A_1202, %ne3A_1204 : vector<16xi32>
      %and3A_1206 = arith.andi %ne3A_1200, %ne3A_1205 : vector<16xi1>
      %sub3A_1207 = arith.constant 1 : i32
      %sub3A_1208 = vector.broadcast %sub3A_1207 : i32 to vector<16xi32>
      %sub3A_1209 = arith.subi %div3A_1182, %sub3A_1208 : vector<16xi32>
      %select_n3A_1210 = arith.select %and3A_1206, %sub3A_1209, %div3A_1182 : vector<16xi1>, vector<16xi32>
      %add3A_1211 = arith.constant 32 : i32
      %add3A_1212 = vector.broadcast %add3A_1211 : i32 to vector<16xi32>
      %add3A_1213 = arith.addi %add3A_1212, %iota3A : vector<16xi32>
      %jit3A_1214 = arith.constant 8 : i32
      %eq3A_1215 = arith.constant 0 : i32
      %eq3A_1216 = arith.cmpi eq, %jit3A_1214, %eq3A_1215 : i32
      %jit3A_1217 = arith.constant 1 : i32
      %select_n3A_1218 = arith.select %eq3A_1216, %jit3A_1217, %jit3A_1214 : i32
      %rem3A_1219 = vector.broadcast %select_n3A_1218 : i32 to vector<16xi32>
      %rem3A_1220 = arith.remsi %add3A_1213, %rem3A_1219 : vector<16xi32>
      %ne3A_1221 = arith.constant 0 : i32
      %ne3A_1222 = vector.broadcast %ne3A_1221 : i32 to vector<16xi32>
      %ne3A_1223 = arith.cmpi ne, %rem3A_1220, %ne3A_1222 : vector<16xi32>
      %lt3A_1224 = arith.constant 0 : i32
      %lt3A_1225 = vector.broadcast %lt3A_1224 : i32 to vector<16xi32>
      %lt3A_1226 = arith.cmpi slt, %rem3A_1220, %lt3A_1225 : vector<16xi32>
      %lt3A_1227 = arith.constant 0 : i32
      %lt3A_1228 = arith.cmpi slt, %select_n3A_1218, %lt3A_1227 : i32
      %ne3A_1229 = vector.broadcast %lt3A_1228 : i1 to vector<16xi1>
      %ne3A_1230 = vector.broadcast %ne3A_1229 : vector<16xi1> to vector<16xi1>
      %ne3A_1231 = arith.xori %lt3A_1226, %ne3A_1230 : vector<16xi1>
      %and3A_1232 = arith.andi %ne3A_1231, %ne3A_1223 : vector<16xi1>
      %add3A_1233 = vector.broadcast %select_n3A_1218 : i32 to vector<16xi32>
      %add3A_1234 = arith.addi %rem3A_1220, %add3A_1233 : vector<16xi32>
      %select_n3A_1235 = arith.select %and3A_1232, %add3A_1234, %rem3A_1220 : vector<16xi1>, vector<16xi32>
      %add3A_1236 = arith.constant 32 : i32
      %add3A_1237 = vector.broadcast %add3A_1236 : i32 to vector<16xi32>
      %add3A_1238 = arith.addi %add3A_1237, %iota3A : vector<16xi32>
      %get3A_1239 = arith.index_cast %add3A_1032 : i32 to index
      %get3A_1240 = arith.constant 32 : index
      %get3A_1241 = tpu.vector_load %arg12[%get3A_1239, %get3A_1240] {strides = array<i32>} : memref<200x64xf32, #tpu.memory_space<vmem>>, vector<16xf32>,
      %scan3A_1242 = arith.constant 0 : i32
      %scan3A_1243 = arith.constant 0 : i32
      %scan3A_1244 = arith.constant 16 : i32
      %scan3A_1245 = arith.addi %scan3A_1243, %scan3A_1244 : i32
      %scan3A_1246 = arith.constant 1 : i32
      scf.for %scan3A_1366 = %scan3A_1243 to %scan3A_1245 step %scan3A_1246  : i32 {
        %add3A_1367 = vector.broadcast %scan3A_1366 : i32 to vector<16xi32>
        %add3A_1368 = arith.addi %iota3A, %add3A_1367 : vector<16xi32>
        %and3A_1369 = arith.constant 15 : i32
        %and3A_1370 = vector.broadcast %and3A_1369 : i32 to vector<16xi32>
        %and3A_1371 = arith.andi %add3A_1368, %and3A_1370 : vector<16xi32>
        %add3A_1372 = arith.constant 128 : i32
        %add3A_1373 = vector.broadcast %add3A_1372 : i32 to vector<16xi32>
        %add3A_1374 = arith.addi %and3A_1371, %add3A_1373 : vector<16xi32>
        %gather3A = tpu.vector_load_idx %arg9[%add3A_1374, %add3A_1238] : memref<256x64xf32, #tpu.memory_space<vmem>>[vector<16xi32>, vector<16xi32>], vector<16xf32>,
        %add3A_1375 = arith.constant 0 : i32
        %add3A_1376 = vector.broadcast %add3A_1375 : i32 to vector<16xi32>
        %add3A_1377 = arith.addi %and3A_1371, %add3A_1376 : vector<16xi32>
        %add3A_1378 = arith.addf %gather3A, %get3A_1241 : vector<16xf32>
        tpu.vector_store_idx %arg11[%broadcast_in_dim3A_1034, %select_n3A_1210, %select_n3A_1235, %add3A_1377], %add3A_1378 : memref<2x8x8x128xf32, #tpu.memory_space<vmem>>[vector<16xi32>, vector<16xi32>, vector<16xi32>, vector<16xi32>], vector<16xf32>,
        %add3A_1379 = arith.constant 144 : i32
        %add3A_1380 = vector.broadcast %add3A_1379 : i32 to vector<16xi32>
        %add3A_1381 = arith.addi %and3A_1371, %add3A_1380 : vector<16xi32>
        %gather3A_1382 = tpu.vector_load_idx %arg9[%add3A_1381, %add3A_1238] : memref<256x64xf32, #tpu.memory_space<vmem>>[vector<16xi32>, vector<16xi32>], vector<16xf32>,
        %add3A_1383 = arith.constant 16 : i32
        %add3A_1384 = vector.broadcast %add3A_1383 : i32 to vector<16xi32>
        %add3A_1385 = arith.addi %and3A_1371, %add3A_1384 : vector<16xi32>
        %add3A_1386 = arith.addf %gather3A_1382, %get3A_1241 : vector<16xf32>
        tpu.vector_store_idx %arg11[%broadcast_in_dim3A_1034, %select_n3A_1210, %select_n3A_1235, %add3A_1385], %add3A_1386 : memref<2x8x8x128xf32, #tpu.memory_space<vmem>>[vector<16xi32>, vector<16xi32>, vector<16xi32>, vector<16xi32>], vector<16xf32>,
        %add3A_1387 = arith.constant 160 : i32
        %add3A_1388 = vector.broadcast %add3A_1387 : i32 to vector<16xi32>
        %add3A_1389 = arith.addi %and3A_1371, %add3A_1388 : vector<16xi32>
        %gather3A_1390 = tpu.vector_load_idx %arg9[%add3A_1389, %add3A_1238] : memref<256x64xf32, #tpu.memory_space<vmem>>[vector<16xi32>, vector<16xi32>], vector<16xf32>,
        %add3A_1391 = arith.constant 32 : i32
        %add3A_1392 = vector.broadcast %add3A_1391 : i32 to vector<16xi32>
        %add3A_1393 = arith.addi %and3A_1371, %add3A_1392 : vector<16xi32>
        %add3A_1394 = arith.addf %gather3A_1390, %get3A_1241 : vector<16xf32>
        tpu.vector_store_idx %arg11[%broadcast_in_dim3A_1034, %select_n3A_1210, %select_n3A_1235, %add3A_1393], %add3A_1394 : memref<2x8x8x128xf32, #tpu.memory_space<vmem>>[vector<16xi32>, vector<16xi32>, vector<16xi32>, vector<16xi32>], vector<16xf32>,
        %add3A_1395 = arith.constant 176 : i32
        %add3A_1396 = vector.broadcast %add3A_1395 : i32 to vector<16xi32>
        %add3A_1397 = arith.addi %and3A_1371, %add3A_1396 : vector<16xi32>
        %gather3A_1398 = tpu.vector_load_idx %arg9[%add3A_1397, %add3A_1238] : memref<256x64xf32, #tpu.memory_space<vmem>>[vector<16xi32>, vector<16xi32>], vector<16xf32>,
        %add3A_1399 = arith.constant 48 : i32
        %add3A_1400 = vector.broadcast %add3A_1399 : i32 to vector<16xi32>
        %add3A_1401 = arith.addi %and3A_1371, %add3A_1400 : vector<16xi32>
        %add3A_1402 = arith.addf %gather3A_1398, %get3A_1241 : vector<16xf32>
        tpu.vector_store_idx %arg11[%broadcast_in_dim3A_1034, %select_n3A_1210, %select_n3A_1235, %add3A_1401], %add3A_1402 : memref<2x8x8x128xf32, #tpu.memory_space<vmem>>[vector<16xi32>, vector<16xi32>, vector<16xi32>, vector<16xi32>], vector<16xf32>,
        %add3A_1403 = arith.constant 192 : i32
        %add3A_1404 = vector.broadcast %add3A_1403 : i32 to vector<16xi32>
        %add3A_1405 = arith.addi %and3A_1371, %add3A_1404 : vector<16xi32>
        %gather3A_1406 = tpu.vector_load_idx %arg9[%add3A_1405, %add3A_1238] : memref<256x64xf32, #tpu.memory_space<vmem>>[vector<16xi32>, vector<16xi32>], vector<16xf32>,
        %add3A_1407 = arith.constant 64 : i32
        %add3A_1408 = vector.broadcast %add3A_1407 : i32 to vector<16xi32>
        %add3A_1409 = arith.addi %and3A_1371, %add3A_1408 : vector<16xi32>
        %add3A_1410 = arith.addf %gather3A_1406, %get3A_1241 : vector<16xf32>
        tpu.vector_store_idx %arg11[%broadcast_in_dim3A_1034, %select_n3A_1210, %select_n3A_1235, %add3A_1409], %add3A_1410 : memref<2x8x8x128xf32, #tpu.memory_space<vmem>>[vector<16xi32>, vector<16xi32>, vector<16xi32>, vector<16xi32>], vector<16xf32>,
        %add3A_1411 = arith.constant 208 : i32
        %add3A_1412 = vector.broadcast %add3A_1411 : i32 to vector<16xi32>
        %add3A_1413 = arith.addi %and3A_1371, %add3A_1412 : vector<16xi32>
        %gather3A_1414 = tpu.vector_load_idx %arg9[%add3A_1413, %add3A_1238] : memref<256x64xf32, #tpu.memory_space<vmem>>[vector<16xi32>, vector<16xi32>], vector<16xf32>,
        %add3A_1415 = arith.constant 80 : i32
        %add3A_1416 = vector.broadcast %add3A_1415 : i32 to vector<16xi32>
        %add3A_1417 = arith.addi %and3A_1371, %add3A_1416 : vector<16xi32>
        %add3A_1418 = arith.addf %gather3A_1414, %get3A_1241 : vector<16xf32>
        tpu.vector_store_idx %arg11[%broadcast_in_dim3A_1034, %select_n3A_1210, %select_n3A_1235, %add3A_1417], %add3A_1418 : memref<2x8x8x128xf32, #tpu.memory_space<vmem>>[vector<16xi32>, vector<16xi32>, vector<16xi32>, vector<16xi32>], vector<16xf32>,
        %add3A_1419 = arith.constant 224 : i32
        %add3A_1420 = vector.broadcast %add3A_1419 : i32 to vector<16xi32>
        %add3A_1421 = arith.addi %and3A_1371, %add3A_1420 : vector<16xi32>
        %gather3A_1422 = tpu.vector_load_idx %arg9[%add3A_1421, %add3A_1238] : memref<256x64xf32, #tpu.memory_space<vmem>>[vector<16xi32>, vector<16xi32>], vector<16xf32>,
        %add3A_1423 = arith.constant 96 : i32
        %add3A_1424 = vector.broadcast %add3A_1423 : i32 to vector<16xi32>
        %add3A_1425 = arith.addi %and3A_1371, %add3A_1424 : vector<16xi32>
        %add3A_1426 = arith.addf %gather3A_1422, %get3A_1241 : vector<16xf32>
        tpu.vector_store_idx %arg11[%broadcast_in_dim3A_1034, %select_n3A_1210, %select_n3A_1235, %add3A_1425], %add3A_1426 : memref<2x8x8x128xf32, #tpu.memory_space<vmem>>[vector<16xi32>, vector<16xi32>, vector<16xi32>, vector<16xi32>], vector<16xf32>,
        %add3A_1427 = arith.constant 240 : i32
        %add3A_1428 = vector.broadcast %add3A_1427 : i32 to vector<16xi32>
        %add3A_1429 = arith.addi %and3A_1371, %add3A_1428 : vector<16xi32>
        %gather3A_1430 = tpu.vector_load_idx %arg9[%add3A_1429, %add3A_1238] : memref<256x64xf32, #tpu.memory_space<vmem>>[vector<16xi32>, vector<16xi32>], vector<16xf32>,
        %add3A_1431 = arith.constant 112 : i32
        %add3A_1432 = vector.broadcast %add3A_1431 : i32 to vector<16xi32>
        %add3A_1433 = arith.addi %and3A_1371, %add3A_1432 : vector<16xi32>
        %add3A_1434 = arith.addf %gather3A_1430, %get3A_1241 : vector<16xf32>
        tpu.vector_store_idx %arg11[%broadcast_in_dim3A_1034, %select_n3A_1210, %select_n3A_1235, %add3A_1433], %add3A_1434 : memref<2x8x8x128xf32, #tpu.memory_space<vmem>>[vector<16xi32>, vector<16xi32>, vector<16xi32>, vector<16xi32>], vector<16xf32>,
      }
      %scan3A_1247 = arith.constant 16 : i32
      %add3A_1248 = arith.constant 48 : i32
      %add3A_1249 = vector.broadcast %add3A_1248 : i32 to vector<16xi32>
      %add3A_1250 = arith.addi %add3A_1249, %iota3A : vector<16xi32>
      %jit3A_1251 = arith.constant 8 : i32
      %div3A_1252 = vector.broadcast %jit3A_1251 : i32 to vector<16xi32>
      %div3A_1253 = arith.divsi %add3A_1250, %div3A_1252 : vector<16xi32>
      %sign3A_1254 = arith.constant 0 : i32
      %sign3A_1255 = vector.broadcast %sign3A_1254 : i32 to vector<16xi32>
      %sign3A_1256 = arith.cmpi sgt, %add3A_1250, %sign3A_1255 : vector<16xi32>
      %sign3A_1257 = arith.extui %sign3A_1256 : vector<16xi1> to vector<16xi32>
      %sign3A_1258 = arith.constant 0 : i32
      %sign3A_1259 = vector.broadcast %sign3A_1258 : i32 to vector<16xi32>
      %sign3A_1260 = arith.cmpi slt, %add3A_1250, %sign3A_1259 : vector<16xi32>
      %sign3A_1261 = arith.extui %sign3A_1260 : vector<16xi1> to vector<16xi32>
      %sign3A_1262 = arith.subi %sign3A_1257, %sign3A_1261 : vector<16xi32>
      %sign3A_1263 = arith.constant 0 : i32
      %sign3A_1264 = arith.cmpi sgt, %jit3A_1251, %sign3A_1263 : i32
      %sign3A_1265 = arith.extui %sign3A_1264 : i1 to i32
      %sign3A_1266 = arith.constant 0 : i32
      %sign3A_1267 = arith.cmpi slt, %jit3A_1251, %sign3A_1266 : i32
      %sign3A_1268 = arith.extui %sign3A_1267 : i1 to i32
      %sign3A_1269 = arith.subi %sign3A_1265, %sign3A_1268 : i32
      %ne3A_1270 = vector.broadcast %sign3A_1269 : i32 to vector<16xi32>
      %ne3A_1271 = arith.cmpi ne, %sign3A_1262, %ne3A_1270 : vector<16xi32>
      %rem3A_1272 = vector.broadcast %jit3A_1251 : i32 to vector<16xi32>
      %rem3A_1273 = arith.remsi %add3A_1250, %rem3A_1272 : vector<16xi32>
      %ne3A_1274 = arith.constant 0 : i32
      %ne3A_1275 = vector.broadcast %ne3A_1274 : i32 to vector<16xi32>
      %ne3A_1276 = arith.cmpi ne, %rem3A_1273, %ne3A_1275 : vector<16xi32>
      %and3A_1277 = arith.andi %ne3A_1271, %ne3A_1276 : vector<16xi1>
      %sub3A_1278 = arith.constant 1 : i32
      %sub3A_1279 = vector.broadcast %sub3A_1278 : i32 to vector<16xi32>
      %sub3A_1280 = arith.subi %div3A_1253, %sub3A_1279 : vector<16xi32>
      %select_n3A_1281 = arith.select %and3A_1277, %sub3A_1280, %div3A_1253 : vector<16xi1>, vector<16xi32>
      %add3A_1282 = arith.constant 48 : i32
      %add3A_1283 = vector.broadcast %add3A_1282 : i32 to vector<16xi32>
      %add3A_1284 = arith.addi %add3A_1283, %iota3A : vector<16xi32>
      %jit3A_1285 = arith.constant 8 : i32
      %eq3A_1286 = arith.constant 0 : i32
      %eq3A_1287 = arith.cmpi eq, %jit3A_1285, %eq3A_1286 : i32
      %jit3A_1288 = arith.constant 1 : i32
      %select_n3A_1289 = arith.select %eq3A_1287, %jit3A_1288, %jit3A_1285 : i32
      %rem3A_1290 = vector.broadcast %select_n3A_1289 : i32 to vector<16xi32>
      %rem3A_1291 = arith.remsi %add3A_1284, %rem3A_1290 : vector<16xi32>
      %ne3A_1292 = arith.constant 0 : i32
      %ne3A_1293 = vector.broadcast %ne3A_1292 : i32 to vector<16xi32>
      %ne3A_1294 = arith.cmpi ne, %rem3A_1291, %ne3A_1293 : vector<16xi32>
      %lt3A_1295 = arith.constant 0 : i32
      %lt3A_1296 = vector.broadcast %lt3A_1295 : i32 to vector<16xi32>
      %lt3A_1297 = arith.cmpi slt, %rem3A_1291, %lt3A_1296 : vector<16xi32>
      %lt3A_1298 = arith.constant 0 : i32
      %lt3A_1299 = arith.cmpi slt, %select_n3A_1289, %lt3A_1298 : i32
      %ne3A_1300 = vector.broadcast %lt3A_1299 : i1 to vector<16xi1>
      %ne3A_1301 = vector.broadcast %ne3A_1300 : vector<16xi1> to vector<16xi1>
      %ne3A_1302 = arith.xori %lt3A_1297, %ne3A_1301 : vector<16xi1>
      %and3A_1303 = arith.andi %ne3A_1302, %ne3A_1294 : vector<16xi1>
      %add3A_1304 = vector.broadcast %select_n3A_1289 : i32 to vector<16xi32>
      %add3A_1305 = arith.addi %rem3A_1291, %add3A_1304 : vector<16xi32>
      %select_n3A_1306 = arith.select %and3A_1303, %add3A_1305, %rem3A_1291 : vector<16xi1>, vector<16xi32>
      %add3A_1307 = arith.constant 48 : i32
      %add3A_1308 = vector.broadcast %add3A_1307 : i32 to vector<16xi32>
      %add3A_1309 = arith.addi %add3A_1308, %iota3A : vector<16xi32>
      %get3A_1310 = arith.index_cast %add3A_1032 : i32 to index
      %get3A_1311 = arith.constant 48 : index
      %get3A_1312 = tpu.vector_load %arg12[%get3A_1310, %get3A_1311] {strides = array<i32>} : memref<200x64xf32, #tpu.memory_space<vmem>>, vector<16xf32>,
      %scan3A_1313 = arith.constant 0 : i32
      %scan3A_1314 = arith.constant 0 : i32
      %scan3A_1315 = arith.constant 16 : i32
      %scan3A_1316 = arith.addi %scan3A_1314, %scan3A_1315 : i32
      %scan3A_1317 = arith.constant 1 : i32
      scf.for %scan3A_1366 = %scan3A_1314 to %scan3A_1316 step %scan3A_1317  : i32 {
        %add3A_1367 = vector.broadcast %scan3A_1366 : i32 to vector<16xi32>
        %add3A_1368 = arith.addi %iota3A, %add3A_1367 : vector<16xi32>
        %and3A_1369 = arith.constant 15 : i32
        %and3A_1370 = vector.broadcast %and3A_1369 : i32 to vector<16xi32>
        %and3A_1371 = arith.andi %add3A_1368, %and3A_1370 : vector<16xi32>
        %add3A_1372 = arith.constant 128 : i32
        %add3A_1373 = vector.broadcast %add3A_1372 : i32 to vector<16xi32>
        %add3A_1374 = arith.addi %and3A_1371, %add3A_1373 : vector<16xi32>
        %gather3A = tpu.vector_load_idx %arg9[%add3A_1374, %add3A_1309] : memref<256x64xf32, #tpu.memory_space<vmem>>[vector<16xi32>, vector<16xi32>], vector<16xf32>,
        %add3A_1375 = arith.constant 0 : i32
        %add3A_1376 = vector.broadcast %add3A_1375 : i32 to vector<16xi32>
        %add3A_1377 = arith.addi %and3A_1371, %add3A_1376 : vector<16xi32>
        %add3A_1378 = arith.addf %gather3A, %get3A_1312 : vector<16xf32>
        tpu.vector_store_idx %arg11[%broadcast_in_dim3A_1034, %select_n3A_1281, %select_n3A_1306, %add3A_1377], %add3A_1378 : memref<2x8x8x128xf32, #tpu.memory_space<vmem>>[vector<16xi32>, vector<16xi32>, vector<16xi32>, vector<16xi32>], vector<16xf32>,
        %add3A_1379 = arith.constant 144 : i32
        %add3A_1380 = vector.broadcast %add3A_1379 : i32 to vector<16xi32>
        %add3A_1381 = arith.addi %and3A_1371, %add3A_1380 : vector<16xi32>
        %gather3A_1382 = tpu.vector_load_idx %arg9[%add3A_1381, %add3A_1309] : memref<256x64xf32, #tpu.memory_space<vmem>>[vector<16xi32>, vector<16xi32>], vector<16xf32>,
        %add3A_1383 = arith.constant 16 : i32
        %add3A_1384 = vector.broadcast %add3A_1383 : i32 to vector<16xi32>
        %add3A_1385 = arith.addi %and3A_1371, %add3A_1384 : vector<16xi32>
        %add3A_1386 = arith.addf %gather3A_1382, %get3A_1312 : vector<16xf32>
        tpu.vector_store_idx %arg11[%broadcast_in_dim3A_1034, %select_n3A_1281, %select_n3A_1306, %add3A_1385], %add3A_1386 : memref<2x8x8x128xf32, #tpu.memory_space<vmem>>[vector<16xi32>, vector<16xi32>, vector<16xi32>, vector<16xi32>], vector<16xf32>,
        %add3A_1387 = arith.constant 160 : i32
        %add3A_1388 = vector.broadcast %add3A_1387 : i32 to vector<16xi32>
        %add3A_1389 = arith.addi %and3A_1371, %add3A_1388 : vector<16xi32>
        %gather3A_1390 = tpu.vector_load_idx %arg9[%add3A_1389, %add3A_1309] : memref<256x64xf32, #tpu.memory_space<vmem>>[vector<16xi32>, vector<16xi32>], vector<16xf32>,
        %add3A_1391 = arith.constant 32 : i32
        %add3A_1392 = vector.broadcast %add3A_1391 : i32 to vector<16xi32>
        %add3A_1393 = arith.addi %and3A_1371, %add3A_1392 : vector<16xi32>
        %add3A_1394 = arith.addf %gather3A_1390, %get3A_1312 : vector<16xf32>
        tpu.vector_store_idx %arg11[%broadcast_in_dim3A_1034, %select_n3A_1281, %select_n3A_1306, %add3A_1393], %add3A_1394 : memref<2x8x8x128xf32, #tpu.memory_space<vmem>>[vector<16xi32>, vector<16xi32>, vector<16xi32>, vector<16xi32>], vector<16xf32>,
        %add3A_1395 = arith.constant 176 : i32
        %add3A_1396 = vector.broadcast %add3A_1395 : i32 to vector<16xi32>
        %add3A_1397 = arith.addi %and3A_1371, %add3A_1396 : vector<16xi32>
        %gather3A_1398 = tpu.vector_load_idx %arg9[%add3A_1397, %add3A_1309] : memref<256x64xf32, #tpu.memory_space<vmem>>[vector<16xi32>, vector<16xi32>], vector<16xf32>,
        %add3A_1399 = arith.constant 48 : i32
        %add3A_1400 = vector.broadcast %add3A_1399 : i32 to vector<16xi32>
        %add3A_1401 = arith.addi %and3A_1371, %add3A_1400 : vector<16xi32>
        %add3A_1402 = arith.addf %gather3A_1398, %get3A_1312 : vector<16xf32>
        tpu.vector_store_idx %arg11[%broadcast_in_dim3A_1034, %select_n3A_1281, %select_n3A_1306, %add3A_1401], %add3A_1402 : memref<2x8x8x128xf32, #tpu.memory_space<vmem>>[vector<16xi32>, vector<16xi32>, vector<16xi32>, vector<16xi32>], vector<16xf32>,
        %add3A_1403 = arith.constant 192 : i32
        %add3A_1404 = vector.broadcast %add3A_1403 : i32 to vector<16xi32>
        %add3A_1405 = arith.addi %and3A_1371, %add3A_1404 : vector<16xi32>
        %gather3A_1406 = tpu.vector_load_idx %arg9[%add3A_1405, %add3A_1309] : memref<256x64xf32, #tpu.memory_space<vmem>>[vector<16xi32>, vector<16xi32>], vector<16xf32>,
        %add3A_1407 = arith.constant 64 : i32
        %add3A_1408 = vector.broadcast %add3A_1407 : i32 to vector<16xi32>
        %add3A_1409 = arith.addi %and3A_1371, %add3A_1408 : vector<16xi32>
        %add3A_1410 = arith.addf %gather3A_1406, %get3A_1312 : vector<16xf32>
        tpu.vector_store_idx %arg11[%broadcast_in_dim3A_1034, %select_n3A_1281, %select_n3A_1306, %add3A_1409], %add3A_1410 : memref<2x8x8x128xf32, #tpu.memory_space<vmem>>[vector<16xi32>, vector<16xi32>, vector<16xi32>, vector<16xi32>], vector<16xf32>,
        %add3A_1411 = arith.constant 208 : i32
        %add3A_1412 = vector.broadcast %add3A_1411 : i32 to vector<16xi32>
        %add3A_1413 = arith.addi %and3A_1371, %add3A_1412 : vector<16xi32>
        %gather3A_1414 = tpu.vector_load_idx %arg9[%add3A_1413, %add3A_1309] : memref<256x64xf32, #tpu.memory_space<vmem>>[vector<16xi32>, vector<16xi32>], vector<16xf32>,
        %add3A_1415 = arith.constant 80 : i32
        %add3A_1416 = vector.broadcast %add3A_1415 : i32 to vector<16xi32>
        %add3A_1417 = arith.addi %and3A_1371, %add3A_1416 : vector<16xi32>
        %add3A_1418 = arith.addf %gather3A_1414, %get3A_1312 : vector<16xf32>
        tpu.vector_store_idx %arg11[%broadcast_in_dim3A_1034, %select_n3A_1281, %select_n3A_1306, %add3A_1417], %add3A_1418 : memref<2x8x8x128xf32, #tpu.memory_space<vmem>>[vector<16xi32>, vector<16xi32>, vector<16xi32>, vector<16xi32>], vector<16xf32>,
        %add3A_1419 = arith.constant 224 : i32
        %add3A_1420 = vector.broadcast %add3A_1419 : i32 to vector<16xi32>
        %add3A_1421 = arith.addi %and3A_1371, %add3A_1420 : vector<16xi32>
        %gather3A_1422 = tpu.vector_load_idx %arg9[%add3A_1421, %add3A_1309] : memref<256x64xf32, #tpu.memory_space<vmem>>[vector<16xi32>, vector<16xi32>], vector<16xf32>,
        %add3A_1423 = arith.constant 96 : i32
        %add3A_1424 = vector.broadcast %add3A_1423 : i32 to vector<16xi32>
        %add3A_1425 = arith.addi %and3A_1371, %add3A_1424 : vector<16xi32>
        %add3A_1426 = arith.addf %gather3A_1422, %get3A_1312 : vector<16xf32>
        tpu.vector_store_idx %arg11[%broadcast_in_dim3A_1034, %select_n3A_1281, %select_n3A_1306, %add3A_1425], %add3A_1426 : memref<2x8x8x128xf32, #tpu.memory_space<vmem>>[vector<16xi32>, vector<16xi32>, vector<16xi32>, vector<16xi32>], vector<16xf32>,
        %add3A_1427 = arith.constant 240 : i32
        %add3A_1428 = vector.broadcast %add3A_1427 : i32 to vector<16xi32>
        %add3A_1429 = arith.addi %and3A_1371, %add3A_1428 : vector<16xi32>
        %gather3A_1430 = tpu.vector_load_idx %arg9[%add3A_1429, %add3A_1309] : memref<256x64xf32, #tpu.memory_space<vmem>>[vector<16xi32>, vector<16xi32>], vector<16xf32>,
        %add3A_1431 = arith.constant 112 : i32
        %add3A_1432 = vector.broadcast %add3A_1431 : i32 to vector<16xi32>
        %add3A_1433 = arith.addi %and3A_1371, %add3A_1432 : vector<16xi32>
        %add3A_1434 = arith.addf %gather3A_1430, %get3A_1312 : vector<16xf32>
        tpu.vector_store_idx %arg11[%broadcast_in_dim3A_1034, %select_n3A_1281, %select_n3A_1306, %add3A_1433], %add3A_1434 : memref<2x8x8x128xf32, #tpu.memory_space<vmem>>[vector<16xi32>, vector<16xi32>, vector<16xi32>, vector<16xi32>], vector<16xf32>,
      }
      %scan3A_1318 = arith.constant 16 : i32
      %jit3A_1319 = arith.constant 4 : i32
      %div3A_1320 = arith.divsi %add3A_702, %jit3A_1319 : i32
      %sign3A_1321 = arith.constant 0 : i32
      %sign3A_1322 = arith.cmpi sgt, %add3A_702, %sign3A_1321 : i32
      %sign3A_1323 = arith.extui %sign3A_1322 : i1 to i32
      %sign3A_1324 = arith.constant 0 : i32
      %sign3A_1325 = arith.cmpi slt, %add3A_702, %sign3A_1324 : i32
      %sign3A_1326 = arith.extui %sign3A_1325 : i1 to i32
      %sign3A_1327 = arith.subi %sign3A_1323, %sign3A_1326 : i32
      %sign3A_1328 = arith.constant 0 : i32
      %sign3A_1329 = arith.cmpi sgt, %jit3A_1319, %sign3A_1328 : i32
      %sign3A_1330 = arith.extui %sign3A_1329 : i1 to i32
      %sign3A_1331 = arith.constant 0 : i32
      %sign3A_1332 = arith.cmpi slt, %jit3A_1319, %sign3A_1331 : i32
      %sign3A_1333 = arith.extui %sign3A_1332 : i1 to i32
      %sign3A_1334 = arith.subi %sign3A_1330, %sign3A_1333 : i32
      %ne3A_1335 = arith.cmpi ne, %sign3A_1327, %sign3A_1334 : i32
      %rem3A_1336 = arith.remsi %add3A_702, %jit3A_1319 : i32
      %ne3A_1337 = arith.constant 0 : i32
      %ne3A_1338 = arith.cmpi ne, %rem3A_1336, %ne3A_1337 : i32
      %and3A_1339 = arith.andi %ne3A_1335, %ne3A_1338 : i1
      %sub3A_1340 = arith.constant 1 : i32
      %sub3A_1341 = arith.subi %div3A_1320, %sub3A_1340 : i32
      %select_n3A_1342 = arith.select %and3A_1339, %sub3A_1341, %div3A_1320 : i32
      %mul3A_1343 = arith.constant 4 : i32
      %mul3A_1344 = arith.muli %mul3A_1343, %select_n3A_1342 : i32
      %sub3A_1345 = arith.subi %add3A_702, %mul3A_1344 : i32
      %mul3A_1346 = arith.constant 8 : i32
      %mul3A_1347 = arith.muli %select_n3A_1342, %mul3A_1346 : i32
      %mul3A_1348 = arith.constant 2 : i32
      %mul3A_1349 = arith.muli %sub3A_1345, %mul3A_1348 : i32
      %add3A_1350 = arith.addi %mul3A_1347, %mul3A_1349 : i32
      %dma_start3A_1351 = arith.constant 0 : i32
      %dma_start3A_1352 = arith.constant 0 : i32
      %dma_start3A_1353 = arith.constant 0 : i32
      %dma_start3A_1354 = tpu.memref_slice %arg5[%add3A_1350, %dma_start3A_1351, %add3A, %dma_start3A_1352, %dma_start3A_1353] : memref<200x8x32x8x128xf32, #tpu.memory_space<hbm>> -> memref<2x8x1x8x128xf32, #tpu.memory_space<hbm>>
      %dma_start3A_1355 = tpu.memref_squeeze %dma_start3A_1354 : memref<2x8x1x8x128xf32, #tpu.memory_space<hbm>> -> memref<2x8x8x128xf32, #tpu.memory_space<hbm>>
      %dma_start3A_1356 = arith.constant 0 : i32
      %dma_start3A_1357 = arith.constant 0 : i32
      %dma_start3A_1358 = arith.constant 0 : i32
      %dma_start3A_1359 = tpu.memref_slice %arg5[%add3A_1350, %dma_start3A_1356, %add3A, %dma_start3A_1357, %dma_start3A_1358] : memref<200x8x32x8x128xf32, #tpu.memory_space<hbm>> -> memref<2x8x1x8x128xf32, #tpu.memory_space<hbm>>
      %dma_start3A_1360 = tpu.memref_squeeze %dma_start3A_1359 : memref<2x8x1x8x128xf32, #tpu.memory_space<hbm>> -> memref<2x8x8x128xf32, #tpu.memory_space<hbm>>
      tpu.enqueue_dma source(%arg11 : memref<2x8x8x128xf32, #tpu.memory_space<vmem>>) target(%dma_start3A_1360 : memref<2x8x8x128xf32, #tpu.memory_space<hbm>>) target_semaphore(%arg16 : memref<!tpu.dma_semaphore, #tpu.memory_space<semaphore_mem>>)
      %lt3A_1361 = arith.constant 49 : i32
      %lt3A_1362 = arith.cmpi slt, %scan3A_46, %lt3A_1361 : i32
      %convert_element_type3A_1363 = arith.extui %lt3A_1362 : i1 to i32
      %cond3A_1364 = arith.constant 0 : i32
      %cond3A_1365 = arith.cmpi ne, %convert_element_type3A_1363, %cond3A_1364 : i32
      scf.if %cond3A_1365 {
        %add3A_1366 = arith.constant 2 : i32
        %add3A_1367 = arith.addi %add3A_702, %add3A_1366 : i32
        %jit3A_1368 = arith.constant 4 : i32
        %div3A_1369 = arith.divsi %add3A_1367, %jit3A_1368 : i32
        %sign3A_1370 = arith.constant 0 : i32
        %sign3A_1371 = arith.cmpi sgt, %add3A_1367, %sign3A_1370 : i32
        %sign3A_1372 = arith.extui %sign3A_1371 : i1 to i32
        %sign3A_1373 = arith.constant 0 : i32
        %sign3A_1374 = arith.cmpi slt, %add3A_1367, %sign3A_1373 : i32
        %sign3A_1375 = arith.extui %sign3A_1374 : i1 to i32
        %sign3A_1376 = arith.subi %sign3A_1372, %sign3A_1375 : i32
        %sign3A_1377 = arith.constant 0 : i32
        %sign3A_1378 = arith.cmpi sgt, %jit3A_1368, %sign3A_1377 : i32
        %sign3A_1379 = arith.extui %sign3A_1378 : i1 to i32
        %sign3A_1380 = arith.constant 0 : i32
        %sign3A_1381 = arith.cmpi slt, %jit3A_1368, %sign3A_1380 : i32
        %sign3A_1382 = arith.extui %sign3A_1381 : i1 to i32
        %sign3A_1383 = arith.subi %sign3A_1379, %sign3A_1382 : i32
        %ne3A_1384 = arith.cmpi ne, %sign3A_1376, %sign3A_1383 : i32
        %rem3A_1385 = arith.remsi %add3A_1367, %jit3A_1368 : i32
        %ne3A_1386 = arith.constant 0 : i32
        %ne3A_1387 = arith.cmpi ne, %rem3A_1385, %ne3A_1386 : i32
        %and3A_1388 = arith.andi %ne3A_1384, %ne3A_1387 : i1
        %sub3A_1389 = arith.constant 1 : i32
        %sub3A_1390 = arith.subi %div3A_1369, %sub3A_1389 : i32
        %select_n3A_1391 = arith.select %and3A_1388, %sub3A_1390, %div3A_1369 : i32
        %mul3A_1392 = arith.constant 4 : i32
        %mul3A_1393 = arith.muli %mul3A_1392, %select_n3A_1391 : i32
        %sub3A_1394 = arith.subi %add3A_1367, %mul3A_1393 : i32
        %mul3A_1395 = arith.constant 32768 : i32
        %mul3A_1396 = arith.muli %select_n3A_1391, %mul3A_1395 : i32
        %mul3A_1397 = arith.constant 1024 : i32
        %mul3A_1398 = arith.muli %add3A, %mul3A_1397 : i32
        %add3A_1399 = arith.addi %mul3A_1396, %mul3A_1398 : i32
        %mul3A_1400 = arith.constant 256 : i32
        %mul3A_1401 = arith.muli %sub3A_1394, %mul3A_1400 : i32
        %add3A_1402 = arith.addi %add3A_1399, %mul3A_1401 : i32
        "tpu.region"() ({
          %run_scoped3A = tpu.sem_alloc : memref<!tpu.dma_semaphore, #tpu.memory_space<semaphore_mem>>
          %dma_start3A_1406 = tpu.memref_slice %arg2[%add3A_1402] : memref<819200xi32, #tpu.memory_space<hbm>> -> memref<256xi32, #tpu.memory_space<hbm>>
          %dma_start3A_1407 = tpu.memref_slice %arg2[%add3A_1402] : memref<819200xi32, #tpu.memory_space<hbm>> -> memref<256xi32, #tpu.memory_space<hbm>>
          tpu.enqueue_dma source(%dma_start3A_1407 : memref<256xi32, #tpu.memory_space<hbm>>) target(%arg7 : memref<256xi32, #tpu.memory_space<vmem>>) target_semaphore(%run_scoped3A : memref<!tpu.dma_semaphore, #tpu.memory_space<semaphore_mem>>)
          %dma_wait3A_1408 = tpu.memref_slice %arg2[%add3A_1402] : memref<819200xi32, #tpu.memory_space<hbm>> -> memref<256xi32, #tpu.memory_space<hbm>>
          %dma_wait3A_1409 = tpu.memref_slice %arg2[%add3A_1402] : memref<819200xi32, #tpu.memory_space<hbm>> -> memref<256xi32, #tpu.memory_space<hbm>>
          tpu.wait_dma2 semaphore(%run_scoped3A : memref<!tpu.dma_semaphore, #tpu.memory_space<semaphore_mem>>) src(%dma_wait3A_1409 : memref<256xi32, #tpu.memory_space<hbm>>) dst(%arg7 : memref<256xi32, #tpu.memory_space<vmem>>)
          tpu.yield
        }) : () -> ()
        %dma_start3A_1403 = arith.constant 0 : i32
        %dma_start3A_1404 = arith.constant 0 : i32
        %dma_start3A_1405 = tpu.memref_slice %arg3[%dma_start3A_1403, %dma_start3A_1404] : memref<1000000x64xf32, #tpu.memory_space<hbm>> -> memref<1000000x64xf32, #tpu.memory_space<hbm>>
        tpu.enqueue_indirect_dma source(%dma_start3A_1405 : memref<1000000x64xf32, #tpu.memory_space<hbm>>) target(%arg9 : memref<256x64xf32, #tpu.memory_space<vmem>>) offsets(%arg7 : memref<256xi32, #tpu.memory_space<vmem>>) semaphore(%arg14 : memref<!tpu.dma_semaphore, #tpu.memory_space<semaphore_mem>>)
      } else {
      }
    }
    %scan3A_22 = arith.constant 50 : i32
    %dma_wait3A = arith.constant 196 : i32
    %dma_wait3A_23 = arith.constant 0 : i32
    %dma_wait3A_24 = arith.constant 0 : i32
    %dma_wait3A_25 = arith.constant 0 : i32
    %dma_wait3A_26 = tpu.memref_slice %arg5[%dma_wait3A, %dma_wait3A_23, %add3A, %dma_wait3A_24, %dma_wait3A_25] : memref<200x8x32x8x128xf32, #tpu.memory_space<hbm>> -> memref<2x8x1x8x128xf32, #tpu.memory_space<hbm>>
    %dma_wait3A_27 = tpu.memref_squeeze %dma_wait3A_26 : memref<2x8x1x8x128xf32, #tpu.memory_space<hbm>> -> memref<2x8x8x128xf32, #tpu.memory_space<hbm>>
    %dma_wait3A_28 = arith.constant 196 : i32
    %dma_wait3A_29 = arith.constant 0 : i32
    %dma_wait3A_30 = arith.constant 0 : i32
    %dma_wait3A_31 = arith.constant 0 : i32
    %dma_wait3A_32 = tpu.memref_slice %arg5[%dma_wait3A_28, %dma_wait3A_29, %add3A, %dma_wait3A_30, %dma_wait3A_31] : memref<200x8x32x8x128xf32, #tpu.memory_space<hbm>> -> memref<2x8x1x8x128xf32, #tpu.memory_space<hbm>>
    %dma_wait3A_33 = tpu.memref_squeeze %dma_wait3A_32 : memref<2x8x1x8x128xf32, #tpu.memory_space<hbm>> -> memref<2x8x8x128xf32, #tpu.memory_space<hbm>>
    tpu.wait_dma2 semaphore(%arg15 : memref<!tpu.dma_semaphore, #tpu.memory_space<semaphore_mem>>) src(%arg10 : memref<2x8x8x128xf32, #tpu.memory_space<vmem>>) dst(%dma_wait3A_33 : memref<2x8x8x128xf32, #tpu.memory_space<hbm>>)
    %dma_wait3A_34 = arith.constant 198 : i32
    %dma_wait3A_35 = arith.constant 0 : i32
    %dma_wait3A_36 = arith.constant 0 : i32
    %dma_wait3A_37 = arith.constant 0 : i32
    %dma_wait3A_38 = tpu.memref_slice %arg5[%dma_wait3A_34, %dma_wait3A_35, %add3A, %dma_wait3A_36, %dma_wait3A_37] : memref<200x8x32x8x128xf32, #tpu.memory_space<hbm>> -> memref<2x8x1x8x128xf32, #tpu.memory_space<hbm>>
    %dma_wait3A_39 = tpu.memref_squeeze %dma_wait3A_38 : memref<2x8x1x8x128xf32, #tpu.memory_space<hbm>> -> memref<2x8x8x128xf32, #tpu.memory_space<hbm>>
    %dma_wait3A_40 = arith.constant 198 : i32
    %dma_wait3A_41 = arith.constant 0 : i32
    %dma_wait3A_42 = arith.constant 0 : i32
    %dma_wait3A_43 = arith.constant 0 : i32
    %dma_wait3A_44 = tpu.memref_slice %arg5[%dma_wait3A_40, %dma_wait3A_41, %add3A, %dma_wait3A_42, %dma_wait3A_43] : memref<200x8x32x8x128xf32, #tpu.memory_space<hbm>> -> memref<2x8x1x8x128xf32, #tpu.memory_space<hbm>>
    %dma_wait3A_45 = tpu.memref_squeeze %dma_wait3A_44 : memref<2x8x1x8x128xf32, #tpu.memory_space<hbm>> -> memref<2x8x8x128xf32, #tpu.memory_space<hbm>>
    tpu.wait_dma2 semaphore(%arg16 : memref<!tpu.dma_semaphore, #tpu.memory_space<semaphore_mem>>) src(%arg11 : memref<2x8x8x128xf32, #tpu.memory_space<vmem>>) dst(%dma_wait3A_45 : memref<2x8x8x128xf32, #tpu.memory_space<hbm>>)
    return
  }
}

</mosaic_0001>

<sc_bundles>
// kernel: kernel.3.cloned.1.call-start
scs
__scs_entry_jumppad:
0x0: {  	(pc) =	sbr.rel $0x88, $3  }
0x1: {  	(tag) =	ssettag $0x0;
	lr =	simm.s32 $0x1  }
0x2: {  	[smem:$0x3F9E] =	sst lr;
	_ =	strace $0xD0000000  }
0x3: {  	_ = 	snop  }
0x4: {  	_ = 	snop  }
0x5: {  	_ = 	snop  }
0x6: {  	_ = 	snop  }
0x7: {  	_ = 	snop  }
__scs_overlays_trampoline_lowered:
0x8: {  	[smem:$0x3FAD] =	sst s0  }
0x9: {  	[smem:$0x3FAE] =	sst s1  }
0xa: {  	[smem:$0x3FAF] =	sst s2  }
0xb: {  	[smem:$0x3FB0] =	sst s3  }
0xc: {  	[smem:$0x3FB1] =	sst s4  }
0xd: {  	[smem:$0x3FB2] =	sst s5  }
0xe: {  	[smem:$0x3FB3] =	sst s6  }
0xf: {  	[smem:$0x3FB4] =	sst s7  }
0x10: {  	[smem:$0x3FB5] =	sst s8  }
0x11: {  	[smem:$0x3FB6] =	sst s9;
	s0 =	simm.s32 @!p0 $0x0  }
0x12: {  	s1 =	sld [smem:$0x3F9C];
	s0 =	simm.s32 @p0 $0x1  }
0x13: {  	[smem:$0x3FB7] =	sst s0;
	s0 =	simm.s32 @!p1 $0x0  }
0x14: {  	s2 =	sld [smem:$0x3F9B];
	s0 =	simm.s32 @p1 $0x1  }
0x15: {  	[smem:$0x3FB8] =	sst s0;
	s0 =	simm.s32 @!p2 $0x0  }
0x16: {  	s3 =	sld [smem:$0x3FDB];
	s0 =	simm.s32 @p2 $0x1  }
0x17: {  	s4 =	simm.s32 $0x1BF5;
	[smem:$0x3FBA] =	sst s0  }
0x18: {  	s0 =	sld [smem:$0x3F9D];
	_ =	swait.ge [sflag:s4], $0x0  }
0x19: {  	s7 =	sld [smem:$0x3F9E]  }
0x1a: {  	s8 =	sadd.s32 $0xFFFFE003, lr  }
0x1b: {  	s9 =	sadd.s32 $0xFFFFFEF7, lr;
	s5 =	simm.s32 $0xFFFFFFFF;
	p2 =	slt.u32 s8, $0xFFFFF086  }
0x1c: {  	p1 =	slt.u32 s9, $0xF7A;
	s5 =	simm.s32 @!p2 $0x0  }
0x1d: {  	s5 =	simm.s32 @p1 $0x1;
	p0 =	seq.s32 s7, s2  }
0x1e: {  	s7 =	smul.u32 @!p0 $0xF7A, s2;
	p2 =	seq.s32 @!p0 s5, $0x0  }
0x1f: {  	s9 =	smul.u32 $0xF7A, s1;
	s8 =	simm.s32 @!p0 $0x1BF5;
	p2 =	por !p2, p0  }
0x20: {  	[sflag:s8] =	ssyncset.s32 @!p0 $0xFFFFF086;
	s6 =	sadd.s32 @!p0 s3, s7;
	s7 =	simm.s32 @!p0 $0x108  }
0x21: {  	s3 =	sadd.s32 s3, s9;
	s6 =	sadd.s32 @!p0 $0x88, s6;
	s7 =	simm.s32 @p2 $0x1082  }
0x22: {  	[simem:s7], [sflag:s8] =	dma.local @!p0 [hbm:s6], $0xF7A  }
0x23: {  	s9 =	sor.u32 $0xD0000000, s2;
	s6 =	simm.s32 $0x108;
	_ =	swait.ge @!p0 [sflag:s8], $0x0  }
0x24: {  	s3 =	sadd.s32 $0x88, s3;
	s6 =	simm.s32 @!p1 $0x1082;
	[sflag:s4] =	ssyncset.s32 $0xFFFFF086  }
0x25: {  	[simem:s6], [sflag:s4] =	dma.local [hbm:s3], $0xF7A  }
0x26: {  	[smem:$0x3F9E] =	sst s1;
	(tag) =	ssettag s2;
	_ =	strace s9  }
0x27: {  	s1 =	sld [smem:$0x3FAE]  }
0x28: {  	s2 =	sld [smem:$0x3FAF]  }
0x29: {  	s4 =	sld [smem:$0x3FB1]  }
0x2a: {  	p0 =	seq.s32 s5, $0x0;
	s5 =	sld [smem:$0x3FB2]  }
0x2b: {  	s6 =	sld [smem:$0x3FB3]  }
0x2c: {  	s7 =	sld [smem:$0x3FB4]  }
0x2d: {  	s3 =	simm.s32 $0x108;
	s8 =	sld [smem:$0x3FB5]  }
0x2e: {  	s3 =	simm.s32 @!p0 $0x1082;
	s9 =	sld [smem:$0x3FB6]  }
0x2f: {  	lr =	sadd.s32 s0, s3;
	s0 =	sld [smem:$0x3FAD]  }
0x30: {  	s3 =	sld [smem:$0x3FB0]  }
0x31: {  	[smem:$0x3FB9] =	sst s10  }
0x32: {  	s10 =	sld [smem:$0x3FB7];
	_ =	sdelay $0x3  }
0x33: {  	p0 =	seq.s32 s10, $0x1;
	s10 =	sld [smem:$0x3FB9];
	_ =	sdelay $0x3  }
0x34: {  	[smem:$0x3FB9] =	sst s10  }
0x35: {  	s10 =	sld [smem:$0x3FB8];
	_ =	sdelay $0x3  }
0x36: {  	p1 =	seq.s32 s10, $0x1;
	s10 =	sld [smem:$0x3FB9];
	_ =	sdelay $0x3  }
0x37: {  	[smem:$0x3FB9] =	sst s10  }
0x38: {  	s10 =	sld [smem:$0x3FBA]  }
0x39: {  	_ = 	snop;
	(pc) =	sbr.ind lr, $3  }
0x3a: {  	_ = 	snop  }
0x3b: {  	_ = 	snop  }
0x3c: {  	p2 =	seq.s32 s10, $0x1;
	s10 =	sld [smem:$0x3FB9]  }
0x3d: {  	_ =	shalt  }
0x3e: {  	_ =	shalt  }
0x3f: {  	_ =	shalt  }
0x40: {  	_ =	shalt  }
0x41: {  	_ =	shalt  }
0x42: {  	_ =	shalt  }
0x43: {  	_ =	shalt  }
0x44: {  	_ =	shalt  }
0x45: {  	_ =	shalt  }
0x46: {  	_ =	shalt  }
0x47: {  	_ =	shalt  }
0x48: {  	_ =	shalt  }
0x49: {  	_ =	shalt  }
0x4a: {  	_ =	shalt  }
0x4b: {  	_ =	shalt  }
0x4c: {  	_ =	shalt  }
0x4d: {  	_ =	shalt  }
0x4e: {  	_ =	shalt  }
0x4f: {  	_ =	shalt  }
0x50: {  	_ =	shalt  }
0x51: {  	_ =	shalt  }
0x52: {  	_ =	shalt  }
0x53: {  	_ =	shalt  }
0x54: {  	_ =	shalt  }
0x55: {  	_ =	shalt  }
0x56: {  	_ =	shalt  }
0x57: {  	_ =	shalt  }
0x58: {  	_ =	shalt  }
0x59: {  	_ =	shalt  }
0x5a: {  	_ =	shalt  }
0x5b: {  	_ =	shalt  }
0x5c: {  	_ =	shalt  }
0x5d: {  	_ =	shalt  }
0x5e: {  	_ =	shalt  }
0x5f: {  	_ =	shalt  }
0x60: {  	_ =	shalt  }
0x61: {  	_ =	shalt  }
0x62: {  	_ =	shalt  }
0x63: {  	_ =	shalt  }
0x64: {  	_ =	shalt  }
0x65: {  	_ =	shalt  }
0x66: {  	_ =	shalt  }
0x67: {  	_ =	shalt  }
0x68: {  	_ =	shalt  }
0x69: {  	_ =	shalt  }
0x6a: {  	_ =	shalt  }
0x6b: {  	_ =	shalt  }
0x6c: {  	_ =	shalt  }
0x6d: {  	_ =	shalt  }
0x6e: {  	_ =	shalt  }
0x6f: {  	_ =	shalt  }
0x70: {  	_ =	shalt  }
0x71: {  	_ =	shalt  }
0x72: {  	_ =	shalt  }
0x73: {  	_ =	shalt  }
0x74: {  	_ =	shalt  }
0x75: {  	_ =	shalt  }
0x76: {  	_ =	shalt  }
0x77: {  	_ =	shalt  }
0x78: {  	_ =	shalt  }
0x79: {  	_ =	shalt  }
0x7a: {  	_ =	shalt  }
0x7b: {  	_ =	shalt  }
0x7c: {  	_ =	shalt  }
0x7d: {  	_ =	shalt  }
0x7e: {  	_ =	shalt  }
0x7f: {  	_ =	shalt  }
0x80: {  	_ =	shalt  }
0x81: {  	_ =	shalt  }
0x82: {  	_ =	shalt  }
0x83: {  	_ =	shalt  }
0x84: {  	_ =	shalt  }
0x85: {  	_ =	shalt  }
0x86: {  	_ =	shalt  }
0x87: {  	_ =	shalt  }
.Lfunc_end0:
.L_simem_size_0:
called_computation_lowered:
.L_overlay_start_0:
0x88: {  	s2 =	sld [smem:$0x3FD9]  }
0x89: {  	s3 =	sld [smem:$0x3FFE];
	_ =	sdelay $0x1  }
0x8a: {  	s1 =	srdreg.scid  }
0x8b: {  	s0 =	sand.u32 $0x1, s1  }
0x8c: {  	s17 =	sshll.u32 s0, $0xA;
	s2 =	sadd.s32 s3, s2  }
0x8d: {  	s2 =	sadd.s32 s2, s17  }
0x8e: {  	[smem:$0x3FC5] =	sst s2  }
0x8f: {  	_ = 	snop  }
0x90: {  	s2 =	sld [smem:$0x3FC9]  }
0x91: {  	s18 =	sld [smem:$0x3FD0];
	(tm) =	ssettm $0x1  }
0x92: {  	s4 =	sld [smem:$0x3FFB];
	_ =	sdelay $0x3  }
0x93: {  	_ =	strace s4  }
0x94: {  	s4 =	sld [smem:$0x3FFC];
	_ =	sdelay $0x3  }
0x95: {  	_ =	strace s4  }
0x96: {  	s4 =	sld [smem:$0x3FFD];
	_ =	sdelay $0x3  }
0x97: {  	_ =	strace s4  }
0x98: {  	_ =	strace $0x8FFFFFFF  }
0x99: {  	s19 =	sld [smem:$0x3FDB];
	_ =	sdelay $0x1  }
0x9a: {  	s5 =	simm.s32 $_scs_section_size  }
0x9b: {  	s6 =	simm.s32 $_size__tile_overlayer_lowered;
	s7 =	simm.s32 $_tile_overlayer_lowered  }
0x9c: {  	s22 =	simm.s32 $0x1BFF;
	s21 =	sshll.u32 s7, $0x1;
	s4 =	sadd.s32 s5, s19  }
0x9d: {  	s8 =	simm.s32 $0x0;
	s20 =	sshll.u32 s6, $0x1;
	s6 =	sadd.s32 s21, s4  }
0x9e: {  	[timem:s8], [sflag:s22] =	dma.local [hbm:s6], s20  }
0x9f: {  	_ =	swait.ge [sflag:s22], s20  }
0xa0: {  	s5 =	ssub.s32 $0x0, s20;
	[sflag:s22] =	ssyncset.done $0x0  }
0xa1: {  	[sflag:s22] =	ssyncadd.s32 s5;
	_ =	sdelay $0x1  }
0xa2: {  	s23 =	simm.s32 $0x1B8B  }
0xa3: {  	_ =	swait.ge [sflag:s23], $0x1  }
0xa4: {  	[sflag:s23] =	ssyncset.done $0x0  }
0xa5: {  	s25 =	simm.s32 $0x1B8E;
	s24 =	sld [smem:$0x3FFE];
	[sflag:s23] =	ssyncadd.s32 $0xFFFFFFFF  }
0xa6: {  	s26 =	simm.s32 $execute0_lowered;
	[smem:$0x3FD2] =	sst s25  }
0xa7: {  	s6 =	sshll.u32 s26, $0x1;
	_ =	strace $0x80000046;
	[dreg:$0x1] =	wrdreg $0xFFFFFFFF  }
0xa8: {  	s28 =	simm.s32 $_size_execute0_lowered;
	s4 =	sadd.s32 s4, s6;
	[dreg:$0x0] =	wrdreg $0x0  }
0xa9: {  	s6 =	sshll.u32 s28, $0x1;
	[dreg:$0x2] =	wrdreg s4  }
0xaa: {  	[dreg:$0x3] =	wrdreg s6  }
0xab: {  	[dreg:$0x4] =	wrdreg $0xC0  }
0xac: {  	_ =	task [dreg:s8], $0x5FFFF  }
0xad: {  	[dreg:$0x1] =	wrdreg $0xFFFFFFFF  }
0xae: {  	[dreg:$0x0] =	wrdreg $0x60  }
0xaf: {  	[dreg:$0x2] =	wrdreg s2  }
0xb0: {  	[dreg:$0x3] =	wrdreg s24  }
0xb1: {  	[dreg:$0x4] =	wrdreg s18  }
0xb2: {  	[dreg:$0x5] =	wrdreg $0x9  }
0xb3: {  	_ =	task.clear_ibuf [dreg:s8], $0x6FFFF;
	_ =	strace $0x90000046  }
0xb4: {  	s29 =	simm.s32 $0x9;
	_ =	strace $0x80000048  }
0xb5: {  	_ =	swait.ge [sflag:s29], $0x1  }
0xb6: {  	[sflag:s29] =	ssyncadd.s32 $0xFFFFFFFF  }
0xb7: {  	_ =	strace $0x90000048  }
0xb8: {  	_ =	sfence  }
0xb9: {  	s30 =	sld [smem:$0x0];
	_ =	sdelay $0x2  }
0xba: {  	s31 =	sshll.u32 s1, $0xD;
	s1 =	sshrl.u32 s1, $0x2  }
0xbb: {  	s3 =	sand.u32 $0x4000, s31;
	s1 =	sadd.s32 s1, s30  }
0xbc: {  	s0 =	sor.u32 s3, s0;
	s1 =	sshll.u32 s1, $0x11  }
0xbd: {  	s0 =	sor.u32 s1, s0  }
0xbe: {  	s0 =	sadd.s32 $0x8F2B, s0  }
0xbf: {  	[sflag:s0] =	ssyncadd.remote.s32 $0x1  }
0xc0: {  	_ =	sfence.sel $0xFFFF  }
0xc1: {  	[dreg:$0x0] =	wrdreg $0xFFFFFFFF;
	(pc) =	sbr.abs _section_cstart, $3  }
0xc2: {  	[dreg:$0x1] =	wrdreg $0xFFFFFFFF  }
0xc3: {  	_ =	task.clear_ibuf [dreg:s8], $0x2FFFF;
	_ =	strace $0x9FFFFFFF  }
0xc4: {  	(tm) =	ssettm $0x7FFFFFFF  }
0xc5: {  	_ =	shalt  }
tec
execute0_lowered:
.L_overlay_start_1:
0x0: {  	(tag) =	ssettag $0x1  }
0x1: {  	s1 =	rddreg [dreg:$0x0]  }
0x2: {  	s8 =	rddreg [dreg:$0x1];
	s4 =	srdreg.scid  }
0x3: {  	s3 =	rddreg [dreg:$0x2];
	v0 =	vlaneseq.u32;
	s6 =	sand.u32 $0x1, s4;
	s4 =	simm.s32 $0x0  }
0x4: {  	v26 =	vor.u32 $0x2000, v0;
	[smem:$0x7FF] =	sst s4  }
0x5: {  	s0 =	rddreg [dreg:$0x3];
	v28 =	vor.u32 $0x2400, v0;
	_ =	strace $0x80000047;
	[tilespmem:$0x1FF50] =	vst v26  }
0x6: {  	s2 =	stileid.u32;
	v30 =	vor.u32 $0x2800, v0;
	[tilespmem:$0x1FF70] =	vst v28  }
0x7: {  	s11 =	simm.s32 $0x10200;
	s12 =	simm.s32 $0x5;
	s13 =	simm.s32 $0x100;
	v32 =	vor.u32 $0x2C00, v0;
	[tilespmem:$0x1FF90] =	vst v30  }
0x8: {  	s14 =	simm.s32 $0x200;
	s15 =	simm.s32 $0x4200;
	s16 =	simm.s32 $0x1;
	v1 =	vmul.u32 $0x80, v0;
	v24 =	vor.u32 $0x3000, v0;
	[tilespmem:$0x1FFB0] =	vst v32  }
0x9: {  	s17 =	simm.s32 $0x8200;
	s18 =	simm.s32 $0x400;
	s19 =	simm.s32 $0x8000;
	v34 =	vor.u32 $0x3400, v0;
	[tilespmem:$0x1FFD0] =	vst v24  }
0xa: {  	s20 =	simm.s32 $0x2;
	s21 =	simm.s32 $0x4;
	s22 =	simm.s32 $0xC200;
	v27 =	vor.u32 $0x2000, v1;
	[tilespmem:$0x1FFF0] =	vst v34  }
.Ltmp0:
0xb: {  	s5 =	sshll.u32 s2, $0xB;
	s7 =	sshll.u32 s6, $0xA;
	v29 =	vor.u32 $0x2010, v1;
	[tilespmem:$0x1FF60] =	vst v27;
	(pc) =	sbr.rel .LBB2_1-.Ltmp0, $4  }
0xc: {  	s23 =	simm.s32 $0x3;
	s9 =	ssub.s32 $0x2, s6;
	s5 =	sor.u32 s7, s5;
	v31 =	vor.u32 $0x2020, v1;
	[tilespmem:$0x1FF80] =	vst v29  }
0xd: {  	s24 =	simm.s32 $0x0;
	v2 =	vor.u32 $0x10, v0;
	s10 =	sshrl.u32 s9, $0x1;
	v33 =	vor.u32 $0x2030, v1;
	s7 =	sshrl.u32 s5, $0x3;
	[tilespmem:$0x1FFA0] =	vst v31  }
0xe: {  	v4 =	vor.u32 $0x20, v0;
	v6 =	vor.u32 $0x30, v0;
	s6 =	sadd.s32 $0xF42C00, s8;
	v25 =	vor.u32 $0x2040, v1;
	s10 =	ssub.s32 s9, s10;
	[tilespmem:$0x1FFC0] =	vst v33;
	s7 =	sadd.s32 s1, s7  }
0xf: {  	s8 =	sadd.s32 $0x800, s8;
	v3 =	vor.u32 $0x800, v1;
	v5 =	vor.u32 $0x1000, v1;
	v7 =	vor.u32 $0x1800, v1;
	[tilespmem:$0x1FFE0] =	vst v25;
	s10 =	smax.u32 s10, $0x1;
	s9 =	sadd.s32 $0x20, s7  }
.LBB2_40:
0x10: {  	s24 =	sadd.s32 $0x1, s24  }
0x11: {  	_ =	swait.ge [sflag:s23], $0x4000;
	p0 =	sne.s32 s24, s10  }
.Ltmp1:
0x12: {  	[sflag:s23] =	ssyncset.done $0x0;
	(pc) =	sbr.rel @!p0 .LBB2_41-.Ltmp1, $4  }
0x13: {  	[sflag:s23] =	ssyncadd.s32 $0xFFFFC000  }
0x14: {  	_ =	swait.ge [sflag:s21], $0x4000  }
0x15: {  	[sflag:s21] =	ssyncset.done $0x0  }
0x16: {  	[sflag:s21] =	ssyncadd.s32 $0xFFFFC000  }
.LBB2_1:
0x17: {  	[tilespmem:s11], [sflag:$0x5] =	stream.linear.gather [hbm4b:s8+s4], $0x3200, $0x38;
	[tilespmem:$0x13400] =	vst v63  }
0x18: {  	_ =	swait.ge [sflag:s12], $0x3200  }
0x19: {  	[sflag:s12] =	ssyncset.done $0x0  }
0x1a: {  	[sflag:s12] =	ssyncadd.s32 $0xFFFFCE00  }
0x1b: {  	[tilespmem:s4], [sflag:$0x5] =	stream.linear.gather [hbm4b:s7+s4], $0x100, $0x38;
	[tilespmem:$0x13400] =	vst v63  }
0x1c: {  	_ =	swait.ge [sflag:s12], $0x100  }
0x1d: {  	[sflag:s12] =	ssyncset.done $0x0  }
0x1e: {  	[sflag:s12] =	ssyncadd.s32 $0xFFFFFF00  }
0x1f: {  	[tilespmem:s14], [sflag:$0x1] =	stream.indirect.gather [hbm4b:s6+s13], $0x40, s4, s13, $0xb8;
	[tilespmem:$0x13400] =	vst v63  }
0x20: {  	_ = 	snop  }
0x21: {  	[tilespmem:s13], [sflag:$0x5] =	stream.linear.gather [hbm4b:s9+s4], $0x100, $0x38;
	[tilespmem:$0x13400] =	vst v63  }
0x22: {  	_ =	swait.ge [sflag:s12], $0x100  }
0x23: {  	[sflag:s12] =	ssyncset.done $0x0  }
0x24: {  	s25 =	simm.s32 $0x0;
	[sflag:s12] =	ssyncadd.s32 $0xFFFFFF00  }
0x25: {  	[tilespmem:s15], [sflag:$0x2] =	stream.indirect.gather [hbm4b:s6+s13], $0x40, s13, s13, $0xb8;
	[tilespmem:$0x13400] =	vst v63  }
.LBB2_2:
0x26: {  	s26 =	simm.s32 $0x0  }
0x27: {  	v9 =	vadd.s32 s26, v0  }
0x28: {  	_ =	swait.ge [sflag:s16], $0x4000;
	v10 =	vand.u32 $0xF, v9  }
0x29: {  	p0 =	seq.s32 s25, $0x0;
	[sflag:s16] =	ssyncset.done $0x0;
	v8 =	vshll.u32 v10, $0x6  }
0x2a: {  	s26 =	simm.s32 @!p0 $0x3;
	[sflag:s16] =	ssyncadd.s32 $0xFFFFC000;
	v11 =	vor.u32 v0, v8  }
0x2b: {  	_ =	swait.ge @!p0 [sflag:s26], $0x4000  }
0x2c: {  	s28 =	sshll.u32 s25, $0x8;
	[sflag:s26] =	ssyncset.done @!p0 $0x0  }
0x2d: {  	s28 =	sand.u32 $0x3FFFFF00, s28;
	[sflag:s26] =	ssyncadd.s32 @!p0 $0xFFFFC000  }
0x2e: {  	v8 =	vld [tilespmem:s28+$0x10200]  }
0x2f: {  	v11 =	vld.idx.msk [tilespmem:v11+s14+$0x0], $0xffff  }
0x30: {  	v12 =	vor.u32 $0x10, v9  }
0x31: {  	v13 =	vshll.u32 v12, $0x6;
	v14 =	vor.u32 v1, v10  }
0x32: {  	v13 =	vor.u32 v0, v13;
	_ =	sdelay $0x1  }
0x33: {  	v11 =	vadd.f32 v11, v8;
	_ =	sdelay $0x1  }
0x34: {  	[tilespmem:v14+s17+$0x0] =	vst.idx.msk $0xffff, v11  }
0x35: {  	v11 =	vand.u32 $0x7, v9;
	v13 =	vld.idx.msk [tilespmem:v13+s14+$0x0], $0xffff  }
0x36: {  	v12 =	vand.u32 $0x18, v12;
	v14 =	vor.u32 $0x20, v10;
	v11 =	vor.u32 v1, v11  }
0x37: {  	v15 =	vshll.u32 v14, $0x6;
	v12 =	vor.u32 v12, v11  }
0x38: {  	v15 =	vor.u32 v0, v15;
	_ =	sdelay $0x1  }
0x39: {  	v13 =	vadd.f32 v13, v8;
	_ =	sdelay $0x1  }
0x3a: {  	[tilespmem:v12+s17+$0x0] =	vst.idx.msk $0xffff, v13  }
0x3b: {  	v12 =	vld.idx.msk [tilespmem:v15+s14+$0x0], $0xffff  }
0x3c: {  	v13 =	vand.u32 $0x28, v14;
	v14 =	vor.u32 $0x30, v9  }
0x3d: {  	v13 =	vor.u32 v13, v11;
	v15 =	vshll.u32 v14, $0x6  }
0x3e: {  	v15 =	vor.u32 v0, v15;
	_ =	sdelay $0x1  }
0x3f: {  	v12 =	vadd.f32 v12, v8;
	_ =	sdelay $0x1  }
0x40: {  	[tilespmem:v13+s17+$0x0] =	vst.idx.msk $0xffff, v12  }
0x41: {  	v12 =	vld.idx.msk [tilespmem:v15+s14+$0x0], $0xffff  }
0x42: {  	v13 =	vand.u32 $0x38, v14;
	v14 =	vor.u32 $0x40, v10  }
0x43: {  	v13 =	vor.u32 v13, v11;
	v15 =	vshll.u32 v14, $0x6  }
0x44: {  	v15 =	vor.u32 v0, v15;
	_ =	sdelay $0x1  }
0x45: {  	v12 =	vadd.f32 v12, v8;
	_ =	sdelay $0x1  }
0x46: {  	[tilespmem:v13+s17+$0x0] =	vst.idx.msk $0xffff, v12  }
0x47: {  	v12 =	vld.idx.msk [tilespmem:v15+s14+$0x0], $0xffff  }
0x48: {  	v14 =	vand.u32 $0x48, v14;
	v13 =	vor.u32 $0x50, v9  }
0x49: {  	v14 =	vor.u32 v14, v11;
	v15 =	vshll.u32 v13, $0x6  }
0x4a: {  	v15 =	vor.u32 v0, v15;
	_ =	sdelay $0x1  }
0x4b: {  	v12 =	vadd.f32 v12, v8;
	_ =	sdelay $0x1  }
0x4c: {  	[tilespmem:v14+s17+$0x0] =	vst.idx.msk $0xffff, v12  }
0x4d: {  	v12 =	vld.idx.msk [tilespmem:v15+s14+$0x0], $0xffff  }
0x4e: {  	v10 =	vor.u32 $0x60, v10;
	v13 =	vand.u32 $0x58, v13  }
0x4f: {  	v13 =	vor.u32 v13, v11;
	v14 =	vshll.u32 v10, $0x6  }
0x50: {  	v14 =	vor.u32 v0, v14;
	_ =	sdelay $0x1  }
0x51: {  	v12 =	vadd.f32 v12, v8;
	_ =	sdelay $0x1  }
0x52: {  	[tilespmem:v13+s17+$0x0] =	vst.idx.msk $0xffff, v12  }
0x53: {  	v12 =	vld.idx.msk [tilespmem:v14+s14+$0x0], $0xffff  }
0x54: {  	v9 =	vor.u32 $0x70, v9;
	v10 =	vand.u32 $0x68, v10  }
0x55: {  	v10 =	vor.u32 v10, v11;
	v13 =	vshll.u32 v9, $0x6  }
0x56: {  	v13 =	vor.u32 v0, v13;
	_ =	sdelay $0x1  }
0x57: {  	v12 =	vadd.f32 v12, v8;
	_ =	sdelay $0x1  }
0x58: {  	s31 =	simm.s32 $0x1;
	v9 =	vand.u32 $0x78, v9;
	[tilespmem:v10+s17+$0x0] =	vst.idx.msk $0xffff, v12  }
0x59: {  	v10 =	vor.u32 v9, v11;
	v11 =	vld.idx.msk [tilespmem:v13+s14+$0x0], $0xffff;
	v13 =	vadd.s32 s31, v0  }
0x5a: {  	v12 =	vand.u32 $0xF, v13;
	v9 =	vor.u32 $0x10, v13;
	v14 =	vand.u32 $0x7, v13  }
0x5b: {  	v15 =	vshll.u32 v12, $0x6;
	v19 =	vshll.u32 v9, $0x6;
	v16 =	vand.u32 $0x18, v9  }
0x5c: {  	v9 =	vor.u32 v1, v14;
	v14 =	vor.u32 $0x20, v12;
	v20 =	vor.u32 v0, v15  }
0x5d: {  	v16 =	vor.u32 v16, v9;
	v18 =	vshll.u32 v14, $0x6;
	v14 =	vand.u32 $0x28, v14  }
0x5e: {  	v15 =	vor.u32 $0x30, v13;
	v14 =	vor.u32 v14, v9;
	v21 =	vadd.f32 v11, v8  }
0x5f: {  	s29 =	simm.s32 $0x2;
	s26 =	sshll.u32 s25, $0x1;
	v17 =	vshll.u32 v15, $0x6;
	v15 =	vand.u32 $0x38, v15;
	v11 =	vor.u32 $0x40, v12  }
.LBB2_3:
0x60: {  	p1 =	sne.s32 s29, $0xF;
	v22 =	vor.u32 $0x50, v13;
	v23 =	vor.u32 $0x60, v12;
	v13 =	vor.u32 $0x70, v13;
	[tilespmem:v10+s17+$0x0] =	vst.idx.msk $0xffff, v21;
	s30 =	smov.u32 s29;
	s29 =	sadd.s32 $0x1, s29  }
0x61: {  	v20 =	vld.idx.msk [tilespmem:v20+s14+$0x0], $0xffff;
	v21 =	vshll.u32 v22, $0x6;
	v10 =	vand.u32 $0x58, v22;
	v22 =	vshll.u32 v23, $0x6  }
0x62: {  	v24 =	vor.u32 v10, v9;
	v10 =	vand.u32 $0x68, v23;
	v23 =	vshll.u32 v13, $0x6  }
0x63: {  	v25 =	vor.u32 v10, v9;
	v10 =	vand.u32 $0x78, v13  }
0x64: {  	v12 =	vor.u32 v1, v12;
	v10 =	vor.u32 v10, v9  }
0x65: {  	v13 =	vor.u32 v0, v19;
	_ =	sdelay $0x1  }
0x66: {  	v19 =	vadd.f32 v20, v8;
	_ =	sdelay $0x1  }
0x67: {  	[tilespmem:v12+s17+$0x0] =	vst.idx.msk $0xffff, v19  }
0x68: {  	v12 =	vld.idx.msk [tilespmem:v13+s14+$0x0], $0xffff;
	_ =	sdelay $0x3  }
0x69: {  	v13 =	vor.u32 v0, v18;
	_ =	sdelay $0x1  }
0x6a: {  	v12 =	vadd.f32 v12, v8;
	_ =	sdelay $0x1  }
0x6b: {  	[tilespmem:v16+s17+$0x0] =	vst.idx.msk $0xffff, v12  }
0x6c: {  	v12 =	vld.idx.msk [tilespmem:v13+s14+$0x0], $0xffff;
	_ =	sdelay $0x3  }
0x6d: {  	v13 =	vor.u32 v0, v17;
	_ =	sdelay $0x1  }
0x6e: {  	v12 =	vadd.f32 v12, v8;
	_ =	sdelay $0x1  }
0x6f: {  	[tilespmem:v14+s17+$0x0] =	vst.idx.msk $0xffff, v12  }
0x70: {  	v12 =	vld.idx.msk [tilespmem:v13+s14+$0x0], $0xffff;
	_ =	sdelay $0x2  }
0x71: {  	v14 =	vshll.u32 v11, $0x6;
	v13 =	vor.u32 v15, v9  }
0x72: {  	v14 =	vor.u32 v0, v14;
	_ =	sdelay $0x1  }
0x73: {  	v12 =	vadd.f32 v12, v8;
	_ =	sdelay $0x1  }
0x74: {  	[tilespmem:v13+s17+$0x0] =	vst.idx.msk $0xffff, v12  }
0x75: {  	v12 =	vld.idx.msk [tilespmem:v14+s14+$0x0], $0xffff;
	_ =	sdelay $0x1  }
0x76: {  	v11 =	vand.u32 $0x48, v11  }
0x77: {  	v9 =	vor.u32 v11, v9  }
0x78: {  	v11 =	vor.u32 v0, v21;
	_ =	sdelay $0x1  }
0x79: {  	v12 =	vadd.f32 v12, v8;
	_ =	sdelay $0x1  }
0x7a: {  	[tilespmem:v9+s17+$0x0] =	vst.idx.msk $0xffff, v12  }
0x7b: {  	v9 =	vld.idx.msk [tilespmem:v11+s14+$0x0], $0xffff;
	_ =	sdelay $0x3  }
0x7c: {  	v11 =	vor.u32 v0, v22;
	_ =	sdelay $0x1  }
0x7d: {  	v9 =	vadd.f32 v9, v8;
	_ =	sdelay $0x1  }
0x7e: {  	[tilespmem:v24+s17+$0x0] =	vst.idx.msk $0xffff, v9  }
0x7f: {  	v9 =	vld.idx.msk [tilespmem:v11+s14+$0x0], $0xffff;
	_ =	sdelay $0x3  }
0x80: {  	v11 =	vor.u32 v0, v23;
	_ =	sdelay $0x1  }
0x81: {  	v9 =	vadd.f32 v9, v8;
	_ =	sdelay $0x1  }
0x82: {  	[tilespmem:v25+s17+$0x0] =	vst.idx.msk $0xffff, v9  }
0x83: {  	v11 =	vld.idx.msk [tilespmem:v11+s14+$0x0], $0xffff  }
0x84: {  	v13 =	vadd.s32 s30, v0  }
0x85: {  	v14 =	vand.u32 $0x7, v13;
	v12 =	vand.u32 $0xF, v13;
	v9 =	vor.u32 $0x10, v13  }
.Ltmp2:
0x86: {  	v15 =	vshll.u32 v12, $0x6;
	v19 =	vshll.u32 v9, $0x6;
	v16 =	vand.u32 $0x18, v9;
	(pc) =	sbr.rel @p1 .LBB2_3-.Ltmp2, $4  }
0x87: {  	v20 =	vor.u32 v0, v15;
	v9 =	vor.u32 v1, v14;
	v14 =	vor.u32 $0x20, v12  }
0x88: {  	v16 =	vor.u32 v16, v9;
	v18 =	vshll.u32 v14, $0x6;
	v14 =	vand.u32 $0x28, v14  }
0x89: {  	v15 =	vor.u32 $0x30, v13;
	v14 =	vor.u32 v14, v9;
	v21 =	vadd.f32 v11, v8  }
0x8a: {  	v17 =	vshll.u32 v15, $0x6;
	v15 =	vand.u32 $0x38, v15;
	v11 =	vor.u32 $0x40, v12  }
0x8b: {  	_ =	sdelay $0x3  }
0x8c: {  	[tilespmem:v10+s17+$0x0] =	vst.idx.msk $0xffff, v21  }
0x8d: {  	v10 =	vld.idx.msk [tilespmem:v20+s14+$0x0], $0xffff;
	_ =	sdelay $0x1  }
0x8e: {  	v20 =	vor.u32 v1, v12  }
0x8f: {  	v19 =	vor.u32 v0, v19;
	_ =	sdelay $0x1  }
0x90: {  	v10 =	vadd.f32 v10, v8;
	_ =	sdelay $0x1  }
0x91: {  	[tilespmem:v20+s17+$0x0] =	vst.idx.msk $0xffff, v10  }
0x92: {  	v10 =	vld.idx.msk [tilespmem:v19+s14+$0x0], $0xffff;
	_ =	sdelay $0x2  }
0x93: {  	v18 =	vor.u32 v0, v18;
	_ =	sdelay $0x1  }
0x94: {  	v10 =	vadd.f32 v10, v8;
	_ =	sdelay $0x1  }
0x95: {  	[tilespmem:v16+s17+$0x0] =	vst.idx.msk $0xffff, v10  }
0x96: {  	v10 =	vld.idx.msk [tilespmem:v18+s14+$0x0], $0xffff;
	_ =	sdelay $0x2  }
0x97: {  	v16 =	vor.u32 v0, v17;
	_ =	sdelay $0x1  }
0x98: {  	v10 =	vadd.f32 v10, v8;
	_ =	sdelay $0x1  }
0x99: {  	[tilespmem:v14+s17+$0x0] =	vst.idx.msk $0xffff, v10  }
0x9a: {  	v10 =	vld.idx.msk [tilespmem:v16+s14+$0x0], $0xffff;
	_ =	sdelay $0x1  }
0x9b: {  	v14 =	vor.u32 v15, v9;
	v15 =	vshll.u32 v11, $0x6  }
0x9c: {  	v15 =	vor.u32 v0, v15;
	_ =	sdelay $0x1  }
0x9d: {  	v10 =	vadd.f32 v10, v8;
	_ =	sdelay $0x1  }
0x9e: {  	[tilespmem:v14+s17+$0x0] =	vst.idx.msk $0xffff, v10  }
0x9f: {  	v10 =	vld.idx.msk [tilespmem:v15+s14+$0x0], $0xffff  }
0xa0: {  	v11 =	vand.u32 $0x48, v11;
	v14 =	vor.u32 $0x50, v13  }
0xa1: {  	v11 =	vor.u32 v11, v9;
	v15 =	vshll.u32 v14, $0x6  }
0xa2: {  	v15 =	vor.u32 v0, v15;
	_ =	sdelay $0x1  }
0xa3: {  	v10 =	vadd.f32 v10, v8;
	_ =	sdelay $0x1  }
0xa4: {  	[tilespmem:v11+s17+$0x0] =	vst.idx.msk $0xffff, v10  }
0xa5: {  	v10 =	vld.idx.msk [tilespmem:v15+s14+$0x0], $0xffff  }
0xa6: {  	v11 =	vor.u32 $0x60, v12;
	v12 =	vand.u32 $0x58, v14  }
0xa7: {  	v14 =	vshll.u32 v11, $0x6;
	v12 =	vor.u32 v12, v9  }
0xa8: {  	v14 =	vor.u32 v0, v14;
	_ =	sdelay $0x1  }
0xa9: {  	v10 =	vadd.f32 v10, v8;
	_ =	sdelay $0x1  }
0xaa: {  	[tilespmem:v12+s17+$0x0] =	vst.idx.msk $0xffff, v10  }
0xab: {  	v10 =	vld.idx.msk [tilespmem:v14+s14+$0x0], $0xffff  }
0xac: {  	v11 =	vand.u32 $0x68, v11;
	v12 =	vor.u32 $0x70, v13  }
0xad: {  	v11 =	vor.u32 v11, v9;
	v13 =	vshll.u32 v12, $0x6  }
0xae: {  	v13 =	vor.u32 v0, v13;
	_ =	sdelay $0x1  }
0xaf: {  	v10 =	vadd.f32 v10, v8;
	_ =	sdelay $0x1  }
0xb0: {  	[tilespmem:v11+s17+$0x0] =	vst.idx.msk $0xffff, v10  }
0xb1: {  	s29 =	simm.s32 $0x0;
	v10 =	vld.idx.msk [tilespmem:v13+s14+$0x0], $0xffff  }
0xb2: {  	v11 =	vand.u32 $0x78, v12;
	v12 =	vadd.s32 s29, v0  }
0xb3: {  	v9 =	vor.u32 v11, v9;
	v11 =	vand.u32 $0xF, v12  }
0xb4: {  	v13 =	vshll.u32 v11, $0x6  }
0xb5: {  	v13 =	vor.u32 v2, v13  }
0xb6: {  	v8 =	vadd.f32 v10, v8;
	_ =	sdelay $0x1  }
0xb7: {  	[tilespmem:v9+s17+$0x0] =	vst.idx.msk $0xffff, v8  }
0xb8: {  	v8 =	vld [tilespmem:s28+$0x10210]  }
0xb9: {  	v9 =	vld.idx.msk [tilespmem:v13+s14+$0x0], $0xffff  }
0xba: {  	v10 =	vor.u32 $0x10, v12  }
0xbb: {  	v14 =	vor.u32 v3, v11;
	v13 =	vshll.u32 v10, $0x6  }
0xbc: {  	v13 =	vor.u32 v2, v13;
	_ =	sdelay $0x1  }
0xbd: {  	v9 =	vadd.f32 v9, v8;
	_ =	sdelay $0x1  }
0xbe: {  	[tilespmem:v14+s17+$0x0] =	vst.idx.msk $0xffff, v9  }
0xbf: {  	v9 =	vand.u32 $0x7, v12;
	v13 =	vld.idx.msk [tilespmem:v13+s14+$0x0], $0xffff  }
0xc0: {  	v10 =	vand.u32 $0x18, v10;
	v14 =	vor.u32 $0x20, v11;
	v9 =	vor.u32 v3, v9  }
0xc1: {  	v15 =	vshll.u32 v14, $0x6;
	v10 =	vor.u32 v10, v9  }
0xc2: {  	v15 =	vor.u32 v2, v15;
	_ =	sdelay $0x1  }
0xc3: {  	v13 =	vadd.f32 v13, v8;
	_ =	sdelay $0x1  }
0xc4: {  	[tilespmem:v10+s17+$0x0] =	vst.idx.msk $0xffff, v13  }
0xc5: {  	v10 =	vld.idx.msk [tilespmem:v15+s14+$0x0], $0xffff  }
0xc6: {  	v13 =	vand.u32 $0x28, v14;
	v14 =	vor.u32 $0x30, v12  }
0xc7: {  	v13 =	vor.u32 v13, v9;
	v15 =	vshll.u32 v14, $0x6  }
0xc8: {  	v15 =	vor.u32 v2, v15;
	_ =	sdelay $0x1  }
0xc9: {  	v10 =	vadd.f32 v10, v8;
	_ =	sdelay $0x1  }
0xca: {  	[tilespmem:v13+s17+$0x0] =	vst.idx.msk $0xffff, v10  }
0xcb: {  	v10 =	vld.idx.msk [tilespmem:v15+s14+$0x0], $0xffff  }
0xcc: {  	v13 =	vand.u32 $0x38, v14;
	v14 =	vor.u32 $0x40, v11  }
0xcd: {  	v13 =	vor.u32 v13, v9;
	v15 =	vshll.u32 v14, $0x6  }
0xce: {  	v15 =	vor.u32 v2, v15;
	_ =	sdelay $0x1  }
0xcf: {  	v10 =	vadd.f32 v10, v8;
	_ =	sdelay $0x1  }
0xd0: {  	[tilespmem:v13+s17+$0x0] =	vst.idx.msk $0xffff, v10  }
0xd1: {  	v10 =	vld.idx.msk [tilespmem:v15+s14+$0x0], $0xffff  }
0xd2: {  	v14 =	vand.u32 $0x48, v14;
	v13 =	vor.u32 $0x50, v12  }
0xd3: {  	v14 =	vor.u32 v14, v9;
	v15 =	vshll.u32 v13, $0x6  }
0xd4: {  	v15 =	vor.u32 v2, v15;
	_ =	sdelay $0x1  }
0xd5: {  	v10 =	vadd.f32 v10, v8;
	_ =	sdelay $0x1  }
0xd6: {  	[tilespmem:v14+s17+$0x0] =	vst.idx.msk $0xffff, v10  }
0xd7: {  	v10 =	vld.idx.msk [tilespmem:v15+s14+$0x0], $0xffff  }
0xd8: {  	v11 =	vor.u32 $0x60, v11;
	v13 =	vand.u32 $0x58, v13  }
0xd9: {  	v13 =	vor.u32 v13, v9;
	v14 =	vshll.u32 v11, $0x6  }
0xda: {  	v14 =	vor.u32 v2, v14;
	_ =	sdelay $0x1  }
0xdb: {  	v10 =	vadd.f32 v10, v8;
	_ =	sdelay $0x1  }
0xdc: {  	[tilespmem:v13+s17+$0x0] =	vst.idx.msk $0xffff, v10  }
0xdd: {  	v10 =	vld.idx.msk [tilespmem:v14+s14+$0x0], $0xffff  }
0xde: {  	v12 =	vor.u32 $0x70, v12;
	v11 =	vand.u32 $0x68, v11  }
0xdf: {  	v11 =	vor.u32 v11, v9;
	v13 =	vshll.u32 v12, $0x6  }
0xe0: {  	v13 =	vor.u32 v2, v13;
	_ =	sdelay $0x1  }
0xe1: {  	v10 =	vadd.f32 v10, v8;
	_ =	sdelay $0x1  }
0xe2: {  	s29 =	simm.s32 $0x1;
	v12 =	vand.u32 $0x78, v12;
	[tilespmem:v11+s17+$0x0] =	vst.idx.msk $0xffff, v10  }
0xe3: {  	v10 =	vor.u32 v12, v9;
	v11 =	vld.idx.msk [tilespmem:v13+s14+$0x0], $0xffff;
	v13 =	vadd.s32 s29, v0  }
0xe4: {  	v12 =	vand.u32 $0xF, v13;
	v9 =	vor.u32 $0x10, v13;
	v14 =	vand.u32 $0x7, v13  }
0xe5: {  	v15 =	vshll.u32 v12, $0x6;
	v19 =	vshll.u32 v9, $0x6;
	v16 =	vand.u32 $0x18, v9  }
0xe6: {  	v9 =	vor.u32 v3, v14;
	v14 =	vor.u32 $0x20, v12;
	v20 =	vor.u32 v2, v15  }
0xe7: {  	v16 =	vor.u32 v16, v9;
	v18 =	vshll.u32 v14, $0x6;
	v14 =	vand.u32 $0x28, v14  }
0xe8: {  	v15 =	vor.u32 $0x30, v13;
	v14 =	vor.u32 v14, v9;
	v21 =	vadd.f32 v11, v8  }
0xe9: {  	s29 =	simm.s32 $0x2;
	v17 =	vshll.u32 v15, $0x6;
	v15 =	vand.u32 $0x38, v15;
	v11 =	vor.u32 $0x40, v12  }
.LBB2_5:
0xea: {  	p1 =	sne.s32 s29, $0xF;
	v22 =	vor.u32 $0x50, v13;
	v23 =	vor.u32 $0x60, v12;
	v13 =	vor.u32 $0x70, v13;
	[tilespmem:v10+s17+$0x0] =	vst.idx.msk $0xffff, v21;
	s30 =	smov.u32 s29;
	s29 =	sadd.s32 $0x1, s29  }
0xeb: {  	v20 =	vld.idx.msk [tilespmem:v20+s14+$0x0], $0xffff;
	v21 =	vshll.u32 v22, $0x6;
	v10 =	vand.u32 $0x58, v22;
	v22 =	vshll.u32 v23, $0x6  }
0xec: {  	v24 =	vor.u32 v10, v9;
	v10 =	vand.u32 $0x68, v23;
	v23 =	vshll.u32 v13, $0x6  }
0xed: {  	v25 =	vor.u32 v10, v9;
	v10 =	vand.u32 $0x78, v13  }
0xee: {  	v12 =	vor.u32 v3, v12;
	v10 =	vor.u32 v10, v9  }
0xef: {  	v13 =	vor.u32 v2, v19;
	_ =	sdelay $0x1  }
0xf0: {  	v19 =	vadd.f32 v20, v8;
	_ =	sdelay $0x1  }
0xf1: {  	[tilespmem:v12+s17+$0x0] =	vst.idx.msk $0xffff, v19  }
0xf2: {  	v12 =	vld.idx.msk [tilespmem:v13+s14+$0x0], $0xffff;
	_ =	sdelay $0x3  }
0xf3: {  	v13 =	vor.u32 v2, v18;
	_ =	sdelay $0x1  }
0xf4: {  	v12 =	vadd.f32 v12, v8;
	_ =	sdelay $0x1  }
0xf5: {  	[tilespmem:v16+s17+$0x0] =	vst.idx.msk $0xffff, v12  }
0xf6: {  	v12 =	vld.idx.msk [tilespmem:v13+s14+$0x0], $0xffff;
	_ =	sdelay $0x3  }
0xf7: {  	v13 =	vor.u32 v2, v17;
	_ =	sdelay $0x1  }
0xf8: {  	v12 =	vadd.f32 v12, v8;
	_ =	sdelay $0x1  }
0xf9: {  	[tilespmem:v14+s17+$0x0] =	vst.idx.msk $0xffff, v12  }
0xfa: {  	v12 =	vld.idx.msk [tilespmem:v13+s14+$0x0], $0xffff;
	_ =	sdelay $0x2  }
0xfb: {  	v14 =	vshll.u32 v11, $0x6;
	v13 =	vor.u32 v15, v9  }
0xfc: {  	v14 =	vor.u32 v2, v14;
	_ =	sdelay $0x1  }
0xfd: {  	v12 =	vadd.f32 v12, v8;
	_ =	sdelay $0x1  }
0xfe: {  	[tilespmem:v13+s17+$0x0] =	vst.idx.msk $0xffff, v12  }
0xff: {  	v12 =	vld.idx.msk [tilespmem:v14+s14+$0x0], $0xffff;
	_ =	sdelay $0x1  }
0x100: {  	v11 =	vand.u32 $0x48, v11  }
0x101: {  	v9 =	vor.u32 v11, v9  }
0x102: {  	v11 =	vor.u32 v2, v21;
	_ =	sdelay $0x1  }
0x103: {  	v12 =	vadd.f32 v12, v8;
	_ =	sdelay $0x1  }
0x104: {  	[tilespmem:v9+s17+$0x0] =	vst.idx.msk $0xffff, v12  }
0x105: {  	v9 =	vld.idx.msk [tilespmem:v11+s14+$0x0], $0xffff;
	_ =	sdelay $0x3  }
0x106: {  	v11 =	vor.u32 v2, v22;
	_ =	sdelay $0x1  }
0x107: {  	v9 =	vadd.f32 v9, v8;
	_ =	sdelay $0x1  }
0x108: {  	[tilespmem:v24+s17+$0x0] =	vst.idx.msk $0xffff, v9  }
0x109: {  	v9 =	vld.idx.msk [tilespmem:v11+s14+$0x0], $0xffff;
	_ =	sdelay $0x3  }
0x10a: {  	v11 =	vor.u32 v2, v23;
	_ =	sdelay $0x1  }
0x10b: {  	v9 =	vadd.f32 v9, v8;
	_ =	sdelay $0x1  }
0x10c: {  	[tilespmem:v25+s17+$0x0] =	vst.idx.msk $0xffff, v9  }
0x10d: {  	v11 =	vld.idx.msk [tilespmem:v11+s14+$0x0], $0xffff  }
0x10e: {  	v13 =	vadd.s32 s30, v0  }
0x10f: {  	v14 =	vand.u32 $0x7, v13;
	v12 =	vand.u32 $0xF, v13;
	v9 =	vor.u32 $0x10, v13  }
.Ltmp3:
0x110: {  	v15 =	vshll.u32 v12, $0x6;
	v19 =	vshll.u32 v9, $0x6;
	v16 =	vand.u32 $0x18, v9;
	(pc) =	sbr.rel @p1 .LBB2_5-.Ltmp3, $4  }
0x111: {  	v20 =	vor.u32 v2, v15;
	v9 =	vor.u32 v3, v14;
	v14 =	vor.u32 $0x20, v12  }
0x112: {  	v16 =	vor.u32 v16, v9;
	v18 =	vshll.u32 v14, $0x6;
	v14 =	vand.u32 $0x28, v14  }
0x113: {  	v15 =	vor.u32 $0x30, v13;
	v14 =	vor.u32 v14, v9;
	v21 =	vadd.f32 v11, v8  }
0x114: {  	v17 =	vshll.u32 v15, $0x6;
	v15 =	vand.u32 $0x38, v15;
	v11 =	vor.u32 $0x40, v12  }
0x115: {  	_ =	sdelay $0x3  }
0x116: {  	[tilespmem:v10+s17+$0x0] =	vst.idx.msk $0xffff, v21  }
0x117: {  	v10 =	vld.idx.msk [tilespmem:v20+s14+$0x0], $0xffff;
	_ =	sdelay $0x1  }
0x118: {  	v20 =	vor.u32 v3, v12  }
0x119: {  	v19 =	vor.u32 v2, v19;
	_ =	sdelay $0x1  }
0x11a: {  	v10 =	vadd.f32 v10, v8;
	_ =	sdelay $0x1  }
0x11b: {  	[tilespmem:v20+s17+$0x0] =	vst.idx.msk $0xffff, v10  }
0x11c: {  	v10 =	vld.idx.msk [tilespmem:v19+s14+$0x0], $0xffff;
	_ =	sdelay $0x2  }
0x11d: {  	v18 =	vor.u32 v2, v18;
	_ =	sdelay $0x1  }
0x11e: {  	v10 =	vadd.f32 v10, v8;
	_ =	sdelay $0x1  }
0x11f: {  	[tilespmem:v16+s17+$0x0] =	vst.idx.msk $0xffff, v10  }
0x120: {  	v10 =	vld.idx.msk [tilespmem:v18+s14+$0x0], $0xffff;
	_ =	sdelay $0x2  }
0x121: {  	v16 =	vor.u32 v2, v17;
	_ =	sdelay $0x1  }
0x122: {  	v10 =	vadd.f32 v10, v8;
	_ =	sdelay $0x1  }
0x123: {  	[tilespmem:v14+s17+$0x0] =	vst.idx.msk $0xffff, v10  }
0x124: {  	v10 =	vld.idx.msk [tilespmem:v16+s14+$0x0], $0xffff;
	_ =	sdelay $0x1  }
0x125: {  	v14 =	vor.u32 v15, v9;
	v15 =	vshll.u32 v11, $0x6  }
0x126: {  	v15 =	vor.u32 v2, v15;
	_ =	sdelay $0x1  }
0x127: {  	v10 =	vadd.f32 v10, v8;
	_ =	sdelay $0x1  }
0x128: {  	[tilespmem:v14+s17+$0x0] =	vst.idx.msk $0xffff, v10  }
0x129: {  	v10 =	vld.idx.msk [tilespmem:v15+s14+$0x0], $0xffff  }
0x12a: {  	v11 =	vand.u32 $0x48, v11;
	v14 =	vor.u32 $0x50, v13  }
0x12b: {  	v11 =	vor.u32 v11, v9;
	v15 =	vshll.u32 v14, $0x6  }
0x12c: {  	v15 =	vor.u32 v2, v15;
	_ =	sdelay $0x1  }
0x12d: {  	v10 =	vadd.f32 v10, v8;
	_ =	sdelay $0x1  }
0x12e: {  	[tilespmem:v11+s17+$0x0] =	vst.idx.msk $0xffff, v10  }
0x12f: {  	v10 =	vld.idx.msk [tilespmem:v15+s14+$0x0], $0xffff  }
0x130: {  	v11 =	vor.u32 $0x60, v12;
	v12 =	vand.u32 $0x58, v14  }
0x131: {  	v14 =	vshll.u32 v11, $0x6;
	v12 =	vor.u32 v12, v9  }
0x132: {  	v14 =	vor.u32 v2, v14;
	_ =	sdelay $0x1  }
0x133: {  	v10 =	vadd.f32 v10, v8;
	_ =	sdelay $0x1  }
0x134: {  	[tilespmem:v12+s17+$0x0] =	vst.idx.msk $0xffff, v10  }
0x135: {  	v10 =	vld.idx.msk [tilespmem:v14+s14+$0x0], $0xffff  }
0x136: {  	v11 =	vand.u32 $0x68, v11;
	v12 =	vor.u32 $0x70, v13  }
0x137: {  	v11 =	vor.u32 v11, v9;
	v13 =	vshll.u32 v12, $0x6  }
0x138: {  	v13 =	vor.u32 v2, v13;
	_ =	sdelay $0x1  }
0x139: {  	v10 =	vadd.f32 v10, v8;
	_ =	sdelay $0x1  }
0x13a: {  	[tilespmem:v11+s17+$0x0] =	vst.idx.msk $0xffff, v10  }
0x13b: {  	s29 =	simm.s32 $0x0;
	v10 =	vld.idx.msk [tilespmem:v13+s14+$0x0], $0xffff  }
0x13c: {  	v11 =	vand.u32 $0x78, v12;
	v12 =	vadd.s32 s29, v0  }
0x13d: {  	v9 =	vor.u32 v11, v9;
	v11 =	vand.u32 $0xF, v12  }
0x13e: {  	v13 =	vshll.u32 v11, $0x6  }
0x13f: {  	v13 =	vor.u32 v4, v13  }
0x140: {  	v8 =	vadd.f32 v10, v8;
	_ =	sdelay $0x1  }
0x141: {  	[tilespmem:v9+s17+$0x0] =	vst.idx.msk $0xffff, v8  }
0x142: {  	v8 =	vld [tilespmem:s28+$0x10220]  }
0x143: {  	v9 =	vld.idx.msk [tilespmem:v13+s14+$0x0], $0xffff  }
0x144: {  	v10 =	vor.u32 $0x10, v12  }
0x145: {  	v14 =	vor.u32 v5, v11;
	v13 =	vshll.u32 v10, $0x6  }
0x146: {  	v13 =	vor.u32 v4, v13;
	_ =	sdelay $0x1  }
0x147: {  	v9 =	vadd.f32 v9, v8;
	_ =	sdelay $0x1  }
0x148: {  	[tilespmem:v14+s17+$0x0] =	vst.idx.msk $0xffff, v9  }
0x149: {  	v9 =	vand.u32 $0x7, v12;
	v13 =	vld.idx.msk [tilespmem:v13+s14+$0x0], $0xffff  }
0x14a: {  	v10 =	vand.u32 $0x18, v10;
	v14 =	vor.u32 $0x20, v11;
	v9 =	vor.u32 v5, v9  }
0x14b: {  	v15 =	vshll.u32 v14, $0x6;
	v10 =	vor.u32 v10, v9  }
0x14c: {  	v15 =	vor.u32 v4, v15;
	_ =	sdelay $0x1  }
0x14d: {  	v13 =	vadd.f32 v13, v8;
	_ =	sdelay $0x1  }
0x14e: {  	[tilespmem:v10+s17+$0x0] =	vst.idx.msk $0xffff, v13  }
0x14f: {  	v10 =	vld.idx.msk [tilespmem:v15+s14+$0x0], $0xffff  }
0x150: {  	v13 =	vand.u32 $0x28, v14;
	v14 =	vor.u32 $0x30, v12  }
0x151: {  	v13 =	vor.u32 v13, v9;
	v15 =	vshll.u32 v14, $0x6  }
0x152: {  	v15 =	vor.u32 v4, v15;
	_ =	sdelay $0x1  }
0x153: {  	v10 =	vadd.f32 v10, v8;
	_ =	sdelay $0x1  }
0x154: {  	[tilespmem:v13+s17+$0x0] =	vst.idx.msk $0xffff, v10  }
0x155: {  	v10 =	vld.idx.msk [tilespmem:v15+s14+$0x0], $0xffff  }
0x156: {  	v13 =	vand.u32 $0x38, v14;
	v14 =	vor.u32 $0x40, v11  }
0x157: {  	v13 =	vor.u32 v13, v9;
	v15 =	vshll.u32 v14, $0x6  }
0x158: {  	v15 =	vor.u32 v4, v15;
	_ =	sdelay $0x1  }
0x159: {  	v10 =	vadd.f32 v10, v8;
	_ =	sdelay $0x1  }
0x15a: {  	[tilespmem:v13+s17+$0x0] =	vst.idx.msk $0xffff, v10  }
0x15b: {  	v10 =	vld.idx.msk [tilespmem:v15+s14+$0x0], $0xffff  }
0x15c: {  	v14 =	vand.u32 $0x48, v14;
	v13 =	vor.u32 $0x50, v12  }
0x15d: {  	v14 =	vor.u32 v14, v9;
	v15 =	vshll.u32 v13, $0x6  }
0x15e: {  	v15 =	vor.u32 v4, v15;
	_ =	sdelay $0x1  }
0x15f: {  	v10 =	vadd.f32 v10, v8;
	_ =	sdelay $0x1  }
0x160: {  	[tilespmem:v14+s17+$0x0] =	vst.idx.msk $0xffff, v10  }
0x161: {  	v10 =	vld.idx.msk [tilespmem:v15+s14+$0x0], $0xffff  }
0x162: {  	v11 =	vor.u32 $0x60, v11;
	v13 =	vand.u32 $0x58, v13  }
0x163: {  	v13 =	vor.u32 v13, v9;
	v14 =	vshll.u32 v11, $0x6  }
0x164: {  	v14 =	vor.u32 v4, v14;
	_ =	sdelay $0x1  }
0x165: {  	v10 =	vadd.f32 v10, v8;
	_ =	sdelay $0x1  }
0x166: {  	[tilespmem:v13+s17+$0x0] =	vst.idx.msk $0xffff, v10  }
0x167: {  	v10 =	vld.idx.msk [tilespmem:v14+s14+$0x0], $0xffff  }
0x168: {  	v12 =	vor.u32 $0x70, v12;
	v11 =	vand.u32 $0x68, v11  }
0x169: {  	v11 =	vor.u32 v11, v9;
	v13 =	vshll.u32 v12, $0x6  }
0x16a: {  	v13 =	vor.u32 v4, v13;
	_ =	sdelay $0x1  }
0x16b: {  	v10 =	vadd.f32 v10, v8;
	_ =	sdelay $0x1  }
0x16c: {  	s29 =	simm.s32 $0x1;
	v12 =	vand.u32 $0x78, v12;
	[tilespmem:v11+s17+$0x0] =	vst.idx.msk $0xffff, v10  }
0x16d: {  	v10 =	vor.u32 v12, v9;
	v11 =	vld.idx.msk [tilespmem:v13+s14+$0x0], $0xffff;
	v13 =	vadd.s32 s29, v0  }
0x16e: {  	v12 =	vand.u32 $0xF, v13;
	v9 =	vor.u32 $0x10, v13;
	v14 =	vand.u32 $0x7, v13  }
0x16f: {  	v15 =	vshll.u32 v12, $0x6;
	v19 =	vshll.u32 v9, $0x6;
	v16 =	vand.u32 $0x18, v9  }
0x170: {  	v9 =	vor.u32 v5, v14;
	v14 =	vor.u32 $0x20, v12;
	v20 =	vor.u32 v4, v15  }
0x171: {  	v16 =	vor.u32 v16, v9;
	v18 =	vshll.u32 v14, $0x6;
	v14 =	vand.u32 $0x28, v14  }
0x172: {  	v15 =	vor.u32 $0x30, v13;
	v14 =	vor.u32 v14, v9;
	v21 =	vadd.f32 v11, v8  }
0x173: {  	s29 =	simm.s32 $0x2;
	v17 =	vshll.u32 v15, $0x6;
	v15 =	vand.u32 $0x38, v15;
	v11 =	vor.u32 $0x40, v12  }
.LBB2_7:
0x174: {  	p1 =	sne.s32 s29, $0xF;
	v22 =	vor.u32 $0x50, v13;
	v23 =	vor.u32 $0x60, v12;
	v13 =	vor.u32 $0x70, v13;
	[tilespmem:v10+s17+$0x0] =	vst.idx.msk $0xffff, v21;
	s30 =	smov.u32 s29;
	s29 =	sadd.s32 $0x1, s29  }
0x175: {  	v20 =	vld.idx.msk [tilespmem:v20+s14+$0x0], $0xffff;
	v21 =	vshll.u32 v22, $0x6;
	v10 =	vand.u32 $0x58, v22;
	v22 =	vshll.u32 v23, $0x6  }
0x176: {  	v24 =	vor.u32 v10, v9;
	v10 =	vand.u32 $0x68, v23;
	v23 =	vshll.u32 v13, $0x6  }
0x177: {  	v25 =	vor.u32 v10, v9;
	v10 =	vand.u32 $0x78, v13  }
0x178: {  	v12 =	vor.u32 v5, v12;
	v10 =	vor.u32 v10, v9  }
0x179: {  	v13 =	vor.u32 v4, v19;
	_ =	sdelay $0x1  }
0x17a: {  	v19 =	vadd.f32 v20, v8;
	_ =	sdelay $0x1  }
0x17b: {  	[tilespmem:v12+s17+$0x0] =	vst.idx.msk $0xffff, v19  }
0x17c: {  	v12 =	vld.idx.msk [tilespmem:v13+s14+$0x0], $0xffff;
	_ =	sdelay $0x3  }
0x17d: {  	v13 =	vor.u32 v4, v18;
	_ =	sdelay $0x1  }
0x17e: {  	v12 =	vadd.f32 v12, v8;
	_ =	sdelay $0x1  }
0x17f: {  	[tilespmem:v16+s17+$0x0] =	vst.idx.msk $0xffff, v12  }
0x180: {  	v12 =	vld.idx.msk [tilespmem:v13+s14+$0x0], $0xffff;
	_ =	sdelay $0x3  }
0x181: {  	v13 =	vor.u32 v4, v17;
	_ =	sdelay $0x1  }
0x182: {  	v12 =	vadd.f32 v12, v8;
	_ =	sdelay $0x1  }
0x183: {  	[tilespmem:v14+s17+$0x0] =	vst.idx.msk $0xffff, v12  }
0x184: {  	v12 =	vld.idx.msk [tilespmem:v13+s14+$0x0], $0xffff;
	_ =	sdelay $0x2  }
0x185: {  	v14 =	vshll.u32 v11, $0x6;
	v13 =	vor.u32 v15, v9  }
0x186: {  	v14 =	vor.u32 v4, v14;
	_ =	sdelay $0x1  }
0x187: {  	v12 =	vadd.f32 v12, v8;
	_ =	sdelay $0x1  }
0x188: {  	[tilespmem:v13+s17+$0x0] =	vst.idx.msk $0xffff, v12  }
0x189: {  	v12 =	vld.idx.msk [tilespmem:v14+s14+$0x0], $0xffff;
	_ =	sdelay $0x1  }
0x18a: {  	v11 =	vand.u32 $0x48, v11  }
0x18b: {  	v9 =	vor.u32 v11, v9  }
0x18c: {  	v11 =	vor.u32 v4, v21;
	_ =	sdelay $0x1  }
0x18d: {  	v12 =	vadd.f32 v12, v8;
	_ =	sdelay $0x1  }
0x18e: {  	[tilespmem:v9+s17+$0x0] =	vst.idx.msk $0xffff, v12  }
0x18f: {  	v9 =	vld.idx.msk [tilespmem:v11+s14+$0x0], $0xffff;
	_ =	sdelay $0x3  }
0x190: {  	v11 =	vor.u32 v4, v22;
	_ =	sdelay $0x1  }
0x191: {  	v9 =	vadd.f32 v9, v8;
	_ =	sdelay $0x1  }
0x192: {  	[tilespmem:v24+s17+$0x0] =	vst.idx.msk $0xffff, v9  }
0x193: {  	v9 =	vld.idx.msk [tilespmem:v11+s14+$0x0], $0xffff;
	_ =	sdelay $0x3  }
0x194: {  	v11 =	vor.u32 v4, v23;
	_ =	sdelay $0x1  }
0x195: {  	v9 =	vadd.f32 v9, v8;
	_ =	sdelay $0x1  }
0x196: {  	[tilespmem:v25+s17+$0x0] =	vst.idx.msk $0xffff, v9  }
0x197: {  	v11 =	vld.idx.msk [tilespmem:v11+s14+$0x0], $0xffff  }
0x198: {  	v13 =	vadd.s32 s30, v0  }
0x199: {  	v14 =	vand.u32 $0x7, v13;
	v12 =	vand.u32 $0xF, v13;
	v9 =	vor.u32 $0x10, v13  }
.Ltmp4:
0x19a: {  	v15 =	vshll.u32 v12, $0x6;
	v19 =	vshll.u32 v9, $0x6;
	v16 =	vand.u32 $0x18, v9;
	(pc) =	sbr.rel @p1 .LBB2_7-.Ltmp4, $4  }
0x19b: {  	v20 =	vor.u32 v4, v15;
	v9 =	vor.u32 v5, v14;
	v14 =	vor.u32 $0x20, v12  }
0x19c: {  	v16 =	vor.u32 v16, v9;
	v18 =	vshll.u32 v14, $0x6;
	v14 =	vand.u32 $0x28, v14  }
0x19d: {  	v15 =	vor.u32 $0x30, v13;
	v14 =	vor.u32 v14, v9;
	v21 =	vadd.f32 v11, v8  }
0x19e: {  	v17 =	vshll.u32 v15, $0x6;
	v15 =	vand.u32 $0x38, v15;
	v11 =	vor.u32 $0x40, v12  }
0x19f: {  	_ =	sdelay $0x3  }
0x1a0: {  	[tilespmem:v10+s17+$0x0] =	vst.idx.msk $0xffff, v21  }
0x1a1: {  	v10 =	vld.idx.msk [tilespmem:v20+s14+$0x0], $0xffff;
	_ =	sdelay $0x1  }
0x1a2: {  	v20 =	vor.u32 v5, v12  }
0x1a3: {  	v19 =	vor.u32 v4, v19;
	_ =	sdelay $0x1  }
0x1a4: {  	v10 =	vadd.f32 v10, v8;
	_ =	sdelay $0x1  }
0x1a5: {  	[tilespmem:v20+s17+$0x0] =	vst.idx.msk $0xffff, v10  }
0x1a6: {  	v10 =	vld.idx.msk [tilespmem:v19+s14+$0x0], $0xffff;
	_ =	sdelay $0x2  }
0x1a7: {  	v18 =	vor.u32 v4, v18;
	_ =	sdelay $0x1  }
0x1a8: {  	v10 =	vadd.f32 v10, v8;
	_ =	sdelay $0x1  }
0x1a9: {  	[tilespmem:v16+s17+$0x0] =	vst.idx.msk $0xffff, v10  }
0x1aa: {  	v10 =	vld.idx.msk [tilespmem:v18+s14+$0x0], $0xffff;
	_ =	sdelay $0x2  }
0x1ab: {  	v16 =	vor.u32 v4, v17;
	_ =	sdelay $0x1  }
0x1ac: {  	v10 =	vadd.f32 v10, v8;
	_ =	sdelay $0x1  }
0x1ad: {  	[tilespmem:v14+s17+$0x0] =	vst.idx.msk $0xffff, v10  }
0x1ae: {  	v10 =	vld.idx.msk [tilespmem:v16+s14+$0x0], $0xffff;
	_ =	sdelay $0x1  }
0x1af: {  	v14 =	vor.u32 v15, v9;
	v15 =	vshll.u32 v11, $0x6  }
0x1b0: {  	v15 =	vor.u32 v4, v15;
	_ =	sdelay $0x1  }
0x1b1: {  	v10 =	vadd.f32 v10, v8;
	_ =	sdelay $0x1  }
0x1b2: {  	[tilespmem:v14+s17+$0x0] =	vst.idx.msk $0xffff, v10  }
0x1b3: {  	v10 =	vld.idx.msk [tilespmem:v15+s14+$0x0], $0xffff  }
0x1b4: {  	v11 =	vand.u32 $0x48, v11;
	v14 =	vor.u32 $0x50, v13  }
0x1b5: {  	v11 =	vor.u32 v11, v9;
	v15 =	vshll.u32 v14, $0x6  }
0x1b6: {  	v15 =	vor.u32 v4, v15;
	_ =	sdelay $0x1  }
0x1b7: {  	v10 =	vadd.f32 v10, v8;
	_ =	sdelay $0x1  }
0x1b8: {  	[tilespmem:v11+s17+$0x0] =	vst.idx.msk $0xffff, v10  }
0x1b9: {  	v10 =	vld.idx.msk [tilespmem:v15+s14+$0x0], $0xffff  }
0x1ba: {  	v11 =	vor.u32 $0x60, v12;
	v12 =	vand.u32 $0x58, v14  }
0x1bb: {  	v14 =	vshll.u32 v11, $0x6;
	v12 =	vor.u32 v12, v9  }
0x1bc: {  	v14 =	vor.u32 v4, v14;
	_ =	sdelay $0x1  }
0x1bd: {  	v10 =	vadd.f32 v10, v8;
	_ =	sdelay $0x1  }
0x1be: {  	[tilespmem:v12+s17+$0x0] =	vst.idx.msk $0xffff, v10  }
0x1bf: {  	v10 =	vld.idx.msk [tilespmem:v14+s14+$0x0], $0xffff  }
0x1c0: {  	v11 =	vand.u32 $0x68, v11;
	v12 =	vor.u32 $0x70, v13  }
0x1c1: {  	v11 =	vor.u32 v11, v9;
	v13 =	vshll.u32 v12, $0x6  }
0x1c2: {  	v13 =	vor.u32 v4, v13;
	_ =	sdelay $0x1  }
0x1c3: {  	v10 =	vadd.f32 v10, v8;
	_ =	sdelay $0x1  }
0x1c4: {  	[tilespmem:v11+s17+$0x0] =	vst.idx.msk $0xffff, v10  }
0x1c5: {  	s29 =	simm.s32 $0x0;
	v10 =	vld.idx.msk [tilespmem:v13+s14+$0x0], $0xffff  }
0x1c6: {  	v11 =	vand.u32 $0x78, v12;
	v12 =	vadd.s32 s29, v0  }
0x1c7: {  	v9 =	vor.u32 v11, v9;
	v11 =	vand.u32 $0xF, v12  }
0x1c8: {  	v13 =	vshll.u32 v11, $0x6  }
0x1c9: {  	v13 =	vor.u32 v6, v13  }
0x1ca: {  	v8 =	vadd.f32 v10, v8;
	_ =	sdelay $0x1  }
0x1cb: {  	[tilespmem:v9+s17+$0x0] =	vst.idx.msk $0xffff, v8  }
0x1cc: {  	v8 =	vld [tilespmem:s28+$0x10230]  }
0x1cd: {  	v9 =	vld.idx.msk [tilespmem:v13+s14+$0x0], $0xffff  }
0x1ce: {  	v10 =	vor.u32 $0x10, v12  }
0x1cf: {  	v14 =	vor.u32 v7, v11;
	v13 =	vshll.u32 v10, $0x6  }
0x1d0: {  	v13 =	vor.u32 v6, v13;
	_ =	sdelay $0x1  }
0x1d1: {  	v9 =	vadd.f32 v9, v8;
	_ =	sdelay $0x1  }
0x1d2: {  	[tilespmem:v14+s17+$0x0] =	vst.idx.msk $0xffff, v9  }
0x1d3: {  	v9 =	vand.u32 $0x7, v12;
	v13 =	vld.idx.msk [tilespmem:v13+s14+$0x0], $0xffff  }
0x1d4: {  	v10 =	vand.u32 $0x18, v10;
	v14 =	vor.u32 $0x20, v11;
	v9 =	vor.u32 v7, v9  }
0x1d5: {  	v15 =	vshll.u32 v14, $0x6;
	v10 =	vor.u32 v10, v9  }
0x1d6: {  	v15 =	vor.u32 v6, v15;
	_ =	sdelay $0x1  }
0x1d7: {  	v13 =	vadd.f32 v13, v8;
	_ =	sdelay $0x1  }
0x1d8: {  	[tilespmem:v10+s17+$0x0] =	vst.idx.msk $0xffff, v13  }
0x1d9: {  	v10 =	vld.idx.msk [tilespmem:v15+s14+$0x0], $0xffff  }
0x1da: {  	v13 =	vand.u32 $0x28, v14;
	v14 =	vor.u32 $0x30, v12  }
0x1db: {  	v13 =	vor.u32 v13, v9;
	v15 =	vshll.u32 v14, $0x6  }
0x1dc: {  	v15 =	vor.u32 v6, v15;
	_ =	sdelay $0x1  }
0x1dd: {  	v10 =	vadd.f32 v10, v8;
	_ =	sdelay $0x1  }
0x1de: {  	[tilespmem:v13+s17+$0x0] =	vst.idx.msk $0xffff, v10  }
0x1df: {  	v10 =	vld.idx.msk [tilespmem:v15+s14+$0x0], $0xffff  }
0x1e0: {  	v13 =	vand.u32 $0x38, v14;
	v14 =	vor.u32 $0x40, v11  }
0x1e1: {  	v13 =	vor.u32 v13, v9;
	v15 =	vshll.u32 v14, $0x6  }
0x1e2: {  	v15 =	vor.u32 v6, v15;
	_ =	sdelay $0x1  }
0x1e3: {  	v10 =	vadd.f32 v10, v8;
	_ =	sdelay $0x1  }
0x1e4: {  	[tilespmem:v13+s17+$0x0] =	vst.idx.msk $0xffff, v10  }
0x1e5: {  	v10 =	vld.idx.msk [tilespmem:v15+s14+$0x0], $0xffff  }
0x1e6: {  	v14 =	vand.u32 $0x48, v14;
	v13 =	vor.u32 $0x50, v12  }
0x1e7: {  	v14 =	vor.u32 v14, v9;
	v15 =	vshll.u32 v13, $0x6  }
0x1e8: {  	v15 =	vor.u32 v6, v15;
	_ =	sdelay $0x1  }
0x1e9: {  	v10 =	vadd.f32 v10, v8;
	_ =	sdelay $0x1  }
0x1ea: {  	[tilespmem:v14+s17+$0x0] =	vst.idx.msk $0xffff, v10  }
0x1eb: {  	v10 =	vld.idx.msk [tilespmem:v15+s14+$0x0], $0xffff  }
0x1ec: {  	v11 =	vor.u32 $0x60, v11;
	v13 =	vand.u32 $0x58, v13  }
0x1ed: {  	v13 =	vor.u32 v13, v9;
	v14 =	vshll.u32 v11, $0x6  }
0x1ee: {  	v14 =	vor.u32 v6, v14;
	_ =	sdelay $0x1  }
0x1ef: {  	v10 =	vadd.f32 v10, v8;
	_ =	sdelay $0x1  }
0x1f0: {  	[tilespmem:v13+s17+$0x0] =	vst.idx.msk $0xffff, v10  }
0x1f1: {  	v10 =	vld.idx.msk [tilespmem:v14+s14+$0x0], $0xffff  }
0x1f2: {  	v12 =	vor.u32 $0x70, v12;
	v11 =	vand.u32 $0x68, v11  }
0x1f3: {  	v11 =	vor.u32 v11, v9;
	v13 =	vshll.u32 v12, $0x6  }
0x1f4: {  	v13 =	vor.u32 v6, v13;
	_ =	sdelay $0x1  }
0x1f5: {  	v10 =	vadd.f32 v10, v8;
	_ =	sdelay $0x1  }
0x1f6: {  	s29 =	simm.s32 $0x1;
	v12 =	vand.u32 $0x78, v12;
	[tilespmem:v11+s17+$0x0] =	vst.idx.msk $0xffff, v10  }
0x1f7: {  	v10 =	vor.u32 v12, v9;
	v11 =	vld.idx.msk [tilespmem:v13+s14+$0x0], $0xffff;
	v13 =	vadd.s32 s29, v0  }
0x1f8: {  	v12 =	vand.u32 $0xF, v13;
	v9 =	vor.u32 $0x10, v13;
	v14 =	vand.u32 $0x7, v13  }
0x1f9: {  	v15 =	vshll.u32 v12, $0x6;
	v19 =	vshll.u32 v9, $0x6;
	v16 =	vand.u32 $0x18, v9  }
0x1fa: {  	v9 =	vor.u32 v7, v14;
	v14 =	vor.u32 $0x20, v12;
	v20 =	vor.u32 v6, v15  }
0x1fb: {  	v16 =	vor.u32 v16, v9;
	v18 =	vshll.u32 v14, $0x6;
	v14 =	vand.u32 $0x28, v14  }
0x1fc: {  	v15 =	vor.u32 $0x30, v13;
	v14 =	vor.u32 v14, v9;
	v21 =	vadd.f32 v11, v8  }
0x1fd: {  	s29 =	simm.s32 $0x2;
	v17 =	vshll.u32 v15, $0x6;
	v15 =	vand.u32 $0x38, v15;
	v11 =	vor.u32 $0x40, v12  }
.LBB2_9:
0x1fe: {  	p1 =	sne.s32 s29, $0xF;
	v22 =	vor.u32 $0x50, v13;
	v23 =	vor.u32 $0x60, v12;
	v13 =	vor.u32 $0x70, v13;
	[tilespmem:v10+s17+$0x0] =	vst.idx.msk $0xffff, v21;
	s30 =	smov.u32 s29;
	s29 =	sadd.s32 $0x1, s29  }
0x1ff: {  	v20 =	vld.idx.msk [tilespmem:v20+s14+$0x0], $0xffff;
	v21 =	vshll.u32 v22, $0x6;
	v10 =	vand.u32 $0x58, v22;
	v22 =	vshll.u32 v23, $0x6  }
0x200: {  	v24 =	vor.u32 v10, v9;
	v10 =	vand.u32 $0x68, v23;
	v23 =	vshll.u32 v13, $0x6  }
0x201: {  	v25 =	vor.u32 v10, v9;
	v10 =	vand.u32 $0x78, v13  }
0x202: {  	v12 =	vor.u32 v7, v12;
	v10 =	vor.u32 v10, v9  }
0x203: {  	v13 =	vor.u32 v6, v19;
	_ =	sdelay $0x1  }
0x204: {  	v19 =	vadd.f32 v20, v8;
	_ =	sdelay $0x1  }
0x205: {  	[tilespmem:v12+s17+$0x0] =	vst.idx.msk $0xffff, v19  }
0x206: {  	v12 =	vld.idx.msk [tilespmem:v13+s14+$0x0], $0xffff;
	_ =	sdelay $0x3  }
0x207: {  	v13 =	vor.u32 v6, v18;
	_ =	sdelay $0x1  }
0x208: {  	v12 =	vadd.f32 v12, v8;
	_ =	sdelay $0x1  }
0x209: {  	[tilespmem:v16+s17+$0x0] =	vst.idx.msk $0xffff, v12  }
0x20a: {  	v12 =	vld.idx.msk [tilespmem:v13+s14+$0x0], $0xffff;
	_ =	sdelay $0x3  }
0x20b: {  	v13 =	vor.u32 v6, v17;
	_ =	sdelay $0x1  }
0x20c: {  	v12 =	vadd.f32 v12, v8;
	_ =	sdelay $0x1  }
0x20d: {  	[tilespmem:v14+s17+$0x0] =	vst.idx.msk $0xffff, v12  }
0x20e: {  	v12 =	vld.idx.msk [tilespmem:v13+s14+$0x0], $0xffff;
	_ =	sdelay $0x2  }
0x20f: {  	v14 =	vshll.u32 v11, $0x6;
	v13 =	vor.u32 v15, v9  }
0x210: {  	v14 =	vor.u32 v6, v14;
	_ =	sdelay $0x1  }
0x211: {  	v12 =	vadd.f32 v12, v8;
	_ =	sdelay $0x1  }
0x212: {  	[tilespmem:v13+s17+$0x0] =	vst.idx.msk $0xffff, v12  }
0x213: {  	v12 =	vld.idx.msk [tilespmem:v14+s14+$0x0], $0xffff;
	_ =	sdelay $0x1  }
0x214: {  	v11 =	vand.u32 $0x48, v11  }
0x215: {  	v9 =	vor.u32 v11, v9  }
0x216: {  	v11 =	vor.u32 v6, v21;
	_ =	sdelay $0x1  }
0x217: {  	v12 =	vadd.f32 v12, v8;
	_ =	sdelay $0x1  }
0x218: {  	[tilespmem:v9+s17+$0x0] =	vst.idx.msk $0xffff, v12  }
0x219: {  	v9 =	vld.idx.msk [tilespmem:v11+s14+$0x0], $0xffff;
	_ =	sdelay $0x3  }
0x21a: {  	v11 =	vor.u32 v6, v22;
	_ =	sdelay $0x1  }
0x21b: {  	v9 =	vadd.f32 v9, v8;
	_ =	sdelay $0x1  }
0x21c: {  	[tilespmem:v24+s17+$0x0] =	vst.idx.msk $0xffff, v9  }
0x21d: {  	v9 =	vld.idx.msk [tilespmem:v11+s14+$0x0], $0xffff;
	_ =	sdelay $0x3  }
0x21e: {  	v11 =	vor.u32 v6, v23;
	_ =	sdelay $0x1  }
0x21f: {  	v9 =	vadd.f32 v9, v8;
	_ =	sdelay $0x1  }
0x220: {  	[tilespmem:v25+s17+$0x0] =	vst.idx.msk $0xffff, v9  }
0x221: {  	v11 =	vld.idx.msk [tilespmem:v11+s14+$0x0], $0xffff  }
0x222: {  	v13 =	vadd.s32 s30, v0  }
0x223: {  	v14 =	vand.u32 $0x7, v13;
	v12 =	vand.u32 $0xF, v13;
	v9 =	vor.u32 $0x10, v13  }
.Ltmp5:
0x224: {  	v15 =	vshll.u32 v12, $0x6;
	v19 =	vshll.u32 v9, $0x6;
	v16 =	vand.u32 $0x18, v9;
	(pc) =	sbr.rel @p1 .LBB2_9-.Ltmp5, $4  }
0x225: {  	v20 =	vor.u32 v6, v15;
	v9 =	vor.u32 v7, v14;
	v14 =	vor.u32 $0x20, v12  }
0x226: {  	v16 =	vor.u32 v16, v9;
	v18 =	vshll.u32 v14, $0x6;
	v14 =	vand.u32 $0x28, v14  }
0x227: {  	v15 =	vor.u32 $0x30, v13;
	v14 =	vor.u32 v14, v9;
	v21 =	vadd.f32 v11, v8  }
0x228: {  	v17 =	vshll.u32 v15, $0x6;
	v15 =	vand.u32 $0x38, v15;
	v11 =	vor.u32 $0x40, v12  }
0x229: {  	_ =	sdelay $0x3  }
0x22a: {  	[tilespmem:v10+s17+$0x0] =	vst.idx.msk $0xffff, v21  }
0x22b: {  	v10 =	vld.idx.msk [tilespmem:v20+s14+$0x0], $0xffff;
	_ =	sdelay $0x1  }
0x22c: {  	v20 =	vor.u32 v7, v12  }
0x22d: {  	v19 =	vor.u32 v6, v19;
	_ =	sdelay $0x1  }
0x22e: {  	v10 =	vadd.f32 v10, v8;
	_ =	sdelay $0x1  }
0x22f: {  	[tilespmem:v20+s17+$0x0] =	vst.idx.msk $0xffff, v10  }
0x230: {  	v10 =	vld.idx.msk [tilespmem:v19+s14+$0x0], $0xffff;
	_ =	sdelay $0x2  }
0x231: {  	v18 =	vor.u32 v6, v18;
	_ =	sdelay $0x1  }
0x232: {  	v10 =	vadd.f32 v10, v8;
	_ =	sdelay $0x1  }
0x233: {  	[tilespmem:v16+s17+$0x0] =	vst.idx.msk $0xffff, v10  }
0x234: {  	v10 =	vld.idx.msk [tilespmem:v18+s14+$0x0], $0xffff;
	_ =	sdelay $0x2  }
0x235: {  	v16 =	vor.u32 v6, v17;
	_ =	sdelay $0x1  }
0x236: {  	v10 =	vadd.f32 v10, v8;
	_ =	sdelay $0x1  }
0x237: {  	[tilespmem:v14+s17+$0x0] =	vst.idx.msk $0xffff, v10  }
0x238: {  	v10 =	vld.idx.msk [tilespmem:v16+s14+$0x0], $0xffff;
	_ =	sdelay $0x1  }
0x239: {  	v14 =	vor.u32 v15, v9;
	v15 =	vshll.u32 v11, $0x6  }
0x23a: {  	v15 =	vor.u32 v6, v15;
	_ =	sdelay $0x1  }
0x23b: {  	v10 =	vadd.f32 v10, v8;
	_ =	sdelay $0x1  }
0x23c: {  	[tilespmem:v14+s17+$0x0] =	vst.idx.msk $0xffff, v10  }
0x23d: {  	v10 =	vld.idx.msk [tilespmem:v15+s14+$0x0], $0xffff  }
0x23e: {  	v11 =	vand.u32 $0x48, v11;
	v14 =	vor.u32 $0x50, v13  }
0x23f: {  	v11 =	vor.u32 v11, v9;
	v15 =	vshll.u32 v14, $0x6  }
0x240: {  	v15 =	vor.u32 v6, v15;
	_ =	sdelay $0x1  }
0x241: {  	v10 =	vadd.f32 v10, v8;
	_ =	sdelay $0x1  }
0x242: {  	[tilespmem:v11+s17+$0x0] =	vst.idx.msk $0xffff, v10  }
0x243: {  	v10 =	vld.idx.msk [tilespmem:v15+s14+$0x0], $0xffff  }
0x244: {  	v11 =	vor.u32 $0x60, v12;
	v12 =	vand.u32 $0x58, v14  }
0x245: {  	v14 =	vshll.u32 v11, $0x6;
	v12 =	vor.u32 v12, v9  }
0x246: {  	v14 =	vor.u32 v6, v14;
	_ =	sdelay $0x1  }
0x247: {  	v10 =	vadd.f32 v10, v8;
	_ =	sdelay $0x1  }
0x248: {  	[tilespmem:v12+s17+$0x0] =	vst.idx.msk $0xffff, v10  }
0x249: {  	v10 =	vld.idx.msk [tilespmem:v14+s14+$0x0], $0xffff  }
0x24a: {  	v11 =	vand.u32 $0x68, v11;
	v12 =	vor.u32 $0x70, v13  }
0x24b: {  	v11 =	vor.u32 v11, v9;
	v13 =	vshll.u32 v12, $0x6  }
0x24c: {  	v13 =	vor.u32 v6, v13;
	_ =	sdelay $0x1  }
0x24d: {  	v10 =	vadd.f32 v10, v8;
	_ =	sdelay $0x1  }
0x24e: {  	[tilespmem:v11+s17+$0x0] =	vst.idx.msk $0xffff, v10  }
0x24f: {  	s29 =	simm.s32 $0x0;
	v10 =	vld.idx.msk [tilespmem:v13+s14+$0x0], $0xffff  }
0x250: {  	v11 =	vand.u32 $0x78, v12;
	v13 =	vadd.s32 s29, v0  }
0x251: {  	v9 =	vor.u32 v11, v9;
	v11 =	vand.u32 $0xF, v13  }
0x252: {  	v12 =	vshll.u32 v11, $0x6  }
0x253: {  	v14 =	vor.u32 v26, v12  }
0x254: {  	v8 =	vadd.f32 v10, v8;
	_ =	sdelay $0x1  }
0x255: {  	[tilespmem:v9+s17+$0x0] =	vst.idx.msk $0xffff, v8  }
0x256: {  	v8 =	vld [tilespmem:s28+$0x10240]  }
0x257: {  	v9 =	vld.idx.msk [tilespmem:v14+s14+$0x0], $0xffff;
	_ =	sdelay $0x1  }
0x258: {  	v10 =	vshll.u32 v13, $0x6;
	v14 =	vor.u32 v27, v11  }
0x259: {  	v15 =	vor.u32 v28, v10;
	_ =	sdelay $0x1  }
0x25a: {  	v9 =	vadd.f32 v9, v8;
	_ =	sdelay $0x1  }
0x25b: {  	[tilespmem:v14+s17+$0x0] =	vst.idx.msk $0xffff, v9  }
0x25c: {  	v9 =	vld.idx.msk [tilespmem:v15+s14+$0x0], $0xffff;
	_ =	sdelay $0x1  }
0x25d: {  	v14 =	vor.u32 v29, v13  }
0x25e: {  	v15 =	vor.u32 v30, v12;
	_ =	sdelay $0x1  }
0x25f: {  	v9 =	vadd.f32 v9, v8;
	_ =	sdelay $0x1  }
0x260: {  	[tilespmem:v14+s17+$0x0] =	vst.idx.msk $0xffff, v9  }
0x261: {  	v9 =	vld.idx.msk [tilespmem:v15+s14+$0x0], $0xffff;
	_ =	sdelay $0x1  }
0x262: {  	v14 =	vor.u32 v31, v11  }
0x263: {  	v15 =	vor.u32 v32, v10;
	_ =	sdelay $0x1  }
0x264: {  	v9 =	vadd.f32 v9, v8  }
0x265: {  	v16 =	vld [tilespmem:$0x1FFD0]  }
0x266: {  	[tilespmem:v14+s17+$0x0] =	vst.idx.msk $0xffff, v9  }
0x267: {  	v9 =	vld.idx.msk [tilespmem:v15+s14+$0x0], $0xffff;
	_ =	sdelay $0x1  }
0x268: {  	v14 =	vor.u32 v33, v13  }
0x269: {  	v15 =	vor.u32 v16, v12;
	_ =	sdelay $0x1  }
0x26a: {  	v17 =	vld [tilespmem:$0x1FFE0];
	v9 =	vadd.f32 v9, v8;
	_ =	sdelay $0x1  }
0x26b: {  	[tilespmem:v14+s17+$0x0] =	vst.idx.msk $0xffff, v9  }
0x26c: {  	v9 =	vld.idx.msk [tilespmem:v15+s14+$0x0], $0xffff;
	_ =	sdelay $0x1  }
0x26d: {  	v14 =	vor.u32 v17, v11  }
0x26e: {  	v15 =	vor.u32 v34, v10;
	_ =	sdelay $0x1  }
0x26f: {  	v9 =	vadd.f32 v9, v8;
	_ =	sdelay $0x1  }
0x270: {  	[tilespmem:v14+s17+$0x0] =	vst.idx.msk $0xffff, v9  }
0x271: {  	v9 =	vld.idx.msk [tilespmem:v15+s14+$0x0], $0xffff  }
0x272: {  	v18 =	vor.u32 $0x2050, v1  }
0x273: {  	v19 =	vor.u32 $0x3800, v0;
	v14 =	vor.u32 v18, v13  }
0x274: {  	v12 =	vor.u32 v19, v12;
	_ =	sdelay $0x1  }
0x275: {  	v9 =	vadd.f32 v9, v8;
	_ =	sdelay $0x1  }
0x276: {  	[tilespmem:v14+s17+$0x0] =	vst.idx.msk $0xffff, v9  }
0x277: {  	v9 =	vld.idx.msk [tilespmem:v12+s14+$0x0], $0xffff  }
0x278: {  	v20 =	vor.u32 $0x2060, v1  }
0x279: {  	v21 =	vor.u32 $0x3C00, v0;
	v11 =	vor.u32 v20, v11  }
0x27a: {  	v10 =	vor.u32 v21, v10;
	_ =	sdelay $0x1  }
0x27b: {  	v9 =	vadd.f32 v9, v8;
	_ =	sdelay $0x1  }
0x27c: {  	s29 =	simm.s32 $0x1;
	[tilespmem:v11+s17+$0x0] =	vst.idx.msk $0xffff, v9  }
0x27d: {  	v9 =	vadd.s32 s29, v0;
	v15 =	vld.idx.msk [tilespmem:v10+s14+$0x0], $0xffff  }
0x27e: {  	v22 =	vor.u32 $0x2070, v1;
	v11 =	vand.u32 $0xF, v9  }
0x27f: {  	v14 =	vor.u32 v22, v13;
	v12 =	vshll.u32 v11, $0x6  }
0x280: {  	v13 =	vor.u32 v26, v12;
	_ =	sdelay $0x1  }
0x281: {  	s29 =	simm.s32 $0x2;
	v10 =	vshll.u32 v9, $0x6;
	v15 =	vadd.f32 v15, v8  }
.LBB2_11:
0x282: {  	_ = 	snop  }
0x283: {  	p1 =	sne.s32 s29, $0xF;
	s30 =	smov.u32 s29;
	s29 =	sadd.s32 $0x1, s29;
	[tilespmem:v14+s17+$0x0] =	vst.idx.msk $0xffff, v15  }
0x284: {  	v13 =	vld.idx.msk [tilespmem:v13+s14+$0x0], $0xffff;
	_ =	sdelay $0x2  }
0x285: {  	v14 =	vor.u32 v27, v11  }
0x286: {  	v15 =	vor.u32 v28, v10;
	_ =	sdelay $0x1  }
0x287: {  	v13 =	vadd.f32 v13, v8;
	_ =	sdelay $0x1  }
0x288: {  	[tilespmem:v14+s17+$0x0] =	vst.idx.msk $0xffff, v13  }
0x289: {  	v13 =	vld.idx.msk [tilespmem:v15+s14+$0x0], $0xffff;
	_ =	sdelay $0x2  }
0x28a: {  	v14 =	vor.u32 v29, v9  }
0x28b: {  	v15 =	vor.u32 v30, v12;
	_ =	sdelay $0x1  }
0x28c: {  	v13 =	vadd.f32 v13, v8;
	_ =	sdelay $0x1  }
0x28d: {  	[tilespmem:v14+s17+$0x0] =	vst.idx.msk $0xffff, v13  }
0x28e: {  	v13 =	vld.idx.msk [tilespmem:v15+s14+$0x0], $0xffff;
	_ =	sdelay $0x2  }
0x28f: {  	v14 =	vor.u32 v31, v11  }
0x290: {  	v15 =	vor.u32 v32, v10;
	_ =	sdelay $0x1  }
0x291: {  	v13 =	vadd.f32 v13, v8;
	_ =	sdelay $0x1  }
0x292: {  	[tilespmem:v14+s17+$0x0] =	vst.idx.msk $0xffff, v13  }
0x293: {  	v13 =	vld.idx.msk [tilespmem:v15+s14+$0x0], $0xffff;
	_ =	sdelay $0x2  }
0x294: {  	v14 =	vor.u32 v33, v9  }
0x295: {  	v15 =	vor.u32 v16, v12;
	_ =	sdelay $0x1  }
0x296: {  	v13 =	vadd.f32 v13, v8;
	_ =	sdelay $0x1  }
0x297: {  	[tilespmem:v14+s17+$0x0] =	vst.idx.msk $0xffff, v13  }
0x298: {  	v13 =	vld.idx.msk [tilespmem:v15+s14+$0x0], $0xffff;
	_ =	sdelay $0x2  }
0x299: {  	v14 =	vor.u32 v17, v11  }
0x29a: {  	v15 =	vor.u32 v34, v10;
	_ =	sdelay $0x1  }
0x29b: {  	v13 =	vadd.f32 v13, v8;
	_ =	sdelay $0x1  }
0x29c: {  	[tilespmem:v14+s17+$0x0] =	vst.idx.msk $0xffff, v13  }
0x29d: {  	v13 =	vld.idx.msk [tilespmem:v15+s14+$0x0], $0xffff;
	_ =	sdelay $0x2  }
0x29e: {  	v14 =	vor.u32 v18, v9  }
0x29f: {  	v12 =	vor.u32 v19, v12;
	_ =	sdelay $0x1  }
0x2a0: {  	v13 =	vadd.f32 v13, v8;
	_ =	sdelay $0x1  }
0x2a1: {  	[tilespmem:v14+s17+$0x0] =	vst.idx.msk $0xffff, v13  }
0x2a2: {  	v12 =	vld.idx.msk [tilespmem:v12+s14+$0x0], $0xffff;
	_ =	sdelay $0x2  }
0x2a3: {  	v11 =	vor.u32 v20, v11  }
0x2a4: {  	v10 =	vor.u32 v21, v10;
	_ =	sdelay $0x1  }
0x2a5: {  	v12 =	vadd.f32 v12, v8;
	_ =	sdelay $0x1  }
0x2a6: {  	[tilespmem:v11+s17+$0x0] =	vst.idx.msk $0xffff, v12  }
0x2a7: {  	v15 =	vld.idx.msk [tilespmem:v10+s14+$0x0], $0xffff  }
0x2a8: {  	v13 =	vadd.s32 s30, v0  }
.Ltmp6:
0x2a9: {  	v11 =	vand.u32 $0xF, v13;
	v10 =	vshll.u32 v13, $0x6;
	(pc) =	sbr.rel @p1 .LBB2_11-.Ltmp6, $3  }
0x2aa: {  	v14 =	vor.u32 v22, v9;
	v9 =	vmov v13;
	v12 =	vshll.u32 v11, $0x6  }
0x2ab: {  	v13 =	vor.u32 v26, v12;
	_ =	sdelay $0x1  }
0x2ac: {  	v15 =	vadd.f32 v15, v8  }
0x2ad: {  	_ =	sdelay $0x3  }
0x2ae: {  	[tilespmem:v14+s17+$0x0] =	vst.idx.msk $0xffff, v15  }
0x2af: {  	v13 =	vld.idx.msk [tilespmem:v13+s14+$0x0], $0xffff;
	_ =	sdelay $0x1  }
0x2b0: {  	v14 =	vor.u32 v27, v11  }
0x2b1: {  	v15 =	vor.u32 v28, v10;
	_ =	sdelay $0x1  }
0x2b2: {  	v13 =	vadd.f32 v13, v8;
	_ =	sdelay $0x1  }
0x2b3: {  	[tilespmem:v14+s17+$0x0] =	vst.idx.msk $0xffff, v13  }
0x2b4: {  	v13 =	vld.idx.msk [tilespmem:v15+s14+$0x0], $0xffff;
	_ =	sdelay $0x1  }
0x2b5: {  	v14 =	vor.u32 v29, v9  }
0x2b6: {  	v15 =	vor.u32 v30, v12;
	_ =	sdelay $0x1  }
0x2b7: {  	v13 =	vadd.f32 v13, v8;
	_ =	sdelay $0x1  }
0x2b8: {  	[tilespmem:v14+s17+$0x0] =	vst.idx.msk $0xffff, v13  }
0x2b9: {  	v13 =	vld.idx.msk [tilespmem:v15+s14+$0x0], $0xffff;
	_ =	sdelay $0x1  }
0x2ba: {  	v14 =	vor.u32 v31, v11  }
0x2bb: {  	v15 =	vor.u32 v32, v10;
	_ =	sdelay $0x1  }
0x2bc: {  	v13 =	vadd.f32 v13, v8;
	_ =	sdelay $0x1  }
0x2bd: {  	[tilespmem:v14+s17+$0x0] =	vst.idx.msk $0xffff, v13  }
0x2be: {  	v13 =	vld.idx.msk [tilespmem:v15+s14+$0x0], $0xffff;
	_ =	sdelay $0x1  }
0x2bf: {  	v14 =	vor.u32 v33, v9  }
0x2c0: {  	v15 =	vor.u32 v16, v12;
	_ =	sdelay $0x1  }
0x2c1: {  	v13 =	vadd.f32 v13, v8;
	_ =	sdelay $0x1  }
0x2c2: {  	[tilespmem:v14+s17+$0x0] =	vst.idx.msk $0xffff, v13  }
0x2c3: {  	v13 =	vld.idx.msk [tilespmem:v15+s14+$0x0], $0xffff;
	_ =	sdelay $0x1  }
0x2c4: {  	v14 =	vor.u32 v17, v11  }
0x2c5: {  	v15 =	vor.u32 v34, v10;
	_ =	sdelay $0x1  }
0x2c6: {  	v13 =	vadd.f32 v13, v8;
	_ =	sdelay $0x1  }
0x2c7: {  	[tilespmem:v14+s17+$0x0] =	vst.idx.msk $0xffff, v13  }
0x2c8: {  	v13 =	vld.idx.msk [tilespmem:v15+s14+$0x0], $0xffff;
	_ =	sdelay $0x1  }
0x2c9: {  	v14 =	vor.u32 v18, v9  }
0x2ca: {  	v12 =	vor.u32 v19, v12;
	_ =	sdelay $0x1  }
0x2cb: {  	v13 =	vadd.f32 v13, v8;
	_ =	sdelay $0x1  }
0x2cc: {  	[tilespmem:v14+s17+$0x0] =	vst.idx.msk $0xffff, v13  }
0x2cd: {  	v12 =	vld.idx.msk [tilespmem:v12+s14+$0x0], $0xffff;
	_ =	sdelay $0x1  }
0x2ce: {  	v11 =	vor.u32 v20, v11  }
0x2cf: {  	v10 =	vor.u32 v21, v10;
	_ =	sdelay $0x1  }
0x2d0: {  	v12 =	vadd.f32 v12, v8;
	_ =	sdelay $0x1  }
0x2d1: {  	[tilespmem:v11+s17+$0x0] =	vst.idx.msk $0xffff, v12  }
0x2d2: {  	s29 =	simm.s32 $0x0;
	v10 =	vld.idx.msk [tilespmem:v10+s14+$0x0], $0xffff  }
0x2d3: {  	v13 =	vadd.s32 s29, v0  }
0x2d4: {  	v9 =	vor.u32 v22, v9;
	v11 =	vand.u32 $0xF, v13  }
0x2d5: {  	v34 =	vor.u32 $0x2010, v0;
	v12 =	vshll.u32 v11, $0x6  }
0x2d6: {  	v14 =	vor.u32 v34, v12  }
0x2d7: {  	v8 =	vadd.f32 v10, v8;
	_ =	sdelay $0x1  }
0x2d8: {  	[tilespmem:v9+s17+$0x0] =	vst.idx.msk $0xffff, v8  }
0x2d9: {  	v8 =	vld [tilespmem:s28+$0x10250]  }
0x2da: {  	v9 =	vld.idx.msk [tilespmem:v14+s14+$0x0], $0xffff  }
0x2db: {  	v35 =	vor.u32 $0x2800, v1  }
0x2dc: {  	v36 =	vor.u32 $0x2410, v0;
	v10 =	vshll.u32 v13, $0x6;
	v14 =	vor.u32 v35, v11  }
0x2dd: {  	v15 =	vor.u32 v36, v10;
	_ =	sdelay $0x1  }
0x2de: {  	v9 =	vadd.f32 v9, v8;
	_ =	sdelay $0x1  }
0x2df: {  	[tilespmem:v14+s17+$0x0] =	vst.idx.msk $0xffff, v9  }
0x2e0: {  	v9 =	vld.idx.msk [tilespmem:v15+s14+$0x0], $0xffff  }
0x2e1: {  	v37 =	vor.u32 $0x2810, v1  }
0x2e2: {  	v38 =	vor.u32 $0x2810, v0;
	v14 =	vor.u32 v37, v13  }
0x2e3: {  	v15 =	vor.u32 v38, v12;
	_ =	sdelay $0x1  }
0x2e4: {  	v9 =	vadd.f32 v9, v8;
	_ =	sdelay $0x1  }
0x2e5: {  	[tilespmem:v14+s17+$0x0] =	vst.idx.msk $0xffff, v9  }
0x2e6: {  	v9 =	vld.idx.msk [tilespmem:v15+s14+$0x0], $0xffff  }
0x2e7: {  	v39 =	vor.u32 $0x2820, v1  }
0x2e8: {  	v16 =	vor.u32 $0x2C10, v0;
	v14 =	vor.u32 v39, v11  }
0x2e9: {  	v15 =	vor.u32 v16, v10;
	_ =	sdelay $0x1  }
0x2ea: {  	v9 =	vadd.f32 v9, v8;
	_ =	sdelay $0x1  }
0x2eb: {  	[tilespmem:v14+s17+$0x0] =	vst.idx.msk $0xffff, v9  }
0x2ec: {  	v9 =	vld.idx.msk [tilespmem:v15+s14+$0x0], $0xffff  }
0x2ed: {  	v17 =	vor.u32 $0x2830, v1  }
0x2ee: {  	v23 =	vor.u32 $0x3010, v0;
	v14 =	vor.u32 v17, v13  }
0x2ef: {  	v15 =	vor.u32 v23, v12;
	_ =	sdelay $0x1  }
0x2f0: {  	v9 =	vadd.f32 v9, v8;
	_ =	sdelay $0x1  }
0x2f1: {  	[tilespmem:v14+s17+$0x0] =	vst.idx.msk $0xffff, v9  }
0x2f2: {  	v9 =	vld.idx.msk [tilespmem:v15+s14+$0x0], $0xffff  }
0x2f3: {  	v24 =	vor.u32 $0x2840, v1  }
0x2f4: {  	v25 =	vor.u32 $0x3410, v0;
	v14 =	vor.u32 v24, v11  }
0x2f5: {  	v15 =	vor.u32 v25, v10;
	_ =	sdelay $0x1  }
0x2f6: {  	v9 =	vadd.f32 v9, v8;
	_ =	sdelay $0x1  }
0x2f7: {  	[tilespmem:v14+s17+$0x0] =	vst.idx.msk $0xffff, v9  }
0x2f8: {  	v9 =	vld.idx.msk [tilespmem:v15+s14+$0x0], $0xffff  }
0x2f9: {  	v26 =	vor.u32 $0x2850, v1  }
0x2fa: {  	v27 =	vor.u32 $0x3810, v0;
	v14 =	vor.u32 v26, v13  }
0x2fb: {  	v12 =	vor.u32 v27, v12;
	_ =	sdelay $0x1  }
0x2fc: {  	v9 =	vadd.f32 v9, v8;
	_ =	sdelay $0x1  }
0x2fd: {  	[tilespmem:v14+s17+$0x0] =	vst.idx.msk $0xffff, v9  }
0x2fe: {  	v9 =	vld.idx.msk [tilespmem:v12+s14+$0x0], $0xffff  }
0x2ff: {  	v28 =	vor.u32 $0x2860, v1  }
0x300: {  	v29 =	vor.u32 $0x3C10, v0;
	v11 =	vor.u32 v28, v11  }
0x301: {  	v10 =	vor.u32 v29, v10;
	_ =	sdelay $0x1  }
0x302: {  	v9 =	vadd.f32 v9, v8;
	_ =	sdelay $0x1  }
0x303: {  	s29 =	simm.s32 $0x1;
	[tilespmem:v11+s17+$0x0] =	vst.idx.msk $0xffff, v9  }
0x304: {  	v9 =	vadd.s32 s29, v0;
	v15 =	vld.idx.msk [tilespmem:v10+s14+$0x0], $0xffff  }
0x305: {  	v30 =	vor.u32 $0x2870, v1;
	v11 =	vand.u32 $0xF, v9  }
0x306: {  	v14 =	vor.u32 v30, v13;
	v12 =	vshll.u32 v11, $0x6  }
0x307: {  	v13 =	vor.u32 v34, v12;
	_ =	sdelay $0x1  }
0x308: {  	s29 =	simm.s32 $0x2;
	v10 =	vshll.u32 v9, $0x6;
	v15 =	vadd.f32 v15, v8  }
.LBB2_13:
0x309: {  	_ = 	snop  }
0x30a: {  	p1 =	sne.s32 s29, $0xF;
	s30 =	smov.u32 s29;
	s29 =	sadd.s32 $0x1, s29;
	[tilespmem:v14+s17+$0x0] =	vst.idx.msk $0xffff, v15  }
0x30b: {  	v13 =	vld.idx.msk [tilespmem:v13+s14+$0x0], $0xffff;
	_ =	sdelay $0x2  }
0x30c: {  	v14 =	vor.u32 v35, v11  }
0x30d: {  	v15 =	vor.u32 v36, v10;
	_ =	sdelay $0x1  }
0x30e: {  	v13 =	vadd.f32 v13, v8;
	_ =	sdelay $0x1  }
0x30f: {  	[tilespmem:v14+s17+$0x0] =	vst.idx.msk $0xffff, v13  }
0x310: {  	v13 =	vld.idx.msk [tilespmem:v15+s14+$0x0], $0xffff;
	_ =	sdelay $0x2  }
0x311: {  	v14 =	vor.u32 v37, v9  }
0x312: {  	v15 =	vor.u32 v38, v12;
	_ =	sdelay $0x1  }
0x313: {  	v13 =	vadd.f32 v13, v8;
	_ =	sdelay $0x1  }
0x314: {  	[tilespmem:v14+s17+$0x0] =	vst.idx.msk $0xffff, v13  }
0x315: {  	v13 =	vld.idx.msk [tilespmem:v15+s14+$0x0], $0xffff;
	_ =	sdelay $0x2  }
0x316: {  	v14 =	vor.u32 v39, v11  }
0x317: {  	v15 =	vor.u32 v16, v10;
	_ =	sdelay $0x1  }
0x318: {  	v13 =	vadd.f32 v13, v8;
	_ =	sdelay $0x1  }
0x319: {  	[tilespmem:v14+s17+$0x0] =	vst.idx.msk $0xffff, v13  }
0x31a: {  	v13 =	vld.idx.msk [tilespmem:v15+s14+$0x0], $0xffff;
	_ =	sdelay $0x2  }
0x31b: {  	v14 =	vor.u32 v17, v9  }
0x31c: {  	v15 =	vor.u32 v23, v12;
	_ =	sdelay $0x1  }
0x31d: {  	v13 =	vadd.f32 v13, v8;
	_ =	sdelay $0x1  }
0x31e: {  	[tilespmem:v14+s17+$0x0] =	vst.idx.msk $0xffff, v13  }
0x31f: {  	v13 =	vld.idx.msk [tilespmem:v15+s14+$0x0], $0xffff;
	_ =	sdelay $0x2  }
0x320: {  	v14 =	vor.u32 v24, v11  }
0x321: {  	v15 =	vor.u32 v25, v10;
	_ =	sdelay $0x1  }
0x322: {  	v13 =	vadd.f32 v13, v8;
	_ =	sdelay $0x1  }
0x323: {  	[tilespmem:v14+s17+$0x0] =	vst.idx.msk $0xffff, v13  }
0x324: {  	v13 =	vld.idx.msk [tilespmem:v15+s14+$0x0], $0xffff;
	_ =	sdelay $0x2  }
0x325: {  	v14 =	vor.u32 v26, v9  }
0x326: {  	v12 =	vor.u32 v27, v12;
	_ =	sdelay $0x1  }
0x327: {  	v13 =	vadd.f32 v13, v8;
	_ =	sdelay $0x1  }
0x328: {  	[tilespmem:v14+s17+$0x0] =	vst.idx.msk $0xffff, v13  }
0x329: {  	v12 =	vld.idx.msk [tilespmem:v12+s14+$0x0], $0xffff;
	_ =	sdelay $0x2  }
0x32a: {  	v11 =	vor.u32 v28, v11  }
0x32b: {  	v10 =	vor.u32 v29, v10;
	_ =	sdelay $0x1  }
0x32c: {  	v12 =	vadd.f32 v12, v8;
	_ =	sdelay $0x1  }
0x32d: {  	[tilespmem:v11+s17+$0x0] =	vst.idx.msk $0xffff, v12  }
0x32e: {  	v15 =	vld.idx.msk [tilespmem:v10+s14+$0x0], $0xffff  }
0x32f: {  	v13 =	vadd.s32 s30, v0  }
.Ltmp7:
0x330: {  	v11 =	vand.u32 $0xF, v13;
	v10 =	vshll.u32 v13, $0x6;
	(pc) =	sbr.rel @p1 .LBB2_13-.Ltmp7, $3  }
0x331: {  	v14 =	vor.u32 v30, v9;
	v9 =	vmov v13;
	v12 =	vshll.u32 v11, $0x6  }
0x332: {  	v13 =	vor.u32 v34, v12;
	_ =	sdelay $0x1  }
0x333: {  	v15 =	vadd.f32 v15, v8  }
0x334: {  	_ =	sdelay $0x3  }
0x335: {  	[tilespmem:v14+s17+$0x0] =	vst.idx.msk $0xffff, v15  }
0x336: {  	v13 =	vld.idx.msk [tilespmem:v13+s14+$0x0], $0xffff;
	_ =	sdelay $0x1  }
0x337: {  	v14 =	vor.u32 v35, v11  }
0x338: {  	v15 =	vor.u32 v36, v10;
	_ =	sdelay $0x1  }
0x339: {  	v13 =	vadd.f32 v13, v8;
	_ =	sdelay $0x1  }
0x33a: {  	[tilespmem:v14+s17+$0x0] =	vst.idx.msk $0xffff, v13  }
0x33b: {  	v13 =	vld.idx.msk [tilespmem:v15+s14+$0x0], $0xffff;
	_ =	sdelay $0x1  }
0x33c: {  	v14 =	vor.u32 v37, v9  }
0x33d: {  	v15 =	vor.u32 v38, v12;
	_ =	sdelay $0x1  }
0x33e: {  	v13 =	vadd.f32 v13, v8;
	_ =	sdelay $0x1  }
0x33f: {  	[tilespmem:v14+s17+$0x0] =	vst.idx.msk $0xffff, v13  }
0x340: {  	v13 =	vld.idx.msk [tilespmem:v15+s14+$0x0], $0xffff;
	_ =	sdelay $0x1  }
0x341: {  	v14 =	vor.u32 v39, v11  }
0x342: {  	v15 =	vor.u32 v16, v10;
	_ =	sdelay $0x1  }
0x343: {  	v13 =	vadd.f32 v13, v8;
	_ =	sdelay $0x1  }
0x344: {  	[tilespmem:v14+s17+$0x0] =	vst.idx.msk $0xffff, v13  }
0x345: {  	v13 =	vld.idx.msk [tilespmem:v15+s14+$0x0], $0xffff;
	_ =	sdelay $0x1  }
0x346: {  	v14 =	vor.u32 v17, v9  }
0x347: {  	v15 =	vor.u32 v23, v12;
	_ =	sdelay $0x1  }
0x348: {  	v13 =	vadd.f32 v13, v8;
	_ =	sdelay $0x1  }
0x349: {  	[tilespmem:v14+s17+$0x0] =	vst.idx.msk $0xffff, v13  }
0x34a: {  	v13 =	vld.idx.msk [tilespmem:v15+s14+$0x0], $0xffff;
	_ =	sdelay $0x1  }
0x34b: {  	v14 =	vor.u32 v24, v11  }
0x34c: {  	v15 =	vor.u32 v25, v10;
	_ =	sdelay $0x1  }
0x34d: {  	v13 =	vadd.f32 v13, v8;
	_ =	sdelay $0x1  }
0x34e: {  	[tilespmem:v14+s17+$0x0] =	vst.idx.msk $0xffff, v13  }
0x34f: {  	v13 =	vld.idx.msk [tilespmem:v15+s14+$0x0], $0xffff;
	_ =	sdelay $0x1  }
0x350: {  	v14 =	vor.u32 v26, v9  }
0x351: {  	v12 =	vor.u32 v27, v12;
	_ =	sdelay $0x1  }
0x352: {  	v13 =	vadd.f32 v13, v8;
	_ =	sdelay $0x1  }
0x353: {  	[tilespmem:v14+s17+$0x0] =	vst.idx.msk $0xffff, v13  }
0x354: {  	v12 =	vld.idx.msk [tilespmem:v12+s14+$0x0], $0xffff;
	_ =	sdelay $0x1  }
0x355: {  	v11 =	vor.u32 v28, v11  }
0x356: {  	v10 =	vor.u32 v29, v10;
	_ =	sdelay $0x1  }
0x357: {  	v12 =	vadd.f32 v12, v8;
	_ =	sdelay $0x1  }
0x358: {  	[tilespmem:v11+s17+$0x0] =	vst.idx.msk $0xffff, v12  }
0x359: {  	s29 =	simm.s32 $0x0;
	v10 =	vld.idx.msk [tilespmem:v10+s14+$0x0], $0xffff  }
0x35a: {  	v13 =	vadd.s32 s29, v0  }
0x35b: {  	v9 =	vor.u32 v30, v9;
	v11 =	vand.u32 $0xF, v13  }
0x35c: {  	v40 =	vor.u32 $0x2020, v0;
	v12 =	vshll.u32 v11, $0x6  }
0x35d: {  	v14 =	vor.u32 v40, v12  }
0x35e: {  	v8 =	vadd.f32 v10, v8;
	_ =	sdelay $0x1  }
0x35f: {  	[tilespmem:v9+s17+$0x0] =	vst.idx.msk $0xffff, v8  }
0x360: {  	v8 =	vld [tilespmem:s28+$0x10260]  }
0x361: {  	v9 =	vld.idx.msk [tilespmem:v14+s14+$0x0], $0xffff  }
0x362: {  	v41 =	vor.u32 $0x3000, v1  }
0x363: {  	v42 =	vor.u32 $0x2420, v0;
	v10 =	vshll.u32 v13, $0x6;
	v14 =	vor.u32 v41, v11  }
0x364: {  	v15 =	vor.u32 v42, v10;
	_ =	sdelay $0x1  }
0x365: {  	v9 =	vadd.f32 v9, v8;
	_ =	sdelay $0x1  }
0x366: {  	[tilespmem:v14+s17+$0x0] =	vst.idx.msk $0xffff, v9  }
0x367: {  	v9 =	vld.idx.msk [tilespmem:v15+s14+$0x0], $0xffff  }
0x368: {  	v43 =	vor.u32 $0x3010, v1  }
0x369: {  	v44 =	vor.u32 $0x2820, v0;
	v14 =	vor.u32 v43, v13  }
0x36a: {  	v15 =	vor.u32 v44, v12;
	_ =	sdelay $0x1  }
0x36b: {  	v9 =	vadd.f32 v9, v8;
	_ =	sdelay $0x1  }
0x36c: {  	[tilespmem:v14+s17+$0x0] =	vst.idx.msk $0xffff, v9  }
0x36d: {  	v9 =	vld.idx.msk [tilespmem:v15+s14+$0x0], $0xffff  }
0x36e: {  	v45 =	vor.u32 $0x3020, v1  }
0x36f: {  	v46 =	vor.u32 $0x2C20, v0;
	v14 =	vor.u32 v45, v11  }
0x370: {  	v15 =	vor.u32 v46, v10;
	_ =	sdelay $0x1  }
0x371: {  	v9 =	vadd.f32 v9, v8;
	_ =	sdelay $0x1  }
0x372: {  	[tilespmem:v14+s17+$0x0] =	vst.idx.msk $0xffff, v9  }
0x373: {  	v9 =	vld.idx.msk [tilespmem:v15+s14+$0x0], $0xffff  }
0x374: {  	v47 =	vor.u32 $0x3030, v1  }
0x375: {  	v48 =	vor.u32 $0x3020, v0;
	v14 =	vor.u32 v47, v13  }
0x376: {  	v15 =	vor.u32 v48, v12;
	_ =	sdelay $0x1  }
0x377: {  	v9 =	vadd.f32 v9, v8;
	_ =	sdelay $0x1  }
0x378: {  	[tilespmem:v14+s17+$0x0] =	vst.idx.msk $0xffff, v9  }
0x379: {  	v9 =	vld.idx.msk [tilespmem:v15+s14+$0x0], $0xffff  }
0x37a: {  	v49 =	vor.u32 $0x3040, v1  }
0x37b: {  	v50 =	vor.u32 $0x3420, v0;
	v14 =	vor.u32 v49, v11  }
0x37c: {  	v15 =	vor.u32 v50, v10;
	_ =	sdelay $0x1  }
0x37d: {  	v9 =	vadd.f32 v9, v8;
	_ =	sdelay $0x1  }
0x37e: {  	[tilespmem:v14+s17+$0x0] =	vst.idx.msk $0xffff, v9  }
0x37f: {  	v9 =	vld.idx.msk [tilespmem:v15+s14+$0x0], $0xffff  }
0x380: {  	v51 =	vor.u32 $0x3050, v1  }
0x381: {  	v52 =	vor.u32 $0x3820, v0;
	v14 =	vor.u32 v51, v13  }
0x382: {  	v12 =	vor.u32 v52, v12;
	_ =	sdelay $0x1  }
0x383: {  	v9 =	vadd.f32 v9, v8;
	_ =	sdelay $0x1  }
0x384: {  	[tilespmem:v14+s17+$0x0] =	vst.idx.msk $0xffff, v9  }
0x385: {  	v9 =	vld.idx.msk [tilespmem:v12+s14+$0x0], $0xffff  }
0x386: {  	v53 =	vor.u32 $0x3060, v1  }
0x387: {  	v55 =	vor.u32 $0x3C20, v0;
	v11 =	vor.u32 v53, v11  }
0x388: {  	v10 =	vor.u32 v55, v10;
	_ =	sdelay $0x1  }
0x389: {  	[tilespmem:$0x1FED0] =	vst v22;
	v9 =	vadd.f32 v9, v8  }
0x38a: {  	[tilespmem:$0x1FEE0] =	vst v21  }
0x38b: {  	s29 =	simm.s32 $0x1;
	[tilespmem:v11+s17+$0x0] =	vst.idx.msk $0xffff, v9  }
0x38c: {  	[tilespmem:$0x1FEF0] =	vst v20;
	v9 =	vadd.s32 s29, v0;
	v15 =	vld.idx.msk [tilespmem:v10+s14+$0x0], $0xffff  }
0x38d: {  	[tilespmem:$0x1FF00] =	vst v19;
	v57 =	vor.u32 $0x3070, v1;
	v11 =	vand.u32 $0xF, v9  }
0x38e: {  	[tilespmem:$0x1FF10] =	vst v18;
	v14 =	vor.u32 v57, v13;
	v12 =	vshll.u32 v11, $0x6  }
0x38f: {  	[tilespmem:$0x1FF20] =	vst v16;
	v13 =	vor.u32 v40, v12  }
0x390: {  	[tilespmem:$0x1FF30] =	vst v17  }
0x391: {  	[tilespmem:$0x1FF40] =	vst v23;
	s29 =	simm.s32 $0x2;
	v10 =	vshll.u32 v9, $0x6;
	v15 =	vadd.f32 v15, v8  }
.LBB2_15:
0x392: {  	_ = 	snop  }
0x393: {  	p1 =	sne.s32 s29, $0xF;
	s30 =	smov.u32 s29;
	s29 =	sadd.s32 $0x1, s29;
	[tilespmem:v14+s17+$0x0] =	vst.idx.msk $0xffff, v15  }
0x394: {  	v13 =	vld.idx.msk [tilespmem:v13+s14+$0x0], $0xffff;
	_ =	sdelay $0x2  }
0x395: {  	v14 =	vor.u32 v41, v11  }
0x396: {  	v15 =	vor.u32 v42, v10;
	_ =	sdelay $0x1  }
0x397: {  	v13 =	vadd.f32 v13, v8;
	_ =	sdelay $0x1  }
0x398: {  	[tilespmem:v14+s17+$0x0] =	vst.idx.msk $0xffff, v13  }
0x399: {  	v13 =	vld.idx.msk [tilespmem:v15+s14+$0x0], $0xffff;
	_ =	sdelay $0x2  }
0x39a: {  	v14 =	vor.u32 v43, v9  }
0x39b: {  	v15 =	vor.u32 v44, v12;
	_ =	sdelay $0x1  }
0x39c: {  	v13 =	vadd.f32 v13, v8;
	_ =	sdelay $0x1  }
0x39d: {  	[tilespmem:v14+s17+$0x0] =	vst.idx.msk $0xffff, v13  }
0x39e: {  	v13 =	vld.idx.msk [tilespmem:v15+s14+$0x0], $0xffff;
	_ =	sdelay $0x2  }
0x39f: {  	v14 =	vor.u32 v45, v11  }
0x3a0: {  	v15 =	vor.u32 v46, v10;
	_ =	sdelay $0x1  }
0x3a1: {  	v13 =	vadd.f32 v13, v8;
	_ =	sdelay $0x1  }
0x3a2: {  	[tilespmem:v14+s17+$0x0] =	vst.idx.msk $0xffff, v13  }
0x3a3: {  	v13 =	vld.idx.msk [tilespmem:v15+s14+$0x0], $0xffff;
	_ =	sdelay $0x2  }
0x3a4: {  	v14 =	vor.u32 v47, v9  }
0x3a5: {  	v15 =	vor.u32 v48, v12;
	_ =	sdelay $0x1  }
0x3a6: {  	v13 =	vadd.f32 v13, v8;
	_ =	sdelay $0x1  }
0x3a7: {  	[tilespmem:v14+s17+$0x0] =	vst.idx.msk $0xffff, v13  }
0x3a8: {  	v13 =	vld.idx.msk [tilespmem:v15+s14+$0x0], $0xffff;
	_ =	sdelay $0x2  }
0x3a9: {  	v14 =	vor.u32 v49, v11  }
0x3aa: {  	v15 =	vor.u32 v50, v10;
	_ =	sdelay $0x1  }
0x3ab: {  	v13 =	vadd.f32 v13, v8;
	_ =	sdelay $0x1  }
0x3ac: {  	[tilespmem:v14+s17+$0x0] =	vst.idx.msk $0xffff, v13  }
0x3ad: {  	v13 =	vld.idx.msk [tilespmem:v15+s14+$0x0], $0xffff;
	_ =	sdelay $0x2  }
0x3ae: {  	v14 =	vor.u32 v51, v9  }
0x3af: {  	v12 =	vor.u32 v52, v12;
	_ =	sdelay $0x1  }
0x3b0: {  	v13 =	vadd.f32 v13, v8;
	_ =	sdelay $0x1  }
0x3b1: {  	[tilespmem:v14+s17+$0x0] =	vst.idx.msk $0xffff, v13  }
0x3b2: {  	v12 =	vld.idx.msk [tilespmem:v12+s14+$0x0], $0xffff;
	_ =	sdelay $0x2  }
0x3b3: {  	v11 =	vor.u32 v53, v11  }
0x3b4: {  	v10 =	vor.u32 v55, v10;
	_ =	sdelay $0x1  }
0x3b5: {  	v12 =	vadd.f32 v12, v8;
	_ =	sdelay $0x1  }
0x3b6: {  	[tilespmem:v11+s17+$0x0] =	vst.idx.msk $0xffff, v12  }
0x3b7: {  	v15 =	vld.idx.msk [tilespmem:v10+s14+$0x0], $0xffff  }
0x3b8: {  	v13 =	vadd.s32 s30, v0  }
.Ltmp8:
0x3b9: {  	v11 =	vand.u32 $0xF, v13;
	v10 =	vshll.u32 v13, $0x6;
	(pc) =	sbr.rel @p1 .LBB2_15-.Ltmp8, $3  }
0x3ba: {  	v14 =	vor.u32 v57, v9;
	v9 =	vmov v13;
	v12 =	vshll.u32 v11, $0x6  }
0x3bb: {  	v13 =	vor.u32 v40, v12;
	_ =	sdelay $0x1  }
0x3bc: {  	v15 =	vadd.f32 v15, v8  }
0x3bd: {  	_ =	sdelay $0x3  }
0x3be: {  	[tilespmem:v14+s17+$0x0] =	vst.idx.msk $0xffff, v15  }
0x3bf: {  	v13 =	vld.idx.msk [tilespmem:v13+s14+$0x0], $0xffff;
	_ =	sdelay $0x1  }
0x3c0: {  	v14 =	vor.u32 v41, v11  }
0x3c1: {  	v15 =	vor.u32 v42, v10;
	_ =	sdelay $0x1  }
0x3c2: {  	v13 =	vadd.f32 v13, v8;
	_ =	sdelay $0x1  }
0x3c3: {  	[tilespmem:v14+s17+$0x0] =	vst.idx.msk $0xffff, v13  }
0x3c4: {  	v13 =	vld.idx.msk [tilespmem:v15+s14+$0x0], $0xffff;
	_ =	sdelay $0x1  }
0x3c5: {  	v14 =	vor.u32 v43, v9  }
0x3c6: {  	v15 =	vor.u32 v44, v12;
	_ =	sdelay $0x1  }
0x3c7: {  	v13 =	vadd.f32 v13, v8;
	_ =	sdelay $0x1  }
0x3c8: {  	[tilespmem:v14+s17+$0x0] =	vst.idx.msk $0xffff, v13  }
0x3c9: {  	v13 =	vld.idx.msk [tilespmem:v15+s14+$0x0], $0xffff;
	_ =	sdelay $0x1  }
0x3ca: {  	v14 =	vor.u32 v45, v11  }
0x3cb: {  	v15 =	vor.u32 v46, v10;
	_ =	sdelay $0x1  }
0x3cc: {  	v13 =	vadd.f32 v13, v8;
	_ =	sdelay $0x1  }
0x3cd: {  	[tilespmem:v14+s17+$0x0] =	vst.idx.msk $0xffff, v13  }
0x3ce: {  	v13 =	vld.idx.msk [tilespmem:v15+s14+$0x0], $0xffff;
	_ =	sdelay $0x1  }
0x3cf: {  	v14 =	vor.u32 v47, v9  }
0x3d0: {  	v15 =	vor.u32 v48, v12;
	_ =	sdelay $0x1  }
0x3d1: {  	v13 =	vadd.f32 v13, v8;
	_ =	sdelay $0x1  }
0x3d2: {  	[tilespmem:v14+s17+$0x0] =	vst.idx.msk $0xffff, v13  }
0x3d3: {  	v13 =	vld.idx.msk [tilespmem:v15+s14+$0x0], $0xffff;
	_ =	sdelay $0x1  }
0x3d4: {  	v14 =	vor.u32 v49, v11  }
0x3d5: {  	v15 =	vor.u32 v50, v10;
	_ =	sdelay $0x1  }
0x3d6: {  	v13 =	vadd.f32 v13, v8;
	_ =	sdelay $0x1  }
0x3d7: {  	[tilespmem:v14+s17+$0x0] =	vst.idx.msk $0xffff, v13  }
0x3d8: {  	v13 =	vld.idx.msk [tilespmem:v15+s14+$0x0], $0xffff;
	_ =	sdelay $0x1  }
0x3d9: {  	v14 =	vor.u32 v51, v9  }
0x3da: {  	v12 =	vor.u32 v52, v12;
	_ =	sdelay $0x1  }
0x3db: {  	v13 =	vadd.f32 v13, v8;
	_ =	sdelay $0x1  }
0x3dc: {  	[tilespmem:v14+s17+$0x0] =	vst.idx.msk $0xffff, v13  }
0x3dd: {  	v12 =	vld.idx.msk [tilespmem:v12+s14+$0x0], $0xffff;
	_ =	sdelay $0x1  }
0x3de: {  	v11 =	vor.u32 v53, v11  }
0x3df: {  	v10 =	vor.u32 v55, v10;
	_ =	sdelay $0x1  }
0x3e0: {  	v12 =	vadd.f32 v12, v8;
	_ =	sdelay $0x1  }
0x3e1: {  	[tilespmem:v11+s17+$0x0] =	vst.idx.msk $0xffff, v12  }
0x3e2: {  	s29 =	simm.s32 $0x0;
	v10 =	vld.idx.msk [tilespmem:v10+s14+$0x0], $0xffff  }
0x3e3: {  	v21 =	vadd.s32 s29, v0  }
0x3e4: {  	v9 =	vor.u32 v57, v9;
	v14 =	vand.u32 $0xF, v21  }
0x3e5: {  	v54 =	vor.u32 $0x2030, v0;
	v13 =	vshll.u32 v14, $0x6  }
0x3e6: {  	v11 =	vor.u32 v54, v13  }
0x3e7: {  	v8 =	vadd.f32 v10, v8;
	_ =	sdelay $0x1  }
0x3e8: {  	[tilespmem:v9+s17+$0x0] =	vst.idx.msk $0xffff, v8  }
0x3e9: {  	v16 =	vld [tilespmem:s28+$0x10270]  }
0x3ea: {  	v8 =	vld.idx.msk [tilespmem:v11+s14+$0x0], $0xffff  }
0x3eb: {  	v56 =	vor.u32 $0x3800, v1  }
0x3ec: {  	v58 =	vor.u32 $0x2430, v0;
	v15 =	vshll.u32 v21, $0x6;
	v9 =	vor.u32 v56, v14  }
0x3ed: {  	v10 =	vor.u32 v58, v15;
	_ =	sdelay $0x1  }
0x3ee: {  	v8 =	vadd.f32 v8, v16;
	_ =	sdelay $0x1  }
0x3ef: {  	[tilespmem:v9+s17+$0x0] =	vst.idx.msk $0xffff, v8  }
0x3f0: {  	v8 =	vld.idx.msk [tilespmem:v10+s14+$0x0], $0xffff  }
0x3f1: {  	v59 =	vor.u32 $0x3810, v1  }
0x3f2: {  	v60 =	vor.u32 $0x2830, v0;
	v9 =	vor.u32 v59, v21  }
0x3f3: {  	v10 =	vor.u32 v60, v13;
	_ =	sdelay $0x1  }
0x3f4: {  	v8 =	vadd.f32 v8, v16;
	_ =	sdelay $0x1  }
0x3f5: {  	[tilespmem:v9+s17+$0x0] =	vst.idx.msk $0xffff, v8  }
0x3f6: {  	v8 =	vld.idx.msk [tilespmem:v10+s14+$0x0], $0xffff  }
0x3f7: {  	v61 =	vor.u32 $0x3820, v1  }
0x3f8: {  	v62 =	vor.u32 $0x2C30, v0;
	v9 =	vor.u32 v61, v14  }
0x3f9: {  	v10 =	vor.u32 v62, v15;
	_ =	sdelay $0x1  }
0x3fa: {  	v8 =	vadd.f32 v8, v16;
	_ =	sdelay $0x1  }
0x3fb: {  	[tilespmem:v9+s17+$0x0] =	vst.idx.msk $0xffff, v8  }
0x3fc: {  	v9 =	vld.idx.msk [tilespmem:v10+s14+$0x0], $0xffff  }
0x3fd: {  	v63 =	vor.u32 $0x3830, v1  }
0x3fe: {  	v8 =	vor.u32 $0x3030, v0;
	v10 =	vor.u32 v63, v21  }
0x3ff: {  	v11 =	vor.u32 v8, v13;
	_ =	sdelay $0x1  }
0x400: {  	v9 =	vadd.f32 v9, v16;
	_ =	sdelay $0x1  }
0x401: {  	[tilespmem:v10+s17+$0x0] =	vst.idx.msk $0xffff, v9  }
0x402: {  	v11 =	vld.idx.msk [tilespmem:v11+s14+$0x0], $0xffff  }
0x403: {  	v9 =	vor.u32 $0x3840, v1  }
0x404: {  	v10 =	vor.u32 $0x3430, v0;
	v12 =	vor.u32 v9, v14  }
0x405: {  	v17 =	vor.u32 v10, v15;
	_ =	sdelay $0x1  }
0x406: {  	v11 =	vadd.f32 v11, v16;
	_ =	sdelay $0x1  }
0x407: {  	[tilespmem:v12+s17+$0x0] =	vst.idx.msk $0xffff, v11  }
0x408: {  	v17 =	vld.idx.msk [tilespmem:v17+s14+$0x0], $0xffff  }
0x409: {  	v11 =	vor.u32 $0x3850, v1  }
0x40a: {  	v12 =	vor.u32 $0x3830, v0;
	v18 =	vor.u32 v11, v21  }
0x40b: {  	v13 =	vor.u32 v12, v13;
	_ =	sdelay $0x1  }
0x40c: {  	v17 =	vadd.f32 v17, v16;
	_ =	sdelay $0x1  }
0x40d: {  	[tilespmem:v18+s17+$0x0] =	vst.idx.msk $0xffff, v17  }
0x40e: {  	v17 =	vld.idx.msk [tilespmem:v13+s14+$0x0], $0xffff  }
0x40f: {  	v13 =	vor.u32 $0x3860, v1  }
0x410: {  	v18 =	vor.u32 v13, v14;
	v14 =	vor.u32 $0x3C30, v0  }
0x411: {  	v15 =	vor.u32 v14, v15;
	_ =	sdelay $0x1  }
0x412: {  	v17 =	vadd.f32 v17, v16;
	_ =	sdelay $0x1  }
0x413: {  	s28 =	simm.s32 $0x1;
	[tilespmem:v18+s17+$0x0] =	vst.idx.msk $0xffff, v17  }
0x414: {  	v17 =	vadd.s32 s28, v0;
	v23 =	vld.idx.msk [tilespmem:v15+s14+$0x0], $0xffff  }
0x415: {  	v19 =	vand.u32 $0xF, v17;
	v15 =	vor.u32 $0x3870, v1  }
0x416: {  	v20 =	vshll.u32 v19, $0x6;
	v22 =	vor.u32 v15, v21  }
0x417: {  	v21 =	vor.u32 v54, v20;
	_ =	sdelay $0x1  }
0x418: {  	s28 =	simm.s32 $0x2;
	v18 =	vshll.u32 v17, $0x6;
	v23 =	vadd.f32 v23, v16  }
.LBB2_17:
0x419: {  	_ = 	snop  }
0x41a: {  	p1 =	sne.s32 s28, $0xF;
	s29 =	smov.u32 s28;
	s28 =	sadd.s32 $0x1, s28;
	[tilespmem:v22+s17+$0x0] =	vst.idx.msk $0xffff, v23  }
0x41b: {  	v21 =	vld.idx.msk [tilespmem:v21+s14+$0x0], $0xffff;
	_ =	sdelay $0x2  }
0x41c: {  	v22 =	vor.u32 v56, v19  }
0x41d: {  	v23 =	vor.u32 v58, v18;
	_ =	sdelay $0x1  }
0x41e: {  	v21 =	vadd.f32 v21, v16;
	_ =	sdelay $0x1  }
0x41f: {  	[tilespmem:v22+s17+$0x0] =	vst.idx.msk $0xffff, v21  }
0x420: {  	v21 =	vld.idx.msk [tilespmem:v23+s14+$0x0], $0xffff;
	_ =	sdelay $0x2  }
0x421: {  	v22 =	vor.u32 v59, v17  }
0x422: {  	v23 =	vor.u32 v60, v20;
	_ =	sdelay $0x1  }
0x423: {  	v21 =	vadd.f32 v21, v16;
	_ =	sdelay $0x1  }
0x424: {  	[tilespmem:v22+s17+$0x0] =	vst.idx.msk $0xffff, v21  }
0x425: {  	v21 =	vld.idx.msk [tilespmem:v23+s14+$0x0], $0xffff;
	_ =	sdelay $0x2  }
0x426: {  	v22 =	vor.u32 v61, v19  }
0x427: {  	v23 =	vor.u32 v62, v18;
	_ =	sdelay $0x1  }
0x428: {  	v21 =	vadd.f32 v21, v16;
	_ =	sdelay $0x1  }
0x429: {  	[tilespmem:v22+s17+$0x0] =	vst.idx.msk $0xffff, v21  }
0x42a: {  	v21 =	vld.idx.msk [tilespmem:v23+s14+$0x0], $0xffff;
	_ =	sdelay $0x2  }
0x42b: {  	v22 =	vor.u32 v63, v17  }
0x42c: {  	v23 =	vor.u32 v8, v20;
	_ =	sdelay $0x1  }
0x42d: {  	v21 =	vadd.f32 v21, v16;
	_ =	sdelay $0x1  }
0x42e: {  	[tilespmem:v22+s17+$0x0] =	vst.idx.msk $0xffff, v21  }
0x42f: {  	v21 =	vld.idx.msk [tilespmem:v23+s14+$0x0], $0xffff;
	_ =	sdelay $0x2  }
0x430: {  	v22 =	vor.u32 v9, v19  }
0x431: {  	v23 =	vor.u32 v10, v18;
	_ =	sdelay $0x1  }
0x432: {  	v21 =	vadd.f32 v21, v16;
	_ =	sdelay $0x1  }
0x433: {  	[tilespmem:v22+s17+$0x0] =	vst.idx.msk $0xffff, v21  }
0x434: {  	v21 =	vld.idx.msk [tilespmem:v23+s14+$0x0], $0xffff;
	_ =	sdelay $0x2  }
0x435: {  	v22 =	vor.u32 v11, v17  }
0x436: {  	v20 =	vor.u32 v12, v20;
	_ =	sdelay $0x1  }
0x437: {  	v21 =	vadd.f32 v21, v16;
	_ =	sdelay $0x1  }
0x438: {  	[tilespmem:v22+s17+$0x0] =	vst.idx.msk $0xffff, v21  }
0x439: {  	v20 =	vld.idx.msk [tilespmem:v20+s14+$0x0], $0xffff;
	_ =	sdelay $0x2  }
0x43a: {  	v19 =	vor.u32 v13, v19  }
0x43b: {  	v18 =	vor.u32 v14, v18;
	_ =	sdelay $0x1  }
0x43c: {  	v20 =	vadd.f32 v20, v16;
	_ =	sdelay $0x1  }
0x43d: {  	[tilespmem:v19+s17+$0x0] =	vst.idx.msk $0xffff, v20  }
0x43e: {  	v23 =	vld.idx.msk [tilespmem:v18+s14+$0x0], $0xffff  }
0x43f: {  	v21 =	vadd.s32 s29, v0  }
.Ltmp9:
0x440: {  	v19 =	vand.u32 $0xF, v21;
	v18 =	vshll.u32 v21, $0x6;
	(pc) =	sbr.rel @p1 .LBB2_17-.Ltmp9, $3  }
0x441: {  	v22 =	vor.u32 v15, v17;
	v17 =	vmov v21;
	v20 =	vshll.u32 v19, $0x6  }
0x442: {  	v21 =	vor.u32 v54, v20;
	_ =	sdelay $0x1  }
0x443: {  	v23 =	vadd.f32 v23, v16  }
0x444: {  	_ =	sdelay $0x3  }
0x445: {  	[tilespmem:v22+s17+$0x0] =	vst.idx.msk $0xffff, v23  }
0x446: {  	v21 =	vld.idx.msk [tilespmem:v21+s14+$0x0], $0xffff;
	_ =	sdelay $0x1  }
0x447: {  	v32 =	vor.u32 v56, v19  }
0x448: {  	v33 =	vor.u32 v58, v18;
	_ =	sdelay $0x1  }
0x449: {  	v21 =	vadd.f32 v21, v16;
	_ =	sdelay $0x1  }
0x44a: {  	[tilespmem:v32+s17+$0x0] =	vst.idx.msk $0xffff, v21  }
0x44b: {  	v21 =	vld.idx.msk [tilespmem:v33+s14+$0x0], $0xffff;
	_ =	sdelay $0x1  }
0x44c: {  	v31 =	vor.u32 v59, v17  }
0x44d: {  	v32 =	vor.u32 v60, v20;
	_ =	sdelay $0x1  }
0x44e: {  	v21 =	vadd.f32 v21, v16;
	_ =	sdelay $0x1  }
0x44f: {  	[tilespmem:v31+s17+$0x0] =	vst.idx.msk $0xffff, v21  }
0x450: {  	v21 =	vld.idx.msk [tilespmem:v32+s14+$0x0], $0xffff;
	_ =	sdelay $0x1  }
0x451: {  	v33 =	vor.u32 v61, v19  }
0x452: {  	v31 =	vor.u32 v62, v18;
	_ =	sdelay $0x1  }
0x453: {  	v21 =	vadd.f32 v21, v16;
	_ =	sdelay $0x1  }
0x454: {  	[tilespmem:v33+s17+$0x0] =	vst.idx.msk $0xffff, v21  }
0x455: {  	v21 =	vld.idx.msk [tilespmem:v31+s14+$0x0], $0xffff;
	_ =	sdelay $0x1  }
0x456: {  	v32 =	vor.u32 v63, v17  }
0x457: {  	v33 =	vor.u32 v8, v20;
	_ =	sdelay $0x1  }
0x458: {  	v21 =	vadd.f32 v21, v16;
	_ =	sdelay $0x1  }
0x459: {  	[tilespmem:v32+s17+$0x0] =	vst.idx.msk $0xffff, v21  }
0x45a: {  	v21 =	vld.idx.msk [tilespmem:v33+s14+$0x0], $0xffff;
	_ =	sdelay $0x1  }
0x45b: {  	v31 =	vor.u32 v9, v19  }
0x45c: {  	v32 =	vor.u32 v10, v18;
	_ =	sdelay $0x1  }
0x45d: {  	v21 =	vadd.f32 v21, v16;
	_ =	sdelay $0x1  }
0x45e: {  	[tilespmem:v31+s17+$0x0] =	vst.idx.msk $0xffff, v21  }
0x45f: {  	v21 =	vld.idx.msk [tilespmem:v32+s14+$0x0], $0xffff;
	_ =	sdelay $0x1  }
0x460: {  	v33 =	vor.u32 v11, v17  }
0x461: {  	v31 =	vor.u32 v12, v20;
	_ =	sdelay $0x1  }
0x462: {  	v21 =	vadd.f32 v21, v16;
	_ =	sdelay $0x1  }
0x463: {  	[tilespmem:v33+s17+$0x0] =	vst.idx.msk $0xffff, v21  }
0x464: {  	v20 =	vld.idx.msk [tilespmem:v31+s14+$0x0], $0xffff;
	_ =	sdelay $0x1  }
0x465: {  	v32 =	vor.u32 v13, v19  }
0x466: {  	v33 =	vor.u32 v14, v18;
	_ =	sdelay $0x1  }
0x467: {  	v20 =	vadd.f32 v20, v16;
	_ =	sdelay $0x1  }
0x468: {  	[tilespmem:v32+s17+$0x0] =	vst.idx.msk $0xffff, v20  }
0x469: {  	[tilespmem:$0x1FE60] =	vst v24;
	v18 =	vld.idx.msk [tilespmem:v33+s14+$0x0], $0xffff  }
0x46a: {  	[tilespmem:$0x1FE70] =	vst v25  }
0x46b: {  	[tilespmem:$0x1FE80] =	vst v26;
	v17 =	vor.u32 v15, v17  }
0x46c: {  	p1 =	sne.s32 s25, $0x31;
	[tilespmem:$0x1FE90] =	vst v27  }
.Ltmp10:
0x46d: {  	s28 =	sshll.u32 s25, $0x14;
	[tilespmem:$0x1FEA0] =	vst v28;
	(pc) =	sbr.rel @p1 .LBB2_20-.Ltmp10, $4  }
0x46e: {  	[tilespmem:$0x1FEB0] =	vst v29;
	s28 =	sor.u32 s5, s28;
	v16 =	vadd.f32 v18, v16  }
0x46f: {  	[tilespmem:$0x1FEC0] =	vst v30;
	s28 =	sshrl.u32 s28, $0x3  }
0x470: {  	s28 =	sadd.s32 s3, s28;
	[tilespmem:v17+s17+$0x0] =	vst.idx.msk $0xffff, v16  }
0x471: {  	[hbm4b:s28+s18] =	stream.strided.scatter [tilespmem:s17], [sflag:$0x3], $0x4000, s19, s18, $0x38;
	[tilespmem:$0x13400] =	vst v63  }
.Ltmp11:
0x472: {  	(pc) =	sbr.rel .LBB2_21-.Ltmp11, $4  }
0x473: {  	_ = 	snop  }
0x474: {  	_ =	swait.ge [sflag:s20], $0x4000  }
0x475: {  	[sflag:s20] =	ssyncset.done $0x0  }
0x476: {  	[sflag:s20] =	ssyncadd.s32 $0xFFFFC000  }
.LBB2_20:
0x477: {  	s28 =	sadd.s32 $0x2, s26  }
0x478: {  	s29 =	sshrl.u32 s28, $0x2;
	s28 =	sshll.u32 s28, $0x8  }
0x479: {  	s30 =	sshll.u32 s29, $0xF;
	s28 =	sadd.s32 s5, s28  }
0x47a: {  	s29 =	sshll.u32 s29, $0xA;
	s28 =	sadd.s32 s30, s28  }
0x47b: {  	s28 =	ssub.s32 s28, s29  }
0x47c: {  	s28 =	sshrl.u32 s28, $0x3  }
0x47d: {  	s28 =	sadd.s32 s1, s28  }
0x47e: {  	[tilespmem:s4], [sflag:$0x5] =	stream.linear.gather [hbm4b:s28+s4], $0x100, $0x38;
	[tilespmem:$0x13400] =	vst v63  }
0x47f: {  	_ =	swait.ge [sflag:s12], $0x100  }
0x480: {  	[sflag:s12] =	ssyncset.done $0x0  }
.Ltmp12:
0x481: {  	[sflag:s12] =	ssyncadd.s32 $0xFFFFFF00;
	(pc) =	sbr.rel @p0 .LBB2_22-.Ltmp12, $4  }
0x482: {  	[tilespmem:s14], [sflag:$0x1] =	stream.indirect.gather [hbm4b:s6+s13], $0x40, s4, s13, $0xb8;
	[tilespmem:$0x13400] =	vst v63  }
0x483: {  	_ =	swait.ge [sflag:s20], $0x4000  }
0x484: {  	[sflag:s20] =	ssyncset.done $0x0  }
0x485: {  	[sflag:s20] =	ssyncadd.s32 $0xFFFFC000  }
.LBB2_21:
0x486: {  	_ =	swait.ge [sflag:s21], $0x4000  }
0x487: {  	[sflag:s21] =	ssyncset.done $0x0  }
0x488: {  	[sflag:s21] =	ssyncadd.s32 $0xFFFFC000  }
.LBB2_22:
0x489: {  	s28 =	simm.s32 $0x0  }
0x48a: {  	v17 =	vadd.s32 s28, v0  }
0x48b: {  	v18 =	vand.u32 $0xF, v17  }
0x48c: {  	v16 =	vshll.u32 v18, $0x6  }
0x48d: {  	s28 =	sshll.u32 s25, $0x2;
	v19 =	vor.u32 v0, v16  }
0x48e: {  	s28 =	sor.u32 $0x2, s28  }
0x48f: {  	s29 =	sshll.u32 s28, $0x6  }
0x490: {  	s29 =	sand.u32 $0x3FFFFFC0, s29  }
0x491: {  	v16 =	vld [tilespmem:s29+$0x10200]  }
0x492: {  	v19 =	vld.idx.msk [tilespmem:v19+s15+$0x0], $0xffff  }
0x493: {  	v20 =	vor.u32 $0x10, v17  }
0x494: {  	v21 =	vshll.u32 v20, $0x6;
	v22 =	vor.u32 v1, v18  }
0x495: {  	v21 =	vor.u32 v0, v21;
	_ =	sdelay $0x1  }
0x496: {  	v19 =	vadd.f32 v19, v16;
	_ =	sdelay $0x1  }
0x497: {  	[tilespmem:v22+s22+$0x0] =	vst.idx.msk $0xffff, v19  }
0x498: {  	v19 =	vand.u32 $0x7, v17;
	v21 =	vld.idx.msk [tilespmem:v21+s15+$0x0], $0xffff  }
0x499: {  	v20 =	vand.u32 $0x18, v20;
	v22 =	vor.u32 $0x20, v18;
	v19 =	vor.u32 v1, v19  }
0x49a: {  	v23 =	vshll.u32 v22, $0x6;
	v20 =	vor.u32 v20, v19  }
0x49b: {  	v23 =	vor.u32 v0, v23;
	_ =	sdelay $0x1  }
0x49c: {  	v21 =	vadd.f32 v21, v16;
	_ =	sdelay $0x1  }
0x49d: {  	[tilespmem:v20+s22+$0x0] =	vst.idx.msk $0xffff, v21  }
0x49e: {  	v20 =	vld.idx.msk [tilespmem:v23+s15+$0x0], $0xffff  }
0x49f: {  	v21 =	vand.u32 $0x28, v22;
	v22 =	vor.u32 $0x30, v17  }
0x4a0: {  	v21 =	vor.u32 v21, v19;
	v23 =	vshll.u32 v22, $0x6  }
0x4a1: {  	v23 =	vor.u32 v0, v23;
	_ =	sdelay $0x1  }
0x4a2: {  	v20 =	vadd.f32 v20, v16;
	_ =	sdelay $0x1  }
0x4a3: {  	[tilespmem:v21+s22+$0x0] =	vst.idx.msk $0xffff, v20  }
0x4a4: {  	v20 =	vld.idx.msk [tilespmem:v23+s15+$0x0], $0xffff  }
0x4a5: {  	v21 =	vand.u32 $0x38, v22;
	v22 =	vor.u32 $0x40, v18  }
0x4a6: {  	v21 =	vor.u32 v21, v19;
	v23 =	vshll.u32 v22, $0x6  }
0x4a7: {  	v23 =	vor.u32 v0, v23;
	_ =	sdelay $0x1  }
0x4a8: {  	v20 =	vadd.f32 v20, v16;
	_ =	sdelay $0x1  }
0x4a9: {  	[tilespmem:v21+s22+$0x0] =	vst.idx.msk $0xffff, v20  }
0x4aa: {  	v20 =	vld.idx.msk [tilespmem:v23+s15+$0x0], $0xffff  }
0x4ab: {  	v22 =	vand.u32 $0x48, v22;
	v21 =	vor.u32 $0x50, v17  }
0x4ac: {  	v22 =	vor.u32 v22, v19;
	v23 =	vshll.u32 v21, $0x6  }
0x4ad: {  	v23 =	vor.u32 v0, v23;
	_ =	sdelay $0x1  }
0x4ae: {  	v20 =	vadd.f32 v20, v16;
	_ =	sdelay $0x1  }
0x4af: {  	[tilespmem:v22+s22+$0x0] =	vst.idx.msk $0xffff, v20  }
0x4b0: {  	v20 =	vld.idx.msk [tilespmem:v23+s15+$0x0], $0xffff  }
0x4b1: {  	v18 =	vor.u32 $0x60, v18;
	v21 =	vand.u32 $0x58, v21  }
0x4b2: {  	v21 =	vor.u32 v21, v19;
	v22 =	vshll.u32 v18, $0x6  }
0x4b3: {  	v22 =	vor.u32 v0, v22;
	_ =	sdelay $0x1  }
0x4b4: {  	v20 =	vadd.f32 v20, v16;
	_ =	sdelay $0x1  }
0x4b5: {  	[tilespmem:v21+s22+$0x0] =	vst.idx.msk $0xffff, v20  }
0x4b6: {  	v20 =	vld.idx.msk [tilespmem:v22+s15+$0x0], $0xffff  }
0x4b7: {  	v17 =	vor.u32 $0x70, v17;
	v18 =	vand.u32 $0x68, v18  }
0x4b8: {  	v18 =	vor.u32 v18, v19;
	v21 =	vshll.u32 v17, $0x6  }
0x4b9: {  	v21 =	vor.u32 v0, v21;
	_ =	sdelay $0x1  }
0x4ba: {  	v20 =	vadd.f32 v20, v16;
	_ =	sdelay $0x1  }
0x4bb: {  	s30 =	simm.s32 $0x1;
	v17 =	vand.u32 $0x78, v17;
	[tilespmem:v18+s22+$0x0] =	vst.idx.msk $0xffff, v20  }
0x4bc: {  	v18 =	vor.u32 v17, v19;
	v19 =	vld.idx.msk [tilespmem:v21+s15+$0x0], $0xffff;
	v21 =	vadd.s32 s30, v0  }
0x4bd: {  	v20 =	vand.u32 $0xF, v21;
	v17 =	vor.u32 $0x10, v21;
	v22 =	vand.u32 $0x7, v21  }
0x4be: {  	v23 =	vshll.u32 v20, $0x6;
	v27 =	vshll.u32 v17, $0x6;
	v24 =	vand.u32 $0x18, v17  }
0x4bf: {  	v17 =	vor.u32 v1, v22;
	v22 =	vor.u32 $0x20, v20;
	v28 =	vor.u32 v0, v23  }
0x4c0: {  	v24 =	vor.u32 v24, v17;
	v26 =	vshll.u32 v22, $0x6;
	v22 =	vand.u32 $0x28, v22  }
0x4c1: {  	v23 =	vor.u32 $0x30, v21;
	v22 =	vor.u32 v22, v17;
	v29 =	vadd.f32 v19, v16  }
0x4c2: {  	s30 =	simm.s32 $0x2;
	v25 =	vshll.u32 v23, $0x6;
	v23 =	vand.u32 $0x38, v23;
	v19 =	vor.u32 $0x40, v20  }
.LBB2_23:
0x4c3: {  	p0 =	sne.s32 s30, $0xF;
	v30 =	vor.u32 $0x50, v21;
	v31 =	vor.u32 $0x60, v20;
	v21 =	vor.u32 $0x70, v21;
	[tilespmem:v18+s22+$0x0] =	vst.idx.msk $0xffff, v29;
	s31 =	smov.u32 s30;
	s30 =	sadd.s32 $0x1, s30  }
0x4c4: {  	v28 =	vld.idx.msk [tilespmem:v28+s15+$0x0], $0xffff;
	v29 =	vshll.u32 v30, $0x6;
	v18 =	vand.u32 $0x58, v30;
	v30 =	vshll.u32 v31, $0x6  }
0x4c5: {  	v32 =	vor.u32 v18, v17;
	v18 =	vand.u32 $0x68, v31;
	v31 =	vshll.u32 v21, $0x6  }
0x4c6: {  	v33 =	vor.u32 v18, v17;
	v18 =	vand.u32 $0x78, v21  }
0x4c7: {  	v20 =	vor.u32 v1, v20;
	v18 =	vor.u32 v18, v17  }
0x4c8: {  	v21 =	vor.u32 v0, v27;
	_ =	sdelay $0x1  }
0x4c9: {  	v27 =	vadd.f32 v28, v16;
	_ =	sdelay $0x1  }
0x4ca: {  	[tilespmem:v20+s22+$0x0] =	vst.idx.msk $0xffff, v27  }
0x4cb: {  	v20 =	vld.idx.msk [tilespmem:v21+s15+$0x0], $0xffff;
	_ =	sdelay $0x3  }
0x4cc: {  	v21 =	vor.u32 v0, v26;
	_ =	sdelay $0x1  }
0x4cd: {  	v20 =	vadd.f32 v20, v16;
	_ =	sdelay $0x1  }
0x4ce: {  	[tilespmem:v24+s22+$0x0] =	vst.idx.msk $0xffff, v20  }
0x4cf: {  	v20 =	vld.idx.msk [tilespmem:v21+s15+$0x0], $0xffff;
	_ =	sdelay $0x3  }
0x4d0: {  	v21 =	vor.u32 v0, v25;
	_ =	sdelay $0x1  }
0x4d1: {  	v20 =	vadd.f32 v20, v16;
	_ =	sdelay $0x1  }
0x4d2: {  	[tilespmem:v22+s22+$0x0] =	vst.idx.msk $0xffff, v20  }
0x4d3: {  	v20 =	vld.idx.msk [tilespmem:v21+s15+$0x0], $0xffff;
	_ =	sdelay $0x2  }
0x4d4: {  	v22 =	vshll.u32 v19, $0x6;
	v21 =	vor.u32 v23, v17  }
0x4d5: {  	v22 =	vor.u32 v0, v22;
	_ =	sdelay $0x1  }
0x4d6: {  	v20 =	vadd.f32 v20, v16;
	_ =	sdelay $0x1  }
0x4d7: {  	[tilespmem:v21+s22+$0x0] =	vst.idx.msk $0xffff, v20  }
0x4d8: {  	v20 =	vld.idx.msk [tilespmem:v22+s15+$0x0], $0xffff;
	_ =	sdelay $0x1  }
0x4d9: {  	v19 =	vand.u32 $0x48, v19  }
0x4da: {  	v17 =	vor.u32 v19, v17  }
0x4db: {  	v19 =	vor.u32 v0, v29;
	_ =	sdelay $0x1  }
0x4dc: {  	v20 =	vadd.f32 v20, v16;
	_ =	sdelay $0x1  }
0x4dd: {  	[tilespmem:v17+s22+$0x0] =	vst.idx.msk $0xffff, v20  }
0x4de: {  	v17 =	vld.idx.msk [tilespmem:v19+s15+$0x0], $0xffff;
	_ =	sdelay $0x3  }
0x4df: {  	v19 =	vor.u32 v0, v30;
	_ =	sdelay $0x1  }
0x4e0: {  	v17 =	vadd.f32 v17, v16;
	_ =	sdelay $0x1  }
0x4e1: {  	[tilespmem:v32+s22+$0x0] =	vst.idx.msk $0xffff, v17  }
0x4e2: {  	v17 =	vld.idx.msk [tilespmem:v19+s15+$0x0], $0xffff;
	_ =	sdelay $0x3  }
0x4e3: {  	v19 =	vor.u32 v0, v31;
	_ =	sdelay $0x1  }
0x4e4: {  	v17 =	vadd.f32 v17, v16;
	_ =	sdelay $0x1  }
0x4e5: {  	[tilespmem:v33+s22+$0x0] =	vst.idx.msk $0xffff, v17  }
0x4e6: {  	v19 =	vld.idx.msk [tilespmem:v19+s15+$0x0], $0xffff  }
0x4e7: {  	v21 =	vadd.s32 s31, v0  }
0x4e8: {  	v22 =	vand.u32 $0x7, v21;
	v20 =	vand.u32 $0xF, v21;
	v17 =	vor.u32 $0x10, v21  }
.Ltmp13:
0x4e9: {  	v23 =	vshll.u32 v20, $0x6;
	v27 =	vshll.u32 v17, $0x6;
	v24 =	vand.u32 $0x18, v17;
	(pc) =	sbr.rel @p0 .LBB2_23-.Ltmp13, $4  }
0x4ea: {  	v28 =	vor.u32 v0, v23;
	v17 =	vor.u32 v1, v22;
	v22 =	vor.u32 $0x20, v20  }
0x4eb: {  	v24 =	vor.u32 v24, v17;
	v26 =	vshll.u32 v22, $0x6;
	v22 =	vand.u32 $0x28, v22  }
0x4ec: {  	v23 =	vor.u32 $0x30, v21;
	v22 =	vor.u32 v22, v17;
	v29 =	vadd.f32 v19, v16  }
0x4ed: {  	v25 =	vshll.u32 v23, $0x6;
	v23 =	vand.u32 $0x38, v23;
	v19 =	vor.u32 $0x40, v20  }
0x4ee: {  	_ =	sdelay $0x3  }
0x4ef: {  	[tilespmem:v18+s22+$0x0] =	vst.idx.msk $0xffff, v29  }
0x4f0: {  	v18 =	vld.idx.msk [tilespmem:v28+s15+$0x0], $0xffff;
	_ =	sdelay $0x1  }
0x4f1: {  	v28 =	vor.u32 v1, v20  }
0x4f2: {  	v27 =	vor.u32 v0, v27;
	_ =	sdelay $0x1  }
0x4f3: {  	v18 =	vadd.f32 v18, v16;
	_ =	sdelay $0x1  }
0x4f4: {  	[tilespmem:v28+s22+$0x0] =	vst.idx.msk $0xffff, v18  }
0x4f5: {  	v18 =	vld.idx.msk [tilespmem:v27+s15+$0x0], $0xffff;
	_ =	sdelay $0x2  }
0x4f6: {  	v26 =	vor.u32 v0, v26;
	_ =	sdelay $0x1  }
0x4f7: {  	v18 =	vadd.f32 v18, v16;
	_ =	sdelay $0x1  }
0x4f8: {  	[tilespmem:v24+s22+$0x0] =	vst.idx.msk $0xffff, v18  }
0x4f9: {  	v18 =	vld.idx.msk [tilespmem:v26+s15+$0x0], $0xffff;
	_ =	sdelay $0x2  }
0x4fa: {  	v24 =	vor.u32 v0, v25;
	_ =	sdelay $0x1  }
0x4fb: {  	v18 =	vadd.f32 v18, v16;
	_ =	sdelay $0x1  }
0x4fc: {  	[tilespmem:v22+s22+$0x0] =	vst.idx.msk $0xffff, v18  }
0x4fd: {  	v18 =	vld.idx.msk [tilespmem:v24+s15+$0x0], $0xffff;
	_ =	sdelay $0x1  }
0x4fe: {  	v22 =	vor.u32 v23, v17;
	v23 =	vshll.u32 v19, $0x6  }
0x4ff: {  	v23 =	vor.u32 v0, v23;
	_ =	sdelay $0x1  }
0x500: {  	v18 =	vadd.f32 v18, v16;
	_ =	sdelay $0x1  }
0x501: {  	[tilespmem:v22+s22+$0x0] =	vst.idx.msk $0xffff, v18  }
0x502: {  	v18 =	vld.idx.msk [tilespmem:v23+s15+$0x0], $0xffff  }
0x503: {  	v19 =	vand.u32 $0x48, v19;
	v22 =	vor.u32 $0x50, v21  }
0x504: {  	v19 =	vor.u32 v19, v17;
	v23 =	vshll.u32 v22, $0x6  }
0x505: {  	v23 =	vor.u32 v0, v23;
	_ =	sdelay $0x1  }
0x506: {  	v18 =	vadd.f32 v18, v16;
	_ =	sdelay $0x1  }
0x507: {  	[tilespmem:v19+s22+$0x0] =	vst.idx.msk $0xffff, v18  }
0x508: {  	v18 =	vld.idx.msk [tilespmem:v23+s15+$0x0], $0xffff  }
0x509: {  	v19 =	vor.u32 $0x60, v20;
	v20 =	vand.u32 $0x58, v22  }
0x50a: {  	v22 =	vshll.u32 v19, $0x6;
	v20 =	vor.u32 v20, v17  }
0x50b: {  	v22 =	vor.u32 v0, v22;
	_ =	sdelay $0x1  }
0x50c: {  	v18 =	vadd.f32 v18, v16;
	_ =	sdelay $0x1  }
0x50d: {  	[tilespmem:v20+s22+$0x0] =	vst.idx.msk $0xffff, v18  }
0x50e: {  	v18 =	vld.idx.msk [tilespmem:v22+s15+$0x0], $0xffff  }
0x50f: {  	v19 =	vand.u32 $0x68, v19;
	v20 =	vor.u32 $0x70, v21  }
0x510: {  	v19 =	vor.u32 v19, v17;
	v21 =	vshll.u32 v20, $0x6  }
0x511: {  	v21 =	vor.u32 v0, v21;
	_ =	sdelay $0x1  }
0x512: {  	v18 =	vadd.f32 v18, v16;
	_ =	sdelay $0x1  }
0x513: {  	[tilespmem:v19+s22+$0x0] =	vst.idx.msk $0xffff, v18  }
0x514: {  	s30 =	simm.s32 $0x0;
	v18 =	vld.idx.msk [tilespmem:v21+s15+$0x0], $0xffff  }
0x515: {  	v19 =	vand.u32 $0x78, v20;
	v20 =	vadd.s32 s30, v0  }
0x516: {  	v17 =	vor.u32 v19, v17;
	v19 =	vand.u32 $0xF, v20  }
0x517: {  	v21 =	vshll.u32 v19, $0x6  }
0x518: {  	v21 =	vor.u32 v2, v21  }
0x519: {  	v16 =	vadd.f32 v18, v16;
	_ =	sdelay $0x1  }
0x51a: {  	[tilespmem:v17+s22+$0x0] =	vst.idx.msk $0xffff, v16  }
0x51b: {  	v16 =	vld [tilespmem:s29+$0x10210]  }
0x51c: {  	v17 =	vld.idx.msk [tilespmem:v21+s15+$0x0], $0xffff  }
0x51d: {  	v18 =	vor.u32 $0x10, v20  }
0x51e: {  	v22 =	vor.u32 v3, v19;
	v21 =	vshll.u32 v18, $0x6  }
0x51f: {  	v21 =	vor.u32 v2, v21;
	_ =	sdelay $0x1  }
0x520: {  	v17 =	vadd.f32 v17, v16;
	_ =	sdelay $0x1  }
0x521: {  	[tilespmem:v22+s22+$0x0] =	vst.idx.msk $0xffff, v17  }
0x522: {  	v17 =	vand.u32 $0x7, v20;
	v21 =	vld.idx.msk [tilespmem:v21+s15+$0x0], $0xffff  }
0x523: {  	v18 =	vand.u32 $0x18, v18;
	v22 =	vor.u32 $0x20, v19;
	v17 =	vor.u32 v3, v17  }
0x524: {  	v23 =	vshll.u32 v22, $0x6;
	v18 =	vor.u32 v18, v17  }
0x525: {  	v23 =	vor.u32 v2, v23;
	_ =	sdelay $0x1  }
0x526: {  	v21 =	vadd.f32 v21, v16;
	_ =	sdelay $0x1  }
0x527: {  	[tilespmem:v18+s22+$0x0] =	vst.idx.msk $0xffff, v21  }
0x528: {  	v18 =	vld.idx.msk [tilespmem:v23+s15+$0x0], $0xffff  }
0x529: {  	v21 =	vand.u32 $0x28, v22;
	v22 =	vor.u32 $0x30, v20  }
0x52a: {  	v21 =	vor.u32 v21, v17;
	v23 =	vshll.u32 v22, $0x6  }
0x52b: {  	v23 =	vor.u32 v2, v23;
	_ =	sdelay $0x1  }
0x52c: {  	v18 =	vadd.f32 v18, v16;
	_ =	sdelay $0x1  }
0x52d: {  	[tilespmem:v21+s22+$0x0] =	vst.idx.msk $0xffff, v18  }
0x52e: {  	v18 =	vld.idx.msk [tilespmem:v23+s15+$0x0], $0xffff  }
0x52f: {  	v21 =	vand.u32 $0x38, v22;
	v22 =	vor.u32 $0x40, v19  }
0x530: {  	v21 =	vor.u32 v21, v17;
	v23 =	vshll.u32 v22, $0x6  }
0x531: {  	v23 =	vor.u32 v2, v23;
	_ =	sdelay $0x1  }
0x532: {  	v18 =	vadd.f32 v18, v16;
	_ =	sdelay $0x1  }
0x533: {  	[tilespmem:v21+s22+$0x0] =	vst.idx.msk $0xffff, v18  }
0x534: {  	v18 =	vld.idx.msk [tilespmem:v23+s15+$0x0], $0xffff  }
0x535: {  	v22 =	vand.u32 $0x48, v22;
	v21 =	vor.u32 $0x50, v20  }
0x536: {  	v22 =	vor.u32 v22, v17;
	v23 =	vshll.u32 v21, $0x6  }
0x537: {  	v23 =	vor.u32 v2, v23;
	_ =	sdelay $0x1  }
0x538: {  	v18 =	vadd.f32 v18, v16;
	_ =	sdelay $0x1  }
0x539: {  	[tilespmem:v22+s22+$0x0] =	vst.idx.msk $0xffff, v18  }
0x53a: {  	v18 =	vld.idx.msk [tilespmem:v23+s15+$0x0], $0xffff  }
0x53b: {  	v19 =	vor.u32 $0x60, v19;
	v21 =	vand.u32 $0x58, v21  }
0x53c: {  	v21 =	vor.u32 v21, v17;
	v22 =	vshll.u32 v19, $0x6  }
0x53d: {  	v22 =	vor.u32 v2, v22;
	_ =	sdelay $0x1  }
0x53e: {  	v18 =	vadd.f32 v18, v16;
	_ =	sdelay $0x1  }
0x53f: {  	[tilespmem:v21+s22+$0x0] =	vst.idx.msk $0xffff, v18  }
0x540: {  	v18 =	vld.idx.msk [tilespmem:v22+s15+$0x0], $0xffff  }
0x541: {  	v20 =	vor.u32 $0x70, v20;
	v19 =	vand.u32 $0x68, v19  }
0x542: {  	v19 =	vor.u32 v19, v17;
	v21 =	vshll.u32 v20, $0x6  }
0x543: {  	v21 =	vor.u32 v2, v21;
	_ =	sdelay $0x1  }
0x544: {  	v18 =	vadd.f32 v18, v16;
	_ =	sdelay $0x1  }
0x545: {  	s30 =	simm.s32 $0x1;
	v20 =	vand.u32 $0x78, v20;
	[tilespmem:v19+s22+$0x0] =	vst.idx.msk $0xffff, v18  }
0x546: {  	v18 =	vor.u32 v20, v17;
	v19 =	vld.idx.msk [tilespmem:v21+s15+$0x0], $0xffff;
	v21 =	vadd.s32 s30, v0  }
0x547: {  	v20 =	vand.u32 $0xF, v21;
	v17 =	vor.u32 $0x10, v21;
	v22 =	vand.u32 $0x7, v21  }
0x548: {  	v23 =	vshll.u32 v20, $0x6;
	v27 =	vshll.u32 v17, $0x6;
	v24 =	vand.u32 $0x18, v17  }
0x549: {  	v17 =	vor.u32 v3, v22;
	v22 =	vor.u32 $0x20, v20;
	v28 =	vor.u32 v2, v23  }
0x54a: {  	v24 =	vor.u32 v24, v17;
	v26 =	vshll.u32 v22, $0x6;
	v22 =	vand.u32 $0x28, v22  }
0x54b: {  	v23 =	vor.u32 $0x30, v21;
	v22 =	vor.u32 v22, v17;
	v29 =	vadd.f32 v19, v16  }
0x54c: {  	s30 =	simm.s32 $0x2;
	v25 =	vshll.u32 v23, $0x6;
	v23 =	vand.u32 $0x38, v23;
	v19 =	vor.u32 $0x40, v20  }
.LBB2_25:
0x54d: {  	p0 =	sne.s32 s30, $0xF;
	v30 =	vor.u32 $0x50, v21;
	v31 =	vor.u32 $0x60, v20;
	v21 =	vor.u32 $0x70, v21;
	[tilespmem:v18+s22+$0x0] =	vst.idx.msk $0xffff, v29;
	s31 =	smov.u32 s30;
	s30 =	sadd.s32 $0x1, s30  }
0x54e: {  	v28 =	vld.idx.msk [tilespmem:v28+s15+$0x0], $0xffff;
	v29 =	vshll.u32 v30, $0x6;
	v18 =	vand.u32 $0x58, v30;
	v30 =	vshll.u32 v31, $0x6  }
0x54f: {  	v32 =	vor.u32 v18, v17;
	v18 =	vand.u32 $0x68, v31;
	v31 =	vshll.u32 v21, $0x6  }
0x550: {  	v33 =	vor.u32 v18, v17;
	v18 =	vand.u32 $0x78, v21  }
0x551: {  	v20 =	vor.u32 v3, v20;
	v18 =	vor.u32 v18, v17  }
0x552: {  	v21 =	vor.u32 v2, v27;
	_ =	sdelay $0x1  }
0x553: {  	v27 =	vadd.f32 v28, v16;
	_ =	sdelay $0x1  }
0x554: {  	[tilespmem:v20+s22+$0x0] =	vst.idx.msk $0xffff, v27  }
0x555: {  	v20 =	vld.idx.msk [tilespmem:v21+s15+$0x0], $0xffff;
	_ =	sdelay $0x3  }
0x556: {  	v21 =	vor.u32 v2, v26;
	_ =	sdelay $0x1  }
0x557: {  	v20 =	vadd.f32 v20, v16;
	_ =	sdelay $0x1  }
0x558: {  	[tilespmem:v24+s22+$0x0] =	vst.idx.msk $0xffff, v20  }
0x559: {  	v20 =	vld.idx.msk [tilespmem:v21+s15+$0x0], $0xffff;
	_ =	sdelay $0x3  }
0x55a: {  	v21 =	vor.u32 v2, v25;
	_ =	sdelay $0x1  }
0x55b: {  	v20 =	vadd.f32 v20, v16;
	_ =	sdelay $0x1  }
0x55c: {  	[tilespmem:v22+s22+$0x0] =	vst.idx.msk $0xffff, v20  }
0x55d: {  	v20 =	vld.idx.msk [tilespmem:v21+s15+$0x0], $0xffff;
	_ =	sdelay $0x2  }
0x55e: {  	v22 =	vshll.u32 v19, $0x6;
	v21 =	vor.u32 v23, v17  }
0x55f: {  	v22 =	vor.u32 v2, v22;
	_ =	sdelay $0x1  }
0x560: {  	v20 =	vadd.f32 v20, v16;
	_ =	sdelay $0x1  }
0x561: {  	[tilespmem:v21+s22+$0x0] =	vst.idx.msk $0xffff, v20  }
0x562: {  	v20 =	vld.idx.msk [tilespmem:v22+s15+$0x0], $0xffff;
	_ =	sdelay $0x1  }
0x563: {  	v19 =	vand.u32 $0x48, v19  }
0x564: {  	v17 =	vor.u32 v19, v17  }
0x565: {  	v19 =	vor.u32 v2, v29;
	_ =	sdelay $0x1  }
0x566: {  	v20 =	vadd.f32 v20, v16;
	_ =	sdelay $0x1  }
0x567: {  	[tilespmem:v17+s22+$0x0] =	vst.idx.msk $0xffff, v20  }
0x568: {  	v17 =	vld.idx.msk [tilespmem:v19+s15+$0x0], $0xffff;
	_ =	sdelay $0x3  }
0x569: {  	v19 =	vor.u32 v2, v30;
	_ =	sdelay $0x1  }
0x56a: {  	v17 =	vadd.f32 v17, v16;
	_ =	sdelay $0x1  }
0x56b: {  	[tilespmem:v32+s22+$0x0] =	vst.idx.msk $0xffff, v17  }
0x56c: {  	v17 =	vld.idx.msk [tilespmem:v19+s15+$0x0], $0xffff;
	_ =	sdelay $0x3  }
0x56d: {  	v19 =	vor.u32 v2, v31;
	_ =	sdelay $0x1  }
0x56e: {  	v17 =	vadd.f32 v17, v16;
	_ =	sdelay $0x1  }
0x56f: {  	[tilespmem:v33+s22+$0x0] =	vst.idx.msk $0xffff, v17  }
0x570: {  	v19 =	vld.idx.msk [tilespmem:v19+s15+$0x0], $0xffff  }
0x571: {  	v21 =	vadd.s32 s31, v0  }
0x572: {  	v22 =	vand.u32 $0x7, v21;
	v20 =	vand.u32 $0xF, v21;
	v17 =	vor.u32 $0x10, v21  }
.Ltmp14:
0x573: {  	v23 =	vshll.u32 v20, $0x6;
	v27 =	vshll.u32 v17, $0x6;
	v24 =	vand.u32 $0x18, v17;
	(pc) =	sbr.rel @p0 .LBB2_25-.Ltmp14, $4  }
0x574: {  	v28 =	vor.u32 v2, v23;
	v17 =	vor.u32 v3, v22;
	v22 =	vor.u32 $0x20, v20  }
0x575: {  	v24 =	vor.u32 v24, v17;
	v26 =	vshll.u32 v22, $0x6;
	v22 =	vand.u32 $0x28, v22  }
0x576: {  	v23 =	vor.u32 $0x30, v21;
	v22 =	vor.u32 v22, v17;
	v29 =	vadd.f32 v19, v16  }
0x577: {  	v25 =	vshll.u32 v23, $0x6;
	v23 =	vand.u32 $0x38, v23;
	v19 =	vor.u32 $0x40, v20  }
0x578: {  	_ =	sdelay $0x3  }
0x579: {  	[tilespmem:v18+s22+$0x0] =	vst.idx.msk $0xffff, v29  }
0x57a: {  	v18 =	vld.idx.msk [tilespmem:v28+s15+$0x0], $0xffff;
	_ =	sdelay $0x1  }
0x57b: {  	v28 =	vor.u32 v3, v20  }
0x57c: {  	v27 =	vor.u32 v2, v27;
	_ =	sdelay $0x1  }
0x57d: {  	v18 =	vadd.f32 v18, v16;
	_ =	sdelay $0x1  }
0x57e: {  	[tilespmem:v28+s22+$0x0] =	vst.idx.msk $0xffff, v18  }
0x57f: {  	v18 =	vld.idx.msk [tilespmem:v27+s15+$0x0], $0xffff;
	_ =	sdelay $0x2  }
0x580: {  	v26 =	vor.u32 v2, v26;
	_ =	sdelay $0x1  }
0x581: {  	v18 =	vadd.f32 v18, v16;
	_ =	sdelay $0x1  }
0x582: {  	[tilespmem:v24+s22+$0x0] =	vst.idx.msk $0xffff, v18  }
0x583: {  	v18 =	vld.idx.msk [tilespmem:v26+s15+$0x0], $0xffff;
	_ =	sdelay $0x2  }
0x584: {  	v24 =	vor.u32 v2, v25;
	_ =	sdelay $0x1  }
0x585: {  	v18 =	vadd.f32 v18, v16;
	_ =	sdelay $0x1  }
0x586: {  	[tilespmem:v22+s22+$0x0] =	vst.idx.msk $0xffff, v18  }
0x587: {  	v18 =	vld.idx.msk [tilespmem:v24+s15+$0x0], $0xffff;
	_ =	sdelay $0x1  }
0x588: {  	v22 =	vor.u32 v23, v17;
	v23 =	vshll.u32 v19, $0x6  }
0x589: {  	v23 =	vor.u32 v2, v23;
	_ =	sdelay $0x1  }
0x58a: {  	v18 =	vadd.f32 v18, v16;
	_ =	sdelay $0x1  }
0x58b: {  	[tilespmem:v22+s22+$0x0] =	vst.idx.msk $0xffff, v18  }
0x58c: {  	v18 =	vld.idx.msk [tilespmem:v23+s15+$0x0], $0xffff  }
0x58d: {  	v19 =	vand.u32 $0x48, v19;
	v22 =	vor.u32 $0x50, v21  }
0x58e: {  	v19 =	vor.u32 v19, v17;
	v23 =	vshll.u32 v22, $0x6  }
0x58f: {  	v23 =	vor.u32 v2, v23;
	_ =	sdelay $0x1  }
0x590: {  	v18 =	vadd.f32 v18, v16;
	_ =	sdelay $0x1  }
0x591: {  	[tilespmem:v19+s22+$0x0] =	vst.idx.msk $0xffff, v18  }
0x592: {  	v18 =	vld.idx.msk [tilespmem:v23+s15+$0x0], $0xffff  }
0x593: {  	v19 =	vor.u32 $0x60, v20;
	v20 =	vand.u32 $0x58, v22  }
0x594: {  	v22 =	vshll.u32 v19, $0x6;
	v20 =	vor.u32 v20, v17  }
0x595: {  	v22 =	vor.u32 v2, v22;
	_ =	sdelay $0x1  }
0x596: {  	v18 =	vadd.f32 v18, v16;
	_ =	sdelay $0x1  }
0x597: {  	[tilespmem:v20+s22+$0x0] =	vst.idx.msk $0xffff, v18  }
0x598: {  	v18 =	vld.idx.msk [tilespmem:v22+s15+$0x0], $0xffff  }
0x599: {  	v19 =	vand.u32 $0x68, v19;
	v20 =	vor.u32 $0x70, v21  }
0x59a: {  	v19 =	vor.u32 v19, v17;
	v21 =	vshll.u32 v20, $0x6  }
0x59b: {  	v21 =	vor.u32 v2, v21;
	_ =	sdelay $0x1  }
0x59c: {  	v18 =	vadd.f32 v18, v16;
	_ =	sdelay $0x1  }
0x59d: {  	[tilespmem:v19+s22+$0x0] =	vst.idx.msk $0xffff, v18  }
0x59e: {  	s30 =	simm.s32 $0x0;
	v18 =	vld.idx.msk [tilespmem:v21+s15+$0x0], $0xffff  }
0x59f: {  	v19 =	vand.u32 $0x78, v20;
	v20 =	vadd.s32 s30, v0  }
0x5a0: {  	v17 =	vor.u32 v19, v17;
	v19 =	vand.u32 $0xF, v20  }
0x5a1: {  	v21 =	vshll.u32 v19, $0x6  }
0x5a2: {  	v21 =	vor.u32 v4, v21  }
0x5a3: {  	v16 =	vadd.f32 v18, v16;
	_ =	sdelay $0x1  }
0x5a4: {  	[tilespmem:v17+s22+$0x0] =	vst.idx.msk $0xffff, v16  }
0x5a5: {  	v16 =	vld [tilespmem:s29+$0x10220]  }
0x5a6: {  	v17 =	vld.idx.msk [tilespmem:v21+s15+$0x0], $0xffff  }
0x5a7: {  	v18 =	vor.u32 $0x10, v20  }
0x5a8: {  	v22 =	vor.u32 v5, v19;
	v21 =	vshll.u32 v18, $0x6  }
0x5a9: {  	v21 =	vor.u32 v4, v21;
	_ =	sdelay $0x1  }
0x5aa: {  	v17 =	vadd.f32 v17, v16;
	_ =	sdelay $0x1  }
0x5ab: {  	[tilespmem:v22+s22+$0x0] =	vst.idx.msk $0xffff, v17  }
0x5ac: {  	v17 =	vand.u32 $0x7, v20;
	v21 =	vld.idx.msk [tilespmem:v21+s15+$0x0], $0xffff  }
0x5ad: {  	v18 =	vand.u32 $0x18, v18;
	v22 =	vor.u32 $0x20, v19;
	v17 =	vor.u32 v5, v17  }
0x5ae: {  	v23 =	vshll.u32 v22, $0x6;
	v18 =	vor.u32 v18, v17  }
0x5af: {  	v23 =	vor.u32 v4, v23;
	_ =	sdelay $0x1  }
0x5b0: {  	v21 =	vadd.f32 v21, v16;
	_ =	sdelay $0x1  }
0x5b1: {  	[tilespmem:v18+s22+$0x0] =	vst.idx.msk $0xffff, v21  }
0x5b2: {  	v18 =	vld.idx.msk [tilespmem:v23+s15+$0x0], $0xffff  }
0x5b3: {  	v21 =	vand.u32 $0x28, v22;
	v22 =	vor.u32 $0x30, v20  }
0x5b4: {  	v21 =	vor.u32 v21, v17;
	v23 =	vshll.u32 v22, $0x6  }
0x5b5: {  	v23 =	vor.u32 v4, v23;
	_ =	sdelay $0x1  }
0x5b6: {  	v18 =	vadd.f32 v18, v16;
	_ =	sdelay $0x1  }
0x5b7: {  	[tilespmem:v21+s22+$0x0] =	vst.idx.msk $0xffff, v18  }
0x5b8: {  	v18 =	vld.idx.msk [tilespmem:v23+s15+$0x0], $0xffff  }
0x5b9: {  	v21 =	vand.u32 $0x38, v22;
	v22 =	vor.u32 $0x40, v19  }
0x5ba: {  	v21 =	vor.u32 v21, v17;
	v23 =	vshll.u32 v22, $0x6  }
0x5bb: {  	v23 =	vor.u32 v4, v23;
	_ =	sdelay $0x1  }
0x5bc: {  	v18 =	vadd.f32 v18, v16;
	_ =	sdelay $0x1  }
0x5bd: {  	[tilespmem:v21+s22+$0x0] =	vst.idx.msk $0xffff, v18  }
0x5be: {  	v18 =	vld.idx.msk [tilespmem:v23+s15+$0x0], $0xffff  }
0x5bf: {  	v22 =	vand.u32 $0x48, v22;
	v21 =	vor.u32 $0x50, v20  }
0x5c0: {  	v22 =	vor.u32 v22, v17;
	v23 =	vshll.u32 v21, $0x6  }
0x5c1: {  	v23 =	vor.u32 v4, v23;
	_ =	sdelay $0x1  }
0x5c2: {  	v18 =	vadd.f32 v18, v16;
	_ =	sdelay $0x1  }
0x5c3: {  	[tilespmem:v22+s22+$0x0] =	vst.idx.msk $0xffff, v18  }
0x5c4: {  	v18 =	vld.idx.msk [tilespmem:v23+s15+$0x0], $0xffff  }
0x5c5: {  	v19 =	vor.u32 $0x60, v19;
	v21 =	vand.u32 $0x58, v21  }
0x5c6: {  	v21 =	vor.u32 v21, v17;
	v22 =	vshll.u32 v19, $0x6  }
0x5c7: {  	v22 =	vor.u32 v4, v22;
	_ =	sdelay $0x1  }
0x5c8: {  	v18 =	vadd.f32 v18, v16;
	_ =	sdelay $0x1  }
0x5c9: {  	[tilespmem:v21+s22+$0x0] =	vst.idx.msk $0xffff, v18  }
0x5ca: {  	v18 =	vld.idx.msk [tilespmem:v22+s15+$0x0], $0xffff  }
0x5cb: {  	v20 =	vor.u32 $0x70, v20;
	v19 =	vand.u32 $0x68, v19  }
0x5cc: {  	v19 =	vor.u32 v19, v17;
	v21 =	vshll.u32 v20, $0x6  }
0x5cd: {  	v21 =	vor.u32 v4, v21;
	_ =	sdelay $0x1  }
0x5ce: {  	v18 =	vadd.f32 v18, v16;
	_ =	sdelay $0x1  }
0x5cf: {  	s30 =	simm.s32 $0x1;
	v20 =	vand.u32 $0x78, v20;
	[tilespmem:v19+s22+$0x0] =	vst.idx.msk $0xffff, v18  }
0x5d0: {  	v18 =	vor.u32 v20, v17;
	v19 =	vld.idx.msk [tilespmem:v21+s15+$0x0], $0xffff;
	v21 =	vadd.s32 s30, v0  }
0x5d1: {  	v20 =	vand.u32 $0xF, v21;
	v17 =	vor.u32 $0x10, v21;
	v22 =	vand.u32 $0x7, v21  }
0x5d2: {  	v23 =	vshll.u32 v20, $0x6;
	v27 =	vshll.u32 v17, $0x6;
	v24 =	vand.u32 $0x18, v17  }
0x5d3: {  	v17 =	vor.u32 v5, v22;
	v22 =	vor.u32 $0x20, v20;
	v28 =	vor.u32 v4, v23  }
0x5d4: {  	v24 =	vor.u32 v24, v17;
	v26 =	vshll.u32 v22, $0x6;
	v22 =	vand.u32 $0x28, v22  }
0x5d5: {  	v23 =	vor.u32 $0x30, v21;
	v22 =	vor.u32 v22, v17;
	v29 =	vadd.f32 v19, v16  }
0x5d6: {  	s30 =	simm.s32 $0x2;
	v25 =	vshll.u32 v23, $0x6;
	v23 =	vand.u32 $0x38, v23;
	v19 =	vor.u32 $0x40, v20  }
.LBB2_27:
0x5d7: {  	p0 =	sne.s32 s30, $0xF;
	v30 =	vor.u32 $0x50, v21;
	v31 =	vor.u32 $0x60, v20;
	v21 =	vor.u32 $0x70, v21;
	[tilespmem:v18+s22+$0x0] =	vst.idx.msk $0xffff, v29;
	s31 =	smov.u32 s30;
	s30 =	sadd.s32 $0x1, s30  }
0x5d8: {  	v28 =	vld.idx.msk [tilespmem:v28+s15+$0x0], $0xffff;
	v29 =	vshll.u32 v30, $0x6;
	v18 =	vand.u32 $0x58, v30;
	v30 =	vshll.u32 v31, $0x6  }
0x5d9: {  	v32 =	vor.u32 v18, v17;
	v18 =	vand.u32 $0x68, v31;
	v31 =	vshll.u32 v21, $0x6  }
0x5da: {  	v33 =	vor.u32 v18, v17;
	v18 =	vand.u32 $0x78, v21  }
0x5db: {  	v20 =	vor.u32 v5, v20;
	v18 =	vor.u32 v18, v17  }
0x5dc: {  	v21 =	vor.u32 v4, v27;
	_ =	sdelay $0x1  }
0x5dd: {  	v27 =	vadd.f32 v28, v16;
	_ =	sdelay $0x1  }
0x5de: {  	[tilespmem:v20+s22+$0x0] =	vst.idx.msk $0xffff, v27  }
0x5df: {  	v20 =	vld.idx.msk [tilespmem:v21+s15+$0x0], $0xffff;
	_ =	sdelay $0x3  }
0x5e0: {  	v21 =	vor.u32 v4, v26;
	_ =	sdelay $0x1  }
0x5e1: {  	v20 =	vadd.f32 v20, v16;
	_ =	sdelay $0x1  }
0x5e2: {  	[tilespmem:v24+s22+$0x0] =	vst.idx.msk $0xffff, v20  }
0x5e3: {  	v20 =	vld.idx.msk [tilespmem:v21+s15+$0x0], $0xffff;
	_ =	sdelay $0x3  }
0x5e4: {  	v21 =	vor.u32 v4, v25;
	_ =	sdelay $0x1  }
0x5e5: {  	v20 =	vadd.f32 v20, v16;
	_ =	sdelay $0x1  }
0x5e6: {  	[tilespmem:v22+s22+$0x0] =	vst.idx.msk $0xffff, v20  }
0x5e7: {  	v20 =	vld.idx.msk [tilespmem:v21+s15+$0x0], $0xffff;
	_ =	sdelay $0x2  }
0x5e8: {  	v22 =	vshll.u32 v19, $0x6;
	v21 =	vor.u32 v23, v17  }
0x5e9: {  	v22 =	vor.u32 v4, v22;
	_ =	sdelay $0x1  }
0x5ea: {  	v20 =	vadd.f32 v20, v16;
	_ =	sdelay $0x1  }
0x5eb: {  	[tilespmem:v21+s22+$0x0] =	vst.idx.msk $0xffff, v20  }
0x5ec: {  	v20 =	vld.idx.msk [tilespmem:v22+s15+$0x0], $0xffff;
	_ =	sdelay $0x1  }
0x5ed: {  	v19 =	vand.u32 $0x48, v19  }
0x5ee: {  	v17 =	vor.u32 v19, v17  }
0x5ef: {  	v19 =	vor.u32 v4, v29;
	_ =	sdelay $0x1  }
0x5f0: {  	v20 =	vadd.f32 v20, v16;
	_ =	sdelay $0x1  }
0x5f1: {  	[tilespmem:v17+s22+$0x0] =	vst.idx.msk $0xffff, v20  }
0x5f2: {  	v17 =	vld.idx.msk [tilespmem:v19+s15+$0x0], $0xffff;
	_ =	sdelay $0x3  }
0x5f3: {  	v19 =	vor.u32 v4, v30;
	_ =	sdelay $0x1  }
0x5f4: {  	v17 =	vadd.f32 v17, v16;
	_ =	sdelay $0x1  }
0x5f5: {  	[tilespmem:v32+s22+$0x0] =	vst.idx.msk $0xffff, v17  }
0x5f6: {  	v17 =	vld.idx.msk [tilespmem:v19+s15+$0x0], $0xffff;
	_ =	sdelay $0x3  }
0x5f7: {  	v19 =	vor.u32 v4, v31;
	_ =	sdelay $0x1  }
0x5f8: {  	v17 =	vadd.f32 v17, v16;
	_ =	sdelay $0x1  }
0x5f9: {  	[tilespmem:v33+s22+$0x0] =	vst.idx.msk $0xffff, v17  }
0x5fa: {  	v19 =	vld.idx.msk [tilespmem:v19+s15+$0x0], $0xffff  }
0x5fb: {  	v21 =	vadd.s32 s31, v0  }
0x5fc: {  	v22 =	vand.u32 $0x7, v21;
	v20 =	vand.u32 $0xF, v21;
	v17 =	vor.u32 $0x10, v21  }
.Ltmp15:
0x5fd: {  	v23 =	vshll.u32 v20, $0x6;
	v27 =	vshll.u32 v17, $0x6;
	v24 =	vand.u32 $0x18, v17;
	(pc) =	sbr.rel @p0 .LBB2_27-.Ltmp15, $4  }
0x5fe: {  	v28 =	vor.u32 v4, v23;
	v17 =	vor.u32 v5, v22;
	v22 =	vor.u32 $0x20, v20  }
0x5ff: {  	v24 =	vor.u32 v24, v17;
	v26 =	vshll.u32 v22, $0x6;
	v22 =	vand.u32 $0x28, v22  }
0x600: {  	v23 =	vor.u32 $0x30, v21;
	v22 =	vor.u32 v22, v17;
	v29 =	vadd.f32 v19, v16  }
0x601: {  	v25 =	vshll.u32 v23, $0x6;
	v23 =	vand.u32 $0x38, v23;
	v19 =	vor.u32 $0x40, v20  }
0x602: {  	_ =	sdelay $0x3  }
0x603: {  	[tilespmem:v18+s22+$0x0] =	vst.idx.msk $0xffff, v29  }
0x604: {  	v18 =	vld.idx.msk [tilespmem:v28+s15+$0x0], $0xffff;
	_ =	sdelay $0x1  }
0x605: {  	v28 =	vor.u32 v5, v20  }
0x606: {  	v27 =	vor.u32 v4, v27;
	_ =	sdelay $0x1  }
0x607: {  	v18 =	vadd.f32 v18, v16;
	_ =	sdelay $0x1  }
0x608: {  	[tilespmem:v28+s22+$0x0] =	vst.idx.msk $0xffff, v18  }
0x609: {  	v18 =	vld.idx.msk [tilespmem:v27+s15+$0x0], $0xffff;
	_ =	sdelay $0x2  }
0x60a: {  	v26 =	vor.u32 v4, v26;
	_ =	sdelay $0x1  }
0x60b: {  	v18 =	vadd.f32 v18, v16;
	_ =	sdelay $0x1  }
0x60c: {  	[tilespmem:v24+s22+$0x0] =	vst.idx.msk $0xffff, v18  }
0x60d: {  	v18 =	vld.idx.msk [tilespmem:v26+s15+$0x0], $0xffff;
	_ =	sdelay $0x2  }
0x60e: {  	v24 =	vor.u32 v4, v25;
	_ =	sdelay $0x1  }
0x60f: {  	v18 =	vadd.f32 v18, v16;
	_ =	sdelay $0x1  }
0x610: {  	[tilespmem:v22+s22+$0x0] =	vst.idx.msk $0xffff, v18  }
0x611: {  	v18 =	vld.idx.msk [tilespmem:v24+s15+$0x0], $0xffff;
	_ =	sdelay $0x1  }
0x612: {  	v22 =	vor.u32 v23, v17;
	v23 =	vshll.u32 v19, $0x6  }
0x613: {  	v23 =	vor.u32 v4, v23;
	_ =	sdelay $0x1  }
0x614: {  	v18 =	vadd.f32 v18, v16;
	_ =	sdelay $0x1  }
0x615: {  	[tilespmem:v22+s22+$0x0] =	vst.idx.msk $0xffff, v18  }
0x616: {  	v18 =	vld.idx.msk [tilespmem:v23+s15+$0x0], $0xffff  }
0x617: {  	v19 =	vand.u32 $0x48, v19;
	v22 =	vor.u32 $0x50, v21  }
0x618: {  	v19 =	vor.u32 v19, v17;
	v23 =	vshll.u32 v22, $0x6  }
0x619: {  	v23 =	vor.u32 v4, v23;
	_ =	sdelay $0x1  }
0x61a: {  	v18 =	vadd.f32 v18, v16;
	_ =	sdelay $0x1  }
0x61b: {  	[tilespmem:v19+s22+$0x0] =	vst.idx.msk $0xffff, v18  }
0x61c: {  	v18 =	vld.idx.msk [tilespmem:v23+s15+$0x0], $0xffff  }
0x61d: {  	v19 =	vor.u32 $0x60, v20;
	v20 =	vand.u32 $0x58, v22  }
0x61e: {  	v22 =	vshll.u32 v19, $0x6;
	v20 =	vor.u32 v20, v17  }
0x61f: {  	v22 =	vor.u32 v4, v22;
	_ =	sdelay $0x1  }
0x620: {  	v18 =	vadd.f32 v18, v16;
	_ =	sdelay $0x1  }
0x621: {  	[tilespmem:v20+s22+$0x0] =	vst.idx.msk $0xffff, v18  }
0x622: {  	v18 =	vld.idx.msk [tilespmem:v22+s15+$0x0], $0xffff  }
0x623: {  	v19 =	vand.u32 $0x68, v19;
	v20 =	vor.u32 $0x70, v21  }
0x624: {  	v19 =	vor.u32 v19, v17;
	v21 =	vshll.u32 v20, $0x6  }
0x625: {  	v21 =	vor.u32 v4, v21;
	_ =	sdelay $0x1  }
0x626: {  	v18 =	vadd.f32 v18, v16;
	_ =	sdelay $0x1  }
0x627: {  	[tilespmem:v19+s22+$0x0] =	vst.idx.msk $0xffff, v18  }
0x628: {  	s30 =	simm.s32 $0x0;
	v18 =	vld.idx.msk [tilespmem:v21+s15+$0x0], $0xffff  }
0x629: {  	v19 =	vand.u32 $0x78, v20;
	v20 =	vadd.s32 s30, v0  }
0x62a: {  	v17 =	vor.u32 v19, v17;
	v19 =	vand.u32 $0xF, v20  }
0x62b: {  	v21 =	vshll.u32 v19, $0x6  }
0x62c: {  	v21 =	vor.u32 v6, v21  }
0x62d: {  	v16 =	vadd.f32 v18, v16;
	_ =	sdelay $0x1  }
0x62e: {  	[tilespmem:v17+s22+$0x0] =	vst.idx.msk $0xffff, v16  }
0x62f: {  	v16 =	vld [tilespmem:s29+$0x10230]  }
0x630: {  	v17 =	vld.idx.msk [tilespmem:v21+s15+$0x0], $0xffff  }
0x631: {  	v18 =	vor.u32 $0x10, v20  }
0x632: {  	v22 =	vor.u32 v7, v19;
	v21 =	vshll.u32 v18, $0x6  }
0x633: {  	v21 =	vor.u32 v6, v21;
	_ =	sdelay $0x1  }
0x634: {  	v17 =	vadd.f32 v17, v16;
	_ =	sdelay $0x1  }
0x635: {  	[tilespmem:v22+s22+$0x0] =	vst.idx.msk $0xffff, v17  }
0x636: {  	v17 =	vand.u32 $0x7, v20;
	v21 =	vld.idx.msk [tilespmem:v21+s15+$0x0], $0xffff  }
0x637: {  	v18 =	vand.u32 $0x18, v18;
	v22 =	vor.u32 $0x20, v19;
	v17 =	vor.u32 v7, v17  }
0x638: {  	v23 =	vshll.u32 v22, $0x6;
	v18 =	vor.u32 v18, v17  }
0x639: {  	v23 =	vor.u32 v6, v23;
	_ =	sdelay $0x1  }
0x63a: {  	v21 =	vadd.f32 v21, v16;
	_ =	sdelay $0x1  }
0x63b: {  	[tilespmem:v18+s22+$0x0] =	vst.idx.msk $0xffff, v21  }
0x63c: {  	v18 =	vld.idx.msk [tilespmem:v23+s15+$0x0], $0xffff  }
0x63d: {  	v21 =	vand.u32 $0x28, v22;
	v22 =	vor.u32 $0x30, v20  }
0x63e: {  	v21 =	vor.u32 v21, v17;
	v23 =	vshll.u32 v22, $0x6  }
0x63f: {  	v23 =	vor.u32 v6, v23;
	_ =	sdelay $0x1  }
0x640: {  	v18 =	vadd.f32 v18, v16;
	_ =	sdelay $0x1  }
0x641: {  	[tilespmem:v21+s22+$0x0] =	vst.idx.msk $0xffff, v18  }
0x642: {  	v18 =	vld.idx.msk [tilespmem:v23+s15+$0x0], $0xffff  }
0x643: {  	v21 =	vand.u32 $0x38, v22;
	v22 =	vor.u32 $0x40, v19  }
0x644: {  	v21 =	vor.u32 v21, v17;
	v23 =	vshll.u32 v22, $0x6  }
0x645: {  	v23 =	vor.u32 v6, v23;
	_ =	sdelay $0x1  }
0x646: {  	v18 =	vadd.f32 v18, v16;
	_ =	sdelay $0x1  }
0x647: {  	[tilespmem:v21+s22+$0x0] =	vst.idx.msk $0xffff, v18  }
0x648: {  	v18 =	vld.idx.msk [tilespmem:v23+s15+$0x0], $0xffff  }
0x649: {  	v22 =	vand.u32 $0x48, v22;
	v21 =	vor.u32 $0x50, v20  }
0x64a: {  	v22 =	vor.u32 v22, v17;
	v23 =	vshll.u32 v21, $0x6  }
0x64b: {  	v23 =	vor.u32 v6, v23;
	_ =	sdelay $0x1  }
0x64c: {  	v18 =	vadd.f32 v18, v16;
	_ =	sdelay $0x1  }
0x64d: {  	[tilespmem:v22+s22+$0x0] =	vst.idx.msk $0xffff, v18  }
0x64e: {  	v18 =	vld.idx.msk [tilespmem:v23+s15+$0x0], $0xffff  }
0x64f: {  	v19 =	vor.u32 $0x60, v19;
	v21 =	vand.u32 $0x58, v21  }
0x650: {  	v21 =	vor.u32 v21, v17;
	v22 =	vshll.u32 v19, $0x6  }
0x651: {  	v22 =	vor.u32 v6, v22;
	_ =	sdelay $0x1  }
0x652: {  	v18 =	vadd.f32 v18, v16;
	_ =	sdelay $0x1  }
0x653: {  	[tilespmem:v21+s22+$0x0] =	vst.idx.msk $0xffff, v18  }
0x654: {  	v18 =	vld.idx.msk [tilespmem:v22+s15+$0x0], $0xffff  }
0x655: {  	v20 =	vor.u32 $0x70, v20;
	v19 =	vand.u32 $0x68, v19  }
0x656: {  	v19 =	vor.u32 v19, v17;
	v21 =	vshll.u32 v20, $0x6  }
0x657: {  	v21 =	vor.u32 v6, v21;
	_ =	sdelay $0x1  }
0x658: {  	v18 =	vadd.f32 v18, v16;
	_ =	sdelay $0x1  }
0x659: {  	s30 =	simm.s32 $0x1;
	v20 =	vand.u32 $0x78, v20;
	[tilespmem:v19+s22+$0x0] =	vst.idx.msk $0xffff, v18  }
0x65a: {  	v18 =	vor.u32 v20, v17;
	v19 =	vld.idx.msk [tilespmem:v21+s15+$0x0], $0xffff;
	v21 =	vadd.s32 s30, v0  }
0x65b: {  	[tilespmem:$0x1FE00] =	vst v39;
	v20 =	vand.u32 $0xF, v21;
	v17 =	vor.u32 $0x10, v21;
	v22 =	vand.u32 $0x7, v21  }
0x65c: {  	[tilespmem:$0x1FE10] =	vst v38;
	v23 =	vshll.u32 v20, $0x6;
	v27 =	vshll.u32 v17, $0x6;
	v24 =	vand.u32 $0x18, v17  }
0x65d: {  	[tilespmem:$0x1FE20] =	vst v37;
	v17 =	vor.u32 v7, v22;
	v22 =	vor.u32 $0x20, v20;
	v28 =	vor.u32 v6, v23  }
0x65e: {  	[tilespmem:$0x1FE30] =	vst v36;
	v24 =	vor.u32 v24, v17;
	v26 =	vshll.u32 v22, $0x6;
	v22 =	vand.u32 $0x28, v22  }
0x65f: {  	[tilespmem:$0x1FE40] =	vst v35;
	v23 =	vor.u32 $0x30, v21;
	v22 =	vor.u32 v22, v17;
	v29 =	vadd.f32 v19, v16  }
0x660: {  	[tilespmem:$0x1FE50] =	vst v34;
	s30 =	simm.s32 $0x2;
	v25 =	vshll.u32 v23, $0x6;
	v23 =	vand.u32 $0x38, v23;
	v19 =	vor.u32 $0x40, v20  }
.LBB2_29:
0x661: {  	p0 =	sne.s32 s30, $0xF;
	v30 =	vor.u32 $0x50, v21;
	v31 =	vor.u32 $0x60, v20;
	v21 =	vor.u32 $0x70, v21;
	[tilespmem:v18+s22+$0x0] =	vst.idx.msk $0xffff, v29;
	s31 =	smov.u32 s30;
	s30 =	sadd.s32 $0x1, s30  }
0x662: {  	v28 =	vld.idx.msk [tilespmem:v28+s15+$0x0], $0xffff;
	v29 =	vshll.u32 v30, $0x6;
	v18 =	vand.u32 $0x58, v30;
	v30 =	vshll.u32 v31, $0x6  }
0x663: {  	v32 =	vor.u32 v18, v17;
	v18 =	vand.u32 $0x68, v31;
	v31 =	vshll.u32 v21, $0x6  }
0x664: {  	v33 =	vor.u32 v18, v17;
	v18 =	vand.u32 $0x78, v21  }
0x665: {  	v20 =	vor.u32 v7, v20;
	v18 =	vor.u32 v18, v17  }
0x666: {  	v21 =	vor.u32 v6, v27;
	_ =	sdelay $0x1  }
0x667: {  	v27 =	vadd.f32 v28, v16;
	_ =	sdelay $0x1  }
0x668: {  	[tilespmem:v20+s22+$0x0] =	vst.idx.msk $0xffff, v27  }
0x669: {  	v20 =	vld.idx.msk [tilespmem:v21+s15+$0x0], $0xffff;
	_ =	sdelay $0x3  }
0x66a: {  	v21 =	vor.u32 v6, v26;
	_ =	sdelay $0x1  }
0x66b: {  	v20 =	vadd.f32 v20, v16;
	_ =	sdelay $0x1  }
0x66c: {  	[tilespmem:v24+s22+$0x0] =	vst.idx.msk $0xffff, v20  }
0x66d: {  	v20 =	vld.idx.msk [tilespmem:v21+s15+$0x0], $0xffff;
	_ =	sdelay $0x3  }
0x66e: {  	v21 =	vor.u32 v6, v25;
	_ =	sdelay $0x1  }
0x66f: {  	v20 =	vadd.f32 v20, v16;
	_ =	sdelay $0x1  }
0x670: {  	[tilespmem:v22+s22+$0x0] =	vst.idx.msk $0xffff, v20  }
0x671: {  	v20 =	vld.idx.msk [tilespmem:v21+s15+$0x0], $0xffff;
	_ =	sdelay $0x2  }
0x672: {  	v22 =	vshll.u32 v19, $0x6;
	v21 =	vor.u32 v23, v17  }
0x673: {  	v22 =	vor.u32 v6, v22;
	_ =	sdelay $0x1  }
0x674: {  	v20 =	vadd.f32 v20, v16;
	_ =	sdelay $0x1  }
0x675: {  	[tilespmem:v21+s22+$0x0] =	vst.idx.msk $0xffff, v20  }
0x676: {  	v20 =	vld.idx.msk [tilespmem:v22+s15+$0x0], $0xffff;
	_ =	sdelay $0x1  }
0x677: {  	v19 =	vand.u32 $0x48, v19  }
0x678: {  	v17 =	vor.u32 v19, v17  }
0x679: {  	v19 =	vor.u32 v6, v29;
	_ =	sdelay $0x1  }
0x67a: {  	v20 =	vadd.f32 v20, v16;
	_ =	sdelay $0x1  }
0x67b: {  	[tilespmem:v17+s22+$0x0] =	vst.idx.msk $0xffff, v20  }
0x67c: {  	v17 =	vld.idx.msk [tilespmem:v19+s15+$0x0], $0xffff;
	_ =	sdelay $0x3  }
0x67d: {  	v19 =	vor.u32 v6, v30;
	_ =	sdelay $0x1  }
0x67e: {  	v17 =	vadd.f32 v17, v16;
	_ =	sdelay $0x1  }
0x67f: {  	[tilespmem:v32+s22+$0x0] =	vst.idx.msk $0xffff, v17  }
0x680: {  	v17 =	vld.idx.msk [tilespmem:v19+s15+$0x0], $0xffff;
	_ =	sdelay $0x3  }
0x681: {  	v19 =	vor.u32 v6, v31;
	_ =	sdelay $0x1  }
0x682: {  	v17 =	vadd.f32 v17, v16;
	_ =	sdelay $0x1  }
0x683: {  	[tilespmem:v33+s22+$0x0] =	vst.idx.msk $0xffff, v17  }
0x684: {  	v19 =	vld.idx.msk [tilespmem:v19+s15+$0x0], $0xffff  }
0x685: {  	v21 =	vadd.s32 s31, v0  }
0x686: {  	v22 =	vand.u32 $0x7, v21;
	v20 =	vand.u32 $0xF, v21;
	v17 =	vor.u32 $0x10, v21  }
.Ltmp16:
0x687: {  	v23 =	vshll.u32 v20, $0x6;
	v27 =	vshll.u32 v17, $0x6;
	v24 =	vand.u32 $0x18, v17;
	(pc) =	sbr.rel @p0 .LBB2_29-.Ltmp16, $4  }
0x688: {  	v28 =	vor.u32 v6, v23;
	v17 =	vor.u32 v7, v22;
	v22 =	vor.u32 $0x20, v20  }
0x689: {  	v24 =	vor.u32 v24, v17;
	v26 =	vshll.u32 v22, $0x6;
	v22 =	vand.u32 $0x28, v22  }
0x68a: {  	v23 =	vor.u32 $0x30, v21;
	v22 =	vor.u32 v22, v17;
	v29 =	vadd.f32 v19, v16  }
0x68b: {  	v25 =	vshll.u32 v23, $0x6;
	v23 =	vand.u32 $0x38, v23;
	v19 =	vor.u32 $0x40, v20  }
0x68c: {  	_ =	sdelay $0x3  }
0x68d: {  	[tilespmem:v18+s22+$0x0] =	vst.idx.msk $0xffff, v29  }
0x68e: {  	v18 =	vld.idx.msk [tilespmem:v28+s15+$0x0], $0xffff;
	_ =	sdelay $0x1  }
0x68f: {  	v28 =	vor.u32 v7, v20  }
0x690: {  	v27 =	vor.u32 v6, v27;
	_ =	sdelay $0x1  }
0x691: {  	v18 =	vadd.f32 v18, v16;
	_ =	sdelay $0x1  }
0x692: {  	[tilespmem:v28+s22+$0x0] =	vst.idx.msk $0xffff, v18  }
0x693: {  	v18 =	vld.idx.msk [tilespmem:v27+s15+$0x0], $0xffff;
	_ =	sdelay $0x2  }
0x694: {  	v26 =	vor.u32 v6, v26;
	_ =	sdelay $0x1  }
0x695: {  	v18 =	vadd.f32 v18, v16;
	_ =	sdelay $0x1  }
0x696: {  	[tilespmem:v24+s22+$0x0] =	vst.idx.msk $0xffff, v18  }
0x697: {  	v18 =	vld.idx.msk [tilespmem:v26+s15+$0x0], $0xffff;
	_ =	sdelay $0x2  }
0x698: {  	v24 =	vor.u32 v6, v25;
	_ =	sdelay $0x1  }
0x699: {  	v18 =	vadd.f32 v18, v16;
	_ =	sdelay $0x1  }
0x69a: {  	[tilespmem:v22+s22+$0x0] =	vst.idx.msk $0xffff, v18  }
0x69b: {  	v18 =	vld.idx.msk [tilespmem:v24+s15+$0x0], $0xffff;
	_ =	sdelay $0x1  }
0x69c: {  	v22 =	vor.u32 v23, v17;
	v23 =	vshll.u32 v19, $0x6  }
0x69d: {  	v23 =	vor.u32 v6, v23;
	_ =	sdelay $0x1  }
0x69e: {  	v18 =	vadd.f32 v18, v16;
	_ =	sdelay $0x1  }
0x69f: {  	[tilespmem:v22+s22+$0x0] =	vst.idx.msk $0xffff, v18  }
0x6a0: {  	v18 =	vld.idx.msk [tilespmem:v23+s15+$0x0], $0xffff  }
0x6a1: {  	v19 =	vand.u32 $0x48, v19;
	v22 =	vor.u32 $0x50, v21  }
0x6a2: {  	v19 =	vor.u32 v19, v17;
	v23 =	vshll.u32 v22, $0x6  }
0x6a3: {  	v23 =	vor.u32 v6, v23;
	_ =	sdelay $0x1  }
0x6a4: {  	v18 =	vadd.f32 v18, v16;
	_ =	sdelay $0x1  }
0x6a5: {  	[tilespmem:v19+s22+$0x0] =	vst.idx.msk $0xffff, v18  }
0x6a6: {  	v18 =	vld.idx.msk [tilespmem:v23+s15+$0x0], $0xffff  }
0x6a7: {  	v19 =	vor.u32 $0x60, v20;
	v20 =	vand.u32 $0x58, v22  }
0x6a8: {  	v22 =	vshll.u32 v19, $0x6;
	v20 =	vor.u32 v20, v17  }
0x6a9: {  	v22 =	vor.u32 v6, v22;
	_ =	sdelay $0x1  }
0x6aa: {  	v18 =	vadd.f32 v18, v16;
	_ =	sdelay $0x1  }
0x6ab: {  	[tilespmem:v20+s22+$0x0] =	vst.idx.msk $0xffff, v18  }
0x6ac: {  	v18 =	vld.idx.msk [tilespmem:v22+s15+$0x0], $0xffff  }
0x6ad: {  	v19 =	vand.u32 $0x68, v19;
	v20 =	vor.u32 $0x70, v21  }
0x6ae: {  	v19 =	vor.u32 v19, v17;
	v21 =	vshll.u32 v20, $0x6  }
0x6af: {  	v21 =	vor.u32 v6, v21;
	_ =	sdelay $0x1  }
0x6b0: {  	v18 =	vadd.f32 v18, v16;
	_ =	sdelay $0x1  }
0x6b1: {  	v26 =	vld [tilespmem:$0x1FF50];
	[tilespmem:v19+s22+$0x0] =	vst.idx.msk $0xffff, v18  }
0x6b2: {  	s30 =	simm.s32 $0x0;
	v18 =	vld.idx.msk [tilespmem:v21+s15+$0x0], $0xffff  }
0x6b3: {  	v19 =	vand.u32 $0x78, v20;
	v21 =	vadd.s32 s30, v0  }
0x6b4: {  	v17 =	vor.u32 v19, v17;
	v19 =	vand.u32 $0xF, v21  }
0x6b5: {  	v20 =	vshll.u32 v19, $0x6  }
0x6b6: {  	v22 =	vor.u32 v26, v20  }
0x6b7: {  	v16 =	vadd.f32 v18, v16  }
0x6b8: {  	v27 =	vld [tilespmem:$0x1FF60]  }
0x6b9: {  	v28 =	vld [tilespmem:$0x1FF70];
	[tilespmem:v17+s22+$0x0] =	vst.idx.msk $0xffff, v16  }
0x6ba: {  	v16 =	vld [tilespmem:s29+$0x10240]  }
0x6bb: {  	v17 =	vld.idx.msk [tilespmem:v22+s15+$0x0], $0xffff;
	_ =	sdelay $0x1  }
0x6bc: {  	v18 =	vshll.u32 v21, $0x6;
	v22 =	vor.u32 v27, v19  }
0x6bd: {  	v23 =	vor.u32 v28, v18;
	_ =	sdelay $0x1  }
0x6be: {  	v29 =	vld [tilespmem:$0x1FF80];
	v17 =	vadd.f32 v17, v16  }
0x6bf: {  	v30 =	vld [tilespmem:$0x1FF90]  }
0x6c0: {  	[tilespmem:v22+s22+$0x0] =	vst.idx.msk $0xffff, v17  }
0x6c1: {  	v17 =	vld.idx.msk [tilespmem:v23+s15+$0x0], $0xffff;
	_ =	sdelay $0x1  }
0x6c2: {  	v22 =	vor.u32 v29, v21  }
0x6c3: {  	v23 =	vor.u32 v30, v20;
	_ =	sdelay $0x1  }
0x6c4: {  	v31 =	vld [tilespmem:$0x1FFA0];
	v17 =	vadd.f32 v17, v16  }
0x6c5: {  	v32 =	vld [tilespmem:$0x1FFB0]  }
0x6c6: {  	[tilespmem:v22+s22+$0x0] =	vst.idx.msk $0xffff, v17  }
0x6c7: {  	v17 =	vld.idx.msk [tilespmem:v23+s15+$0x0], $0xffff;
	_ =	sdelay $0x1  }
0x6c8: {  	v22 =	vor.u32 v31, v19  }
0x6c9: {  	v23 =	vor.u32 v32, v18;
	_ =	sdelay $0x1  }
0x6ca: {  	v33 =	vld [tilespmem:$0x1FFC0];
	v17 =	vadd.f32 v17, v16  }
0x6cb: {  	v24 =	vld [tilespmem:$0x1FFD0]  }
0x6cc: {  	[tilespmem:v22+s22+$0x0] =	vst.idx.msk $0xffff, v17  }
0x6cd: {  	v17 =	vld.idx.msk [tilespmem:v23+s15+$0x0], $0xffff;
	_ =	sdelay $0x1  }
0x6ce: {  	v22 =	vor.u32 v33, v21  }
0x6cf: {  	v23 =	vor.u32 v24, v20;
	_ =	sdelay $0x1  }
0x6d0: {  	v25 =	vld [tilespmem:$0x1FFE0];
	v17 =	vadd.f32 v17, v16  }
0x6d1: {  	v34 =	vld [tilespmem:$0x1FFF0]  }
0x6d2: {  	[tilespmem:v22+s22+$0x0] =	vst.idx.msk $0xffff, v17  }
0x6d3: {  	v17 =	vld.idx.msk [tilespmem:v23+s15+$0x0], $0xffff;
	_ =	sdelay $0x1  }
0x6d4: {  	v22 =	vor.u32 v25, v19  }
0x6d5: {  	v23 =	vor.u32 v34, v18;
	_ =	sdelay $0x1  }
0x6d6: {  	v35 =	vld [tilespmem:$0x1FF10];
	v17 =	vadd.f32 v17, v16  }
0x6d7: {  	v36 =	vld [tilespmem:$0x1FF00]  }
0x6d8: {  	[tilespmem:v22+s22+$0x0] =	vst.idx.msk $0xffff, v17  }
0x6d9: {  	v17 =	vld.idx.msk [tilespmem:v23+s15+$0x0], $0xffff;
	_ =	sdelay $0x1  }
0x6da: {  	v22 =	vor.u32 v35, v21  }
0x6db: {  	v20 =	vor.u32 v36, v20;
	_ =	sdelay $0x1  }
0x6dc: {  	v37 =	vld [tilespmem:$0x1FEF0];
	v17 =	vadd.f32 v17, v16  }
0x6dd: {  	v38 =	vld [tilespmem:$0x1FEE0]  }
0x6de: {  	[tilespmem:v22+s22+$0x0] =	vst.idx.msk $0xffff, v17  }
0x6df: {  	v17 =	vld.idx.msk [tilespmem:v20+s15+$0x0], $0xffff;
	_ =	sdelay $0x1  }
0x6e0: {  	v19 =	vor.u32 v37, v19  }
0x6e1: {  	v18 =	vor.u32 v38, v18  }
0x6e2: {  	[tilespmem:$0x1FD70] =	vst v48  }
0x6e3: {  	[tilespmem:$0x1FD80] =	vst v47;
	v39 =	vld [tilespmem:$0x1FED0];
	v17 =	vadd.f32 v17, v16  }
0x6e4: {  	[tilespmem:$0x1FD90] =	vst v46  }
0x6e5: {  	s30 =	simm.s32 $0x1;
	[tilespmem:v19+s22+$0x0] =	vst.idx.msk $0xffff, v17  }
0x6e6: {  	[tilespmem:$0x1FDA0] =	vst v45;
	v17 =	vadd.s32 s30, v0;
	v23 =	vld.idx.msk [tilespmem:v18+s15+$0x0], $0xffff  }
0x6e7: {  	[tilespmem:$0x1FDB0] =	vst v44;
	v19 =	vand.u32 $0xF, v17  }
0x6e8: {  	[tilespmem:$0x1FDC0] =	vst v43;
	v22 =	vor.u32 v39, v21;
	v20 =	vshll.u32 v19, $0x6  }
0x6e9: {  	[tilespmem:$0x1FDD0] =	vst v42;
	v21 =	vor.u32 v26, v20  }
0x6ea: {  	[tilespmem:$0x1FDE0] =	vst v41  }
0x6eb: {  	[tilespmem:$0x1FDF0] =	vst v40;
	s30 =	simm.s32 $0x2;
	v18 =	vshll.u32 v17, $0x6;
	v23 =	vadd.f32 v23, v16  }
.LBB2_31:
0x6ec: {  	_ = 	snop  }
0x6ed: {  	p0 =	sne.s32 s30, $0xF;
	s31 =	smov.u32 s30;
	s30 =	sadd.s32 $0x1, s30;
	[tilespmem:v22+s22+$0x0] =	vst.idx.msk $0xffff, v23  }
0x6ee: {  	v21 =	vld.idx.msk [tilespmem:v21+s15+$0x0], $0xffff;
	_ =	sdelay $0x2  }
0x6ef: {  	v22 =	vor.u32 v27, v19  }
0x6f0: {  	v23 =	vor.u32 v28, v18;
	_ =	sdelay $0x1  }
0x6f1: {  	v21 =	vadd.f32 v21, v16;
	_ =	sdelay $0x1  }
0x6f2: {  	[tilespmem:v22+s22+$0x0] =	vst.idx.msk $0xffff, v21  }
0x6f3: {  	v21 =	vld.idx.msk [tilespmem:v23+s15+$0x0], $0xffff;
	_ =	sdelay $0x2  }
0x6f4: {  	v22 =	vor.u32 v29, v17  }
0x6f5: {  	v23 =	vor.u32 v30, v20;
	_ =	sdelay $0x1  }
0x6f6: {  	v21 =	vadd.f32 v21, v16;
	_ =	sdelay $0x1  }
0x6f7: {  	[tilespmem:v22+s22+$0x0] =	vst.idx.msk $0xffff, v21  }
0x6f8: {  	v21 =	vld.idx.msk [tilespmem:v23+s15+$0x0], $0xffff;
	_ =	sdelay $0x2  }
0x6f9: {  	v22 =	vor.u32 v31, v19  }
0x6fa: {  	v23 =	vor.u32 v32, v18;
	_ =	sdelay $0x1  }
0x6fb: {  	v21 =	vadd.f32 v21, v16;
	_ =	sdelay $0x1  }
0x6fc: {  	[tilespmem:v22+s22+$0x0] =	vst.idx.msk $0xffff, v21  }
0x6fd: {  	v21 =	vld.idx.msk [tilespmem:v23+s15+$0x0], $0xffff;
	_ =	sdelay $0x2  }
0x6fe: {  	v22 =	vor.u32 v33, v17  }
0x6ff: {  	v23 =	vor.u32 v24, v20;
	_ =	sdelay $0x1  }
0x700: {  	v21 =	vadd.f32 v21, v16;
	_ =	sdelay $0x1  }
0x701: {  	[tilespmem:v22+s22+$0x0] =	vst.idx.msk $0xffff, v21  }
0x702: {  	v21 =	vld.idx.msk [tilespmem:v23+s15+$0x0], $0xffff;
	_ =	sdelay $0x2  }
0x703: {  	v22 =	vor.u32 v25, v19  }
0x704: {  	v23 =	vor.u32 v34, v18;
	_ =	sdelay $0x1  }
0x705: {  	v21 =	vadd.f32 v21, v16;
	_ =	sdelay $0x1  }
0x706: {  	[tilespmem:v22+s22+$0x0] =	vst.idx.msk $0xffff, v21  }
0x707: {  	v21 =	vld.idx.msk [tilespmem:v23+s15+$0x0], $0xffff;
	_ =	sdelay $0x2  }
0x708: {  	v22 =	vor.u32 v35, v17  }
0x709: {  	v20 =	vor.u32 v36, v20;
	_ =	sdelay $0x1  }
0x70a: {  	v21 =	vadd.f32 v21, v16;
	_ =	sdelay $0x1  }
0x70b: {  	[tilespmem:v22+s22+$0x0] =	vst.idx.msk $0xffff, v21  }
0x70c: {  	v20 =	vld.idx.msk [tilespmem:v20+s15+$0x0], $0xffff;
	_ =	sdelay $0x2  }
0x70d: {  	v19 =	vor.u32 v37, v19  }
0x70e: {  	v18 =	vor.u32 v38, v18;
	_ =	sdelay $0x1  }
0x70f: {  	v20 =	vadd.f32 v20, v16;
	_ =	sdelay $0x1  }
0x710: {  	[tilespmem:v19+s22+$0x0] =	vst.idx.msk $0xffff, v20  }
0x711: {  	v23 =	vld.idx.msk [tilespmem:v18+s15+$0x0], $0xffff  }
0x712: {  	v21 =	vadd.s32 s31, v0  }
.Ltmp17:
0x713: {  	v19 =	vand.u32 $0xF, v21;
	v18 =	vshll.u32 v21, $0x6;
	(pc) =	sbr.rel @p0 .LBB2_31-.Ltmp17, $3  }
0x714: {  	v22 =	vor.u32 v39, v17;
	v17 =	vmov v21;
	v20 =	vshll.u32 v19, $0x6  }
0x715: {  	v21 =	vor.u32 v26, v20;
	_ =	sdelay $0x1  }
0x716: {  	v23 =	vadd.f32 v23, v16  }
0x717: {  	_ =	sdelay $0x3  }
0x718: {  	[tilespmem:v22+s22+$0x0] =	vst.idx.msk $0xffff, v23  }
0x719: {  	v21 =	vld.idx.msk [tilespmem:v21+s15+$0x0], $0xffff;
	_ =	sdelay $0x1  }
0x71a: {  	v22 =	vor.u32 v27, v19  }
0x71b: {  	v23 =	vor.u32 v28, v18;
	_ =	sdelay $0x1  }
0x71c: {  	v21 =	vadd.f32 v21, v16;
	_ =	sdelay $0x1  }
0x71d: {  	[tilespmem:v22+s22+$0x0] =	vst.idx.msk $0xffff, v21  }
0x71e: {  	v21 =	vld.idx.msk [tilespmem:v23+s15+$0x0], $0xffff;
	_ =	sdelay $0x1  }
0x71f: {  	v22 =	vor.u32 v29, v17  }
0x720: {  	v23 =	vor.u32 v30, v20;
	_ =	sdelay $0x1  }
0x721: {  	v21 =	vadd.f32 v21, v16;
	_ =	sdelay $0x1  }
0x722: {  	[tilespmem:v22+s22+$0x0] =	vst.idx.msk $0xffff, v21  }
0x723: {  	v21 =	vld.idx.msk [tilespmem:v23+s15+$0x0], $0xffff;
	_ =	sdelay $0x1  }
0x724: {  	v22 =	vor.u32 v31, v19  }
0x725: {  	v23 =	vor.u32 v32, v18;
	_ =	sdelay $0x1  }
0x726: {  	v21 =	vadd.f32 v21, v16;
	_ =	sdelay $0x1  }
0x727: {  	[tilespmem:v22+s22+$0x0] =	vst.idx.msk $0xffff, v21  }
0x728: {  	v21 =	vld.idx.msk [tilespmem:v23+s15+$0x0], $0xffff;
	_ =	sdelay $0x1  }
0x729: {  	v22 =	vor.u32 v33, v17  }
0x72a: {  	v23 =	vor.u32 v24, v20;
	_ =	sdelay $0x1  }
0x72b: {  	v21 =	vadd.f32 v21, v16;
	_ =	sdelay $0x1  }
0x72c: {  	[tilespmem:v22+s22+$0x0] =	vst.idx.msk $0xffff, v21  }
0x72d: {  	v21 =	vld.idx.msk [tilespmem:v23+s15+$0x0], $0xffff;
	_ =	sdelay $0x1  }
0x72e: {  	v22 =	vor.u32 v25, v19  }
0x72f: {  	v23 =	vor.u32 v34, v18;
	_ =	sdelay $0x1  }
0x730: {  	v21 =	vadd.f32 v21, v16;
	_ =	sdelay $0x1  }
0x731: {  	[tilespmem:v22+s22+$0x0] =	vst.idx.msk $0xffff, v21  }
0x732: {  	v21 =	vld.idx.msk [tilespmem:v23+s15+$0x0], $0xffff;
	_ =	sdelay $0x1  }
0x733: {  	v22 =	vor.u32 v35, v17  }
0x734: {  	v20 =	vor.u32 v36, v20;
	_ =	sdelay $0x1  }
0x735: {  	v21 =	vadd.f32 v21, v16;
	_ =	sdelay $0x1  }
0x736: {  	[tilespmem:v22+s22+$0x0] =	vst.idx.msk $0xffff, v21  }
0x737: {  	v20 =	vld.idx.msk [tilespmem:v20+s15+$0x0], $0xffff;
	_ =	sdelay $0x1  }
0x738: {  	v19 =	vor.u32 v37, v19  }
0x739: {  	v18 =	vor.u32 v38, v18;
	_ =	sdelay $0x1  }
0x73a: {  	v20 =	vadd.f32 v20, v16;
	_ =	sdelay $0x1  }
0x73b: {  	v34 =	vld [tilespmem:$0x1FE50];
	[tilespmem:v19+s22+$0x0] =	vst.idx.msk $0xffff, v20  }
0x73c: {  	s30 =	simm.s32 $0x0;
	v18 =	vld.idx.msk [tilespmem:v18+s15+$0x0], $0xffff  }
0x73d: {  	v21 =	vadd.s32 s30, v0  }
0x73e: {  	v17 =	vor.u32 v39, v17;
	v19 =	vand.u32 $0xF, v21  }
0x73f: {  	v20 =	vshll.u32 v19, $0x6  }
0x740: {  	v22 =	vor.u32 v34, v20  }
0x741: {  	v16 =	vadd.f32 v18, v16  }
0x742: {  	v35 =	vld [tilespmem:$0x1FE40]  }
0x743: {  	v36 =	vld [tilespmem:$0x1FE30];
	[tilespmem:v17+s22+$0x0] =	vst.idx.msk $0xffff, v16  }
0x744: {  	v16 =	vld [tilespmem:s29+$0x10250]  }
0x745: {  	v17 =	vld.idx.msk [tilespmem:v22+s15+$0x0], $0xffff;
	_ =	sdelay $0x1  }
0x746: {  	v18 =	vshll.u32 v21, $0x6;
	v22 =	vor.u32 v35, v19  }
0x747: {  	v23 =	vor.u32 v36, v18;
	_ =	sdelay $0x1  }
0x748: {  	v37 =	vld [tilespmem:$0x1FE20];
	v17 =	vadd.f32 v17, v16  }
0x749: {  	v38 =	vld [tilespmem:$0x1FE10]  }
0x74a: {  	[tilespmem:v22+s22+$0x0] =	vst.idx.msk $0xffff, v17  }
0x74b: {  	v17 =	vld.idx.msk [tilespmem:v23+s15+$0x0], $0xffff;
	_ =	sdelay $0x1  }
0x74c: {  	v22 =	vor.u32 v37, v21  }
0x74d: {  	v23 =	vor.u32 v38, v20;
	_ =	sdelay $0x1  }
0x74e: {  	v39 =	vld [tilespmem:$0x1FE00];
	v17 =	vadd.f32 v17, v16  }
0x74f: {  	v40 =	vld [tilespmem:$0x1FF20]  }
0x750: {  	[tilespmem:v22+s22+$0x0] =	vst.idx.msk $0xffff, v17  }
0x751: {  	v17 =	vld.idx.msk [tilespmem:v23+s15+$0x0], $0xffff;
	_ =	sdelay $0x1  }
0x752: {  	v22 =	vor.u32 v39, v19  }
0x753: {  	v23 =	vor.u32 v40, v18;
	_ =	sdelay $0x1  }
0x754: {  	v41 =	vld [tilespmem:$0x1FF30];
	v17 =	vadd.f32 v17, v16  }
0x755: {  	v42 =	vld [tilespmem:$0x1FF40]  }
0x756: {  	[tilespmem:v22+s22+$0x0] =	vst.idx.msk $0xffff, v17  }
0x757: {  	v17 =	vld.idx.msk [tilespmem:v23+s15+$0x0], $0xffff;
	_ =	sdelay $0x1  }
0x758: {  	v22 =	vor.u32 v41, v21  }
0x759: {  	v23 =	vor.u32 v42, v20;
	_ =	sdelay $0x1  }
0x75a: {  	v43 =	vld [tilespmem:$0x1FE60];
	v17 =	vadd.f32 v17, v16  }
0x75b: {  	v44 =	vld [tilespmem:$0x1FE70]  }
0x75c: {  	[tilespmem:v22+s22+$0x0] =	vst.idx.msk $0xffff, v17  }
0x75d: {  	v17 =	vld.idx.msk [tilespmem:v23+s15+$0x0], $0xffff;
	_ =	sdelay $0x1  }
0x75e: {  	v22 =	vor.u32 v43, v19  }
0x75f: {  	v23 =	vor.u32 v44, v18;
	_ =	sdelay $0x1  }
0x760: {  	v26 =	vld [tilespmem:$0x1FE80];
	v17 =	vadd.f32 v17, v16  }
0x761: {  	v45 =	vld [tilespmem:$0x1FE90]  }
0x762: {  	[tilespmem:v22+s22+$0x0] =	vst.idx.msk $0xffff, v17  }
0x763: {  	v17 =	vld.idx.msk [tilespmem:v23+s15+$0x0], $0xffff;
	_ =	sdelay $0x1  }
0x764: {  	v22 =	vor.u32 v26, v21  }
0x765: {  	v20 =	vor.u32 v45, v20;
	_ =	sdelay $0x1  }
0x766: {  	v46 =	vld [tilespmem:$0x1FEA0];
	v17 =	vadd.f32 v17, v16  }
0x767: {  	v47 =	vld [tilespmem:$0x1FEB0]  }
0x768: {  	[tilespmem:v22+s22+$0x0] =	vst.idx.msk $0xffff, v17  }
0x769: {  	v17 =	vld.idx.msk [tilespmem:v20+s15+$0x0], $0xffff;
	_ =	sdelay $0x1  }
0x76a: {  	v19 =	vor.u32 v46, v19  }
0x76b: {  	v18 =	vor.u32 v47, v18;
	_ =	sdelay $0x1  }
0x76c: {  	v48 =	vld [tilespmem:$0x1FEC0];
	v17 =	vadd.f32 v17, v16;
	_ =	sdelay $0x1  }
0x76d: {  	s30 =	simm.s32 $0x1;
	[tilespmem:v19+s22+$0x0] =	vst.idx.msk $0xffff, v17  }
0x76e: {  	v17 =	vadd.s32 s30, v0;
	v23 =	vld.idx.msk [tilespmem:v18+s15+$0x0], $0xffff  }
0x76f: {  	v19 =	vand.u32 $0xF, v17  }
0x770: {  	v22 =	vor.u32 v48, v21;
	v20 =	vshll.u32 v19, $0x6  }
0x771: {  	v21 =	vor.u32 v34, v20;
	_ =	sdelay $0x1  }
0x772: {  	s30 =	simm.s32 $0x2;
	v18 =	vshll.u32 v17, $0x6;
	v23 =	vadd.f32 v23, v16  }
.LBB2_33:
0x773: {  	_ = 	snop  }
0x774: {  	p0 =	sne.s32 s30, $0xF;
	s31 =	smov.u32 s30;
	s30 =	sadd.s32 $0x1, s30;
	[tilespmem:v22+s22+$0x0] =	vst.idx.msk $0xffff, v23  }
0x775: {  	v21 =	vld.idx.msk [tilespmem:v21+s15+$0x0], $0xffff;
	_ =	sdelay $0x2  }
0x776: {  	v22 =	vor.u32 v35, v19  }
0x777: {  	v23 =	vor.u32 v36, v18;
	_ =	sdelay $0x1  }
0x778: {  	v21 =	vadd.f32 v21, v16;
	_ =	sdelay $0x1  }
0x779: {  	[tilespmem:v22+s22+$0x0] =	vst.idx.msk $0xffff, v21  }
0x77a: {  	v21 =	vld.idx.msk [tilespmem:v23+s15+$0x0], $0xffff;
	_ =	sdelay $0x2  }
0x77b: {  	v22 =	vor.u32 v37, v17  }
0x77c: {  	v23 =	vor.u32 v38, v20;
	_ =	sdelay $0x1  }
0x77d: {  	v21 =	vadd.f32 v21, v16;
	_ =	sdelay $0x1  }
0x77e: {  	[tilespmem:v22+s22+$0x0] =	vst.idx.msk $0xffff, v21  }
0x77f: {  	v21 =	vld.idx.msk [tilespmem:v23+s15+$0x0], $0xffff;
	_ =	sdelay $0x2  }
0x780: {  	v22 =	vor.u32 v39, v19  }
0x781: {  	v23 =	vor.u32 v40, v18;
	_ =	sdelay $0x1  }
0x782: {  	v21 =	vadd.f32 v21, v16;
	_ =	sdelay $0x1  }
0x783: {  	[tilespmem:v22+s22+$0x0] =	vst.idx.msk $0xffff, v21  }
0x784: {  	v21 =	vld.idx.msk [tilespmem:v23+s15+$0x0], $0xffff;
	_ =	sdelay $0x2  }
0x785: {  	v22 =	vor.u32 v41, v17  }
0x786: {  	v23 =	vor.u32 v42, v20;
	_ =	sdelay $0x1  }
0x787: {  	v21 =	vadd.f32 v21, v16;
	_ =	sdelay $0x1  }
0x788: {  	[tilespmem:v22+s22+$0x0] =	vst.idx.msk $0xffff, v21  }
0x789: {  	v21 =	vld.idx.msk [tilespmem:v23+s15+$0x0], $0xffff;
	_ =	sdelay $0x2  }
0x78a: {  	v22 =	vor.u32 v43, v19  }
0x78b: {  	v23 =	vor.u32 v44, v18;
	_ =	sdelay $0x1  }
0x78c: {  	v21 =	vadd.f32 v21, v16;
	_ =	sdelay $0x1  }
0x78d: {  	[tilespmem:v22+s22+$0x0] =	vst.idx.msk $0xffff, v21  }
0x78e: {  	v21 =	vld.idx.msk [tilespmem:v23+s15+$0x0], $0xffff;
	_ =	sdelay $0x2  }
0x78f: {  	v22 =	vor.u32 v26, v17  }
0x790: {  	v20 =	vor.u32 v45, v20;
	_ =	sdelay $0x1  }
0x791: {  	v21 =	vadd.f32 v21, v16;
	_ =	sdelay $0x1  }
0x792: {  	[tilespmem:v22+s22+$0x0] =	vst.idx.msk $0xffff, v21  }
0x793: {  	v20 =	vld.idx.msk [tilespmem:v20+s15+$0x0], $0xffff;
	_ =	sdelay $0x2  }
0x794: {  	v19 =	vor.u32 v46, v19  }
0x795: {  	v18 =	vor.u32 v47, v18;
	_ =	sdelay $0x1  }
0x796: {  	v20 =	vadd.f32 v20, v16;
	_ =	sdelay $0x1  }
0x797: {  	[tilespmem:v19+s22+$0x0] =	vst.idx.msk $0xffff, v20  }
0x798: {  	v23 =	vld.idx.msk [tilespmem:v18+s15+$0x0], $0xffff  }
0x799: {  	v21 =	vadd.s32 s31, v0  }
.Ltmp18:
0x79a: {  	v19 =	vand.u32 $0xF, v21;
	v18 =	vshll.u32 v21, $0x6;
	(pc) =	sbr.rel @p0 .LBB2_33-.Ltmp18, $3  }
0x79b: {  	v22 =	vor.u32 v48, v17;
	v17 =	vmov v21;
	v20 =	vshll.u32 v19, $0x6  }
0x79c: {  	v21 =	vor.u32 v34, v20;
	_ =	sdelay $0x1  }
0x79d: {  	v23 =	vadd.f32 v23, v16  }
0x79e: {  	_ =	sdelay $0x3  }
0x79f: {  	[tilespmem:v22+s22+$0x0] =	vst.idx.msk $0xffff, v23  }
0x7a0: {  	v21 =	vld.idx.msk [tilespmem:v21+s15+$0x0], $0xffff;
	_ =	sdelay $0x1  }
0x7a1: {  	v22 =	vor.u32 v35, v19  }
0x7a2: {  	v23 =	vor.u32 v36, v18;
	_ =	sdelay $0x1  }
0x7a3: {  	v21 =	vadd.f32 v21, v16;
	_ =	sdelay $0x1  }
0x7a4: {  	[tilespmem:v22+s22+$0x0] =	vst.idx.msk $0xffff, v21  }
0x7a5: {  	v21 =	vld.idx.msk [tilespmem:v23+s15+$0x0], $0xffff;
	_ =	sdelay $0x1  }
0x7a6: {  	v22 =	vor.u32 v37, v17  }
0x7a7: {  	v23 =	vor.u32 v38, v20;
	_ =	sdelay $0x1  }
0x7a8: {  	v21 =	vadd.f32 v21, v16;
	_ =	sdelay $0x1  }
0x7a9: {  	[tilespmem:v22+s22+$0x0] =	vst.idx.msk $0xffff, v21  }
0x7aa: {  	v21 =	vld.idx.msk [tilespmem:v23+s15+$0x0], $0xffff;
	_ =	sdelay $0x1  }
0x7ab: {  	v22 =	vor.u32 v39, v19  }
0x7ac: {  	v23 =	vor.u32 v40, v18;
	_ =	sdelay $0x1  }
0x7ad: {  	v21 =	vadd.f32 v21, v16;
	_ =	sdelay $0x1  }
0x7ae: {  	[tilespmem:v22+s22+$0x0] =	vst.idx.msk $0xffff, v21  }
0x7af: {  	v21 =	vld.idx.msk [tilespmem:v23+s15+$0x0], $0xffff;
	_ =	sdelay $0x1  }
0x7b0: {  	v22 =	vor.u32 v41, v17  }
0x7b1: {  	v23 =	vor.u32 v42, v20;
	_ =	sdelay $0x1  }
0x7b2: {  	v21 =	vadd.f32 v21, v16;
	_ =	sdelay $0x1  }
0x7b3: {  	[tilespmem:v22+s22+$0x0] =	vst.idx.msk $0xffff, v21  }
0x7b4: {  	v21 =	vld.idx.msk [tilespmem:v23+s15+$0x0], $0xffff;
	_ =	sdelay $0x1  }
0x7b5: {  	v22 =	vor.u32 v43, v19  }
0x7b6: {  	v23 =	vor.u32 v44, v18;
	_ =	sdelay $0x1  }
0x7b7: {  	v21 =	vadd.f32 v21, v16;
	_ =	sdelay $0x1  }
0x7b8: {  	[tilespmem:v22+s22+$0x0] =	vst.idx.msk $0xffff, v21  }
0x7b9: {  	v21 =	vld.idx.msk [tilespmem:v23+s15+$0x0], $0xffff;
	_ =	sdelay $0x1  }
0x7ba: {  	v22 =	vor.u32 v26, v17  }
0x7bb: {  	v20 =	vor.u32 v45, v20;
	_ =	sdelay $0x1  }
0x7bc: {  	v21 =	vadd.f32 v21, v16;
	_ =	sdelay $0x1  }
0x7bd: {  	[tilespmem:v22+s22+$0x0] =	vst.idx.msk $0xffff, v21  }
0x7be: {  	v20 =	vld.idx.msk [tilespmem:v20+s15+$0x0], $0xffff;
	_ =	sdelay $0x1  }
0x7bf: {  	v19 =	vor.u32 v46, v19  }
0x7c0: {  	v18 =	vor.u32 v47, v18;
	_ =	sdelay $0x1  }
0x7c1: {  	v20 =	vadd.f32 v20, v16;
	_ =	sdelay $0x1  }
0x7c2: {  	v26 =	vld [tilespmem:$0x1FDF0];
	[tilespmem:v19+s22+$0x0] =	vst.idx.msk $0xffff, v20  }
0x7c3: {  	s30 =	simm.s32 $0x0;
	v18 =	vld.idx.msk [tilespmem:v18+s15+$0x0], $0xffff  }
0x7c4: {  	v21 =	vadd.s32 s30, v0  }
0x7c5: {  	v17 =	vor.u32 v48, v17;
	v19 =	vand.u32 $0xF, v21  }
0x7c6: {  	v20 =	vshll.u32 v19, $0x6  }
0x7c7: {  	v22 =	vor.u32 v26, v20  }
0x7c8: {  	v16 =	vadd.f32 v18, v16  }
0x7c9: {  	v34 =	vld [tilespmem:$0x1FDE0]  }
0x7ca: {  	v35 =	vld [tilespmem:$0x1FDD0];
	[tilespmem:v17+s22+$0x0] =	vst.idx.msk $0xffff, v16  }
0x7cb: {  	v16 =	vld [tilespmem:s29+$0x10260]  }
0x7cc: {  	v17 =	vld.idx.msk [tilespmem:v22+s15+$0x0], $0xffff;
	_ =	sdelay $0x1  }
0x7cd: {  	v18 =	vshll.u32 v21, $0x6;
	v22 =	vor.u32 v34, v19  }
0x7ce: {  	v23 =	vor.u32 v35, v18;
	_ =	sdelay $0x1  }
0x7cf: {  	v36 =	vld [tilespmem:$0x1FDC0];
	v17 =	vadd.f32 v17, v16  }
0x7d0: {  	v37 =	vld [tilespmem:$0x1FDB0]  }
0x7d1: {  	[tilespmem:v22+s22+$0x0] =	vst.idx.msk $0xffff, v17  }
0x7d2: {  	v17 =	vld.idx.msk [tilespmem:v23+s15+$0x0], $0xffff;
	_ =	sdelay $0x1  }
0x7d3: {  	v22 =	vor.u32 v36, v21  }
0x7d4: {  	v23 =	vor.u32 v37, v20;
	_ =	sdelay $0x1  }
0x7d5: {  	v38 =	vld [tilespmem:$0x1FDA0];
	v17 =	vadd.f32 v17, v16  }
0x7d6: {  	v39 =	vld [tilespmem:$0x1FD90]  }
0x7d7: {  	[tilespmem:v22+s22+$0x0] =	vst.idx.msk $0xffff, v17  }
0x7d8: {  	v17 =	vld.idx.msk [tilespmem:v23+s15+$0x0], $0xffff;
	_ =	sdelay $0x1  }
0x7d9: {  	v22 =	vor.u32 v38, v19  }
0x7da: {  	v23 =	vor.u32 v39, v18;
	_ =	sdelay $0x1  }
0x7db: {  	v40 =	vld [tilespmem:$0x1FD80];
	v17 =	vadd.f32 v17, v16  }
0x7dc: {  	v41 =	vld [tilespmem:$0x1FD70]  }
0x7dd: {  	[tilespmem:v22+s22+$0x0] =	vst.idx.msk $0xffff, v17  }
0x7de: {  	v17 =	vld.idx.msk [tilespmem:v23+s15+$0x0], $0xffff;
	_ =	sdelay $0x1  }
0x7df: {  	v22 =	vor.u32 v40, v21  }
0x7e0: {  	v23 =	vor.u32 v41, v20;
	_ =	sdelay $0x1  }
0x7e1: {  	v17 =	vadd.f32 v17, v16;
	_ =	sdelay $0x1  }
0x7e2: {  	[tilespmem:v22+s22+$0x0] =	vst.idx.msk $0xffff, v17  }
0x7e3: {  	v17 =	vld.idx.msk [tilespmem:v23+s15+$0x0], $0xffff;
	_ =	sdelay $0x1  }
0x7e4: {  	v22 =	vor.u32 v49, v19  }
0x7e5: {  	v23 =	vor.u32 v50, v18;
	_ =	sdelay $0x1  }
0x7e6: {  	v17 =	vadd.f32 v17, v16;
	_ =	sdelay $0x1  }
0x7e7: {  	[tilespmem:v22+s22+$0x0] =	vst.idx.msk $0xffff, v17  }
0x7e8: {  	v17 =	vld.idx.msk [tilespmem:v23+s15+$0x0], $0xffff;
	_ =	sdelay $0x1  }
0x7e9: {  	v22 =	vor.u32 v51, v21  }
0x7ea: {  	v20 =	vor.u32 v52, v20;
	_ =	sdelay $0x1  }
0x7eb: {  	v17 =	vadd.f32 v17, v16;
	_ =	sdelay $0x1  }
0x7ec: {  	[tilespmem:v22+s22+$0x0] =	vst.idx.msk $0xffff, v17  }
0x7ed: {  	v17 =	vld.idx.msk [tilespmem:v20+s15+$0x0], $0xffff;
	_ =	sdelay $0x1  }
0x7ee: {  	v19 =	vor.u32 v53, v19  }
0x7ef: {  	v18 =	vor.u32 v55, v18;
	_ =	sdelay $0x1  }
0x7f0: {  	v17 =	vadd.f32 v17, v16;
	_ =	sdelay $0x1  }
0x7f1: {  	s30 =	simm.s32 $0x1;
	[tilespmem:v19+s22+$0x0] =	vst.idx.msk $0xffff, v17  }
0x7f2: {  	v17 =	vadd.s32 s30, v0;
	v23 =	vld.idx.msk [tilespmem:v18+s15+$0x0], $0xffff  }
0x7f3: {  	v19 =	vand.u32 $0xF, v17  }
0x7f4: {  	v22 =	vor.u32 v57, v21;
	v20 =	vshll.u32 v19, $0x6  }
0x7f5: {  	v21 =	vor.u32 v26, v20;
	_ =	sdelay $0x1  }
0x7f6: {  	s30 =	simm.s32 $0x2;
	v18 =	vshll.u32 v17, $0x6;
	v23 =	vadd.f32 v23, v16  }
.LBB2_35:
0x7f7: {  	_ = 	snop  }
0x7f8: {  	p0 =	sne.s32 s30, $0xF;
	s31 =	smov.u32 s30;
	s30 =	sadd.s32 $0x1, s30;
	[tilespmem:v22+s22+$0x0] =	vst.idx.msk $0xffff, v23  }
0x7f9: {  	v21 =	vld.idx.msk [tilespmem:v21+s15+$0x0], $0xffff;
	_ =	sdelay $0x2  }
0x7fa: {  	v22 =	vor.u32 v34, v19  }
0x7fb: {  	v23 =	vor.u32 v35, v18;
	_ =	sdelay $0x1  }
0x7fc: {  	v21 =	vadd.f32 v21, v16;
	_ =	sdelay $0x1  }
0x7fd: {  	[tilespmem:v22+s22+$0x0] =	vst.idx.msk $0xffff, v21  }
0x7fe: {  	v21 =	vld.idx.msk [tilespmem:v23+s15+$0x0], $0xffff;
	_ =	sdelay $0x2  }
0x7ff: {  	v22 =	vor.u32 v36, v17  }
0x800: {  	v23 =	vor.u32 v37, v20;
	_ =	sdelay $0x1  }
0x801: {  	v21 =	vadd.f32 v21, v16;
	_ =	sdelay $0x1  }
0x802: {  	[tilespmem:v22+s22+$0x0] =	vst.idx.msk $0xffff, v21  }
0x803: {  	v21 =	vld.idx.msk [tilespmem:v23+s15+$0x0], $0xffff;
	_ =	sdelay $0x2  }
0x804: {  	v22 =	vor.u32 v38, v19  }
0x805: {  	v23 =	vor.u32 v39, v18;
	_ =	sdelay $0x1  }
0x806: {  	v21 =	vadd.f32 v21, v16;
	_ =	sdelay $0x1  }
0x807: {  	[tilespmem:v22+s22+$0x0] =	vst.idx.msk $0xffff, v21  }
0x808: {  	v21 =	vld.idx.msk [tilespmem:v23+s15+$0x0], $0xffff;
	_ =	sdelay $0x2  }
0x809: {  	v22 =	vor.u32 v40, v17  }
0x80a: {  	v23 =	vor.u32 v41, v20;
	_ =	sdelay $0x1  }
0x80b: {  	v21 =	vadd.f32 v21, v16;
	_ =	sdelay $0x1  }
0x80c: {  	[tilespmem:v22+s22+$0x0] =	vst.idx.msk $0xffff, v21  }
0x80d: {  	v21 =	vld.idx.msk [tilespmem:v23+s15+$0x0], $0xffff;
	_ =	sdelay $0x2  }
0x80e: {  	v22 =	vor.u32 v49, v19  }
0x80f: {  	v23 =	vor.u32 v50, v18;
	_ =	sdelay $0x1  }
0x810: {  	v21 =	vadd.f32 v21, v16;
	_ =	sdelay $0x1  }
0x811: {  	[tilespmem:v22+s22+$0x0] =	vst.idx.msk $0xffff, v21  }
0x812: {  	v21 =	vld.idx.msk [tilespmem:v23+s15+$0x0], $0xffff;
	_ =	sdelay $0x2  }
0x813: {  	v22 =	vor.u32 v51, v17  }
0x814: {  	v20 =	vor.u32 v52, v20;
	_ =	sdelay $0x1  }
0x815: {  	v21 =	vadd.f32 v21, v16;
	_ =	sdelay $0x1  }
0x816: {  	[tilespmem:v22+s22+$0x0] =	vst.idx.msk $0xffff, v21  }
0x817: {  	v20 =	vld.idx.msk [tilespmem:v20+s15+$0x0], $0xffff;
	_ =	sdelay $0x2  }
0x818: {  	v19 =	vor.u32 v53, v19  }
0x819: {  	v18 =	vor.u32 v55, v18;
	_ =	sdelay $0x1  }
0x81a: {  	v20 =	vadd.f32 v20, v16;
	_ =	sdelay $0x1  }
0x81b: {  	[tilespmem:v19+s22+$0x0] =	vst.idx.msk $0xffff, v20  }
0x81c: {  	v23 =	vld.idx.msk [tilespmem:v18+s15+$0x0], $0xffff  }
0x81d: {  	v21 =	vadd.s32 s31, v0  }
.Ltmp19:
0x81e: {  	v19 =	vand.u32 $0xF, v21;
	v18 =	vshll.u32 v21, $0x6;
	(pc) =	sbr.rel @p0 .LBB2_35-.Ltmp19, $3  }
0x81f: {  	v22 =	vor.u32 v57, v17;
	v17 =	vmov v21;
	v20 =	vshll.u32 v19, $0x6  }
0x820: {  	v21 =	vor.u32 v26, v20;
	_ =	sdelay $0x1  }
0x821: {  	v23 =	vadd.f32 v23, v16  }
0x822: {  	_ =	sdelay $0x3  }
0x823: {  	[tilespmem:v22+s22+$0x0] =	vst.idx.msk $0xffff, v23  }
0x824: {  	v21 =	vld.idx.msk [tilespmem:v21+s15+$0x0], $0xffff;
	_ =	sdelay $0x1  }
0x825: {  	v22 =	vor.u32 v34, v19  }
0x826: {  	v23 =	vor.u32 v35, v18;
	_ =	sdelay $0x1  }
0x827: {  	v21 =	vadd.f32 v21, v16;
	_ =	sdelay $0x1  }
0x828: {  	[tilespmem:v22+s22+$0x0] =	vst.idx.msk $0xffff, v21  }
0x829: {  	v21 =	vld.idx.msk [tilespmem:v23+s15+$0x0], $0xffff;
	_ =	sdelay $0x1  }
0x82a: {  	v22 =	vor.u32 v36, v17  }
0x82b: {  	v23 =	vor.u32 v37, v20;
	_ =	sdelay $0x1  }
0x82c: {  	v21 =	vadd.f32 v21, v16;
	_ =	sdelay $0x1  }
0x82d: {  	[tilespmem:v22+s22+$0x0] =	vst.idx.msk $0xffff, v21  }
0x82e: {  	v21 =	vld.idx.msk [tilespmem:v23+s15+$0x0], $0xffff;
	_ =	sdelay $0x1  }
0x82f: {  	v22 =	vor.u32 v38, v19  }
0x830: {  	v23 =	vor.u32 v39, v18;
	_ =	sdelay $0x1  }
0x831: {  	v21 =	vadd.f32 v21, v16;
	_ =	sdelay $0x1  }
0x832: {  	[tilespmem:v22+s22+$0x0] =	vst.idx.msk $0xffff, v21  }
0x833: {  	v21 =	vld.idx.msk [tilespmem:v23+s15+$0x0], $0xffff;
	_ =	sdelay $0x1  }
0x834: {  	v22 =	vor.u32 v40, v17  }
0x835: {  	v23 =	vor.u32 v41, v20;
	_ =	sdelay $0x1  }
0x836: {  	v21 =	vadd.f32 v21, v16;
	_ =	sdelay $0x1  }
0x837: {  	[tilespmem:v22+s22+$0x0] =	vst.idx.msk $0xffff, v21  }
0x838: {  	v21 =	vld.idx.msk [tilespmem:v23+s15+$0x0], $0xffff;
	_ =	sdelay $0x1  }
0x839: {  	v22 =	vor.u32 v49, v19  }
0x83a: {  	v23 =	vor.u32 v50, v18;
	_ =	sdelay $0x1  }
0x83b: {  	v21 =	vadd.f32 v21, v16;
	_ =	sdelay $0x1  }
0x83c: {  	[tilespmem:v22+s22+$0x0] =	vst.idx.msk $0xffff, v21  }
0x83d: {  	v21 =	vld.idx.msk [tilespmem:v23+s15+$0x0], $0xffff;
	_ =	sdelay $0x1  }
0x83e: {  	v22 =	vor.u32 v51, v17  }
0x83f: {  	v20 =	vor.u32 v52, v20;
	_ =	sdelay $0x1  }
0x840: {  	v21 =	vadd.f32 v21, v16;
	_ =	sdelay $0x1  }
0x841: {  	[tilespmem:v22+s22+$0x0] =	vst.idx.msk $0xffff, v21  }
0x842: {  	v20 =	vld.idx.msk [tilespmem:v20+s15+$0x0], $0xffff;
	_ =	sdelay $0x1  }
0x843: {  	v19 =	vor.u32 v53, v19  }
0x844: {  	v18 =	vor.u32 v55, v18;
	_ =	sdelay $0x1  }
0x845: {  	v20 =	vadd.f32 v20, v16;
	_ =	sdelay $0x1  }
0x846: {  	[tilespmem:v19+s22+$0x0] =	vst.idx.msk $0xffff, v20  }
0x847: {  	s30 =	simm.s32 $0x0;
	v18 =	vld.idx.msk [tilespmem:v18+s15+$0x0], $0xffff  }
0x848: {  	v21 =	vadd.s32 s30, v0  }
0x849: {  	v17 =	vor.u32 v57, v17;
	v19 =	vand.u32 $0xF, v21  }
0x84a: {  	v20 =	vshll.u32 v19, $0x6  }
0x84b: {  	v22 =	vor.u32 v54, v20  }
0x84c: {  	v16 =	vadd.f32 v18, v16;
	_ =	sdelay $0x1  }
0x84d: {  	[tilespmem:v17+s22+$0x0] =	vst.idx.msk $0xffff, v16  }
0x84e: {  	v16 =	vld [tilespmem:s29+$0x10270]  }
0x84f: {  	v17 =	vld.idx.msk [tilespmem:v22+s15+$0x0], $0xffff;
	_ =	sdelay $0x1  }
0x850: {  	v18 =	vshll.u32 v21, $0x6;
	v22 =	vor.u32 v56, v19  }
0x851: {  	v23 =	vor.u32 v58, v18;
	_ =	sdelay $0x1  }
0x852: {  	v17 =	vadd.f32 v17, v16;
	_ =	sdelay $0x1  }
0x853: {  	[tilespmem:v22+s22+$0x0] =	vst.idx.msk $0xffff, v17  }
0x854: {  	v17 =	vld.idx.msk [tilespmem:v23+s15+$0x0], $0xffff;
	_ =	sdelay $0x1  }
0x855: {  	v22 =	vor.u32 v59, v21  }
0x856: {  	v23 =	vor.u32 v60, v20;
	_ =	sdelay $0x1  }
0x857: {  	v17 =	vadd.f32 v17, v16;
	_ =	sdelay $0x1  }
0x858: {  	[tilespmem:v22+s22+$0x0] =	vst.idx.msk $0xffff, v17  }
0x859: {  	v17 =	vld.idx.msk [tilespmem:v23+s15+$0x0], $0xffff;
	_ =	sdelay $0x1  }
0x85a: {  	v22 =	vor.u32 v61, v19  }
0x85b: {  	v23 =	vor.u32 v62, v18;
	_ =	sdelay $0x1  }
0x85c: {  	v17 =	vadd.f32 v17, v16;
	_ =	sdelay $0x1  }
0x85d: {  	[tilespmem:v22+s22+$0x0] =	vst.idx.msk $0xffff, v17  }
0x85e: {  	v17 =	vld.idx.msk [tilespmem:v23+s15+$0x0], $0xffff;
	_ =	sdelay $0x1  }
0x85f: {  	v22 =	vor.u32 v63, v21  }
0x860: {  	v23 =	vor.u32 v8, v20;
	_ =	sdelay $0x1  }
0x861: {  	v17 =	vadd.f32 v17, v16;
	_ =	sdelay $0x1  }
0x862: {  	[tilespmem:v22+s22+$0x0] =	vst.idx.msk $0xffff, v17  }
0x863: {  	v17 =	vld.idx.msk [tilespmem:v23+s15+$0x0], $0xffff;
	_ =	sdelay $0x1  }
0x864: {  	v22 =	vor.u32 v9, v19  }
0x865: {  	v23 =	vor.u32 v10, v18;
	_ =	sdelay $0x1  }
0x866: {  	v17 =	vadd.f32 v17, v16;
	_ =	sdelay $0x1  }
0x867: {  	[tilespmem:v22+s22+$0x0] =	vst.idx.msk $0xffff, v17  }
0x868: {  	v17 =	vld.idx.msk [tilespmem:v23+s15+$0x0], $0xffff;
	_ =	sdelay $0x1  }
0x869: {  	v22 =	vor.u32 v11, v21  }
0x86a: {  	v20 =	vor.u32 v12, v20;
	_ =	sdelay $0x1  }
0x86b: {  	v17 =	vadd.f32 v17, v16;
	_ =	sdelay $0x1  }
0x86c: {  	[tilespmem:v22+s22+$0x0] =	vst.idx.msk $0xffff, v17  }
0x86d: {  	v17 =	vld.idx.msk [tilespmem:v20+s15+$0x0], $0xffff;
	_ =	sdelay $0x1  }
0x86e: {  	v19 =	vor.u32 v13, v19  }
0x86f: {  	v18 =	vor.u32 v14, v18;
	_ =	sdelay $0x1  }
0x870: {  	v17 =	vadd.f32 v17, v16;
	_ =	sdelay $0x1  }
0x871: {  	s29 =	simm.s32 $0x1;
	[tilespmem:v19+s22+$0x0] =	vst.idx.msk $0xffff, v17  }
0x872: {  	v17 =	vadd.s32 s29, v0;
	v23 =	vld.idx.msk [tilespmem:v18+s15+$0x0], $0xffff  }
0x873: {  	v19 =	vand.u32 $0xF, v17  }
0x874: {  	v22 =	vor.u32 v15, v21;
	v20 =	vshll.u32 v19, $0x6  }
0x875: {  	v21 =	vor.u32 v54, v20  }
0x876: {  	v26 =	vld [tilespmem:$0x1FF50]  }
0x877: {  	v34 =	vld [tilespmem:$0x1FFF0];
	s29 =	simm.s32 $0x2;
	v18 =	vshll.u32 v17, $0x6;
	v23 =	vadd.f32 v23, v16  }
.LBB2_37:
0x878: {  	_ = 	snop  }
0x879: {  	p0 =	sne.s32 s29, $0xF;
	s30 =	smov.u32 s29;
	s29 =	sadd.s32 $0x1, s29;
	[tilespmem:v22+s22+$0x0] =	vst.idx.msk $0xffff, v23  }
0x87a: {  	v21 =	vld.idx.msk [tilespmem:v21+s15+$0x0], $0xffff;
	_ =	sdelay $0x2  }
0x87b: {  	v22 =	vor.u32 v56, v19  }
0x87c: {  	v23 =	vor.u32 v58, v18;
	_ =	sdelay $0x1  }
0x87d: {  	v21 =	vadd.f32 v21, v16;
	_ =	sdelay $0x1  }
0x87e: {  	[tilespmem:v22+s22+$0x0] =	vst.idx.msk $0xffff, v21  }
0x87f: {  	v21 =	vld.idx.msk [tilespmem:v23+s15+$0x0], $0xffff;
	_ =	sdelay $0x2  }
0x880: {  	v22 =	vor.u32 v59, v17  }
0x881: {  	v23 =	vor.u32 v60, v20;
	_ =	sdelay $0x1  }
0x882: {  	v21 =	vadd.f32 v21, v16;
	_ =	sdelay $0x1  }
0x883: {  	[tilespmem:v22+s22+$0x0] =	vst.idx.msk $0xffff, v21  }
0x884: {  	v21 =	vld.idx.msk [tilespmem:v23+s15+$0x0], $0xffff;
	_ =	sdelay $0x2  }
0x885: {  	v22 =	vor.u32 v61, v19  }
0x886: {  	v23 =	vor.u32 v62, v18;
	_ =	sdelay $0x1  }
0x887: {  	v21 =	vadd.f32 v21, v16;
	_ =	sdelay $0x1  }
0x888: {  	[tilespmem:v22+s22+$0x0] =	vst.idx.msk $0xffff, v21  }
0x889: {  	v21 =	vld.idx.msk [tilespmem:v23+s15+$0x0], $0xffff;
	_ =	sdelay $0x2  }
0x88a: {  	v22 =	vor.u32 v63, v17  }
0x88b: {  	v23 =	vor.u32 v8, v20;
	_ =	sdelay $0x1  }
0x88c: {  	v21 =	vadd.f32 v21, v16;
	_ =	sdelay $0x1  }
0x88d: {  	[tilespmem:v22+s22+$0x0] =	vst.idx.msk $0xffff, v21  }
0x88e: {  	v21 =	vld.idx.msk [tilespmem:v23+s15+$0x0], $0xffff;
	_ =	sdelay $0x2  }
0x88f: {  	v22 =	vor.u32 v9, v19  }
0x890: {  	v23 =	vor.u32 v10, v18;
	_ =	sdelay $0x1  }
0x891: {  	v21 =	vadd.f32 v21, v16;
	_ =	sdelay $0x1  }
0x892: {  	[tilespmem:v22+s22+$0x0] =	vst.idx.msk $0xffff, v21  }
0x893: {  	v21 =	vld.idx.msk [tilespmem:v23+s15+$0x0], $0xffff;
	_ =	sdelay $0x2  }
0x894: {  	v22 =	vor.u32 v11, v17  }
0x895: {  	v20 =	vor.u32 v12, v20;
	_ =	sdelay $0x1  }
0x896: {  	v21 =	vadd.f32 v21, v16;
	_ =	sdelay $0x1  }
0x897: {  	[tilespmem:v22+s22+$0x0] =	vst.idx.msk $0xffff, v21  }
0x898: {  	v20 =	vld.idx.msk [tilespmem:v20+s15+$0x0], $0xffff;
	_ =	sdelay $0x2  }
0x899: {  	v19 =	vor.u32 v13, v19  }
0x89a: {  	v18 =	vor.u32 v14, v18;
	_ =	sdelay $0x1  }
0x89b: {  	v20 =	vadd.f32 v20, v16;
	_ =	sdelay $0x1  }
0x89c: {  	[tilespmem:v19+s22+$0x0] =	vst.idx.msk $0xffff, v20  }
0x89d: {  	v23 =	vld.idx.msk [tilespmem:v18+s15+$0x0], $0xffff  }
0x89e: {  	v21 =	vadd.s32 s30, v0  }
.Ltmp20:
0x89f: {  	v19 =	vand.u32 $0xF, v21;
	v18 =	vshll.u32 v21, $0x6;
	(pc) =	sbr.rel @p0 .LBB2_37-.Ltmp20, $3  }
0x8a0: {  	v22 =	vor.u32 v15, v17;
	v17 =	vmov v21;
	v20 =	vshll.u32 v19, $0x6  }
0x8a1: {  	v21 =	vor.u32 v54, v20;
	_ =	sdelay $0x1  }
0x8a2: {  	v23 =	vadd.f32 v23, v16  }
0x8a3: {  	_ =	sdelay $0x3  }
0x8a4: {  	[tilespmem:v22+s22+$0x0] =	vst.idx.msk $0xffff, v23  }
0x8a5: {  	v21 =	vld.idx.msk [tilespmem:v21+s15+$0x0], $0xffff;
	_ =	sdelay $0x1  }
0x8a6: {  	v52 =	vor.u32 v56, v19  }
0x8a7: {  	v53 =	vor.u32 v58, v18;
	_ =	sdelay $0x1  }
0x8a8: {  	v21 =	vadd.f32 v21, v16;
	_ =	sdelay $0x1  }
0x8a9: {  	[tilespmem:v52+s22+$0x0] =	vst.idx.msk $0xffff, v21  }
0x8aa: {  	v21 =	vld.idx.msk [tilespmem:v53+s15+$0x0], $0xffff;
	_ =	sdelay $0x1  }
0x8ab: {  	v54 =	vor.u32 v59, v17  }
0x8ac: {  	v55 =	vor.u32 v60, v20;
	_ =	sdelay $0x1  }
0x8ad: {  	v21 =	vadd.f32 v21, v16;
	_ =	sdelay $0x1  }
0x8ae: {  	[tilespmem:v54+s22+$0x0] =	vst.idx.msk $0xffff, v21  }
0x8af: {  	v21 =	vld.idx.msk [tilespmem:v55+s15+$0x0], $0xffff;
	_ =	sdelay $0x1  }
0x8b0: {  	v56 =	vor.u32 v61, v19  }
0x8b1: {  	v57 =	vor.u32 v62, v18;
	_ =	sdelay $0x1  }
0x8b2: {  	v21 =	vadd.f32 v21, v16;
	_ =	sdelay $0x1  }
0x8b3: {  	[tilespmem:v56+s22+$0x0] =	vst.idx.msk $0xffff, v21  }
0x8b4: {  	v21 =	vld.idx.msk [tilespmem:v57+s15+$0x0], $0xffff;
	_ =	sdelay $0x1  }
0x8b5: {  	v58 =	vor.u32 v63, v17  }
0x8b6: {  	v8 =	vor.u32 v8, v20;
	_ =	sdelay $0x1  }
0x8b7: {  	v21 =	vadd.f32 v21, v16;
	_ =	sdelay $0x1  }
0x8b8: {  	[tilespmem:v58+s22+$0x0] =	vst.idx.msk $0xffff, v21  }
0x8b9: {  	v8 =	vld.idx.msk [tilespmem:v8+s15+$0x0], $0xffff;
	_ =	sdelay $0x1  }
0x8ba: {  	v9 =	vor.u32 v9, v19  }
0x8bb: {  	v10 =	vor.u32 v10, v18;
	_ =	sdelay $0x1  }
0x8bc: {  	v8 =	vadd.f32 v8, v16;
	_ =	sdelay $0x1  }
0x8bd: {  	[tilespmem:v9+s22+$0x0] =	vst.idx.msk $0xffff, v8  }
0x8be: {  	v8 =	vld.idx.msk [tilespmem:v10+s15+$0x0], $0xffff;
	_ =	sdelay $0x1  }
0x8bf: {  	v59 =	vor.u32 v11, v17  }
0x8c0: {  	v60 =	vor.u32 v12, v20;
	_ =	sdelay $0x1  }
0x8c1: {  	v8 =	vadd.f32 v8, v16;
	_ =	sdelay $0x1  }
0x8c2: {  	[tilespmem:v59+s22+$0x0] =	vst.idx.msk $0xffff, v8  }
0x8c3: {  	v8 =	vld.idx.msk [tilespmem:v60+s15+$0x0], $0xffff;
	_ =	sdelay $0x1  }
0x8c4: {  	v61 =	vor.u32 v13, v19  }
0x8c5: {  	v62 =	vor.u32 v14, v18;
	_ =	sdelay $0x1  }
0x8c6: {  	v8 =	vadd.f32 v8, v16;
	_ =	sdelay $0x1  }
0x8c7: {  	[tilespmem:v61+s22+$0x0] =	vst.idx.msk $0xffff, v8  }
0x8c8: {  	v8 =	vld.idx.msk [tilespmem:v62+s15+$0x0], $0xffff;
	_ =	sdelay $0x1  }
0x8c9: {  	v63 =	vor.u32 v15, v17  }
0x8ca: {  	p0 =	seq.s32 s25, $0x31  }
.Ltmp21:
0x8cb: {  	s28 =	sshll.u32 s28, $0x12;
	(pc) =	sbr.rel @p0 .LBB2_40-.Ltmp21, $4  }
0x8cc: {  	s28 =	sor.u32 s5, s28;
	v8 =	vadd.f32 v8, v16  }
0x8cd: {  	s28 =	sshrl.u32 s28, $0x3  }
0x8ce: {  	s28 =	sadd.s32 s3, s28;
	[tilespmem:v63+s22+$0x0] =	vst.idx.msk $0xffff, v8  }
0x8cf: {  	[hbm4b:s28+s18] =	stream.strided.scatter [tilespmem:s22], [sflag:$0x4], $0x4000, s19, s18, $0x38;
	[tilespmem:$0x13400] =	vst v63  }
0x8d0: {  	s26 =	sadd.s32 $0x3, s26  }
0x8d1: {  	s28 =	sshrl.u32 s26, $0x2;
	s26 =	sshll.u32 s26, $0x8  }
0x8d2: {  	s29 =	sshll.u32 s28, $0xF;
	s26 =	sadd.s32 s5, s26  }
0x8d3: {  	s28 =	sshll.u32 s28, $0xA;
	s26 =	sadd.s32 s29, s26  }
0x8d4: {  	s26 =	ssub.s32 s26, s28  }
0x8d5: {  	s26 =	sshrl.u32 s26, $0x3  }
0x8d6: {  	s26 =	sadd.s32 s1, s26  }
0x8d7: {  	[tilespmem:s13], [sflag:$0x5] =	stream.linear.gather [hbm4b:s26+s4], $0x100, $0x38;
	[tilespmem:$0x13400] =	vst v63  }
.Ltmp22:
0x8d8: {  	_ = 	snop;
	(pc) =	sbr.rel .LBB2_2-.Ltmp22, $4  }
0x8d9: {  	_ =	swait.ge [sflag:s12], $0x100  }
0x8da: {  	[sflag:s12] =	ssyncset.done $0x0  }
0x8db: {  	s25 =	sadd.s32 $0x1, s25;
	[sflag:s12] =	ssyncadd.s32 $0xFFFFFF00  }
0x8dc: {  	[tilespmem:s15], [sflag:$0x2] =	stream.indirect.gather [hbm4b:s6+s13], $0x40, s13, s13, $0xb8;
	[tilespmem:$0x13400] =	vst v63  }
.LBB2_41:
0x8dd: {  	_ =	sfence.sel $0x180000  }
0x8de: {  	[bflag:$0x0] =	sbarrier.arrive $0xFFFF  }
0x8df: {  	p0 =	sne.s32 s2, $0x0;
	_ =	strace $0x90000047  }
0x8e0: {  	s0 =	sadd.s32 @!p0 $0x100000, s0;
	[bflag:$0x2] =	sbarrier.arrive $0xFFFF  }
0x8e1: {  	[sflag:s0] =	ssyncadd.tile.s32 @!p0 $0x1;
	_ =	shalt  }
.Lfunc_end2:
_tile_overlayer_lowered:
.L_overlay_start_2:
0x8e2: {  	(tag) =	ssettag $0x2  }
0x8e3: {  	s0 =	rddreg [dreg:$0x0];
	s2 =	stileid.u32  }
0x8e4: {  	s1 =	rddreg [dreg:$0x1];
	p0 =	sne.s32 s2, $0x0  }
0x8e5: {  	s3 =	rddreg [dreg:$0x2];
	[bflag:$0x3] =	sbarrier.arrive $0xFFFF;
	s2 =	simm.s32 @!p0 $0x1C05  }
0x8e6: {  	[timem:s3], [sflag:s2] =	dma.local @!p0 [hbm:s0], s1  }
0x8e7: {  	s0 =	simm.s32 @!p0 $0x5  }
0x8e8: {  	_ =	swait.ge @!p0 [sflag:s0], s1  }
0x8e9: {  	s1 =	ssub.s32 @!p0 $0x0, s1;
	[sflag:s0] =	ssyncset.done @!p0 $0x0  }
0x8ea: {  	[sflag:s0] =	ssyncadd.s32 @!p0 s1  }
0x8eb: {  	[bflag:$0x3] =	sbarrier.arrive $0xFFFF  }
0x8ec: {  	_ =	shalt  }

</sc_bundles>
